<compile_context>
chip_gen: v7x
topology: tpu7x:2x2x1
jax: 0.10.2.dev20260603
libtpu: 0.0.44.dev20260713+nightly
codegen_flags: <defaults>
</compile_context>

<pallas_src>
import functools

import jax
import jax.numpy as jnp
from jax import lax
from jax.experimental import pallas as pl
from jax.experimental.pallas import tpu as pltpu
from jax.experimental.pallas import tpu_sc as plsc

N = 131072
D = 190
NW = 32
CH = N // NW
NCH = CH // 16
GB = 128
NG = CH // GB

_mesh = plsc.VectorSubcoreMesh(core_axis_name="c", subcore_axis_name="s")
_params = pltpu.CompilerParams(needs_layout_passes=False,
                               use_tc_tiling_on_sc=False)


@functools.partial(
    pl.kernel,
    out_type=(
        jax.ShapeDtypeStruct((N,), jnp.float32),
        jax.ShapeDtypeStruct((N,), jnp.int32),
        jax.ShapeDtypeStruct((N,), jnp.int32),
        jax.ShapeDtypeStruct((NW * 32,), jnp.int32),
    ),
    mesh=_mesh,
    compiler_params=_params,
    scratch_types=[
        pltpu.VMEM((CH,), jnp.int32),
        pltpu.VMEM((CH,), jnp.int32),
        pltpu.VMEM((CH,), jnp.float32),
        pltpu.VMEM((CH,), jnp.int32),
        pltpu.VMEM((CH,), jnp.int32),
        pltpu.VMEM((32,), jnp.int32),
        pltpu.SemaphoreType.DMA,
    ],
)
def _scan_and_gather(tab_hbm, ct_hbm, pred_hbm, aux1_hbm, aux2_hbm, hist_hbm,
                     ct_v, fidx_v, pred_v, aux1_v, aux2_v, cnt_v, sem):
    wid = lax.axis_index("s") * 2 + lax.axis_index("c")
    base = wid * CH
    pltpu.sync_copy(ct_hbm.at[pl.ds(base, CH)], ct_v)
    iota = lax.iota(jnp.int32, 16)

    zeros16 = jnp.zeros((16,), jnp.int32)
    cnt_v[0:16] = zeros16
    cnt_v[16:32] = zeros16
    c17i = jnp.full((16,), 17, jnp.int32)
    c18i = jnp.full((16,), 18, jnp.int32)

    def body(j, carry):
        j16 = j * 16
        v = ct_v[pl.ds(j16, 16)]
        fidx_v[pl.ds(j16, 16)] = (base + j16 + iota) * D + v
        m9 = (v % 10) == 9
        cls = v // 10
        cnt, lastm = plsc.scan_count(v, m9)
        old = plsc.load_gather(cnt_v, [cls], mask=m9)
        aux1_v[pl.ds(j16, 16)] = jnp.where(m9, old + cnt - 1, 0)
        c17c = plsc.load_gather(cnt_v, [c17i])
        c18c = plsc.load_gather(cnt_v, [c18i])
        plsc.store_scatter(cnt_v, [cls], old + cnt, mask=lastm)
        eq189 = v == 189
        eq179 = v == 179
        i189 = eq189.astype(jnp.int32)
        i179 = eq179.astype(jnp.int32)
        cs = plsc.cumsum(i189 + i179 * 65536)
        e18 = (cs & 0xFFFF) - i189
        e17 = (cs >> 16) - i179
        aux2_v[pl.ds(j16, 16)] = jnp.where(eq189, c17c + e17, c18c + e18)
        return carry

    lax.fori_loop(0, NCH, body, 0)

    copies = [
        pltpu.async_copy(
            tab_hbm.at[fidx_v.at[pl.ds(r * GB, GB)]],
            pred_v.at[pl.ds(r * GB, GB)],
            sem,
        )
        for r in range(NG)
    ]
    for c in copies:
        c.wait()

    pltpu.sync_copy(pred_v, pred_hbm.at[pl.ds(base, CH)])
    pltpu.sync_copy(aux1_v, aux1_hbm.at[pl.ds(base, CH)])
    pltpu.sync_copy(aux2_v, aux2_hbm.at[pl.ds(base, CH)])
    pltpu.sync_copy(cnt_v, hist_hbm.at[pl.ds(wid * 32, 32)])


@functools.partial(
    pl.kernel,
    out_type=(
        jax.ShapeDtypeStruct((N,), jnp.float32),
        jax.ShapeDtypeStruct((N,), jnp.float32),
    ),
    mesh=_mesh,
    compiler_params=_params,
    scratch_types=[
        pltpu.VMEM((CH,), jnp.int32),
        pltpu.VMEM((CH,), jnp.int32),
        pltpu.VMEM((CH,), jnp.int32),
        pltpu.VMEM((NW * 32,), jnp.int32),
        pltpu.VMEM((32,), jnp.int32),
        pltpu.VMEM((CH,), jnp.int32),
        pltpu.VMEM((CH,), jnp.int32),
        pltpu.VMEM((CH,), jnp.float32),
        pltpu.VMEM((CH,), jnp.float32),
        pltpu.VMEM((CH,), jnp.float32),
        pltpu.SemaphoreType.DMA,
    ],
)
def _resolve(pred_hbm, ct_hbm, aux1_hbm, aux2_hbm, hist_hbm, edge_hbm, body_hbm,
             ct_v, aux1_v, aux2_v, hist_v, offs_v, idxe_v, idxb_v, ev_v, bv_v,
             eo_v, sem):
    wid = lax.axis_index("s") * 2 + lax.axis_index("c")
    base = wid * CH
    pltpu.sync_copy(ct_hbm.at[pl.ds(base, CH)], ct_v)
    pltpu.sync_copy(aux1_hbm.at[pl.ds(base, CH)], aux1_v)
    pltpu.sync_copy(aux2_hbm.at[pl.ds(base, CH)], aux2_v)
    pltpu.sync_copy(hist_hbm, hist_v)

    zeros16 = jnp.zeros((16,), jnp.int32)

    def hbody(t, carry):
        lo, hi = carry
        add = t < wid
        row_lo = hist_v[pl.ds(t * 32, 16)]
        row_hi = hist_v[pl.ds(t * 32 + 16, 16)]
        lo = lo + jnp.where(add, row_lo, zeros16)
        hi = hi + jnp.where(add, row_hi, zeros16)
        return lo, hi

    lo, hi = lax.fori_loop(0, NW, hbody, (zeros16, zeros16))
    offs_v[0:16] = lo
    offs_v[16:32] = hi

    iota = lax.iota(jnp.int32, 16)
    p17 = plsc.load_gather(offs_v, [jnp.full((16,), 17, jnp.int32)])
    p18 = plsc.load_gather(offs_v, [jnp.full((16,), 18, jnp.int32)])

    def pbody(j, carry):
        j16 = j * 16
        idxe_v[pl.ds(j16, 16)] = j16 + iota
        return carry

    lax.fori_loop(0, NCH, pbody, 0)

    def body(j, off):
        j16 = j * 16
        v = ct_v[pl.ds(j16, 16)]
        m9 = (v % 10) == 9
        cls = v // 10
        goff = plsc.load_gather(offs_v, [cls], mask=m9)
        plsc.store_compressed(
            idxe_v.at[pl.ds(off, 16)], goff + aux1_v[pl.ds(j16, 16)], mask=m9
        )
        n = base + j16 + iota
        idxb_v[pl.ds(j16, 16)] = (
            n - jnp.where(v == 189, p17, p18) - aux2_v[pl.ds(j16, 16)]
        )
        return off + jnp.sum(m9.astype(jnp.int32))

    ne = lax.fori_loop(0, NCH, body, jnp.int32(0))

    copies = [
        pltpu.async_copy(
            pred_hbm.at[idxb_v.at[pl.ds(r * GB, GB)]],
            bv_v.at[pl.ds(r * GB, GB)],
            sem,
        )
        for r in range(NG)
    ]

    for r in range(NG):
        @pl.when(ne > r * GB)
        def _(r=r):
            pltpu.async_copy(
                pred_hbm.at[idxe_v.at[pl.ds(r * GB, GB)]],
                ev_v.at[pl.ds(r * GB, GB)],
                sem,
            )

    for c in copies:
        c.wait()
    for r in range(NG):
        @pl.when(ne > r * GB)
        def _(r=r):
            pltpu.make_async_copy(
                pred_hbm.at[idxe_v.at[pl.ds(r * GB, GB)]],
                ev_v.at[pl.ds(r * GB, GB)],
                sem,
            ).wait()

    def mbody(j, off):
        j16 = j * 16
        v = ct_v[pl.ds(j16, 16)]
        m9 = (v % 10) == 9
        e = plsc.load_expanded(ev_v.at[pl.ds(off, 16)], mask=m9)
        eo_v[pl.ds(j16, 16)] = jnp.where(m9, e, 0.0)
        return off + jnp.sum(m9.astype(jnp.int32))

    lax.fori_loop(0, NCH, mbody, jnp.int32(0))

    pltpu.sync_copy(eo_v, edge_hbm.at[pl.ds(base, CH)])
    pltpu.sync_copy(bv_v, body_hbm.at[pl.ds(base, CH)])


def kernel(seg_edge, seg_body, contrast_logits, contrast_target, target,
           gt_boundary):
    del seg_edge, seg_body, target, gt_boundary
    ct = contrast_target.astype(jnp.int32)
    flat = contrast_logits.reshape(-1)
    pred, aux1, aux2, hist = _scan_and_gather(flat, ct)
    edge, body = _resolve(pred, ct, aux1, aux2, hist)
    return edge, body

# --- scband reference (transcript-rebuilt; emitter-appended) ---
"""Pipeline reference for scband-edge-body-loss-53317724013291 (READ-ONLY COPY).

The authoritative reference and input builder live on the scoring server;
editing this copy changes nothing except your own understanding.
"""

import jax, jax.numpy as jnp
import numpy as np

NUM_CLASSES = 19
NUM_PROTOTYPE = 10


def setup_inputs(seed: int = 0) -> dict:
    key = jax.random.key(seed)
    k1, k2, k3, k4, k5, k6 = jax.random.split(key, 6)
    B, H, W = 8, 128, 128
    N = B * H * W  # 131072 pixels at the prototype head resolution
    D = NUM_CLASSES * NUM_PROTOTYPE  # 190
    seg_edge = jax.random.normal(k1, (B, 1, H, W), dtype=jnp.float32)
    seg_body = jax.random.normal(k2, (B, NUM_CLASSES, H, W), dtype=jnp.float32)
    contrast_logits = jax.random.normal(k3, (N, D), dtype=jnp.float32)
    contrast_target = jax.random.randint(k4, (N,), 0, D).astype(jnp.int32)
    target = jax.random.randint(k5, (B, 512, 512), 0, NUM_CLASSES).astype(jnp.int32)
    gt_boundary = jax.random.randint(k6, (B, 512, 512), 0, 2).astype(jnp.int32)
    return {
        'seg_edge': seg_edge,
        'seg_body': seg_body,
        'contrast_logits': contrast_logits,
        'contrast_target': contrast_target,
        'target': target,
        'gt_boundary': gt_boundary,
    }


def _masked_scatter(dest, mask, src):
    # Faithful to torch.Tensor.masked_scatter_: masked positions are filled
    # with *consecutive* elements of src (in order), not aligned elements.
    pos = jnp.cumsum(mask.astype(jnp.int32)) - 1
    pos = jnp.clip(pos, 0, src.shape[0] - 1)
    vals = jnp.take(src, pos)
    return jnp.where(mask, vals, dest)


def reference(seg_edge, seg_body, contrast_logits, contrast_target, target, gt_boundary):
    b, _, h, w = seg_edge.shape
    N = contrast_target.shape[0]
    edge_contrast_logits = jnp.zeros((N,), dtype=jnp.float32)
    body_contrast_logits = jnp.zeros((N,), dtype=jnp.float32)
    # torch.scatter(src=contrast_logits, dim=1, index=contrast_target.int()) in the
    # original is malformed; the evident intent (per ProtoSeg-style losses) is to
    # gather each pixel's logit at its target prototype index along dim=1.
    idx = contrast_target.astype(jnp.int32)
    pred_logits = jnp.take_along_axis(contrast_logits, idx[:, None], axis=1)[:, 0]
    ct = contrast_target.astype(jnp.float32)
    for i in range(NUM_CLASSES):
        edge_cls_logits = jnp.amax(contrast_logits, axis=1)  # computed (unused) as in source
        edge_mask = ct == (float(NUM_PROTOTYPE - 1) + NUM_PROTOTYPE * i)
        edge_contrast_logits = _masked_scatter(edge_contrast_logits, edge_mask, pred_logits)
        body_contrast_logits = _masked_scatter(body_contrast_logits, ~edge_mask, pred_logits)
    return edge_contrast_logits, body_contrast_logits

if __name__ == "__main__":
    import jax
    _d = setup_inputs()
    print(jax.jit(kernel)(*tuple(_d.values())))

</pallas_src>

<mosaic_0001>
#map = affine_map<(d0, d1) -> (0)>
module attributes {stable_mosaic.version = 14 : i64} {
  func.func @_scan_and_gather(%arg0: i32, %arg1: i32, %arg2: memref<24903680xf32, #tpu.memory_space<hbm>>, %arg3: memref<131072xi32, #tpu.memory_space<hbm>>, %arg4: memref<131072xf32, #tpu.memory_space<hbm>>, %arg5: memref<131072xi32, #tpu.memory_space<hbm>>, %arg6: memref<131072xi32, #tpu.memory_space<hbm>>, %arg7: memref<1024xi32, #tpu.memory_space<hbm>>, %arg8: memref<4096xi32, #tpu.memory_space<vmem>>, %arg9: memref<4096xi32, #tpu.memory_space<vmem>>, %arg10: memref<4096xf32, #tpu.memory_space<vmem>>, %arg11: memref<4096xi32, #tpu.memory_space<vmem>>, %arg12: memref<4096xi32, #tpu.memory_space<vmem>>, %arg13: memref<32xi32, #tpu.memory_space<vmem>>, %arg14: memref<!tpu.dma_semaphore, #tpu.memory_space<semaphore_mem>>) attributes {dimension_semantics = [#tpu.dimension_semantics<core_parallel>, #tpu.dimension_semantics<subcore_parallel>], iteration_bounds = array<i64: 2, 16>, scalar_prefetch = 0 : i64, scratch_operands = 7 : i64, tpu.core_type = #tpu.core_type<sc_vector_subcore>, window_params = [{transform_indices = #map}, {transform_indices = #map}, {transform_indices = #map}, {transform_indices = #map}, {transform_indices = #map}, {transform_indices = #map}]} {
    %mul3A = arith.constant 2 : i32
    %mul3A_0 = arith.muli %arg1, %mul3A : i32
    %add3A = arith.addi %mul3A_0, %arg0 : i32
    %mul3A_1 = arith.constant 4096 : i32
    %mul3A_2 = arith.muli %add3A, %mul3A_1 : i32
    "tpu.region"() ({
      %run_scoped3A = tpu.sem_alloc : memref<!tpu.dma_semaphore, #tpu.memory_space<semaphore_mem>>
      %dma_start3A_400 = tpu.memref_slice %arg3[%mul3A_2] : memref<131072xi32, #tpu.memory_space<hbm>> -> memref<4096xi32, #tpu.memory_space<hbm>>
      %dma_start3A_401 = tpu.memref_slice %arg3[%mul3A_2] : memref<131072xi32, #tpu.memory_space<hbm>> -> memref<4096xi32, #tpu.memory_space<hbm>>
      tpu.enqueue_dma source(%dma_start3A_401 : memref<4096xi32, #tpu.memory_space<hbm>>) target(%arg8 : memref<4096xi32, #tpu.memory_space<vmem>>) target_semaphore(%run_scoped3A : memref<!tpu.dma_semaphore, #tpu.memory_space<semaphore_mem>>)
      %dma_wait3A_402 = tpu.memref_slice %arg3[%mul3A_2] : memref<131072xi32, #tpu.memory_space<hbm>> -> memref<4096xi32, #tpu.memory_space<hbm>>
      %dma_wait3A_403 = tpu.memref_slice %arg3[%mul3A_2] : memref<131072xi32, #tpu.memory_space<hbm>> -> memref<4096xi32, #tpu.memory_space<hbm>>
      tpu.wait_dma2 semaphore(%run_scoped3A : memref<!tpu.dma_semaphore, #tpu.memory_space<semaphore_mem>>) src(%dma_wait3A_403 : memref<4096xi32, #tpu.memory_space<hbm>>) dst(%arg8 : memref<4096xi32, #tpu.memory_space<vmem>>)
      tpu.yield
    }) : () -> ()
    %iota3A = tpu.iota {dimensions = array<i32: 0>} : vector<16xi32>
    %broadcast_in_dim3A = arith.constant 0 : i32
    %broadcast_in_dim3A_3 = vector.broadcast %broadcast_in_dim3A : i32 to vector<16xi32>
    %swap3A = arith.constant 0 : index
    %swap3A_4 = tpu.vector_load %arg13[%swap3A] {strides = array<i32>} : memref<32xi32, #tpu.memory_space<vmem>>, vector<16xi32>,
    tpu.vector_store %arg13[%swap3A], %broadcast_in_dim3A_3 {strides = array<i32>} : memref<32xi32, #tpu.memory_space<vmem>>, vector<16xi32>,
    %swap3A_5 = arith.constant 16 : index
    %swap3A_6 = tpu.vector_load %arg13[%swap3A_5] {strides = array<i32>} : memref<32xi32, #tpu.memory_space<vmem>>, vector<16xi32>,
    tpu.vector_store %arg13[%swap3A_5], %broadcast_in_dim3A_3 {strides = array<i32>} : memref<32xi32, #tpu.memory_space<vmem>>, vector<16xi32>,
    %broadcast_in_dim3A_7 = arith.constant 17 : i32
    %broadcast_in_dim3A_8 = vector.broadcast %broadcast_in_dim3A_7 : i32 to vector<16xi32>
    %broadcast_in_dim3A_9 = arith.constant 18 : i32
    %broadcast_in_dim3A_10 = vector.broadcast %broadcast_in_dim3A_9 : i32 to vector<16xi32>
    %scan3A = arith.constant 0 : i32
    %scan3A_11 = arith.constant 0 : i32
    %scan3A_12 = arith.constant 256 : i32
    %scan3A_13 = arith.addi %scan3A_11, %scan3A_12 : i32
    %scan3A_14 = arith.constant 1 : i32
    scf.for %scan3A_400 = %scan3A_11 to %scan3A_13 step %scan3A_14  : i32 {
      %mul3A_401 = arith.constant 16 : i32
      %mul3A_402 = arith.muli %scan3A_400, %mul3A_401 : i32
      %get3A = arith.index_cast %mul3A_402 : i32 to index
      %get3A_403 = tpu.vector_load %arg8[%get3A] {strides = array<i32>} : memref<4096xi32, #tpu.memory_space<vmem>>, vector<16xi32>,
      %add3A_404 = arith.addi %mul3A_2, %mul3A_402 : i32
      %add3A_405 = vector.broadcast %add3A_404 : i32 to vector<16xi32>
      %add3A_406 = arith.addi %add3A_405, %iota3A : vector<16xi32>
      %mul3A_407 = arith.constant 190 : i32
      %mul3A_408 = vector.broadcast %mul3A_407 : i32 to vector<16xi32>
      %mul3A_409 = arith.muli %add3A_406, %mul3A_408 : vector<16xi32>
      %add3A_410 = arith.addi %mul3A_409, %get3A_403 : vector<16xi32>
      %swap3A_411 = arith.index_cast %mul3A_402 : i32 to index
      %swap3A_412 = tpu.vector_load %arg9[%swap3A_411] {strides = array<i32>} : memref<4096xi32, #tpu.memory_space<vmem>>, vector<16xi32>,
      tpu.vector_store %arg9[%swap3A_411], %add3A_410 {strides = array<i32>} : memref<4096xi32, #tpu.memory_space<vmem>>, vector<16xi32>,
      %jit3A = arith.constant 10 : i32
      %eq3A = arith.constant 0 : i32
      %eq3A_413 = arith.cmpi eq, %jit3A, %eq3A : i32
      %jit3A_414 = arith.constant 1 : i32
      %select_n3A = arith.select %eq3A_413, %jit3A_414, %jit3A : i32
      %rem3A = vector.broadcast %select_n3A : i32 to vector<16xi32>
      %rem3A_415 = arith.remsi %get3A_403, %rem3A : vector<16xi32>
      %ne3A = arith.constant 0 : i32
      %ne3A_416 = vector.broadcast %ne3A : i32 to vector<16xi32>
      %ne3A_417 = arith.cmpi ne, %rem3A_415, %ne3A_416 : vector<16xi32>
      %lt3A = arith.constant 0 : i32
      %lt3A_418 = vector.broadcast %lt3A : i32 to vector<16xi32>
      %lt3A_419 = arith.cmpi slt, %rem3A_415, %lt3A_418 : vector<16xi32>
      %lt3A_420 = arith.constant 0 : i32
      %lt3A_421 = arith.cmpi slt, %select_n3A, %lt3A_420 : i32
      %ne3A_422 = vector.broadcast %lt3A_421 : i1 to vector<16xi1>
      %ne3A_423 = vector.broadcast %ne3A_422 : vector<16xi1> to vector<16xi1>
      %ne3A_424 = arith.xori %lt3A_419, %ne3A_423 : vector<16xi1>
      %and3A = arith.andi %ne3A_424, %ne3A_417 : vector<16xi1>
      %add3A_425 = vector.broadcast %select_n3A : i32 to vector<16xi32>
      %add3A_426 = arith.addi %rem3A_415, %add3A_425 : vector<16xi32>
      %select_n3A_427 = arith.select %and3A, %add3A_426, %rem3A_415 : vector<16xi1>, vector<16xi32>
      %eq3A_428 = arith.constant 9 : i32
      %eq3A_429 = vector.broadcast %eq3A_428 : i32 to vector<16xi32>
      %eq3A_430 = arith.cmpi eq, %select_n3A_427, %eq3A_429 : vector<16xi32>
      %jit3A_431 = arith.constant 10 : i32
      %div3A = vector.broadcast %jit3A_431 : i32 to vector<16xi32>
      %div3A_432 = arith.divsi %get3A_403, %div3A : vector<16xi32>
      %sign3A = arith.constant 0 : i32
      %sign3A_433 = vector.broadcast %sign3A : i32 to vector<16xi32>
      %sign3A_434 = arith.cmpi sgt, %get3A_403, %sign3A_433 : vector<16xi32>
      %sign3A_435 = arith.extui %sign3A_434 : vector<16xi1> to vector<16xi32>
      %sign3A_436 = arith.constant 0 : i32
      %sign3A_437 = vector.broadcast %sign3A_436 : i32 to vector<16xi32>
      %sign3A_438 = arith.cmpi slt, %get3A_403, %sign3A_437 : vector<16xi32>
      %sign3A_439 = arith.extui %sign3A_438 : vector<16xi1> to vector<16xi32>
      %sign3A_440 = arith.subi %sign3A_435, %sign3A_439 : vector<16xi32>
      %sign3A_441 = arith.constant 0 : i32
      %sign3A_442 = arith.cmpi sgt, %jit3A_431, %sign3A_441 : i32
      %sign3A_443 = arith.extui %sign3A_442 : i1 to i32
      %sign3A_444 = arith.constant 0 : i32
      %sign3A_445 = arith.cmpi slt, %jit3A_431, %sign3A_444 : i32
      %sign3A_446 = arith.extui %sign3A_445 : i1 to i32
      %sign3A_447 = arith.subi %sign3A_443, %sign3A_446 : i32
      %ne3A_448 = vector.broadcast %sign3A_447 : i32 to vector<16xi32>
      %ne3A_449 = arith.cmpi ne, %sign3A_440, %ne3A_448 : vector<16xi32>
      %rem3A_450 = vector.broadcast %jit3A_431 : i32 to vector<16xi32>
      %rem3A_451 = arith.remsi %get3A_403, %rem3A_450 : vector<16xi32>
      %ne3A_452 = arith.constant 0 : i32
      %ne3A_453 = vector.broadcast %ne3A_452 : i32 to vector<16xi32>
      %ne3A_454 = arith.cmpi ne, %rem3A_451, %ne3A_453 : vector<16xi32>
      %and3A_455 = arith.andi %ne3A_449, %ne3A_454 : vector<16xi1>
      %sub3A = arith.constant 1 : i32
      %sub3A_456 = vector.broadcast %sub3A : i32 to vector<16xi32>
      %sub3A_457 = arith.subi %div3A_432, %sub3A_456 : vector<16xi32>
      %select_n3A_458 = arith.select %and3A_455, %sub3A_457, %div3A_432 : vector<16xi1>, vector<16xi32>
      %unique3A, %unique3A_459 = tpu.scan_count mask(%eq3A_430 : vector<16xi1>) value(%get3A_403 : vector<16xi32>) : vector<16xi1>, vector<16xi32>
      %gather3A = tpu.vector_load_idx %arg13[%select_n3A_458] masked %eq3A_430 : memref<32xi32, #tpu.memory_space<vmem>>[vector<16xi32>], vector<16xi32>, vector<16xi1>
      %add3A_460 = arith.addi %gather3A, %unique3A_459 : vector<16xi32>
      %sub3A_461 = arith.constant 1 : i32
      %sub3A_462 = vector.broadcast %sub3A_461 : i32 to vector<16xi32>
      %sub3A_463 = arith.subi %add3A_460, %sub3A_462 : vector<16xi32>
      %jit3A_464 = arith.constant 0 : i32
      %broadcast_in_dim3A_465 = vector.broadcast %jit3A_464 : i32 to vector<16xi32>
      %select_n3A_466 = arith.select %eq3A_430, %sub3A_463, %broadcast_in_dim3A_465 : vector<16xi1>, vector<16xi32>
      %swap3A_467 = arith.index_cast %mul3A_402 : i32 to index
      %swap3A_468 = tpu.vector_load %arg11[%swap3A_467] {strides = array<i32>} : memref<4096xi32, #tpu.memory_space<vmem>>, vector<16xi32>,
      tpu.vector_store %arg11[%swap3A_467], %select_n3A_466 {strides = array<i32>} : memref<4096xi32, #tpu.memory_space<vmem>>, vector<16xi32>,
      %gather3A_469 = tpu.vector_load_idx %arg13[%broadcast_in_dim3A_8] : memref<32xi32, #tpu.memory_space<vmem>>[vector<16xi32>], vector<16xi32>,
      %gather3A_470 = tpu.vector_load_idx %arg13[%broadcast_in_dim3A_10] : memref<32xi32, #tpu.memory_space<vmem>>[vector<16xi32>], vector<16xi32>,
      %add3A_471 = arith.addi %gather3A, %unique3A_459 : vector<16xi32>
      tpu.vector_store_idx %arg13[%select_n3A_458], %add3A_471 masked %unique3A : memref<32xi32, #tpu.memory_space<vmem>>[vector<16xi32>], vector<16xi32>, vector<16xi1>
      %eq3A_472 = arith.constant 189 : i32
      %eq3A_473 = vector.broadcast %eq3A_472 : i32 to vector<16xi32>
      %eq3A_474 = arith.cmpi eq, %get3A_403, %eq3A_473 : vector<16xi32>
      %eq3A_475 = arith.constant 179 : i32
      %eq3A_476 = vector.broadcast %eq3A_475 : i32 to vector<16xi32>
      %eq3A_477 = arith.cmpi eq, %get3A_403, %eq3A_476 : vector<16xi32>
      %convert_element_type3A = arith.extui %eq3A_474 : vector<16xi1> to vector<16xi32>
      %convert_element_type3A_478 = arith.extui %eq3A_477 : vector<16xi1> to vector<16xi32>
      %mul3A_479 = arith.constant 65536 : i32
      %mul3A_480 = vector.broadcast %mul3A_479 : i32 to vector<16xi32>
      %mul3A_481 = arith.muli %convert_element_type3A_478, %mul3A_480 : vector<16xi32>
      %add3A_482 = arith.addi %convert_element_type3A, %mul3A_481 : vector<16xi32>
      %broadcast_in_dim3A_483 = arith.constant true
      %broadcast_in_dim3A_484 = vector.broadcast %broadcast_in_dim3A_483 : i1 to vector<16xi1>
      %masked_cumsum3A = tpu.scan <sum>, %add3A_482 masked %broadcast_in_dim3A_484 : vector<16xi32>, vector<16xi1> -> vector<16xi32>
      %and3A_485 = arith.constant 65535 : i32
      %and3A_486 = vector.broadcast %and3A_485 : i32 to vector<16xi32>
      %and3A_487 = arith.andi %masked_cumsum3A, %and3A_486 : vector<16xi32>
      %sub3A_488 = arith.subi %and3A_487, %convert_element_type3A : vector<16xi32>
      %shift_right_arithmetic3A = arith.constant 16 : i32
      %shift_right_arithmetic3A_489 = vector.broadcast %shift_right_arithmetic3A : i32 to vector<16xi32>
      %shift_right_arithmetic3A_490 = arith.shrsi %masked_cumsum3A, %shift_right_arithmetic3A_489 : vector<16xi32>
      %sub3A_491 = arith.subi %shift_right_arithmetic3A_490, %convert_element_type3A_478 : vector<16xi32>
      %add3A_492 = arith.addi %gather3A_469, %sub3A_491 : vector<16xi32>
      %add3A_493 = arith.addi %gather3A_470, %sub3A_488 : vector<16xi32>
      %select_n3A_494 = arith.select %eq3A_474, %add3A_492, %add3A_493 : vector<16xi1>, vector<16xi32>
      %swap3A_495 = arith.index_cast %mul3A_402 : i32 to index
      %swap3A_496 = tpu.vector_load %arg12[%swap3A_495] {strides = array<i32>} : memref<4096xi32, #tpu.memory_space<vmem>>, vector<16xi32>,
      tpu.vector_store %arg12[%swap3A_495], %select_n3A_494 {strides = array<i32>} : memref<4096xi32, #tpu.memory_space<vmem>>, vector<16xi32>,
    }
    %scan3A_15 = arith.constant 256 : i32
    %dma_start3A = arith.constant 0 : i32
    %dma_start3A_16 = tpu.memref_slice %arg10[%dma_start3A] : memref<4096xf32, #tpu.memory_space<vmem>> -> memref<128xf32, #tpu.memory_space<vmem>>
    %dma_start3A_17 = arith.constant 0 : i32
    %dma_start3A_18 = tpu.memref_slice %arg9[%dma_start3A_17] : memref<4096xi32, #tpu.memory_space<vmem>> -> memref<128xi32, #tpu.memory_space<vmem>>
    %dma_start3A_19 = arith.constant 0 : i32
    %dma_start3A_20 = tpu.memref_slice %arg2[%dma_start3A_19] : memref<24903680xf32, #tpu.memory_space<hbm>> -> memref<24903680xf32, #tpu.memory_space<hbm>>
    tpu.enqueue_indirect_dma source(%dma_start3A_20 : memref<24903680xf32, #tpu.memory_space<hbm>>) target(%dma_start3A_16 : memref<128xf32, #tpu.memory_space<vmem>>) offsets(%dma_start3A_18 : memref<128xi32, #tpu.memory_space<vmem>>) semaphore(%arg14 : memref<!tpu.dma_semaphore, #tpu.memory_space<semaphore_mem>>)
    %dma_start3A_21 = arith.constant 128 : i32
    %dma_start3A_22 = tpu.memref_slice %arg10[%dma_start3A_21] : memref<4096xf32, #tpu.memory_space<vmem>> -> memref<128xf32, #tpu.memory_space<vmem>>
    %dma_start3A_23 = arith.constant 128 : i32
    %dma_start3A_24 = tpu.memref_slice %arg9[%dma_start3A_23] : memref<4096xi32, #tpu.memory_space<vmem>> -> memref<128xi32, #tpu.memory_space<vmem>>
    %dma_start3A_25 = arith.constant 0 : i32
    %dma_start3A_26 = tpu.memref_slice %arg2[%dma_start3A_25] : memref<24903680xf32, #tpu.memory_space<hbm>> -> memref<24903680xf32, #tpu.memory_space<hbm>>
    tpu.enqueue_indirect_dma source(%dma_start3A_26 : memref<24903680xf32, #tpu.memory_space<hbm>>) target(%dma_start3A_22 : memref<128xf32, #tpu.memory_space<vmem>>) offsets(%dma_start3A_24 : memref<128xi32, #tpu.memory_space<vmem>>) semaphore(%arg14 : memref<!tpu.dma_semaphore, #tpu.memory_space<semaphore_mem>>)
    %dma_start3A_27 = arith.constant 256 : i32
    %dma_start3A_28 = tpu.memref_slice %arg10[%dma_start3A_27] : memref<4096xf32, #tpu.memory_space<vmem>> -> memref<128xf32, #tpu.memory_space<vmem>>
    %dma_start3A_29 = arith.constant 256 : i32
    %dma_start3A_30 = tpu.memref_slice %arg9[%dma_start3A_29] : memref<4096xi32, #tpu.memory_space<vmem>> -> memref<128xi32, #tpu.memory_space<vmem>>
    %dma_start3A_31 = arith.constant 0 : i32
    %dma_start3A_32 = tpu.memref_slice %arg2[%dma_start3A_31] : memref<24903680xf32, #tpu.memory_space<hbm>> -> memref<24903680xf32, #tpu.memory_space<hbm>>
    tpu.enqueue_indirect_dma source(%dma_start3A_32 : memref<24903680xf32, #tpu.memory_space<hbm>>) target(%dma_start3A_28 : memref<128xf32, #tpu.memory_space<vmem>>) offsets(%dma_start3A_30 : memref<128xi32, #tpu.memory_space<vmem>>) semaphore(%arg14 : memref<!tpu.dma_semaphore, #tpu.memory_space<semaphore_mem>>)
    %dma_start3A_33 = arith.constant 384 : i32
    %dma_start3A_34 = tpu.memref_slice %arg10[%dma_start3A_33] : memref<4096xf32, #tpu.memory_space<vmem>> -> memref<128xf32, #tpu.memory_space<vmem>>
    %dma_start3A_35 = arith.constant 384 : i32
    %dma_start3A_36 = tpu.memref_slice %arg9[%dma_start3A_35] : memref<4096xi32, #tpu.memory_space<vmem>> -> memref<128xi32, #tpu.memory_space<vmem>>
    %dma_start3A_37 = arith.constant 0 : i32
    %dma_start3A_38 = tpu.memref_slice %arg2[%dma_start3A_37] : memref<24903680xf32, #tpu.memory_space<hbm>> -> memref<24903680xf32, #tpu.memory_space<hbm>>
    tpu.enqueue_indirect_dma source(%dma_start3A_38 : memref<24903680xf32, #tpu.memory_space<hbm>>) target(%dma_start3A_34 : memref<128xf32, #tpu.memory_space<vmem>>) offsets(%dma_start3A_36 : memref<128xi32, #tpu.memory_space<vmem>>) semaphore(%arg14 : memref<!tpu.dma_semaphore, #tpu.memory_space<semaphore_mem>>)
    %dma_start3A_39 = arith.constant 512 : i32
    %dma_start3A_40 = tpu.memref_slice %arg10[%dma_start3A_39] : memref<4096xf32, #tpu.memory_space<vmem>> -> memref<128xf32, #tpu.memory_space<vmem>>
    %dma_start3A_41 = arith.constant 512 : i32
    %dma_start3A_42 = tpu.memref_slice %arg9[%dma_start3A_41] : memref<4096xi32, #tpu.memory_space<vmem>> -> memref<128xi32, #tpu.memory_space<vmem>>
    %dma_start3A_43 = arith.constant 0 : i32
    %dma_start3A_44 = tpu.memref_slice %arg2[%dma_start3A_43] : memref<24903680xf32, #tpu.memory_space<hbm>> -> memref<24903680xf32, #tpu.memory_space<hbm>>
    tpu.enqueue_indirect_dma source(%dma_start3A_44 : memref<24903680xf32, #tpu.memory_space<hbm>>) target(%dma_start3A_40 : memref<128xf32, #tpu.memory_space<vmem>>) offsets(%dma_start3A_42 : memref<128xi32, #tpu.memory_space<vmem>>) semaphore(%arg14 : memref<!tpu.dma_semaphore, #tpu.memory_space<semaphore_mem>>)
    %dma_start3A_45 = arith.constant 640 : i32
    %dma_start3A_46 = tpu.memref_slice %arg10[%dma_start3A_45] : memref<4096xf32, #tpu.memory_space<vmem>> -> memref<128xf32, #tpu.memory_space<vmem>>
    %dma_start3A_47 = arith.constant 640 : i32
    %dma_start3A_48 = tpu.memref_slice %arg9[%dma_start3A_47] : memref<4096xi32, #tpu.memory_space<vmem>> -> memref<128xi32, #tpu.memory_space<vmem>>
    %dma_start3A_49 = arith.constant 0 : i32
    %dma_start3A_50 = tpu.memref_slice %arg2[%dma_start3A_49] : memref<24903680xf32, #tpu.memory_space<hbm>> -> memref<24903680xf32, #tpu.memory_space<hbm>>
    tpu.enqueue_indirect_dma source(%dma_start3A_50 : memref<24903680xf32, #tpu.memory_space<hbm>>) target(%dma_start3A_46 : memref<128xf32, #tpu.memory_space<vmem>>) offsets(%dma_start3A_48 : memref<128xi32, #tpu.memory_space<vmem>>) semaphore(%arg14 : memref<!tpu.dma_semaphore, #tpu.memory_space<semaphore_mem>>)
    %dma_start3A_51 = arith.constant 768 : i32
    %dma_start3A_52 = tpu.memref_slice %arg10[%dma_start3A_51] : memref<4096xf32, #tpu.memory_space<vmem>> -> memref<128xf32, #tpu.memory_space<vmem>>
    %dma_start3A_53 = arith.constant 768 : i32
    %dma_start3A_54 = tpu.memref_slice %arg9[%dma_start3A_53] : memref<4096xi32, #tpu.memory_space<vmem>> -> memref<128xi32, #tpu.memory_space<vmem>>
    %dma_start3A_55 = arith.constant 0 : i32
    %dma_start3A_56 = tpu.memref_slice %arg2[%dma_start3A_55] : memref<24903680xf32, #tpu.memory_space<hbm>> -> memref<24903680xf32, #tpu.memory_space<hbm>>
    tpu.enqueue_indirect_dma source(%dma_start3A_56 : memref<24903680xf32, #tpu.memory_space<hbm>>) target(%dma_start3A_52 : memref<128xf32, #tpu.memory_space<vmem>>) offsets(%dma_start3A_54 : memref<128xi32, #tpu.memory_space<vmem>>) semaphore(%arg14 : memref<!tpu.dma_semaphore, #tpu.memory_space<semaphore_mem>>)
    %dma_start3A_57 = arith.constant 896 : i32
    %dma_start3A_58 = tpu.memref_slice %arg10[%dma_start3A_57] : memref<4096xf32, #tpu.memory_space<vmem>> -> memref<128xf32, #tpu.memory_space<vmem>>
    %dma_start3A_59 = arith.constant 896 : i32
    %dma_start3A_60 = tpu.memref_slice %arg9[%dma_start3A_59] : memref<4096xi32, #tpu.memory_space<vmem>> -> memref<128xi32, #tpu.memory_space<vmem>>
    %dma_start3A_61 = arith.constant 0 : i32
    %dma_start3A_62 = tpu.memref_slice %arg2[%dma_start3A_61] : memref<24903680xf32, #tpu.memory_space<hbm>> -> memref<24903680xf32, #tpu.memory_space<hbm>>
    tpu.enqueue_indirect_dma source(%dma_start3A_62 : memref<24903680xf32, #tpu.memory_space<hbm>>) target(%dma_start3A_58 : memref<128xf32, #tpu.memory_space<vmem>>) offsets(%dma_start3A_60 : memref<128xi32, #tpu.memory_space<vmem>>) semaphore(%arg14 : memref<!tpu.dma_semaphore, #tpu.memory_space<semaphore_mem>>)
    %dma_start3A_63 = arith.constant 1024 : i32
    %dma_start3A_64 = tpu.memref_slice %arg10[%dma_start3A_63] : memref<4096xf32, #tpu.memory_space<vmem>> -> memref<128xf32, #tpu.memory_space<vmem>>
    %dma_start3A_65 = arith.constant 1024 : i32
    %dma_start3A_66 = tpu.memref_slice %arg9[%dma_start3A_65] : memref<4096xi32, #tpu.memory_space<vmem>> -> memref<128xi32, #tpu.memory_space<vmem>>
    %dma_start3A_67 = arith.constant 0 : i32
    %dma_start3A_68 = tpu.memref_slice %arg2[%dma_start3A_67] : memref<24903680xf32, #tpu.memory_space<hbm>> -> memref<24903680xf32, #tpu.memory_space<hbm>>
    tpu.enqueue_indirect_dma source(%dma_start3A_68 : memref<24903680xf32, #tpu.memory_space<hbm>>) target(%dma_start3A_64 : memref<128xf32, #tpu.memory_space<vmem>>) offsets(%dma_start3A_66 : memref<128xi32, #tpu.memory_space<vmem>>) semaphore(%arg14 : memref<!tpu.dma_semaphore, #tpu.memory_space<semaphore_mem>>)
    %dma_start3A_69 = arith.constant 1152 : i32
    %dma_start3A_70 = tpu.memref_slice %arg10[%dma_start3A_69] : memref<4096xf32, #tpu.memory_space<vmem>> -> memref<128xf32, #tpu.memory_space<vmem>>
    %dma_start3A_71 = arith.constant 1152 : i32
    %dma_start3A_72 = tpu.memref_slice %arg9[%dma_start3A_71] : memref<4096xi32, #tpu.memory_space<vmem>> -> memref<128xi32, #tpu.memory_space<vmem>>
    %dma_start3A_73 = arith.constant 0 : i32
    %dma_start3A_74 = tpu.memref_slice %arg2[%dma_start3A_73] : memref<24903680xf32, #tpu.memory_space<hbm>> -> memref<24903680xf32, #tpu.memory_space<hbm>>
    tpu.enqueue_indirect_dma source(%dma_start3A_74 : memref<24903680xf32, #tpu.memory_space<hbm>>) target(%dma_start3A_70 : memref<128xf32, #tpu.memory_space<vmem>>) offsets(%dma_start3A_72 : memref<128xi32, #tpu.memory_space<vmem>>) semaphore(%arg14 : memref<!tpu.dma_semaphore, #tpu.memory_space<semaphore_mem>>)
    %dma_start3A_75 = arith.constant 1280 : i32
    %dma_start3A_76 = tpu.memref_slice %arg10[%dma_start3A_75] : memref<4096xf32, #tpu.memory_space<vmem>> -> memref<128xf32, #tpu.memory_space<vmem>>
    %dma_start3A_77 = arith.constant 1280 : i32
    %dma_start3A_78 = tpu.memref_slice %arg9[%dma_start3A_77] : memref<4096xi32, #tpu.memory_space<vmem>> -> memref<128xi32, #tpu.memory_space<vmem>>
    %dma_start3A_79 = arith.constant 0 : i32
    %dma_start3A_80 = tpu.memref_slice %arg2[%dma_start3A_79] : memref<24903680xf32, #tpu.memory_space<hbm>> -> memref<24903680xf32, #tpu.memory_space<hbm>>
    tpu.enqueue_indirect_dma source(%dma_start3A_80 : memref<24903680xf32, #tpu.memory_space<hbm>>) target(%dma_start3A_76 : memref<128xf32, #tpu.memory_space<vmem>>) offsets(%dma_start3A_78 : memref<128xi32, #tpu.memory_space<vmem>>) semaphore(%arg14 : memref<!tpu.dma_semaphore, #tpu.memory_space<semaphore_mem>>)
    %dma_start3A_81 = arith.constant 1408 : i32
    %dma_start3A_82 = tpu.memref_slice %arg10[%dma_start3A_81] : memref<4096xf32, #tpu.memory_space<vmem>> -> memref<128xf32, #tpu.memory_space<vmem>>
    %dma_start3A_83 = arith.constant 1408 : i32
    %dma_start3A_84 = tpu.memref_slice %arg9[%dma_start3A_83] : memref<4096xi32, #tpu.memory_space<vmem>> -> memref<128xi32, #tpu.memory_space<vmem>>
    %dma_start3A_85 = arith.constant 0 : i32
    %dma_start3A_86 = tpu.memref_slice %arg2[%dma_start3A_85] : memref<24903680xf32, #tpu.memory_space<hbm>> -> memref<24903680xf32, #tpu.memory_space<hbm>>
    tpu.enqueue_indirect_dma source(%dma_start3A_86 : memref<24903680xf32, #tpu.memory_space<hbm>>) target(%dma_start3A_82 : memref<128xf32, #tpu.memory_space<vmem>>) offsets(%dma_start3A_84 : memref<128xi32, #tpu.memory_space<vmem>>) semaphore(%arg14 : memref<!tpu.dma_semaphore, #tpu.memory_space<semaphore_mem>>)
    %dma_start3A_87 = arith.constant 1536 : i32
    %dma_start3A_88 = tpu.memref_slice %arg10[%dma_start3A_87] : memref<4096xf32, #tpu.memory_space<vmem>> -> memref<128xf32, #tpu.memory_space<vmem>>
    %dma_start3A_89 = arith.constant 1536 : i32
    %dma_start3A_90 = tpu.memref_slice %arg9[%dma_start3A_89] : memref<4096xi32, #tpu.memory_space<vmem>> -> memref<128xi32, #tpu.memory_space<vmem>>
    %dma_start3A_91 = arith.constant 0 : i32
    %dma_start3A_92 = tpu.memref_slice %arg2[%dma_start3A_91] : memref<24903680xf32, #tpu.memory_space<hbm>> -> memref<24903680xf32, #tpu.memory_space<hbm>>
    tpu.enqueue_indirect_dma source(%dma_start3A_92 : memref<24903680xf32, #tpu.memory_space<hbm>>) target(%dma_start3A_88 : memref<128xf32, #tpu.memory_space<vmem>>) offsets(%dma_start3A_90 : memref<128xi32, #tpu.memory_space<vmem>>) semaphore(%arg14 : memref<!tpu.dma_semaphore, #tpu.memory_space<semaphore_mem>>)
    %dma_start3A_93 = arith.constant 1664 : i32
    %dma_start3A_94 = tpu.memref_slice %arg10[%dma_start3A_93] : memref<4096xf32, #tpu.memory_space<vmem>> -> memref<128xf32, #tpu.memory_space<vmem>>
    %dma_start3A_95 = arith.constant 1664 : i32
    %dma_start3A_96 = tpu.memref_slice %arg9[%dma_start3A_95] : memref<4096xi32, #tpu.memory_space<vmem>> -> memref<128xi32, #tpu.memory_space<vmem>>
    %dma_start3A_97 = arith.constant 0 : i32
    %dma_start3A_98 = tpu.memref_slice %arg2[%dma_start3A_97] : memref<24903680xf32, #tpu.memory_space<hbm>> -> memref<24903680xf32, #tpu.memory_space<hbm>>
    tpu.enqueue_indirect_dma source(%dma_start3A_98 : memref<24903680xf32, #tpu.memory_space<hbm>>) target(%dma_start3A_94 : memref<128xf32, #tpu.memory_space<vmem>>) offsets(%dma_start3A_96 : memref<128xi32, #tpu.memory_space<vmem>>) semaphore(%arg14 : memref<!tpu.dma_semaphore, #tpu.memory_space<semaphore_mem>>)
    %dma_start3A_99 = arith.constant 1792 : i32
    %dma_start3A_100 = tpu.memref_slice %arg10[%dma_start3A_99] : memref<4096xf32, #tpu.memory_space<vmem>> -> memref<128xf32, #tpu.memory_space<vmem>>
    %dma_start3A_101 = arith.constant 1792 : i32
    %dma_start3A_102 = tpu.memref_slice %arg9[%dma_start3A_101] : memref<4096xi32, #tpu.memory_space<vmem>> -> memref<128xi32, #tpu.memory_space<vmem>>
    %dma_start3A_103 = arith.constant 0 : i32
    %dma_start3A_104 = tpu.memref_slice %arg2[%dma_start3A_103] : memref<24903680xf32, #tpu.memory_space<hbm>> -> memref<24903680xf32, #tpu.memory_space<hbm>>
    tpu.enqueue_indirect_dma source(%dma_start3A_104 : memref<24903680xf32, #tpu.memory_space<hbm>>) target(%dma_start3A_100 : memref<128xf32, #tpu.memory_space<vmem>>) offsets(%dma_start3A_102 : memref<128xi32, #tpu.memory_space<vmem>>) semaphore(%arg14 : memref<!tpu.dma_semaphore, #tpu.memory_space<semaphore_mem>>)
    %dma_start3A_105 = arith.constant 1920 : i32
    %dma_start3A_106 = tpu.memref_slice %arg10[%dma_start3A_105] : memref<4096xf32, #tpu.memory_space<vmem>> -> memref<128xf32, #tpu.memory_space<vmem>>
    %dma_start3A_107 = arith.constant 1920 : i32
    %dma_start3A_108 = tpu.memref_slice %arg9[%dma_start3A_107] : memref<4096xi32, #tpu.memory_space<vmem>> -> memref<128xi32, #tpu.memory_space<vmem>>
    %dma_start3A_109 = arith.constant 0 : i32
    %dma_start3A_110 = tpu.memref_slice %arg2[%dma_start3A_109] : memref<24903680xf32, #tpu.memory_space<hbm>> -> memref<24903680xf32, #tpu.memory_space<hbm>>
    tpu.enqueue_indirect_dma source(%dma_start3A_110 : memref<24903680xf32, #tpu.memory_space<hbm>>) target(%dma_start3A_106 : memref<128xf32, #tpu.memory_space<vmem>>) offsets(%dma_start3A_108 : memref<128xi32, #tpu.memory_space<vmem>>) semaphore(%arg14 : memref<!tpu.dma_semaphore, #tpu.memory_space<semaphore_mem>>)
    %dma_start3A_111 = arith.constant 2048 : i32
    %dma_start3A_112 = tpu.memref_slice %arg10[%dma_start3A_111] : memref<4096xf32, #tpu.memory_space<vmem>> -> memref<128xf32, #tpu.memory_space<vmem>>
    %dma_start3A_113 = arith.constant 2048 : i32
    %dma_start3A_114 = tpu.memref_slice %arg9[%dma_start3A_113] : memref<4096xi32, #tpu.memory_space<vmem>> -> memref<128xi32, #tpu.memory_space<vmem>>
    %dma_start3A_115 = arith.constant 0 : i32
    %dma_start3A_116 = tpu.memref_slice %arg2[%dma_start3A_115] : memref<24903680xf32, #tpu.memory_space<hbm>> -> memref<24903680xf32, #tpu.memory_space<hbm>>
    tpu.enqueue_indirect_dma source(%dma_start3A_116 : memref<24903680xf32, #tpu.memory_space<hbm>>) target(%dma_start3A_112 : memref<128xf32, #tpu.memory_space<vmem>>) offsets(%dma_start3A_114 : memref<128xi32, #tpu.memory_space<vmem>>) semaphore(%arg14 : memref<!tpu.dma_semaphore, #tpu.memory_space<semaphore_mem>>)
    %dma_start3A_117 = arith.constant 2176 : i32
    %dma_start3A_118 = tpu.memref_slice %arg10[%dma_start3A_117] : memref<4096xf32, #tpu.memory_space<vmem>> -> memref<128xf32, #tpu.memory_space<vmem>>
    %dma_start3A_119 = arith.constant 2176 : i32
    %dma_start3A_120 = tpu.memref_slice %arg9[%dma_start3A_119] : memref<4096xi32, #tpu.memory_space<vmem>> -> memref<128xi32, #tpu.memory_space<vmem>>
    %dma_start3A_121 = arith.constant 0 : i32
    %dma_start3A_122 = tpu.memref_slice %arg2[%dma_start3A_121] : memref<24903680xf32, #tpu.memory_space<hbm>> -> memref<24903680xf32, #tpu.memory_space<hbm>>
    tpu.enqueue_indirect_dma source(%dma_start3A_122 : memref<24903680xf32, #tpu.memory_space<hbm>>) target(%dma_start3A_118 : memref<128xf32, #tpu.memory_space<vmem>>) offsets(%dma_start3A_120 : memref<128xi32, #tpu.memory_space<vmem>>) semaphore(%arg14 : memref<!tpu.dma_semaphore, #tpu.memory_space<semaphore_mem>>)
    %dma_start3A_123 = arith.constant 2304 : i32
    %dma_start3A_124 = tpu.memref_slice %arg10[%dma_start3A_123] : memref<4096xf32, #tpu.memory_space<vmem>> -> memref<128xf32, #tpu.memory_space<vmem>>
    %dma_start3A_125 = arith.constant 2304 : i32
    %dma_start3A_126 = tpu.memref_slice %arg9[%dma_start3A_125] : memref<4096xi32, #tpu.memory_space<vmem>> -> memref<128xi32, #tpu.memory_space<vmem>>
    %dma_start3A_127 = arith.constant 0 : i32
    %dma_start3A_128 = tpu.memref_slice %arg2[%dma_start3A_127] : memref<24903680xf32, #tpu.memory_space<hbm>> -> memref<24903680xf32, #tpu.memory_space<hbm>>
    tpu.enqueue_indirect_dma source(%dma_start3A_128 : memref<24903680xf32, #tpu.memory_space<hbm>>) target(%dma_start3A_124 : memref<128xf32, #tpu.memory_space<vmem>>) offsets(%dma_start3A_126 : memref<128xi32, #tpu.memory_space<vmem>>) semaphore(%arg14 : memref<!tpu.dma_semaphore, #tpu.memory_space<semaphore_mem>>)
    %dma_start3A_129 = arith.constant 2432 : i32
    %dma_start3A_130 = tpu.memref_slice %arg10[%dma_start3A_129] : memref<4096xf32, #tpu.memory_space<vmem>> -> memref<128xf32, #tpu.memory_space<vmem>>
    %dma_start3A_131 = arith.constant 2432 : i32
    %dma_start3A_132 = tpu.memref_slice %arg9[%dma_start3A_131] : memref<4096xi32, #tpu.memory_space<vmem>> -> memref<128xi32, #tpu.memory_space<vmem>>
    %dma_start3A_133 = arith.constant 0 : i32
    %dma_start3A_134 = tpu.memref_slice %arg2[%dma_start3A_133] : memref<24903680xf32, #tpu.memory_space<hbm>> -> memref<24903680xf32, #tpu.memory_space<hbm>>
    tpu.enqueue_indirect_dma source(%dma_start3A_134 : memref<24903680xf32, #tpu.memory_space<hbm>>) target(%dma_start3A_130 : memref<128xf32, #tpu.memory_space<vmem>>) offsets(%dma_start3A_132 : memref<128xi32, #tpu.memory_space<vmem>>) semaphore(%arg14 : memref<!tpu.dma_semaphore, #tpu.memory_space<semaphore_mem>>)
    %dma_start3A_135 = arith.constant 2560 : i32
    %dma_start3A_136 = tpu.memref_slice %arg10[%dma_start3A_135] : memref<4096xf32, #tpu.memory_space<vmem>> -> memref<128xf32, #tpu.memory_space<vmem>>
    %dma_start3A_137 = arith.constant 2560 : i32
    %dma_start3A_138 = tpu.memref_slice %arg9[%dma_start3A_137] : memref<4096xi32, #tpu.memory_space<vmem>> -> memref<128xi32, #tpu.memory_space<vmem>>
    %dma_start3A_139 = arith.constant 0 : i32
    %dma_start3A_140 = tpu.memref_slice %arg2[%dma_start3A_139] : memref<24903680xf32, #tpu.memory_space<hbm>> -> memref<24903680xf32, #tpu.memory_space<hbm>>
    tpu.enqueue_indirect_dma source(%dma_start3A_140 : memref<24903680xf32, #tpu.memory_space<hbm>>) target(%dma_start3A_136 : memref<128xf32, #tpu.memory_space<vmem>>) offsets(%dma_start3A_138 : memref<128xi32, #tpu.memory_space<vmem>>) semaphore(%arg14 : memref<!tpu.dma_semaphore, #tpu.memory_space<semaphore_mem>>)
    %dma_start3A_141 = arith.constant 2688 : i32
    %dma_start3A_142 = tpu.memref_slice %arg10[%dma_start3A_141] : memref<4096xf32, #tpu.memory_space<vmem>> -> memref<128xf32, #tpu.memory_space<vmem>>
    %dma_start3A_143 = arith.constant 2688 : i32
    %dma_start3A_144 = tpu.memref_slice %arg9[%dma_start3A_143] : memref<4096xi32, #tpu.memory_space<vmem>> -> memref<128xi32, #tpu.memory_space<vmem>>
    %dma_start3A_145 = arith.constant 0 : i32
    %dma_start3A_146 = tpu.memref_slice %arg2[%dma_start3A_145] : memref<24903680xf32, #tpu.memory_space<hbm>> -> memref<24903680xf32, #tpu.memory_space<hbm>>
    tpu.enqueue_indirect_dma source(%dma_start3A_146 : memref<24903680xf32, #tpu.memory_space<hbm>>) target(%dma_start3A_142 : memref<128xf32, #tpu.memory_space<vmem>>) offsets(%dma_start3A_144 : memref<128xi32, #tpu.memory_space<vmem>>) semaphore(%arg14 : memref<!tpu.dma_semaphore, #tpu.memory_space<semaphore_mem>>)
    %dma_start3A_147 = arith.constant 2816 : i32
    %dma_start3A_148 = tpu.memref_slice %arg10[%dma_start3A_147] : memref<4096xf32, #tpu.memory_space<vmem>> -> memref<128xf32, #tpu.memory_space<vmem>>
    %dma_start3A_149 = arith.constant 2816 : i32
    %dma_start3A_150 = tpu.memref_slice %arg9[%dma_start3A_149] : memref<4096xi32, #tpu.memory_space<vmem>> -> memref<128xi32, #tpu.memory_space<vmem>>
    %dma_start3A_151 = arith.constant 0 : i32
    %dma_start3A_152 = tpu.memref_slice %arg2[%dma_start3A_151] : memref<24903680xf32, #tpu.memory_space<hbm>> -> memref<24903680xf32, #tpu.memory_space<hbm>>
    tpu.enqueue_indirect_dma source(%dma_start3A_152 : memref<24903680xf32, #tpu.memory_space<hbm>>) target(%dma_start3A_148 : memref<128xf32, #tpu.memory_space<vmem>>) offsets(%dma_start3A_150 : memref<128xi32, #tpu.memory_space<vmem>>) semaphore(%arg14 : memref<!tpu.dma_semaphore, #tpu.memory_space<semaphore_mem>>)
    %dma_start3A_153 = arith.constant 2944 : i32
    %dma_start3A_154 = tpu.memref_slice %arg10[%dma_start3A_153] : memref<4096xf32, #tpu.memory_space<vmem>> -> memref<128xf32, #tpu.memory_space<vmem>>
    %dma_start3A_155 = arith.constant 2944 : i32
    %dma_start3A_156 = tpu.memref_slice %arg9[%dma_start3A_155] : memref<4096xi32, #tpu.memory_space<vmem>> -> memref<128xi32, #tpu.memory_space<vmem>>
    %dma_start3A_157 = arith.constant 0 : i32
    %dma_start3A_158 = tpu.memref_slice %arg2[%dma_start3A_157] : memref<24903680xf32, #tpu.memory_space<hbm>> -> memref<24903680xf32, #tpu.memory_space<hbm>>
    tpu.enqueue_indirect_dma source(%dma_start3A_158 : memref<24903680xf32, #tpu.memory_space<hbm>>) target(%dma_start3A_154 : memref<128xf32, #tpu.memory_space<vmem>>) offsets(%dma_start3A_156 : memref<128xi32, #tpu.memory_space<vmem>>) semaphore(%arg14 : memref<!tpu.dma_semaphore, #tpu.memory_space<semaphore_mem>>)
    %dma_start3A_159 = arith.constant 3072 : i32
    %dma_start3A_160 = tpu.memref_slice %arg10[%dma_start3A_159] : memref<4096xf32, #tpu.memory_space<vmem>> -> memref<128xf32, #tpu.memory_space<vmem>>
    %dma_start3A_161 = arith.constant 3072 : i32
    %dma_start3A_162 = tpu.memref_slice %arg9[%dma_start3A_161] : memref<4096xi32, #tpu.memory_space<vmem>> -> memref<128xi32, #tpu.memory_space<vmem>>
    %dma_start3A_163 = arith.constant 0 : i32
    %dma_start3A_164 = tpu.memref_slice %arg2[%dma_start3A_163] : memref<24903680xf32, #tpu.memory_space<hbm>> -> memref<24903680xf32, #tpu.memory_space<hbm>>
    tpu.enqueue_indirect_dma source(%dma_start3A_164 : memref<24903680xf32, #tpu.memory_space<hbm>>) target(%dma_start3A_160 : memref<128xf32, #tpu.memory_space<vmem>>) offsets(%dma_start3A_162 : memref<128xi32, #tpu.memory_space<vmem>>) semaphore(%arg14 : memref<!tpu.dma_semaphore, #tpu.memory_space<semaphore_mem>>)
    %dma_start3A_165 = arith.constant 3200 : i32
    %dma_start3A_166 = tpu.memref_slice %arg10[%dma_start3A_165] : memref<4096xf32, #tpu.memory_space<vmem>> -> memref<128xf32, #tpu.memory_space<vmem>>
    %dma_start3A_167 = arith.constant 3200 : i32
    %dma_start3A_168 = tpu.memref_slice %arg9[%dma_start3A_167] : memref<4096xi32, #tpu.memory_space<vmem>> -> memref<128xi32, #tpu.memory_space<vmem>>
    %dma_start3A_169 = arith.constant 0 : i32
    %dma_start3A_170 = tpu.memref_slice %arg2[%dma_start3A_169] : memref<24903680xf32, #tpu.memory_space<hbm>> -> memref<24903680xf32, #tpu.memory_space<hbm>>
    tpu.enqueue_indirect_dma source(%dma_start3A_170 : memref<24903680xf32, #tpu.memory_space<hbm>>) target(%dma_start3A_166 : memref<128xf32, #tpu.memory_space<vmem>>) offsets(%dma_start3A_168 : memref<128xi32, #tpu.memory_space<vmem>>) semaphore(%arg14 : memref<!tpu.dma_semaphore, #tpu.memory_space<semaphore_mem>>)
    %dma_start3A_171 = arith.constant 3328 : i32
    %dma_start3A_172 = tpu.memref_slice %arg10[%dma_start3A_171] : memref<4096xf32, #tpu.memory_space<vmem>> -> memref<128xf32, #tpu.memory_space<vmem>>
    %dma_start3A_173 = arith.constant 3328 : i32
    %dma_start3A_174 = tpu.memref_slice %arg9[%dma_start3A_173] : memref<4096xi32, #tpu.memory_space<vmem>> -> memref<128xi32, #tpu.memory_space<vmem>>
    %dma_start3A_175 = arith.constant 0 : i32
    %dma_start3A_176 = tpu.memref_slice %arg2[%dma_start3A_175] : memref<24903680xf32, #tpu.memory_space<hbm>> -> memref<24903680xf32, #tpu.memory_space<hbm>>
    tpu.enqueue_indirect_dma source(%dma_start3A_176 : memref<24903680xf32, #tpu.memory_space<hbm>>) target(%dma_start3A_172 : memref<128xf32, #tpu.memory_space<vmem>>) offsets(%dma_start3A_174 : memref<128xi32, #tpu.memory_space<vmem>>) semaphore(%arg14 : memref<!tpu.dma_semaphore, #tpu.memory_space<semaphore_mem>>)
    %dma_start3A_177 = arith.constant 3456 : i32
    %dma_start3A_178 = tpu.memref_slice %arg10[%dma_start3A_177] : memref<4096xf32, #tpu.memory_space<vmem>> -> memref<128xf32, #tpu.memory_space<vmem>>
    %dma_start3A_179 = arith.constant 3456 : i32
    %dma_start3A_180 = tpu.memref_slice %arg9[%dma_start3A_179] : memref<4096xi32, #tpu.memory_space<vmem>> -> memref<128xi32, #tpu.memory_space<vmem>>
    %dma_start3A_181 = arith.constant 0 : i32
    %dma_start3A_182 = tpu.memref_slice %arg2[%dma_start3A_181] : memref<24903680xf32, #tpu.memory_space<hbm>> -> memref<24903680xf32, #tpu.memory_space<hbm>>
    tpu.enqueue_indirect_dma source(%dma_start3A_182 : memref<24903680xf32, #tpu.memory_space<hbm>>) target(%dma_start3A_178 : memref<128xf32, #tpu.memory_space<vmem>>) offsets(%dma_start3A_180 : memref<128xi32, #tpu.memory_space<vmem>>) semaphore(%arg14 : memref<!tpu.dma_semaphore, #tpu.memory_space<semaphore_mem>>)
    %dma_start3A_183 = arith.constant 3584 : i32
    %dma_start3A_184 = tpu.memref_slice %arg10[%dma_start3A_183] : memref<4096xf32, #tpu.memory_space<vmem>> -> memref<128xf32, #tpu.memory_space<vmem>>
    %dma_start3A_185 = arith.constant 3584 : i32
    %dma_start3A_186 = tpu.memref_slice %arg9[%dma_start3A_185] : memref<4096xi32, #tpu.memory_space<vmem>> -> memref<128xi32, #tpu.memory_space<vmem>>
    %dma_start3A_187 = arith.constant 0 : i32
    %dma_start3A_188 = tpu.memref_slice %arg2[%dma_start3A_187] : memref<24903680xf32, #tpu.memory_space<hbm>> -> memref<24903680xf32, #tpu.memory_space<hbm>>
    tpu.enqueue_indirect_dma source(%dma_start3A_188 : memref<24903680xf32, #tpu.memory_space<hbm>>) target(%dma_start3A_184 : memref<128xf32, #tpu.memory_space<vmem>>) offsets(%dma_start3A_186 : memref<128xi32, #tpu.memory_space<vmem>>) semaphore(%arg14 : memref<!tpu.dma_semaphore, #tpu.memory_space<semaphore_mem>>)
    %dma_start3A_189 = arith.constant 3712 : i32
    %dma_start3A_190 = tpu.memref_slice %arg10[%dma_start3A_189] : memref<4096xf32, #tpu.memory_space<vmem>> -> memref<128xf32, #tpu.memory_space<vmem>>
    %dma_start3A_191 = arith.constant 3712 : i32
    %dma_start3A_192 = tpu.memref_slice %arg9[%dma_start3A_191] : memref<4096xi32, #tpu.memory_space<vmem>> -> memref<128xi32, #tpu.memory_space<vmem>>
    %dma_start3A_193 = arith.constant 0 : i32
    %dma_start3A_194 = tpu.memref_slice %arg2[%dma_start3A_193] : memref<24903680xf32, #tpu.memory_space<hbm>> -> memref<24903680xf32, #tpu.memory_space<hbm>>
    tpu.enqueue_indirect_dma source(%dma_start3A_194 : memref<24903680xf32, #tpu.memory_space<hbm>>) target(%dma_start3A_190 : memref<128xf32, #tpu.memory_space<vmem>>) offsets(%dma_start3A_192 : memref<128xi32, #tpu.memory_space<vmem>>) semaphore(%arg14 : memref<!tpu.dma_semaphore, #tpu.memory_space<semaphore_mem>>)
    %dma_start3A_195 = arith.constant 3840 : i32
    %dma_start3A_196 = tpu.memref_slice %arg10[%dma_start3A_195] : memref<4096xf32, #tpu.memory_space<vmem>> -> memref<128xf32, #tpu.memory_space<vmem>>
    %dma_start3A_197 = arith.constant 3840 : i32
    %dma_start3A_198 = tpu.memref_slice %arg9[%dma_start3A_197] : memref<4096xi32, #tpu.memory_space<vmem>> -> memref<128xi32, #tpu.memory_space<vmem>>
    %dma_start3A_199 = arith.constant 0 : i32
    %dma_start3A_200 = tpu.memref_slice %arg2[%dma_start3A_199] : memref<24903680xf32, #tpu.memory_space<hbm>> -> memref<24903680xf32, #tpu.memory_space<hbm>>
    tpu.enqueue_indirect_dma source(%dma_start3A_200 : memref<24903680xf32, #tpu.memory_space<hbm>>) target(%dma_start3A_196 : memref<128xf32, #tpu.memory_space<vmem>>) offsets(%dma_start3A_198 : memref<128xi32, #tpu.memory_space<vmem>>) semaphore(%arg14 : memref<!tpu.dma_semaphore, #tpu.memory_space<semaphore_mem>>)
    %dma_start3A_201 = arith.constant 3968 : i32
    %dma_start3A_202 = tpu.memref_slice %arg10[%dma_start3A_201] : memref<4096xf32, #tpu.memory_space<vmem>> -> memref<128xf32, #tpu.memory_space<vmem>>
    %dma_start3A_203 = arith.constant 3968 : i32
    %dma_start3A_204 = tpu.memref_slice %arg9[%dma_start3A_203] : memref<4096xi32, #tpu.memory_space<vmem>> -> memref<128xi32, #tpu.memory_space<vmem>>
    %dma_start3A_205 = arith.constant 0 : i32
    %dma_start3A_206 = tpu.memref_slice %arg2[%dma_start3A_205] : memref<24903680xf32, #tpu.memory_space<hbm>> -> memref<24903680xf32, #tpu.memory_space<hbm>>
    tpu.enqueue_indirect_dma source(%dma_start3A_206 : memref<24903680xf32, #tpu.memory_space<hbm>>) target(%dma_start3A_202 : memref<128xf32, #tpu.memory_space<vmem>>) offsets(%dma_start3A_204 : memref<128xi32, #tpu.memory_space<vmem>>) semaphore(%arg14 : memref<!tpu.dma_semaphore, #tpu.memory_space<semaphore_mem>>)
    %dma_wait3A = arith.constant 0 : i32
    %dma_wait3A_207 = tpu.memref_slice %arg10[%dma_wait3A] : memref<4096xf32, #tpu.memory_space<vmem>> -> memref<128xf32, #tpu.memory_space<vmem>>
    %dma_wait3A_208 = arith.constant 0 : i32
    %dma_wait3A_209 = tpu.memref_slice %arg9[%dma_wait3A_208] : memref<4096xi32, #tpu.memory_space<vmem>> -> memref<128xi32, #tpu.memory_space<vmem>>
    %dma_wait3A_210 = arith.constant 0 : i32
    %dma_wait3A_211 = tpu.memref_slice %arg2[%dma_wait3A_210] : memref<24903680xf32, #tpu.memory_space<hbm>> -> memref<24903680xf32, #tpu.memory_space<hbm>>
    tpu.wait_indirect_dma semaphore(%arg14 : memref<!tpu.dma_semaphore, #tpu.memory_space<semaphore_mem>>) src(%dma_wait3A_211 : memref<24903680xf32, #tpu.memory_space<hbm>>) dst(%dma_wait3A_207 : memref<128xf32, #tpu.memory_space<vmem>>)
    %dma_wait3A_212 = arith.constant 128 : i32
    %dma_wait3A_213 = tpu.memref_slice %arg10[%dma_wait3A_212] : memref<4096xf32, #tpu.memory_space<vmem>> -> memref<128xf32, #tpu.memory_space<vmem>>
    %dma_wait3A_214 = arith.constant 128 : i32
    %dma_wait3A_215 = tpu.memref_slice %arg9[%dma_wait3A_214] : memref<4096xi32, #tpu.memory_space<vmem>> -> memref<128xi32, #tpu.memory_space<vmem>>
    %dma_wait3A_216 = arith.constant 0 : i32
    %dma_wait3A_217 = tpu.memref_slice %arg2[%dma_wait3A_216] : memref<24903680xf32, #tpu.memory_space<hbm>> -> memref<24903680xf32, #tpu.memory_space<hbm>>
    tpu.wait_indirect_dma semaphore(%arg14 : memref<!tpu.dma_semaphore, #tpu.memory_space<semaphore_mem>>) src(%dma_wait3A_217 : memref<24903680xf32, #tpu.memory_space<hbm>>) dst(%dma_wait3A_213 : memref<128xf32, #tpu.memory_space<vmem>>)
    %dma_wait3A_218 = arith.constant 256 : i32
    %dma_wait3A_219 = tpu.memref_slice %arg10[%dma_wait3A_218] : memref<4096xf32, #tpu.memory_space<vmem>> -> memref<128xf32, #tpu.memory_space<vmem>>
    %dma_wait3A_220 = arith.constant 256 : i32
    %dma_wait3A_221 = tpu.memref_slice %arg9[%dma_wait3A_220] : memref<4096xi32, #tpu.memory_space<vmem>> -> memref<128xi32, #tpu.memory_space<vmem>>
    %dma_wait3A_222 = arith.constant 0 : i32
    %dma_wait3A_223 = tpu.memref_slice %arg2[%dma_wait3A_222] : memref<24903680xf32, #tpu.memory_space<hbm>> -> memref<24903680xf32, #tpu.memory_space<hbm>>
    tpu.wait_indirect_dma semaphore(%arg14 : memref<!tpu.dma_semaphore, #tpu.memory_space<semaphore_mem>>) src(%dma_wait3A_223 : memref<24903680xf32, #tpu.memory_space<hbm>>) dst(%dma_wait3A_219 : memref<128xf32, #tpu.memory_space<vmem>>)
    %dma_wait3A_224 = arith.constant 384 : i32
    %dma_wait3A_225 = tpu.memref_slice %arg10[%dma_wait3A_224] : memref<4096xf32, #tpu.memory_space<vmem>> -> memref<128xf32, #tpu.memory_space<vmem>>
    %dma_wait3A_226 = arith.constant 384 : i32
    %dma_wait3A_227 = tpu.memref_slice %arg9[%dma_wait3A_226] : memref<4096xi32, #tpu.memory_space<vmem>> -> memref<128xi32, #tpu.memory_space<vmem>>
    %dma_wait3A_228 = arith.constant 0 : i32
    %dma_wait3A_229 = tpu.memref_slice %arg2[%dma_wait3A_228] : memref<24903680xf32, #tpu.memory_space<hbm>> -> memref<24903680xf32, #tpu.memory_space<hbm>>
    tpu.wait_indirect_dma semaphore(%arg14 : memref<!tpu.dma_semaphore, #tpu.memory_space<semaphore_mem>>) src(%dma_wait3A_229 : memref<24903680xf32, #tpu.memory_space<hbm>>) dst(%dma_wait3A_225 : memref<128xf32, #tpu.memory_space<vmem>>)
    %dma_wait3A_230 = arith.constant 512 : i32
    %dma_wait3A_231 = tpu.memref_slice %arg10[%dma_wait3A_230] : memref<4096xf32, #tpu.memory_space<vmem>> -> memref<128xf32, #tpu.memory_space<vmem>>
    %dma_wait3A_232 = arith.constant 512 : i32
    %dma_wait3A_233 = tpu.memref_slice %arg9[%dma_wait3A_232] : memref<4096xi32, #tpu.memory_space<vmem>> -> memref<128xi32, #tpu.memory_space<vmem>>
    %dma_wait3A_234 = arith.constant 0 : i32
    %dma_wait3A_235 = tpu.memref_slice %arg2[%dma_wait3A_234] : memref<24903680xf32, #tpu.memory_space<hbm>> -> memref<24903680xf32, #tpu.memory_space<hbm>>
    tpu.wait_indirect_dma semaphore(%arg14 : memref<!tpu.dma_semaphore, #tpu.memory_space<semaphore_mem>>) src(%dma_wait3A_235 : memref<24903680xf32, #tpu.memory_space<hbm>>) dst(%dma_wait3A_231 : memref<128xf32, #tpu.memory_space<vmem>>)
    %dma_wait3A_236 = arith.constant 640 : i32
    %dma_wait3A_237 = tpu.memref_slice %arg10[%dma_wait3A_236] : memref<4096xf32, #tpu.memory_space<vmem>> -> memref<128xf32, #tpu.memory_space<vmem>>
    %dma_wait3A_238 = arith.constant 640 : i32
    %dma_wait3A_239 = tpu.memref_slice %arg9[%dma_wait3A_238] : memref<4096xi32, #tpu.memory_space<vmem>> -> memref<128xi32, #tpu.memory_space<vmem>>
    %dma_wait3A_240 = arith.constant 0 : i32
    %dma_wait3A_241 = tpu.memref_slice %arg2[%dma_wait3A_240] : memref<24903680xf32, #tpu.memory_space<hbm>> -> memref<24903680xf32, #tpu.memory_space<hbm>>
    tpu.wait_indirect_dma semaphore(%arg14 : memref<!tpu.dma_semaphore, #tpu.memory_space<semaphore_mem>>) src(%dma_wait3A_241 : memref<24903680xf32, #tpu.memory_space<hbm>>) dst(%dma_wait3A_237 : memref<128xf32, #tpu.memory_space<vmem>>)
    %dma_wait3A_242 = arith.constant 768 : i32
    %dma_wait3A_243 = tpu.memref_slice %arg10[%dma_wait3A_242] : memref<4096xf32, #tpu.memory_space<vmem>> -> memref<128xf32, #tpu.memory_space<vmem>>
    %dma_wait3A_244 = arith.constant 768 : i32
    %dma_wait3A_245 = tpu.memref_slice %arg9[%dma_wait3A_244] : memref<4096xi32, #tpu.memory_space<vmem>> -> memref<128xi32, #tpu.memory_space<vmem>>
    %dma_wait3A_246 = arith.constant 0 : i32
    %dma_wait3A_247 = tpu.memref_slice %arg2[%dma_wait3A_246] : memref<24903680xf32, #tpu.memory_space<hbm>> -> memref<24903680xf32, #tpu.memory_space<hbm>>
    tpu.wait_indirect_dma semaphore(%arg14 : memref<!tpu.dma_semaphore, #tpu.memory_space<semaphore_mem>>) src(%dma_wait3A_247 : memref<24903680xf32, #tpu.memory_space<hbm>>) dst(%dma_wait3A_243 : memref<128xf32, #tpu.memory_space<vmem>>)
    %dma_wait3A_248 = arith.constant 896 : i32
    %dma_wait3A_249 = tpu.memref_slice %arg10[%dma_wait3A_248] : memref<4096xf32, #tpu.memory_space<vmem>> -> memref<128xf32, #tpu.memory_space<vmem>>
    %dma_wait3A_250 = arith.constant 896 : i32
    %dma_wait3A_251 = tpu.memref_slice %arg9[%dma_wait3A_250] : memref<4096xi32, #tpu.memory_space<vmem>> -> memref<128xi32, #tpu.memory_space<vmem>>
    %dma_wait3A_252 = arith.constant 0 : i32
    %dma_wait3A_253 = tpu.memref_slice %arg2[%dma_wait3A_252] : memref<24903680xf32, #tpu.memory_space<hbm>> -> memref<24903680xf32, #tpu.memory_space<hbm>>
    tpu.wait_indirect_dma semaphore(%arg14 : memref<!tpu.dma_semaphore, #tpu.memory_space<semaphore_mem>>) src(%dma_wait3A_253 : memref<24903680xf32, #tpu.memory_space<hbm>>) dst(%dma_wait3A_249 : memref<128xf32, #tpu.memory_space<vmem>>)
    %dma_wait3A_254 = arith.constant 1024 : i32
    %dma_wait3A_255 = tpu.memref_slice %arg10[%dma_wait3A_254] : memref<4096xf32, #tpu.memory_space<vmem>> -> memref<128xf32, #tpu.memory_space<vmem>>
    %dma_wait3A_256 = arith.constant 1024 : i32
    %dma_wait3A_257 = tpu.memref_slice %arg9[%dma_wait3A_256] : memref<4096xi32, #tpu.memory_space<vmem>> -> memref<128xi32, #tpu.memory_space<vmem>>
    %dma_wait3A_258 = arith.constant 0 : i32
    %dma_wait3A_259 = tpu.memref_slice %arg2[%dma_wait3A_258] : memref<24903680xf32, #tpu.memory_space<hbm>> -> memref<24903680xf32, #tpu.memory_space<hbm>>
    tpu.wait_indirect_dma semaphore(%arg14 : memref<!tpu.dma_semaphore, #tpu.memory_space<semaphore_mem>>) src(%dma_wait3A_259 : memref<24903680xf32, #tpu.memory_space<hbm>>) dst(%dma_wait3A_255 : memref<128xf32, #tpu.memory_space<vmem>>)
    %dma_wait3A_260 = arith.constant 1152 : i32
    %dma_wait3A_261 = tpu.memref_slice %arg10[%dma_wait3A_260] : memref<4096xf32, #tpu.memory_space<vmem>> -> memref<128xf32, #tpu.memory_space<vmem>>
    %dma_wait3A_262 = arith.constant 1152 : i32
    %dma_wait3A_263 = tpu.memref_slice %arg9[%dma_wait3A_262] : memref<4096xi32, #tpu.memory_space<vmem>> -> memref<128xi32, #tpu.memory_space<vmem>>
    %dma_wait3A_264 = arith.constant 0 : i32
    %dma_wait3A_265 = tpu.memref_slice %arg2[%dma_wait3A_264] : memref<24903680xf32, #tpu.memory_space<hbm>> -> memref<24903680xf32, #tpu.memory_space<hbm>>
    tpu.wait_indirect_dma semaphore(%arg14 : memref<!tpu.dma_semaphore, #tpu.memory_space<semaphore_mem>>) src(%dma_wait3A_265 : memref<24903680xf32, #tpu.memory_space<hbm>>) dst(%dma_wait3A_261 : memref<128xf32, #tpu.memory_space<vmem>>)
    %dma_wait3A_266 = arith.constant 1280 : i32
    %dma_wait3A_267 = tpu.memref_slice %arg10[%dma_wait3A_266] : memref<4096xf32, #tpu.memory_space<vmem>> -> memref<128xf32, #tpu.memory_space<vmem>>
    %dma_wait3A_268 = arith.constant 1280 : i32
    %dma_wait3A_269 = tpu.memref_slice %arg9[%dma_wait3A_268] : memref<4096xi32, #tpu.memory_space<vmem>> -> memref<128xi32, #tpu.memory_space<vmem>>
    %dma_wait3A_270 = arith.constant 0 : i32
    %dma_wait3A_271 = tpu.memref_slice %arg2[%dma_wait3A_270] : memref<24903680xf32, #tpu.memory_space<hbm>> -> memref<24903680xf32, #tpu.memory_space<hbm>>
    tpu.wait_indirect_dma semaphore(%arg14 : memref<!tpu.dma_semaphore, #tpu.memory_space<semaphore_mem>>) src(%dma_wait3A_271 : memref<24903680xf32, #tpu.memory_space<hbm>>) dst(%dma_wait3A_267 : memref<128xf32, #tpu.memory_space<vmem>>)
    %dma_wait3A_272 = arith.constant 1408 : i32
    %dma_wait3A_273 = tpu.memref_slice %arg10[%dma_wait3A_272] : memref<4096xf32, #tpu.memory_space<vmem>> -> memref<128xf32, #tpu.memory_space<vmem>>
    %dma_wait3A_274 = arith.constant 1408 : i32
    %dma_wait3A_275 = tpu.memref_slice %arg9[%dma_wait3A_274] : memref<4096xi32, #tpu.memory_space<vmem>> -> memref<128xi32, #tpu.memory_space<vmem>>
    %dma_wait3A_276 = arith.constant 0 : i32
    %dma_wait3A_277 = tpu.memref_slice %arg2[%dma_wait3A_276] : memref<24903680xf32, #tpu.memory_space<hbm>> -> memref<24903680xf32, #tpu.memory_space<hbm>>
    tpu.wait_indirect_dma semaphore(%arg14 : memref<!tpu.dma_semaphore, #tpu.memory_space<semaphore_mem>>) src(%dma_wait3A_277 : memref<24903680xf32, #tpu.memory_space<hbm>>) dst(%dma_wait3A_273 : memref<128xf32, #tpu.memory_space<vmem>>)
    %dma_wait3A_278 = arith.constant 1536 : i32
    %dma_wait3A_279 = tpu.memref_slice %arg10[%dma_wait3A_278] : memref<4096xf32, #tpu.memory_space<vmem>> -> memref<128xf32, #tpu.memory_space<vmem>>
    %dma_wait3A_280 = arith.constant 1536 : i32
    %dma_wait3A_281 = tpu.memref_slice %arg9[%dma_wait3A_280] : memref<4096xi32, #tpu.memory_space<vmem>> -> memref<128xi32, #tpu.memory_space<vmem>>
    %dma_wait3A_282 = arith.constant 0 : i32
    %dma_wait3A_283 = tpu.memref_slice %arg2[%dma_wait3A_282] : memref<24903680xf32, #tpu.memory_space<hbm>> -> memref<24903680xf32, #tpu.memory_space<hbm>>
    tpu.wait_indirect_dma semaphore(%arg14 : memref<!tpu.dma_semaphore, #tpu.memory_space<semaphore_mem>>) src(%dma_wait3A_283 : memref<24903680xf32, #tpu.memory_space<hbm>>) dst(%dma_wait3A_279 : memref<128xf32, #tpu.memory_space<vmem>>)
    %dma_wait3A_284 = arith.constant 1664 : i32
    %dma_wait3A_285 = tpu.memref_slice %arg10[%dma_wait3A_284] : memref<4096xf32, #tpu.memory_space<vmem>> -> memref<128xf32, #tpu.memory_space<vmem>>
    %dma_wait3A_286 = arith.constant 1664 : i32
    %dma_wait3A_287 = tpu.memref_slice %arg9[%dma_wait3A_286] : memref<4096xi32, #tpu.memory_space<vmem>> -> memref<128xi32, #tpu.memory_space<vmem>>
    %dma_wait3A_288 = arith.constant 0 : i32
    %dma_wait3A_289 = tpu.memref_slice %arg2[%dma_wait3A_288] : memref<24903680xf32, #tpu.memory_space<hbm>> -> memref<24903680xf32, #tpu.memory_space<hbm>>
    tpu.wait_indirect_dma semaphore(%arg14 : memref<!tpu.dma_semaphore, #tpu.memory_space<semaphore_mem>>) src(%dma_wait3A_289 : memref<24903680xf32, #tpu.memory_space<hbm>>) dst(%dma_wait3A_285 : memref<128xf32, #tpu.memory_space<vmem>>)
    %dma_wait3A_290 = arith.constant 1792 : i32
    %dma_wait3A_291 = tpu.memref_slice %arg10[%dma_wait3A_290] : memref<4096xf32, #tpu.memory_space<vmem>> -> memref<128xf32, #tpu.memory_space<vmem>>
    %dma_wait3A_292 = arith.constant 1792 : i32
    %dma_wait3A_293 = tpu.memref_slice %arg9[%dma_wait3A_292] : memref<4096xi32, #tpu.memory_space<vmem>> -> memref<128xi32, #tpu.memory_space<vmem>>
    %dma_wait3A_294 = arith.constant 0 : i32
    %dma_wait3A_295 = tpu.memref_slice %arg2[%dma_wait3A_294] : memref<24903680xf32, #tpu.memory_space<hbm>> -> memref<24903680xf32, #tpu.memory_space<hbm>>
    tpu.wait_indirect_dma semaphore(%arg14 : memref<!tpu.dma_semaphore, #tpu.memory_space<semaphore_mem>>) src(%dma_wait3A_295 : memref<24903680xf32, #tpu.memory_space<hbm>>) dst(%dma_wait3A_291 : memref<128xf32, #tpu.memory_space<vmem>>)
    %dma_wait3A_296 = arith.constant 1920 : i32
    %dma_wait3A_297 = tpu.memref_slice %arg10[%dma_wait3A_296] : memref<4096xf32, #tpu.memory_space<vmem>> -> memref<128xf32, #tpu.memory_space<vmem>>
    %dma_wait3A_298 = arith.constant 1920 : i32
    %dma_wait3A_299 = tpu.memref_slice %arg9[%dma_wait3A_298] : memref<4096xi32, #tpu.memory_space<vmem>> -> memref<128xi32, #tpu.memory_space<vmem>>
    %dma_wait3A_300 = arith.constant 0 : i32
    %dma_wait3A_301 = tpu.memref_slice %arg2[%dma_wait3A_300] : memref<24903680xf32, #tpu.memory_space<hbm>> -> memref<24903680xf32, #tpu.memory_space<hbm>>
    tpu.wait_indirect_dma semaphore(%arg14 : memref<!tpu.dma_semaphore, #tpu.memory_space<semaphore_mem>>) src(%dma_wait3A_301 : memref<24903680xf32, #tpu.memory_space<hbm>>) dst(%dma_wait3A_297 : memref<128xf32, #tpu.memory_space<vmem>>)
    %dma_wait3A_302 = arith.constant 2048 : i32
    %dma_wait3A_303 = tpu.memref_slice %arg10[%dma_wait3A_302] : memref<4096xf32, #tpu.memory_space<vmem>> -> memref<128xf32, #tpu.memory_space<vmem>>
    %dma_wait3A_304 = arith.constant 2048 : i32
    %dma_wait3A_305 = tpu.memref_slice %arg9[%dma_wait3A_304] : memref<4096xi32, #tpu.memory_space<vmem>> -> memref<128xi32, #tpu.memory_space<vmem>>
    %dma_wait3A_306 = arith.constant 0 : i32
    %dma_wait3A_307 = tpu.memref_slice %arg2[%dma_wait3A_306] : memref<24903680xf32, #tpu.memory_space<hbm>> -> memref<24903680xf32, #tpu.memory_space<hbm>>
    tpu.wait_indirect_dma semaphore(%arg14 : memref<!tpu.dma_semaphore, #tpu.memory_space<semaphore_mem>>) src(%dma_wait3A_307 : memref<24903680xf32, #tpu.memory_space<hbm>>) dst(%dma_wait3A_303 : memref<128xf32, #tpu.memory_space<vmem>>)
    %dma_wait3A_308 = arith.constant 2176 : i32
    %dma_wait3A_309 = tpu.memref_slice %arg10[%dma_wait3A_308] : memref<4096xf32, #tpu.memory_space<vmem>> -> memref<128xf32, #tpu.memory_space<vmem>>
    %dma_wait3A_310 = arith.constant 2176 : i32
    %dma_wait3A_311 = tpu.memref_slice %arg9[%dma_wait3A_310] : memref<4096xi32, #tpu.memory_space<vmem>> -> memref<128xi32, #tpu.memory_space<vmem>>
    %dma_wait3A_312 = arith.constant 0 : i32
    %dma_wait3A_313 = tpu.memref_slice %arg2[%dma_wait3A_312] : memref<24903680xf32, #tpu.memory_space<hbm>> -> memref<24903680xf32, #tpu.memory_space<hbm>>
    tpu.wait_indirect_dma semaphore(%arg14 : memref<!tpu.dma_semaphore, #tpu.memory_space<semaphore_mem>>) src(%dma_wait3A_313 : memref<24903680xf32, #tpu.memory_space<hbm>>) dst(%dma_wait3A_309 : memref<128xf32, #tpu.memory_space<vmem>>)
    %dma_wait3A_314 = arith.constant 2304 : i32
    %dma_wait3A_315 = tpu.memref_slice %arg10[%dma_wait3A_314] : memref<4096xf32, #tpu.memory_space<vmem>> -> memref<128xf32, #tpu.memory_space<vmem>>
    %dma_wait3A_316 = arith.constant 2304 : i32
    %dma_wait3A_317 = tpu.memref_slice %arg9[%dma_wait3A_316] : memref<4096xi32, #tpu.memory_space<vmem>> -> memref<128xi32, #tpu.memory_space<vmem>>
    %dma_wait3A_318 = arith.constant 0 : i32
    %dma_wait3A_319 = tpu.memref_slice %arg2[%dma_wait3A_318] : memref<24903680xf32, #tpu.memory_space<hbm>> -> memref<24903680xf32, #tpu.memory_space<hbm>>
    tpu.wait_indirect_dma semaphore(%arg14 : memref<!tpu.dma_semaphore, #tpu.memory_space<semaphore_mem>>) src(%dma_wait3A_319 : memref<24903680xf32, #tpu.memory_space<hbm>>) dst(%dma_wait3A_315 : memref<128xf32, #tpu.memory_space<vmem>>)
    %dma_wait3A_320 = arith.constant 2432 : i32
    %dma_wait3A_321 = tpu.memref_slice %arg10[%dma_wait3A_320] : memref<4096xf32, #tpu.memory_space<vmem>> -> memref<128xf32, #tpu.memory_space<vmem>>
    %dma_wait3A_322 = arith.constant 2432 : i32
    %dma_wait3A_323 = tpu.memref_slice %arg9[%dma_wait3A_322] : memref<4096xi32, #tpu.memory_space<vmem>> -> memref<128xi32, #tpu.memory_space<vmem>>
    %dma_wait3A_324 = arith.constant 0 : i32
    %dma_wait3A_325 = tpu.memref_slice %arg2[%dma_wait3A_324] : memref<24903680xf32, #tpu.memory_space<hbm>> -> memref<24903680xf32, #tpu.memory_space<hbm>>
    tpu.wait_indirect_dma semaphore(%arg14 : memref<!tpu.dma_semaphore, #tpu.memory_space<semaphore_mem>>) src(%dma_wait3A_325 : memref<24903680xf32, #tpu.memory_space<hbm>>) dst(%dma_wait3A_321 : memref<128xf32, #tpu.memory_space<vmem>>)
    %dma_wait3A_326 = arith.constant 2560 : i32
    %dma_wait3A_327 = tpu.memref_slice %arg10[%dma_wait3A_326] : memref<4096xf32, #tpu.memory_space<vmem>> -> memref<128xf32, #tpu.memory_space<vmem>>
    %dma_wait3A_328 = arith.constant 2560 : i32
    %dma_wait3A_329 = tpu.memref_slice %arg9[%dma_wait3A_328] : memref<4096xi32, #tpu.memory_space<vmem>> -> memref<128xi32, #tpu.memory_space<vmem>>
    %dma_wait3A_330 = arith.constant 0 : i32
    %dma_wait3A_331 = tpu.memref_slice %arg2[%dma_wait3A_330] : memref<24903680xf32, #tpu.memory_space<hbm>> -> memref<24903680xf32, #tpu.memory_space<hbm>>
    tpu.wait_indirect_dma semaphore(%arg14 : memref<!tpu.dma_semaphore, #tpu.memory_space<semaphore_mem>>) src(%dma_wait3A_331 : memref<24903680xf32, #tpu.memory_space<hbm>>) dst(%dma_wait3A_327 : memref<128xf32, #tpu.memory_space<vmem>>)
    %dma_wait3A_332 = arith.constant 2688 : i32
    %dma_wait3A_333 = tpu.memref_slice %arg10[%dma_wait3A_332] : memref<4096xf32, #tpu.memory_space<vmem>> -> memref<128xf32, #tpu.memory_space<vmem>>
    %dma_wait3A_334 = arith.constant 2688 : i32
    %dma_wait3A_335 = tpu.memref_slice %arg9[%dma_wait3A_334] : memref<4096xi32, #tpu.memory_space<vmem>> -> memref<128xi32, #tpu.memory_space<vmem>>
    %dma_wait3A_336 = arith.constant 0 : i32
    %dma_wait3A_337 = tpu.memref_slice %arg2[%dma_wait3A_336] : memref<24903680xf32, #tpu.memory_space<hbm>> -> memref<24903680xf32, #tpu.memory_space<hbm>>
    tpu.wait_indirect_dma semaphore(%arg14 : memref<!tpu.dma_semaphore, #tpu.memory_space<semaphore_mem>>) src(%dma_wait3A_337 : memref<24903680xf32, #tpu.memory_space<hbm>>) dst(%dma_wait3A_333 : memref<128xf32, #tpu.memory_space<vmem>>)
    %dma_wait3A_338 = arith.constant 2816 : i32
    %dma_wait3A_339 = tpu.memref_slice %arg10[%dma_wait3A_338] : memref<4096xf32, #tpu.memory_space<vmem>> -> memref<128xf32, #tpu.memory_space<vmem>>
    %dma_wait3A_340 = arith.constant 2816 : i32
    %dma_wait3A_341 = tpu.memref_slice %arg9[%dma_wait3A_340] : memref<4096xi32, #tpu.memory_space<vmem>> -> memref<128xi32, #tpu.memory_space<vmem>>
    %dma_wait3A_342 = arith.constant 0 : i32
    %dma_wait3A_343 = tpu.memref_slice %arg2[%dma_wait3A_342] : memref<24903680xf32, #tpu.memory_space<hbm>> -> memref<24903680xf32, #tpu.memory_space<hbm>>
    tpu.wait_indirect_dma semaphore(%arg14 : memref<!tpu.dma_semaphore, #tpu.memory_space<semaphore_mem>>) src(%dma_wait3A_343 : memref<24903680xf32, #tpu.memory_space<hbm>>) dst(%dma_wait3A_339 : memref<128xf32, #tpu.memory_space<vmem>>)
    %dma_wait3A_344 = arith.constant 2944 : i32
    %dma_wait3A_345 = tpu.memref_slice %arg10[%dma_wait3A_344] : memref<4096xf32, #tpu.memory_space<vmem>> -> memref<128xf32, #tpu.memory_space<vmem>>
    %dma_wait3A_346 = arith.constant 2944 : i32
    %dma_wait3A_347 = tpu.memref_slice %arg9[%dma_wait3A_346] : memref<4096xi32, #tpu.memory_space<vmem>> -> memref<128xi32, #tpu.memory_space<vmem>>
    %dma_wait3A_348 = arith.constant 0 : i32
    %dma_wait3A_349 = tpu.memref_slice %arg2[%dma_wait3A_348] : memref<24903680xf32, #tpu.memory_space<hbm>> -> memref<24903680xf32, #tpu.memory_space<hbm>>
    tpu.wait_indirect_dma semaphore(%arg14 : memref<!tpu.dma_semaphore, #tpu.memory_space<semaphore_mem>>) src(%dma_wait3A_349 : memref<24903680xf32, #tpu.memory_space<hbm>>) dst(%dma_wait3A_345 : memref<128xf32, #tpu.memory_space<vmem>>)
    %dma_wait3A_350 = arith.constant 3072 : i32
    %dma_wait3A_351 = tpu.memref_slice %arg10[%dma_wait3A_350] : memref<4096xf32, #tpu.memory_space<vmem>> -> memref<128xf32, #tpu.memory_space<vmem>>
    %dma_wait3A_352 = arith.constant 3072 : i32
    %dma_wait3A_353 = tpu.memref_slice %arg9[%dma_wait3A_352] : memref<4096xi32, #tpu.memory_space<vmem>> -> memref<128xi32, #tpu.memory_space<vmem>>
    %dma_wait3A_354 = arith.constant 0 : i32
    %dma_wait3A_355 = tpu.memref_slice %arg2[%dma_wait3A_354] : memref<24903680xf32, #tpu.memory_space<hbm>> -> memref<24903680xf32, #tpu.memory_space<hbm>>
    tpu.wait_indirect_dma semaphore(%arg14 : memref<!tpu.dma_semaphore, #tpu.memory_space<semaphore_mem>>) src(%dma_wait3A_355 : memref<24903680xf32, #tpu.memory_space<hbm>>) dst(%dma_wait3A_351 : memref<128xf32, #tpu.memory_space<vmem>>)
    %dma_wait3A_356 = arith.constant 3200 : i32
    %dma_wait3A_357 = tpu.memref_slice %arg10[%dma_wait3A_356] : memref<4096xf32, #tpu.memory_space<vmem>> -> memref<128xf32, #tpu.memory_space<vmem>>
    %dma_wait3A_358 = arith.constant 3200 : i32
    %dma_wait3A_359 = tpu.memref_slice %arg9[%dma_wait3A_358] : memref<4096xi32, #tpu.memory_space<vmem>> -> memref<128xi32, #tpu.memory_space<vmem>>
    %dma_wait3A_360 = arith.constant 0 : i32
    %dma_wait3A_361 = tpu.memref_slice %arg2[%dma_wait3A_360] : memref<24903680xf32, #tpu.memory_space<hbm>> -> memref<24903680xf32, #tpu.memory_space<hbm>>
    tpu.wait_indirect_dma semaphore(%arg14 : memref<!tpu.dma_semaphore, #tpu.memory_space<semaphore_mem>>) src(%dma_wait3A_361 : memref<24903680xf32, #tpu.memory_space<hbm>>) dst(%dma_wait3A_357 : memref<128xf32, #tpu.memory_space<vmem>>)
    %dma_wait3A_362 = arith.constant 3328 : i32
    %dma_wait3A_363 = tpu.memref_slice %arg10[%dma_wait3A_362] : memref<4096xf32, #tpu.memory_space<vmem>> -> memref<128xf32, #tpu.memory_space<vmem>>
    %dma_wait3A_364 = arith.constant 3328 : i32
    %dma_wait3A_365 = tpu.memref_slice %arg9[%dma_wait3A_364] : memref<4096xi32, #tpu.memory_space<vmem>> -> memref<128xi32, #tpu.memory_space<vmem>>
    %dma_wait3A_366 = arith.constant 0 : i32
    %dma_wait3A_367 = tpu.memref_slice %arg2[%dma_wait3A_366] : memref<24903680xf32, #tpu.memory_space<hbm>> -> memref<24903680xf32, #tpu.memory_space<hbm>>
    tpu.wait_indirect_dma semaphore(%arg14 : memref<!tpu.dma_semaphore, #tpu.memory_space<semaphore_mem>>) src(%dma_wait3A_367 : memref<24903680xf32, #tpu.memory_space<hbm>>) dst(%dma_wait3A_363 : memref<128xf32, #tpu.memory_space<vmem>>)
    %dma_wait3A_368 = arith.constant 3456 : i32
    %dma_wait3A_369 = tpu.memref_slice %arg10[%dma_wait3A_368] : memref<4096xf32, #tpu.memory_space<vmem>> -> memref<128xf32, #tpu.memory_space<vmem>>
    %dma_wait3A_370 = arith.constant 3456 : i32
    %dma_wait3A_371 = tpu.memref_slice %arg9[%dma_wait3A_370] : memref<4096xi32, #tpu.memory_space<vmem>> -> memref<128xi32, #tpu.memory_space<vmem>>
    %dma_wait3A_372 = arith.constant 0 : i32
    %dma_wait3A_373 = tpu.memref_slice %arg2[%dma_wait3A_372] : memref<24903680xf32, #tpu.memory_space<hbm>> -> memref<24903680xf32, #tpu.memory_space<hbm>>
    tpu.wait_indirect_dma semaphore(%arg14 : memref<!tpu.dma_semaphore, #tpu.memory_space<semaphore_mem>>) src(%dma_wait3A_373 : memref<24903680xf32, #tpu.memory_space<hbm>>) dst(%dma_wait3A_369 : memref<128xf32, #tpu.memory_space<vmem>>)
    %dma_wait3A_374 = arith.constant 3584 : i32
    %dma_wait3A_375 = tpu.memref_slice %arg10[%dma_wait3A_374] : memref<4096xf32, #tpu.memory_space<vmem>> -> memref<128xf32, #tpu.memory_space<vmem>>
    %dma_wait3A_376 = arith.constant 3584 : i32
    %dma_wait3A_377 = tpu.memref_slice %arg9[%dma_wait3A_376] : memref<4096xi32, #tpu.memory_space<vmem>> -> memref<128xi32, #tpu.memory_space<vmem>>
    %dma_wait3A_378 = arith.constant 0 : i32
    %dma_wait3A_379 = tpu.memref_slice %arg2[%dma_wait3A_378] : memref<24903680xf32, #tpu.memory_space<hbm>> -> memref<24903680xf32, #tpu.memory_space<hbm>>
    tpu.wait_indirect_dma semaphore(%arg14 : memref<!tpu.dma_semaphore, #tpu.memory_space<semaphore_mem>>) src(%dma_wait3A_379 : memref<24903680xf32, #tpu.memory_space<hbm>>) dst(%dma_wait3A_375 : memref<128xf32, #tpu.memory_space<vmem>>)
    %dma_wait3A_380 = arith.constant 3712 : i32
    %dma_wait3A_381 = tpu.memref_slice %arg10[%dma_wait3A_380] : memref<4096xf32, #tpu.memory_space<vmem>> -> memref<128xf32, #tpu.memory_space<vmem>>
    %dma_wait3A_382 = arith.constant 3712 : i32
    %dma_wait3A_383 = tpu.memref_slice %arg9[%dma_wait3A_382] : memref<4096xi32, #tpu.memory_space<vmem>> -> memref<128xi32, #tpu.memory_space<vmem>>
    %dma_wait3A_384 = arith.constant 0 : i32
    %dma_wait3A_385 = tpu.memref_slice %arg2[%dma_wait3A_384] : memref<24903680xf32, #tpu.memory_space<hbm>> -> memref<24903680xf32, #tpu.memory_space<hbm>>
    tpu.wait_indirect_dma semaphore(%arg14 : memref<!tpu.dma_semaphore, #tpu.memory_space<semaphore_mem>>) src(%dma_wait3A_385 : memref<24903680xf32, #tpu.memory_space<hbm>>) dst(%dma_wait3A_381 : memref<128xf32, #tpu.memory_space<vmem>>)
    %dma_wait3A_386 = arith.constant 3840 : i32
    %dma_wait3A_387 = tpu.memref_slice %arg10[%dma_wait3A_386] : memref<4096xf32, #tpu.memory_space<vmem>> -> memref<128xf32, #tpu.memory_space<vmem>>
    %dma_wait3A_388 = arith.constant 3840 : i32
    %dma_wait3A_389 = tpu.memref_slice %arg9[%dma_wait3A_388] : memref<4096xi32, #tpu.memory_space<vmem>> -> memref<128xi32, #tpu.memory_space<vmem>>
    %dma_wait3A_390 = arith.constant 0 : i32
    %dma_wait3A_391 = tpu.memref_slice %arg2[%dma_wait3A_390] : memref<24903680xf32, #tpu.memory_space<hbm>> -> memref<24903680xf32, #tpu.memory_space<hbm>>
    tpu.wait_indirect_dma semaphore(%arg14 : memref<!tpu.dma_semaphore, #tpu.memory_space<semaphore_mem>>) src(%dma_wait3A_391 : memref<24903680xf32, #tpu.memory_space<hbm>>) dst(%dma_wait3A_387 : memref<128xf32, #tpu.memory_space<vmem>>)
    %dma_wait3A_392 = arith.constant 3968 : i32
    %dma_wait3A_393 = tpu.memref_slice %arg10[%dma_wait3A_392] : memref<4096xf32, #tpu.memory_space<vmem>> -> memref<128xf32, #tpu.memory_space<vmem>>
    %dma_wait3A_394 = arith.constant 3968 : i32
    %dma_wait3A_395 = tpu.memref_slice %arg9[%dma_wait3A_394] : memref<4096xi32, #tpu.memory_space<vmem>> -> memref<128xi32, #tpu.memory_space<vmem>>
    %dma_wait3A_396 = arith.constant 0 : i32
    %dma_wait3A_397 = tpu.memref_slice %arg2[%dma_wait3A_396] : memref<24903680xf32, #tpu.memory_space<hbm>> -> memref<24903680xf32, #tpu.memory_space<hbm>>
    tpu.wait_indirect_dma semaphore(%arg14 : memref<!tpu.dma_semaphore, #tpu.memory_space<semaphore_mem>>) src(%dma_wait3A_397 : memref<24903680xf32, #tpu.memory_space<hbm>>) dst(%dma_wait3A_393 : memref<128xf32, #tpu.memory_space<vmem>>)
    "tpu.region"() ({
      %run_scoped3A = tpu.sem_alloc : memref<!tpu.dma_semaphore, #tpu.memory_space<semaphore_mem>>
      %dma_start3A_400 = tpu.memref_slice %arg4[%mul3A_2] : memref<131072xf32, #tpu.memory_space<hbm>> -> memref<4096xf32, #tpu.memory_space<hbm>>
      %dma_start3A_401 = tpu.memref_slice %arg4[%mul3A_2] : memref<131072xf32, #tpu.memory_space<hbm>> -> memref<4096xf32, #tpu.memory_space<hbm>>
      tpu.enqueue_dma source(%arg10 : memref<4096xf32, #tpu.memory_space<vmem>>) target(%dma_start3A_401 : memref<4096xf32, #tpu.memory_space<hbm>>) target_semaphore(%run_scoped3A : memref<!tpu.dma_semaphore, #tpu.memory_space<semaphore_mem>>)
      %dma_wait3A_402 = tpu.memref_slice %arg4[%mul3A_2] : memref<131072xf32, #tpu.memory_space<hbm>> -> memref<4096xf32, #tpu.memory_space<hbm>>
      %dma_wait3A_403 = tpu.memref_slice %arg4[%mul3A_2] : memref<131072xf32, #tpu.memory_space<hbm>> -> memref<4096xf32, #tpu.memory_space<hbm>>
      tpu.wait_dma2 semaphore(%run_scoped3A : memref<!tpu.dma_semaphore, #tpu.memory_space<semaphore_mem>>) src(%arg10 : memref<4096xf32, #tpu.memory_space<vmem>>) dst(%dma_wait3A_403 : memref<4096xf32, #tpu.memory_space<hbm>>)
      tpu.yield
    }) : () -> ()
    "tpu.region"() ({
      %run_scoped3A = tpu.sem_alloc : memref<!tpu.dma_semaphore, #tpu.memory_space<semaphore_mem>>
      %dma_start3A_400 = tpu.memref_slice %arg5[%mul3A_2] : memref<131072xi32, #tpu.memory_space<hbm>> -> memref<4096xi32, #tpu.memory_space<hbm>>
      %dma_start3A_401 = tpu.memref_slice %arg5[%mul3A_2] : memref<131072xi32, #tpu.memory_space<hbm>> -> memref<4096xi32, #tpu.memory_space<hbm>>
      tpu.enqueue_dma source(%arg11 : memref<4096xi32, #tpu.memory_space<vmem>>) target(%dma_start3A_401 : memref<4096xi32, #tpu.memory_space<hbm>>) target_semaphore(%run_scoped3A : memref<!tpu.dma_semaphore, #tpu.memory_space<semaphore_mem>>)
      %dma_wait3A_402 = tpu.memref_slice %arg5[%mul3A_2] : memref<131072xi32, #tpu.memory_space<hbm>> -> memref<4096xi32, #tpu.memory_space<hbm>>
      %dma_wait3A_403 = tpu.memref_slice %arg5[%mul3A_2] : memref<131072xi32, #tpu.memory_space<hbm>> -> memref<4096xi32, #tpu.memory_space<hbm>>
      tpu.wait_dma2 semaphore(%run_scoped3A : memref<!tpu.dma_semaphore, #tpu.memory_space<semaphore_mem>>) src(%arg11 : memref<4096xi32, #tpu.memory_space<vmem>>) dst(%dma_wait3A_403 : memref<4096xi32, #tpu.memory_space<hbm>>)
      tpu.yield
    }) : () -> ()
    "tpu.region"() ({
      %run_scoped3A = tpu.sem_alloc : memref<!tpu.dma_semaphore, #tpu.memory_space<semaphore_mem>>
      %dma_start3A_400 = tpu.memref_slice %arg6[%mul3A_2] : memref<131072xi32, #tpu.memory_space<hbm>> -> memref<4096xi32, #tpu.memory_space<hbm>>
      %dma_start3A_401 = tpu.memref_slice %arg6[%mul3A_2] : memref<131072xi32, #tpu.memory_space<hbm>> -> memref<4096xi32, #tpu.memory_space<hbm>>
      tpu.enqueue_dma source(%arg12 : memref<4096xi32, #tpu.memory_space<vmem>>) target(%dma_start3A_401 : memref<4096xi32, #tpu.memory_space<hbm>>) target_semaphore(%run_scoped3A : memref<!tpu.dma_semaphore, #tpu.memory_space<semaphore_mem>>)
      %dma_wait3A_402 = tpu.memref_slice %arg6[%mul3A_2] : memref<131072xi32, #tpu.memory_space<hbm>> -> memref<4096xi32, #tpu.memory_space<hbm>>
      %dma_wait3A_403 = tpu.memref_slice %arg6[%mul3A_2] : memref<131072xi32, #tpu.memory_space<hbm>> -> memref<4096xi32, #tpu.memory_space<hbm>>
      tpu.wait_dma2 semaphore(%run_scoped3A : memref<!tpu.dma_semaphore, #tpu.memory_space<semaphore_mem>>) src(%arg12 : memref<4096xi32, #tpu.memory_space<vmem>>) dst(%dma_wait3A_403 : memref<4096xi32, #tpu.memory_space<hbm>>)
      tpu.yield
    }) : () -> ()
    %mul3A_398 = arith.constant 32 : i32
    %mul3A_399 = arith.muli %add3A, %mul3A_398 : i32
    "tpu.region"() ({
      %run_scoped3A = tpu.sem_alloc : memref<!tpu.dma_semaphore, #tpu.memory_space<semaphore_mem>>
      %dma_start3A_400 = tpu.memref_slice %arg7[%mul3A_399] : memref<1024xi32, #tpu.memory_space<hbm>> -> memref<32xi32, #tpu.memory_space<hbm>>
      %dma_start3A_401 = tpu.memref_slice %arg7[%mul3A_399] : memref<1024xi32, #tpu.memory_space<hbm>> -> memref<32xi32, #tpu.memory_space<hbm>>
      tpu.enqueue_dma source(%arg13 : memref<32xi32, #tpu.memory_space<vmem>>) target(%dma_start3A_401 : memref<32xi32, #tpu.memory_space<hbm>>) target_semaphore(%run_scoped3A : memref<!tpu.dma_semaphore, #tpu.memory_space<semaphore_mem>>)
      %dma_wait3A_402 = tpu.memref_slice %arg7[%mul3A_399] : memref<1024xi32, #tpu.memory_space<hbm>> -> memref<32xi32, #tpu.memory_space<hbm>>
      %dma_wait3A_403 = tpu.memref_slice %arg7[%mul3A_399] : memref<1024xi32, #tpu.memory_space<hbm>> -> memref<32xi32, #tpu.memory_space<hbm>>
      tpu.wait_dma2 semaphore(%run_scoped3A : memref<!tpu.dma_semaphore, #tpu.memory_space<semaphore_mem>>) src(%arg13 : memref<32xi32, #tpu.memory_space<vmem>>) dst(%dma_wait3A_403 : memref<32xi32, #tpu.memory_space<hbm>>)
      tpu.yield
    }) : () -> ()
    return
  }
}

#map = affine_map<(d0, d1) -> (0)>
module attributes {stable_mosaic.version = 14 : i64} {
  func.func @_resolve(%arg0: i32, %arg1: i32, %arg2: memref<131072xf32, #tpu.memory_space<hbm>>, %arg3: memref<131072xi32, #tpu.memory_space<hbm>>, %arg4: memref<131072xi32, #tpu.memory_space<hbm>>, %arg5: memref<131072xi32, #tpu.memory_space<hbm>>, %arg6: memref<1024xi32, #tpu.memory_space<hbm>>, %arg7: memref<131072xf32, #tpu.memory_space<hbm>>, %arg8: memref<131072xf32, #tpu.memory_space<hbm>>, %arg9: memref<4096xi32, #tpu.memory_space<vmem>>, %arg10: memref<4096xi32, #tpu.memory_space<vmem>>, %arg11: memref<4096xi32, #tpu.memory_space<vmem>>, %arg12: memref<1024xi32, #tpu.memory_space<vmem>>, %arg13: memref<32xi32, #tpu.memory_space<vmem>>, %arg14: memref<4096xi32, #tpu.memory_space<vmem>>, %arg15: memref<4096xi32, #tpu.memory_space<vmem>>, %arg16: memref<4096xf32, #tpu.memory_space<vmem>>, %arg17: memref<4096xf32, #tpu.memory_space<vmem>>, %arg18: memref<4096xf32, #tpu.memory_space<vmem>>, %arg19: memref<!tpu.dma_semaphore, #tpu.memory_space<semaphore_mem>>) attributes {dimension_semantics = [#tpu.dimension_semantics<core_parallel>, #tpu.dimension_semantics<subcore_parallel>], iteration_bounds = array<i64: 2, 16>, scalar_prefetch = 0 : i64, scratch_operands = 11 : i64, tpu.core_type = #tpu.core_type<sc_vector_subcore>, window_params = [{transform_indices = #map}, {transform_indices = #map}, {transform_indices = #map}, {transform_indices = #map}, {transform_indices = #map}, {transform_indices = #map}, {transform_indices = #map}]} {
    %mul3A = arith.constant 2 : i32
    %mul3A_0 = arith.muli %arg1, %mul3A : i32
    %add3A = arith.addi %mul3A_0, %arg0 : i32
    %mul3A_1 = arith.constant 4096 : i32
    %mul3A_2 = arith.muli %add3A, %mul3A_1 : i32
    "tpu.region"() ({
      %run_scoped3A = tpu.sem_alloc : memref<!tpu.dma_semaphore, #tpu.memory_space<semaphore_mem>>
      %dma_start3A_736 = tpu.memref_slice %arg3[%mul3A_2] : memref<131072xi32, #tpu.memory_space<hbm>> -> memref<4096xi32, #tpu.memory_space<hbm>>
      %dma_start3A_737 = tpu.memref_slice %arg3[%mul3A_2] : memref<131072xi32, #tpu.memory_space<hbm>> -> memref<4096xi32, #tpu.memory_space<hbm>>
      tpu.enqueue_dma source(%dma_start3A_737 : memref<4096xi32, #tpu.memory_space<hbm>>) target(%arg9 : memref<4096xi32, #tpu.memory_space<vmem>>) target_semaphore(%run_scoped3A : memref<!tpu.dma_semaphore, #tpu.memory_space<semaphore_mem>>)
      %dma_wait3A_738 = tpu.memref_slice %arg3[%mul3A_2] : memref<131072xi32, #tpu.memory_space<hbm>> -> memref<4096xi32, #tpu.memory_space<hbm>>
      %dma_wait3A_739 = tpu.memref_slice %arg3[%mul3A_2] : memref<131072xi32, #tpu.memory_space<hbm>> -> memref<4096xi32, #tpu.memory_space<hbm>>
      tpu.wait_dma2 semaphore(%run_scoped3A : memref<!tpu.dma_semaphore, #tpu.memory_space<semaphore_mem>>) src(%dma_wait3A_739 : memref<4096xi32, #tpu.memory_space<hbm>>) dst(%arg9 : memref<4096xi32, #tpu.memory_space<vmem>>)
      tpu.yield
    }) : () -> ()
    "tpu.region"() ({
      %run_scoped3A = tpu.sem_alloc : memref<!tpu.dma_semaphore, #tpu.memory_space<semaphore_mem>>
      %dma_start3A_736 = tpu.memref_slice %arg4[%mul3A_2] : memref<131072xi32, #tpu.memory_space<hbm>> -> memref<4096xi32, #tpu.memory_space<hbm>>
      %dma_start3A_737 = tpu.memref_slice %arg4[%mul3A_2] : memref<131072xi32, #tpu.memory_space<hbm>> -> memref<4096xi32, #tpu.memory_space<hbm>>
      tpu.enqueue_dma source(%dma_start3A_737 : memref<4096xi32, #tpu.memory_space<hbm>>) target(%arg10 : memref<4096xi32, #tpu.memory_space<vmem>>) target_semaphore(%run_scoped3A : memref<!tpu.dma_semaphore, #tpu.memory_space<semaphore_mem>>)
      %dma_wait3A_738 = tpu.memref_slice %arg4[%mul3A_2] : memref<131072xi32, #tpu.memory_space<hbm>> -> memref<4096xi32, #tpu.memory_space<hbm>>
      %dma_wait3A_739 = tpu.memref_slice %arg4[%mul3A_2] : memref<131072xi32, #tpu.memory_space<hbm>> -> memref<4096xi32, #tpu.memory_space<hbm>>
      tpu.wait_dma2 semaphore(%run_scoped3A : memref<!tpu.dma_semaphore, #tpu.memory_space<semaphore_mem>>) src(%dma_wait3A_739 : memref<4096xi32, #tpu.memory_space<hbm>>) dst(%arg10 : memref<4096xi32, #tpu.memory_space<vmem>>)
      tpu.yield
    }) : () -> ()
    "tpu.region"() ({
      %run_scoped3A = tpu.sem_alloc : memref<!tpu.dma_semaphore, #tpu.memory_space<semaphore_mem>>
      %dma_start3A_736 = tpu.memref_slice %arg5[%mul3A_2] : memref<131072xi32, #tpu.memory_space<hbm>> -> memref<4096xi32, #tpu.memory_space<hbm>>
      %dma_start3A_737 = tpu.memref_slice %arg5[%mul3A_2] : memref<131072xi32, #tpu.memory_space<hbm>> -> memref<4096xi32, #tpu.memory_space<hbm>>
      tpu.enqueue_dma source(%dma_start3A_737 : memref<4096xi32, #tpu.memory_space<hbm>>) target(%arg11 : memref<4096xi32, #tpu.memory_space<vmem>>) target_semaphore(%run_scoped3A : memref<!tpu.dma_semaphore, #tpu.memory_space<semaphore_mem>>)
      %dma_wait3A_738 = tpu.memref_slice %arg5[%mul3A_2] : memref<131072xi32, #tpu.memory_space<hbm>> -> memref<4096xi32, #tpu.memory_space<hbm>>
      %dma_wait3A_739 = tpu.memref_slice %arg5[%mul3A_2] : memref<131072xi32, #tpu.memory_space<hbm>> -> memref<4096xi32, #tpu.memory_space<hbm>>
      tpu.wait_dma2 semaphore(%run_scoped3A : memref<!tpu.dma_semaphore, #tpu.memory_space<semaphore_mem>>) src(%dma_wait3A_739 : memref<4096xi32, #tpu.memory_space<hbm>>) dst(%arg11 : memref<4096xi32, #tpu.memory_space<vmem>>)
      tpu.yield
    }) : () -> ()
    "tpu.region"() ({
      %run_scoped3A = tpu.sem_alloc : memref<!tpu.dma_semaphore, #tpu.memory_space<semaphore_mem>>
      tpu.enqueue_dma source(%arg6 : memref<1024xi32, #tpu.memory_space<hbm>>) target(%arg12 : memref<1024xi32, #tpu.memory_space<vmem>>) target_semaphore(%run_scoped3A : memref<!tpu.dma_semaphore, #tpu.memory_space<semaphore_mem>>)
      tpu.wait_dma2 semaphore(%run_scoped3A : memref<!tpu.dma_semaphore, #tpu.memory_space<semaphore_mem>>) src(%arg6 : memref<1024xi32, #tpu.memory_space<hbm>>) dst(%arg12 : memref<1024xi32, #tpu.memory_space<vmem>>)
      tpu.yield
    }) : () -> ()
    %broadcast_in_dim3A = arith.constant 0 : i32
    %broadcast_in_dim3A_3 = vector.broadcast %broadcast_in_dim3A : i32 to vector<16xi32>
    %scan3A = arith.constant 0 : i32
    %scan3A_4 = arith.constant 32 : i32
    %scan3A_5 = arith.addi %scan3A, %scan3A_4 : i32
    %scan3A_6 = arith.constant 1 : i32
    %scan3A_7:2 = scf.for %scan3A_736 = %scan3A to %scan3A_5 step %scan3A_6 iter_args(%scan3A_737 = %broadcast_in_dim3A_3, %scan3A_738 = %broadcast_in_dim3A_3) -> (vector<16xi32>, vector<16xi32>)  : i32 {
      %lt3A = arith.cmpi slt, %scan3A_736, %add3A : i32
      %mul3A_739 = arith.constant 32 : i32
      %mul3A_740 = arith.muli %scan3A_736, %mul3A_739 : i32
      %get3A = arith.index_cast %mul3A_740 : i32 to index
      %get3A_741 = tpu.vector_load %arg12[%get3A] {strides = array<i32>} : memref<1024xi32, #tpu.memory_space<vmem>>, vector<16xi32>,
      %mul3A_742 = arith.constant 32 : i32
      %mul3A_743 = arith.muli %scan3A_736, %mul3A_742 : i32
      %add3A_744 = arith.constant 16 : i32
      %add3A_745 = arith.addi %mul3A_743, %add3A_744 : i32
      %get3A_746 = arith.index_cast %add3A_745 : i32 to index
      %get3A_747 = tpu.vector_load %arg12[%get3A_746] {strides = array<i32>} : memref<1024xi32, #tpu.memory_space<vmem>>, vector<16xi32>,
      %select_n3A = arith.select %lt3A, %get3A_741, %broadcast_in_dim3A_3 : vector<16xi32>
      %add3A_748 = arith.addi %scan3A_737, %select_n3A : vector<16xi32>
      %select_n3A_749 = arith.select %lt3A, %get3A_747, %broadcast_in_dim3A_3 : vector<16xi32>
      %add3A_750 = arith.addi %scan3A_738, %select_n3A_749 : vector<16xi32>
      scf.yield %add3A_748, %add3A_750 : vector<16xi32>, vector<16xi32>
    }
    %scan3A_8 = arith.constant 32 : i32
    %swap3A = arith.constant 0 : index
    %swap3A_9 = tpu.vector_load %arg13[%swap3A] {strides = array<i32>} : memref<32xi32, #tpu.memory_space<vmem>>, vector<16xi32>,
    tpu.vector_store %arg13[%swap3A], %scan3A_7#0 {strides = array<i32>} : memref<32xi32, #tpu.memory_space<vmem>>, vector<16xi32>,
    %swap3A_10 = arith.constant 16 : index
    %swap3A_11 = tpu.vector_load %arg13[%swap3A_10] {strides = array<i32>} : memref<32xi32, #tpu.memory_space<vmem>>, vector<16xi32>,
    tpu.vector_store %arg13[%swap3A_10], %scan3A_7#1 {strides = array<i32>} : memref<32xi32, #tpu.memory_space<vmem>>, vector<16xi32>,
    %iota3A = tpu.iota {dimensions = array<i32: 0>} : vector<16xi32>
    %broadcast_in_dim3A_12 = arith.constant 17 : i32
    %broadcast_in_dim3A_13 = vector.broadcast %broadcast_in_dim3A_12 : i32 to vector<16xi32>
    %gather3A = tpu.vector_load_idx %arg13[%broadcast_in_dim3A_13] : memref<32xi32, #tpu.memory_space<vmem>>[vector<16xi32>], vector<16xi32>,
    %broadcast_in_dim3A_14 = arith.constant 18 : i32
    %broadcast_in_dim3A_15 = vector.broadcast %broadcast_in_dim3A_14 : i32 to vector<16xi32>
    %gather3A_16 = tpu.vector_load_idx %arg13[%broadcast_in_dim3A_15] : memref<32xi32, #tpu.memory_space<vmem>>[vector<16xi32>], vector<16xi32>,
    %scan3A_17 = arith.constant 0 : i32
    %scan3A_18 = arith.constant 0 : i32
    %scan3A_19 = arith.constant 256 : i32
    %scan3A_20 = arith.addi %scan3A_18, %scan3A_19 : i32
    %scan3A_21 = arith.constant 1 : i32
    scf.for %scan3A_736 = %scan3A_18 to %scan3A_20 step %scan3A_21  : i32 {
      %mul3A_737 = arith.constant 16 : i32
      %mul3A_738 = arith.muli %scan3A_736, %mul3A_737 : i32
      %add3A_739 = vector.broadcast %mul3A_738 : i32 to vector<16xi32>
      %add3A_740 = arith.addi %add3A_739, %iota3A : vector<16xi32>
      %swap3A_741 = arith.index_cast %mul3A_738 : i32 to index
      %swap3A_742 = tpu.vector_load %arg14[%swap3A_741] {strides = array<i32>} : memref<4096xi32, #tpu.memory_space<vmem>>, vector<16xi32>,
      tpu.vector_store %arg14[%swap3A_741], %add3A_740 {strides = array<i32>} : memref<4096xi32, #tpu.memory_space<vmem>>, vector<16xi32>,
    }
    %scan3A_22 = arith.constant 256 : i32
    %scan3A_23 = arith.constant 0 : i32
    %scan3A_24 = arith.constant 0 : i32
    %scan3A_25 = arith.constant 256 : i32
    %scan3A_26 = arith.addi %scan3A_24, %scan3A_25 : i32
    %scan3A_27 = arith.constant 1 : i32
    %scan3A_28 = scf.for %scan3A_736 = %scan3A_24 to %scan3A_26 step %scan3A_27 iter_args(%scan3A_737 = %scan3A_23) -> (i32)  : i32 {
      %mul3A_738 = arith.constant 16 : i32
      %mul3A_739 = arith.muli %scan3A_736, %mul3A_738 : i32
      %get3A = arith.index_cast %mul3A_739 : i32 to index
      %get3A_740 = tpu.vector_load %arg9[%get3A] {strides = array<i32>} : memref<4096xi32, #tpu.memory_space<vmem>>, vector<16xi32>,
      %jit3A = arith.constant 10 : i32
      %eq3A = arith.constant 0 : i32
      %eq3A_741 = arith.cmpi eq, %jit3A, %eq3A : i32
      %jit3A_742 = arith.constant 1 : i32
      %select_n3A = arith.select %eq3A_741, %jit3A_742, %jit3A : i32
      %rem3A = vector.broadcast %select_n3A : i32 to vector<16xi32>
      %rem3A_743 = arith.remsi %get3A_740, %rem3A : vector<16xi32>
      %ne3A = arith.constant 0 : i32
      %ne3A_744 = vector.broadcast %ne3A : i32 to vector<16xi32>
      %ne3A_745 = arith.cmpi ne, %rem3A_743, %ne3A_744 : vector<16xi32>
      %lt3A = arith.constant 0 : i32
      %lt3A_746 = vector.broadcast %lt3A : i32 to vector<16xi32>
      %lt3A_747 = arith.cmpi slt, %rem3A_743, %lt3A_746 : vector<16xi32>
      %lt3A_748 = arith.constant 0 : i32
      %lt3A_749 = arith.cmpi slt, %select_n3A, %lt3A_748 : i32
      %ne3A_750 = vector.broadcast %lt3A_749 : i1 to vector<16xi1>
      %ne3A_751 = vector.broadcast %ne3A_750 : vector<16xi1> to vector<16xi1>
      %ne3A_752 = arith.xori %lt3A_747, %ne3A_751 : vector<16xi1>
      %and3A = arith.andi %ne3A_752, %ne3A_745 : vector<16xi1>
      %add3A_753 = vector.broadcast %select_n3A : i32 to vector<16xi32>
      %add3A_754 = arith.addi %rem3A_743, %add3A_753 : vector<16xi32>
      %select_n3A_755 = arith.select %and3A, %add3A_754, %rem3A_743 : vector<16xi1>, vector<16xi32>
      %eq3A_756 = arith.constant 9 : i32
      %eq3A_757 = vector.broadcast %eq3A_756 : i32 to vector<16xi32>
      %eq3A_758 = arith.cmpi eq, %select_n3A_755, %eq3A_757 : vector<16xi32>
      %jit3A_759 = arith.constant 10 : i32
      %div3A = vector.broadcast %jit3A_759 : i32 to vector<16xi32>
      %div3A_760 = arith.divsi %get3A_740, %div3A : vector<16xi32>
      %sign3A = arith.constant 0 : i32
      %sign3A_761 = vector.broadcast %sign3A : i32 to vector<16xi32>
      %sign3A_762 = arith.cmpi sgt, %get3A_740, %sign3A_761 : vector<16xi32>
      %sign3A_763 = arith.extui %sign3A_762 : vector<16xi1> to vector<16xi32>
      %sign3A_764 = arith.constant 0 : i32
      %sign3A_765 = vector.broadcast %sign3A_764 : i32 to vector<16xi32>
      %sign3A_766 = arith.cmpi slt, %get3A_740, %sign3A_765 : vector<16xi32>
      %sign3A_767 = arith.extui %sign3A_766 : vector<16xi1> to vector<16xi32>
      %sign3A_768 = arith.subi %sign3A_763, %sign3A_767 : vector<16xi32>
      %sign3A_769 = arith.constant 0 : i32
      %sign3A_770 = arith.cmpi sgt, %jit3A_759, %sign3A_769 : i32
      %sign3A_771 = arith.extui %sign3A_770 : i1 to i32
      %sign3A_772 = arith.constant 0 : i32
      %sign3A_773 = arith.cmpi slt, %jit3A_759, %sign3A_772 : i32
      %sign3A_774 = arith.extui %sign3A_773 : i1 to i32
      %sign3A_775 = arith.subi %sign3A_771, %sign3A_774 : i32
      %ne3A_776 = vector.broadcast %sign3A_775 : i32 to vector<16xi32>
      %ne3A_777 = arith.cmpi ne, %sign3A_768, %ne3A_776 : vector<16xi32>
      %rem3A_778 = vector.broadcast %jit3A_759 : i32 to vector<16xi32>
      %rem3A_779 = arith.remsi %get3A_740, %rem3A_778 : vector<16xi32>
      %ne3A_780 = arith.constant 0 : i32
      %ne3A_781 = vector.broadcast %ne3A_780 : i32 to vector<16xi32>
      %ne3A_782 = arith.cmpi ne, %rem3A_779, %ne3A_781 : vector<16xi32>
      %and3A_783 = arith.andi %ne3A_777, %ne3A_782 : vector<16xi1>
      %sub3A = arith.constant 1 : i32
      %sub3A_784 = vector.broadcast %sub3A : i32 to vector<16xi32>
      %sub3A_785 = arith.subi %div3A_760, %sub3A_784 : vector<16xi32>
      %select_n3A_786 = arith.select %and3A_783, %sub3A_785, %div3A_760 : vector<16xi1>, vector<16xi32>
      %gather3A_787 = tpu.vector_load_idx %arg13[%select_n3A_786] masked %eq3A_758 : memref<32xi32, #tpu.memory_space<vmem>>[vector<16xi32>], vector<16xi32>, vector<16xi1>
      %get3A_788 = arith.index_cast %mul3A_739 : i32 to index
      %get3A_789 = tpu.vector_load %arg10[%get3A_788] {strides = array<i32>} : memref<4096xi32, #tpu.memory_space<vmem>>, vector<16xi32>,
      %add3A_790 = arith.addi %gather3A_787, %get3A_789 : vector<16xi32>
      %swap3A_791 = arith.index_cast %scan3A_737 : i32 to index
      %swap3A_792 = tpu.vector_load %arg14[%swap3A_791] masked %eq3A_758 {strides = array<i32>} : memref<4096xi32, #tpu.memory_space<vmem>>, vector<16xi32>, vector<16xi1>
      tpu.vector_store %arg14[%swap3A_791], %add3A_790 masked %eq3A_758 {strides = array<i32>} : memref<4096xi32, #tpu.memory_space<vmem>>, vector<16xi32>, vector<16xi1>
      %add3A_793 = arith.addi %mul3A_2, %mul3A_739 : i32
      %add3A_794 = vector.broadcast %add3A_793 : i32 to vector<16xi32>
      %add3A_795 = arith.addi %add3A_794, %iota3A : vector<16xi32>
      %eq3A_796 = arith.constant 189 : i32
      %eq3A_797 = vector.broadcast %eq3A_796 : i32 to vector<16xi32>
      %eq3A_798 = arith.cmpi eq, %get3A_740, %eq3A_797 : vector<16xi32>
      %select_n3A_799 = arith.select %eq3A_798, %gather3A, %gather3A_16 : vector<16xi1>, vector<16xi32>
      %sub3A_800 = arith.subi %add3A_795, %select_n3A_799 : vector<16xi32>
      %get3A_801 = arith.index_cast %mul3A_739 : i32 to index
      %get3A_802 = tpu.vector_load %arg11[%get3A_801] {strides = array<i32>} : memref<4096xi32, #tpu.memory_space<vmem>>, vector<16xi32>,
      %sub3A_803 = arith.subi %sub3A_800, %get3A_802 : vector<16xi32>
      %swap3A_804 = arith.index_cast %mul3A_739 : i32 to index
      %swap3A_805 = tpu.vector_load %arg15[%swap3A_804] {strides = array<i32>} : memref<4096xi32, #tpu.memory_space<vmem>>, vector<16xi32>,
      tpu.vector_store %arg15[%swap3A_804], %sub3A_803 {strides = array<i32>} : memref<4096xi32, #tpu.memory_space<vmem>>, vector<16xi32>,
      %convert_element_type3A_806 = arith.extui %eq3A_758 : vector<16xi1> to vector<16xi32>
      %reduce_sum3A = arith.constant true
      %reduce_sum3A_807 = vector.broadcast %reduce_sum3A : i1 to vector<16xi1>
      %reduce_sum3A_808 = tpu.scan <sum>, %convert_element_type3A_806 masked %reduce_sum3A_807 : vector<16xi32>, vector<16xi1> -> vector<16xi32>
      %reduce_sum3A_809 = vector.extract %reduce_sum3A_808[15] : i32 from vector<16xi32>
      %add3A_810 = arith.addi %scan3A_737, %reduce_sum3A_809 : i32
      scf.yield %add3A_810 : i32
    }
    %scan3A_29 = arith.constant 256 : i32
    %dma_start3A = arith.constant 0 : i32
    %dma_start3A_30 = tpu.memref_slice %arg17[%dma_start3A] : memref<4096xf32, #tpu.memory_space<vmem>> -> memref<128xf32, #tpu.memory_space<vmem>>
    %dma_start3A_31 = arith.constant 0 : i32
    %dma_start3A_32 = tpu.memref_slice %arg15[%dma_start3A_31] : memref<4096xi32, #tpu.memory_space<vmem>> -> memref<128xi32, #tpu.memory_space<vmem>>
    %dma_start3A_33 = arith.constant 0 : i32
    %dma_start3A_34 = tpu.memref_slice %arg2[%dma_start3A_33] : memref<131072xf32, #tpu.memory_space<hbm>> -> memref<131072xf32, #tpu.memory_space<hbm>>
    tpu.enqueue_indirect_dma source(%dma_start3A_34 : memref<131072xf32, #tpu.memory_space<hbm>>) target(%dma_start3A_30 : memref<128xf32, #tpu.memory_space<vmem>>) offsets(%dma_start3A_32 : memref<128xi32, #tpu.memory_space<vmem>>) semaphore(%arg19 : memref<!tpu.dma_semaphore, #tpu.memory_space<semaphore_mem>>)
    %dma_start3A_35 = arith.constant 128 : i32
    %dma_start3A_36 = tpu.memref_slice %arg17[%dma_start3A_35] : memref<4096xf32, #tpu.memory_space<vmem>> -> memref<128xf32, #tpu.memory_space<vmem>>
    %dma_start3A_37 = arith.constant 128 : i32
    %dma_start3A_38 = tpu.memref_slice %arg15[%dma_start3A_37] : memref<4096xi32, #tpu.memory_space<vmem>> -> memref<128xi32, #tpu.memory_space<vmem>>
    %dma_start3A_39 = arith.constant 0 : i32
    %dma_start3A_40 = tpu.memref_slice %arg2[%dma_start3A_39] : memref<131072xf32, #tpu.memory_space<hbm>> -> memref<131072xf32, #tpu.memory_space<hbm>>
    tpu.enqueue_indirect_dma source(%dma_start3A_40 : memref<131072xf32, #tpu.memory_space<hbm>>) target(%dma_start3A_36 : memref<128xf32, #tpu.memory_space<vmem>>) offsets(%dma_start3A_38 : memref<128xi32, #tpu.memory_space<vmem>>) semaphore(%arg19 : memref<!tpu.dma_semaphore, #tpu.memory_space<semaphore_mem>>)
    %dma_start3A_41 = arith.constant 256 : i32
    %dma_start3A_42 = tpu.memref_slice %arg17[%dma_start3A_41] : memref<4096xf32, #tpu.memory_space<vmem>> -> memref<128xf32, #tpu.memory_space<vmem>>
    %dma_start3A_43 = arith.constant 256 : i32
    %dma_start3A_44 = tpu.memref_slice %arg15[%dma_start3A_43] : memref<4096xi32, #tpu.memory_space<vmem>> -> memref<128xi32, #tpu.memory_space<vmem>>
    %dma_start3A_45 = arith.constant 0 : i32
    %dma_start3A_46 = tpu.memref_slice %arg2[%dma_start3A_45] : memref<131072xf32, #tpu.memory_space<hbm>> -> memref<131072xf32, #tpu.memory_space<hbm>>
    tpu.enqueue_indirect_dma source(%dma_start3A_46 : memref<131072xf32, #tpu.memory_space<hbm>>) target(%dma_start3A_42 : memref<128xf32, #tpu.memory_space<vmem>>) offsets(%dma_start3A_44 : memref<128xi32, #tpu.memory_space<vmem>>) semaphore(%arg19 : memref<!tpu.dma_semaphore, #tpu.memory_space<semaphore_mem>>)
    %dma_start3A_47 = arith.constant 384 : i32
    %dma_start3A_48 = tpu.memref_slice %arg17[%dma_start3A_47] : memref<4096xf32, #tpu.memory_space<vmem>> -> memref<128xf32, #tpu.memory_space<vmem>>
    %dma_start3A_49 = arith.constant 384 : i32
    %dma_start3A_50 = tpu.memref_slice %arg15[%dma_start3A_49] : memref<4096xi32, #tpu.memory_space<vmem>> -> memref<128xi32, #tpu.memory_space<vmem>>
    %dma_start3A_51 = arith.constant 0 : i32
    %dma_start3A_52 = tpu.memref_slice %arg2[%dma_start3A_51] : memref<131072xf32, #tpu.memory_space<hbm>> -> memref<131072xf32, #tpu.memory_space<hbm>>
    tpu.enqueue_indirect_dma source(%dma_start3A_52 : memref<131072xf32, #tpu.memory_space<hbm>>) target(%dma_start3A_48 : memref<128xf32, #tpu.memory_space<vmem>>) offsets(%dma_start3A_50 : memref<128xi32, #tpu.memory_space<vmem>>) semaphore(%arg19 : memref<!tpu.dma_semaphore, #tpu.memory_space<semaphore_mem>>)
    %dma_start3A_53 = arith.constant 512 : i32
    %dma_start3A_54 = tpu.memref_slice %arg17[%dma_start3A_53] : memref<4096xf32, #tpu.memory_space<vmem>> -> memref<128xf32, #tpu.memory_space<vmem>>
    %dma_start3A_55 = arith.constant 512 : i32
    %dma_start3A_56 = tpu.memref_slice %arg15[%dma_start3A_55] : memref<4096xi32, #tpu.memory_space<vmem>> -> memref<128xi32, #tpu.memory_space<vmem>>
    %dma_start3A_57 = arith.constant 0 : i32
    %dma_start3A_58 = tpu.memref_slice %arg2[%dma_start3A_57] : memref<131072xf32, #tpu.memory_space<hbm>> -> memref<131072xf32, #tpu.memory_space<hbm>>
    tpu.enqueue_indirect_dma source(%dma_start3A_58 : memref<131072xf32, #tpu.memory_space<hbm>>) target(%dma_start3A_54 : memref<128xf32, #tpu.memory_space<vmem>>) offsets(%dma_start3A_56 : memref<128xi32, #tpu.memory_space<vmem>>) semaphore(%arg19 : memref<!tpu.dma_semaphore, #tpu.memory_space<semaphore_mem>>)
    %dma_start3A_59 = arith.constant 640 : i32
    %dma_start3A_60 = tpu.memref_slice %arg17[%dma_start3A_59] : memref<4096xf32, #tpu.memory_space<vmem>> -> memref<128xf32, #tpu.memory_space<vmem>>
    %dma_start3A_61 = arith.constant 640 : i32
    %dma_start3A_62 = tpu.memref_slice %arg15[%dma_start3A_61] : memref<4096xi32, #tpu.memory_space<vmem>> -> memref<128xi32, #tpu.memory_space<vmem>>
    %dma_start3A_63 = arith.constant 0 : i32
    %dma_start3A_64 = tpu.memref_slice %arg2[%dma_start3A_63] : memref<131072xf32, #tpu.memory_space<hbm>> -> memref<131072xf32, #tpu.memory_space<hbm>>
    tpu.enqueue_indirect_dma source(%dma_start3A_64 : memref<131072xf32, #tpu.memory_space<hbm>>) target(%dma_start3A_60 : memref<128xf32, #tpu.memory_space<vmem>>) offsets(%dma_start3A_62 : memref<128xi32, #tpu.memory_space<vmem>>) semaphore(%arg19 : memref<!tpu.dma_semaphore, #tpu.memory_space<semaphore_mem>>)
    %dma_start3A_65 = arith.constant 768 : i32
    %dma_start3A_66 = tpu.memref_slice %arg17[%dma_start3A_65] : memref<4096xf32, #tpu.memory_space<vmem>> -> memref<128xf32, #tpu.memory_space<vmem>>
    %dma_start3A_67 = arith.constant 768 : i32
    %dma_start3A_68 = tpu.memref_slice %arg15[%dma_start3A_67] : memref<4096xi32, #tpu.memory_space<vmem>> -> memref<128xi32, #tpu.memory_space<vmem>>
    %dma_start3A_69 = arith.constant 0 : i32
    %dma_start3A_70 = tpu.memref_slice %arg2[%dma_start3A_69] : memref<131072xf32, #tpu.memory_space<hbm>> -> memref<131072xf32, #tpu.memory_space<hbm>>
    tpu.enqueue_indirect_dma source(%dma_start3A_70 : memref<131072xf32, #tpu.memory_space<hbm>>) target(%dma_start3A_66 : memref<128xf32, #tpu.memory_space<vmem>>) offsets(%dma_start3A_68 : memref<128xi32, #tpu.memory_space<vmem>>) semaphore(%arg19 : memref<!tpu.dma_semaphore, #tpu.memory_space<semaphore_mem>>)
    %dma_start3A_71 = arith.constant 896 : i32
    %dma_start3A_72 = tpu.memref_slice %arg17[%dma_start3A_71] : memref<4096xf32, #tpu.memory_space<vmem>> -> memref<128xf32, #tpu.memory_space<vmem>>
    %dma_start3A_73 = arith.constant 896 : i32
    %dma_start3A_74 = tpu.memref_slice %arg15[%dma_start3A_73] : memref<4096xi32, #tpu.memory_space<vmem>> -> memref<128xi32, #tpu.memory_space<vmem>>
    %dma_start3A_75 = arith.constant 0 : i32
    %dma_start3A_76 = tpu.memref_slice %arg2[%dma_start3A_75] : memref<131072xf32, #tpu.memory_space<hbm>> -> memref<131072xf32, #tpu.memory_space<hbm>>
    tpu.enqueue_indirect_dma source(%dma_start3A_76 : memref<131072xf32, #tpu.memory_space<hbm>>) target(%dma_start3A_72 : memref<128xf32, #tpu.memory_space<vmem>>) offsets(%dma_start3A_74 : memref<128xi32, #tpu.memory_space<vmem>>) semaphore(%arg19 : memref<!tpu.dma_semaphore, #tpu.memory_space<semaphore_mem>>)
    %dma_start3A_77 = arith.constant 1024 : i32
    %dma_start3A_78 = tpu.memref_slice %arg17[%dma_start3A_77] : memref<4096xf32, #tpu.memory_space<vmem>> -> memref<128xf32, #tpu.memory_space<vmem>>
    %dma_start3A_79 = arith.constant 1024 : i32
    %dma_start3A_80 = tpu.memref_slice %arg15[%dma_start3A_79] : memref<4096xi32, #tpu.memory_space<vmem>> -> memref<128xi32, #tpu.memory_space<vmem>>
    %dma_start3A_81 = arith.constant 0 : i32
    %dma_start3A_82 = tpu.memref_slice %arg2[%dma_start3A_81] : memref<131072xf32, #tpu.memory_space<hbm>> -> memref<131072xf32, #tpu.memory_space<hbm>>
    tpu.enqueue_indirect_dma source(%dma_start3A_82 : memref<131072xf32, #tpu.memory_space<hbm>>) target(%dma_start3A_78 : memref<128xf32, #tpu.memory_space<vmem>>) offsets(%dma_start3A_80 : memref<128xi32, #tpu.memory_space<vmem>>) semaphore(%arg19 : memref<!tpu.dma_semaphore, #tpu.memory_space<semaphore_mem>>)
    %dma_start3A_83 = arith.constant 1152 : i32
    %dma_start3A_84 = tpu.memref_slice %arg17[%dma_start3A_83] : memref<4096xf32, #tpu.memory_space<vmem>> -> memref<128xf32, #tpu.memory_space<vmem>>
    %dma_start3A_85 = arith.constant 1152 : i32
    %dma_start3A_86 = tpu.memref_slice %arg15[%dma_start3A_85] : memref<4096xi32, #tpu.memory_space<vmem>> -> memref<128xi32, #tpu.memory_space<vmem>>
    %dma_start3A_87 = arith.constant 0 : i32
    %dma_start3A_88 = tpu.memref_slice %arg2[%dma_start3A_87] : memref<131072xf32, #tpu.memory_space<hbm>> -> memref<131072xf32, #tpu.memory_space<hbm>>
    tpu.enqueue_indirect_dma source(%dma_start3A_88 : memref<131072xf32, #tpu.memory_space<hbm>>) target(%dma_start3A_84 : memref<128xf32, #tpu.memory_space<vmem>>) offsets(%dma_start3A_86 : memref<128xi32, #tpu.memory_space<vmem>>) semaphore(%arg19 : memref<!tpu.dma_semaphore, #tpu.memory_space<semaphore_mem>>)
    %dma_start3A_89 = arith.constant 1280 : i32
    %dma_start3A_90 = tpu.memref_slice %arg17[%dma_start3A_89] : memref<4096xf32, #tpu.memory_space<vmem>> -> memref<128xf32, #tpu.memory_space<vmem>>
    %dma_start3A_91 = arith.constant 1280 : i32
    %dma_start3A_92 = tpu.memref_slice %arg15[%dma_start3A_91] : memref<4096xi32, #tpu.memory_space<vmem>> -> memref<128xi32, #tpu.memory_space<vmem>>
    %dma_start3A_93 = arith.constant 0 : i32
    %dma_start3A_94 = tpu.memref_slice %arg2[%dma_start3A_93] : memref<131072xf32, #tpu.memory_space<hbm>> -> memref<131072xf32, #tpu.memory_space<hbm>>
    tpu.enqueue_indirect_dma source(%dma_start3A_94 : memref<131072xf32, #tpu.memory_space<hbm>>) target(%dma_start3A_90 : memref<128xf32, #tpu.memory_space<vmem>>) offsets(%dma_start3A_92 : memref<128xi32, #tpu.memory_space<vmem>>) semaphore(%arg19 : memref<!tpu.dma_semaphore, #tpu.memory_space<semaphore_mem>>)
    %dma_start3A_95 = arith.constant 1408 : i32
    %dma_start3A_96 = tpu.memref_slice %arg17[%dma_start3A_95] : memref<4096xf32, #tpu.memory_space<vmem>> -> memref<128xf32, #tpu.memory_space<vmem>>
    %dma_start3A_97 = arith.constant 1408 : i32
    %dma_start3A_98 = tpu.memref_slice %arg15[%dma_start3A_97] : memref<4096xi32, #tpu.memory_space<vmem>> -> memref<128xi32, #tpu.memory_space<vmem>>
    %dma_start3A_99 = arith.constant 0 : i32
    %dma_start3A_100 = tpu.memref_slice %arg2[%dma_start3A_99] : memref<131072xf32, #tpu.memory_space<hbm>> -> memref<131072xf32, #tpu.memory_space<hbm>>
    tpu.enqueue_indirect_dma source(%dma_start3A_100 : memref<131072xf32, #tpu.memory_space<hbm>>) target(%dma_start3A_96 : memref<128xf32, #tpu.memory_space<vmem>>) offsets(%dma_start3A_98 : memref<128xi32, #tpu.memory_space<vmem>>) semaphore(%arg19 : memref<!tpu.dma_semaphore, #tpu.memory_space<semaphore_mem>>)
    %dma_start3A_101 = arith.constant 1536 : i32
    %dma_start3A_102 = tpu.memref_slice %arg17[%dma_start3A_101] : memref<4096xf32, #tpu.memory_space<vmem>> -> memref<128xf32, #tpu.memory_space<vmem>>
    %dma_start3A_103 = arith.constant 1536 : i32
    %dma_start3A_104 = tpu.memref_slice %arg15[%dma_start3A_103] : memref<4096xi32, #tpu.memory_space<vmem>> -> memref<128xi32, #tpu.memory_space<vmem>>
    %dma_start3A_105 = arith.constant 0 : i32
    %dma_start3A_106 = tpu.memref_slice %arg2[%dma_start3A_105] : memref<131072xf32, #tpu.memory_space<hbm>> -> memref<131072xf32, #tpu.memory_space<hbm>>
    tpu.enqueue_indirect_dma source(%dma_start3A_106 : memref<131072xf32, #tpu.memory_space<hbm>>) target(%dma_start3A_102 : memref<128xf32, #tpu.memory_space<vmem>>) offsets(%dma_start3A_104 : memref<128xi32, #tpu.memory_space<vmem>>) semaphore(%arg19 : memref<!tpu.dma_semaphore, #tpu.memory_space<semaphore_mem>>)
    %dma_start3A_107 = arith.constant 1664 : i32
    %dma_start3A_108 = tpu.memref_slice %arg17[%dma_start3A_107] : memref<4096xf32, #tpu.memory_space<vmem>> -> memref<128xf32, #tpu.memory_space<vmem>>
    %dma_start3A_109 = arith.constant 1664 : i32
    %dma_start3A_110 = tpu.memref_slice %arg15[%dma_start3A_109] : memref<4096xi32, #tpu.memory_space<vmem>> -> memref<128xi32, #tpu.memory_space<vmem>>
    %dma_start3A_111 = arith.constant 0 : i32
    %dma_start3A_112 = tpu.memref_slice %arg2[%dma_start3A_111] : memref<131072xf32, #tpu.memory_space<hbm>> -> memref<131072xf32, #tpu.memory_space<hbm>>
    tpu.enqueue_indirect_dma source(%dma_start3A_112 : memref<131072xf32, #tpu.memory_space<hbm>>) target(%dma_start3A_108 : memref<128xf32, #tpu.memory_space<vmem>>) offsets(%dma_start3A_110 : memref<128xi32, #tpu.memory_space<vmem>>) semaphore(%arg19 : memref<!tpu.dma_semaphore, #tpu.memory_space<semaphore_mem>>)
    %dma_start3A_113 = arith.constant 1792 : i32
    %dma_start3A_114 = tpu.memref_slice %arg17[%dma_start3A_113] : memref<4096xf32, #tpu.memory_space<vmem>> -> memref<128xf32, #tpu.memory_space<vmem>>
    %dma_start3A_115 = arith.constant 1792 : i32
    %dma_start3A_116 = tpu.memref_slice %arg15[%dma_start3A_115] : memref<4096xi32, #tpu.memory_space<vmem>> -> memref<128xi32, #tpu.memory_space<vmem>>
    %dma_start3A_117 = arith.constant 0 : i32
    %dma_start3A_118 = tpu.memref_slice %arg2[%dma_start3A_117] : memref<131072xf32, #tpu.memory_space<hbm>> -> memref<131072xf32, #tpu.memory_space<hbm>>
    tpu.enqueue_indirect_dma source(%dma_start3A_118 : memref<131072xf32, #tpu.memory_space<hbm>>) target(%dma_start3A_114 : memref<128xf32, #tpu.memory_space<vmem>>) offsets(%dma_start3A_116 : memref<128xi32, #tpu.memory_space<vmem>>) semaphore(%arg19 : memref<!tpu.dma_semaphore, #tpu.memory_space<semaphore_mem>>)
    %dma_start3A_119 = arith.constant 1920 : i32
    %dma_start3A_120 = tpu.memref_slice %arg17[%dma_start3A_119] : memref<4096xf32, #tpu.memory_space<vmem>> -> memref<128xf32, #tpu.memory_space<vmem>>
    %dma_start3A_121 = arith.constant 1920 : i32
    %dma_start3A_122 = tpu.memref_slice %arg15[%dma_start3A_121] : memref<4096xi32, #tpu.memory_space<vmem>> -> memref<128xi32, #tpu.memory_space<vmem>>
    %dma_start3A_123 = arith.constant 0 : i32
    %dma_start3A_124 = tpu.memref_slice %arg2[%dma_start3A_123] : memref<131072xf32, #tpu.memory_space<hbm>> -> memref<131072xf32, #tpu.memory_space<hbm>>
    tpu.enqueue_indirect_dma source(%dma_start3A_124 : memref<131072xf32, #tpu.memory_space<hbm>>) target(%dma_start3A_120 : memref<128xf32, #tpu.memory_space<vmem>>) offsets(%dma_start3A_122 : memref<128xi32, #tpu.memory_space<vmem>>) semaphore(%arg19 : memref<!tpu.dma_semaphore, #tpu.memory_space<semaphore_mem>>)
    %dma_start3A_125 = arith.constant 2048 : i32
    %dma_start3A_126 = tpu.memref_slice %arg17[%dma_start3A_125] : memref<4096xf32, #tpu.memory_space<vmem>> -> memref<128xf32, #tpu.memory_space<vmem>>
    %dma_start3A_127 = arith.constant 2048 : i32
    %dma_start3A_128 = tpu.memref_slice %arg15[%dma_start3A_127] : memref<4096xi32, #tpu.memory_space<vmem>> -> memref<128xi32, #tpu.memory_space<vmem>>
    %dma_start3A_129 = arith.constant 0 : i32
    %dma_start3A_130 = tpu.memref_slice %arg2[%dma_start3A_129] : memref<131072xf32, #tpu.memory_space<hbm>> -> memref<131072xf32, #tpu.memory_space<hbm>>
    tpu.enqueue_indirect_dma source(%dma_start3A_130 : memref<131072xf32, #tpu.memory_space<hbm>>) target(%dma_start3A_126 : memref<128xf32, #tpu.memory_space<vmem>>) offsets(%dma_start3A_128 : memref<128xi32, #tpu.memory_space<vmem>>) semaphore(%arg19 : memref<!tpu.dma_semaphore, #tpu.memory_space<semaphore_mem>>)
    %dma_start3A_131 = arith.constant 2176 : i32
    %dma_start3A_132 = tpu.memref_slice %arg17[%dma_start3A_131] : memref<4096xf32, #tpu.memory_space<vmem>> -> memref<128xf32, #tpu.memory_space<vmem>>
    %dma_start3A_133 = arith.constant 2176 : i32
    %dma_start3A_134 = tpu.memref_slice %arg15[%dma_start3A_133] : memref<4096xi32, #tpu.memory_space<vmem>> -> memref<128xi32, #tpu.memory_space<vmem>>
    %dma_start3A_135 = arith.constant 0 : i32
    %dma_start3A_136 = tpu.memref_slice %arg2[%dma_start3A_135] : memref<131072xf32, #tpu.memory_space<hbm>> -> memref<131072xf32, #tpu.memory_space<hbm>>
    tpu.enqueue_indirect_dma source(%dma_start3A_136 : memref<131072xf32, #tpu.memory_space<hbm>>) target(%dma_start3A_132 : memref<128xf32, #tpu.memory_space<vmem>>) offsets(%dma_start3A_134 : memref<128xi32, #tpu.memory_space<vmem>>) semaphore(%arg19 : memref<!tpu.dma_semaphore, #tpu.memory_space<semaphore_mem>>)
    %dma_start3A_137 = arith.constant 2304 : i32
    %dma_start3A_138 = tpu.memref_slice %arg17[%dma_start3A_137] : memref<4096xf32, #tpu.memory_space<vmem>> -> memref<128xf32, #tpu.memory_space<vmem>>
    %dma_start3A_139 = arith.constant 2304 : i32
    %dma_start3A_140 = tpu.memref_slice %arg15[%dma_start3A_139] : memref<4096xi32, #tpu.memory_space<vmem>> -> memref<128xi32, #tpu.memory_space<vmem>>
    %dma_start3A_141 = arith.constant 0 : i32
    %dma_start3A_142 = tpu.memref_slice %arg2[%dma_start3A_141] : memref<131072xf32, #tpu.memory_space<hbm>> -> memref<131072xf32, #tpu.memory_space<hbm>>
    tpu.enqueue_indirect_dma source(%dma_start3A_142 : memref<131072xf32, #tpu.memory_space<hbm>>) target(%dma_start3A_138 : memref<128xf32, #tpu.memory_space<vmem>>) offsets(%dma_start3A_140 : memref<128xi32, #tpu.memory_space<vmem>>) semaphore(%arg19 : memref<!tpu.dma_semaphore, #tpu.memory_space<semaphore_mem>>)
    %dma_start3A_143 = arith.constant 2432 : i32
    %dma_start3A_144 = tpu.memref_slice %arg17[%dma_start3A_143] : memref<4096xf32, #tpu.memory_space<vmem>> -> memref<128xf32, #tpu.memory_space<vmem>>
    %dma_start3A_145 = arith.constant 2432 : i32
    %dma_start3A_146 = tpu.memref_slice %arg15[%dma_start3A_145] : memref<4096xi32, #tpu.memory_space<vmem>> -> memref<128xi32, #tpu.memory_space<vmem>>
    %dma_start3A_147 = arith.constant 0 : i32
    %dma_start3A_148 = tpu.memref_slice %arg2[%dma_start3A_147] : memref<131072xf32, #tpu.memory_space<hbm>> -> memref<131072xf32, #tpu.memory_space<hbm>>
    tpu.enqueue_indirect_dma source(%dma_start3A_148 : memref<131072xf32, #tpu.memory_space<hbm>>) target(%dma_start3A_144 : memref<128xf32, #tpu.memory_space<vmem>>) offsets(%dma_start3A_146 : memref<128xi32, #tpu.memory_space<vmem>>) semaphore(%arg19 : memref<!tpu.dma_semaphore, #tpu.memory_space<semaphore_mem>>)
    %dma_start3A_149 = arith.constant 2560 : i32
    %dma_start3A_150 = tpu.memref_slice %arg17[%dma_start3A_149] : memref<4096xf32, #tpu.memory_space<vmem>> -> memref<128xf32, #tpu.memory_space<vmem>>
    %dma_start3A_151 = arith.constant 2560 : i32
    %dma_start3A_152 = tpu.memref_slice %arg15[%dma_start3A_151] : memref<4096xi32, #tpu.memory_space<vmem>> -> memref<128xi32, #tpu.memory_space<vmem>>
    %dma_start3A_153 = arith.constant 0 : i32
    %dma_start3A_154 = tpu.memref_slice %arg2[%dma_start3A_153] : memref<131072xf32, #tpu.memory_space<hbm>> -> memref<131072xf32, #tpu.memory_space<hbm>>
    tpu.enqueue_indirect_dma source(%dma_start3A_154 : memref<131072xf32, #tpu.memory_space<hbm>>) target(%dma_start3A_150 : memref<128xf32, #tpu.memory_space<vmem>>) offsets(%dma_start3A_152 : memref<128xi32, #tpu.memory_space<vmem>>) semaphore(%arg19 : memref<!tpu.dma_semaphore, #tpu.memory_space<semaphore_mem>>)
    %dma_start3A_155 = arith.constant 2688 : i32
    %dma_start3A_156 = tpu.memref_slice %arg17[%dma_start3A_155] : memref<4096xf32, #tpu.memory_space<vmem>> -> memref<128xf32, #tpu.memory_space<vmem>>
    %dma_start3A_157 = arith.constant 2688 : i32
    %dma_start3A_158 = tpu.memref_slice %arg15[%dma_start3A_157] : memref<4096xi32, #tpu.memory_space<vmem>> -> memref<128xi32, #tpu.memory_space<vmem>>
    %dma_start3A_159 = arith.constant 0 : i32
    %dma_start3A_160 = tpu.memref_slice %arg2[%dma_start3A_159] : memref<131072xf32, #tpu.memory_space<hbm>> -> memref<131072xf32, #tpu.memory_space<hbm>>
    tpu.enqueue_indirect_dma source(%dma_start3A_160 : memref<131072xf32, #tpu.memory_space<hbm>>) target(%dma_start3A_156 : memref<128xf32, #tpu.memory_space<vmem>>) offsets(%dma_start3A_158 : memref<128xi32, #tpu.memory_space<vmem>>) semaphore(%arg19 : memref<!tpu.dma_semaphore, #tpu.memory_space<semaphore_mem>>)
    %dma_start3A_161 = arith.constant 2816 : i32
    %dma_start3A_162 = tpu.memref_slice %arg17[%dma_start3A_161] : memref<4096xf32, #tpu.memory_space<vmem>> -> memref<128xf32, #tpu.memory_space<vmem>>
    %dma_start3A_163 = arith.constant 2816 : i32
    %dma_start3A_164 = tpu.memref_slice %arg15[%dma_start3A_163] : memref<4096xi32, #tpu.memory_space<vmem>> -> memref<128xi32, #tpu.memory_space<vmem>>
    %dma_start3A_165 = arith.constant 0 : i32
    %dma_start3A_166 = tpu.memref_slice %arg2[%dma_start3A_165] : memref<131072xf32, #tpu.memory_space<hbm>> -> memref<131072xf32, #tpu.memory_space<hbm>>
    tpu.enqueue_indirect_dma source(%dma_start3A_166 : memref<131072xf32, #tpu.memory_space<hbm>>) target(%dma_start3A_162 : memref<128xf32, #tpu.memory_space<vmem>>) offsets(%dma_start3A_164 : memref<128xi32, #tpu.memory_space<vmem>>) semaphore(%arg19 : memref<!tpu.dma_semaphore, #tpu.memory_space<semaphore_mem>>)
    %dma_start3A_167 = arith.constant 2944 : i32
    %dma_start3A_168 = tpu.memref_slice %arg17[%dma_start3A_167] : memref<4096xf32, #tpu.memory_space<vmem>> -> memref<128xf32, #tpu.memory_space<vmem>>
    %dma_start3A_169 = arith.constant 2944 : i32
    %dma_start3A_170 = tpu.memref_slice %arg15[%dma_start3A_169] : memref<4096xi32, #tpu.memory_space<vmem>> -> memref<128xi32, #tpu.memory_space<vmem>>
    %dma_start3A_171 = arith.constant 0 : i32
    %dma_start3A_172 = tpu.memref_slice %arg2[%dma_start3A_171] : memref<131072xf32, #tpu.memory_space<hbm>> -> memref<131072xf32, #tpu.memory_space<hbm>>
    tpu.enqueue_indirect_dma source(%dma_start3A_172 : memref<131072xf32, #tpu.memory_space<hbm>>) target(%dma_start3A_168 : memref<128xf32, #tpu.memory_space<vmem>>) offsets(%dma_start3A_170 : memref<128xi32, #tpu.memory_space<vmem>>) semaphore(%arg19 : memref<!tpu.dma_semaphore, #tpu.memory_space<semaphore_mem>>)
    %dma_start3A_173 = arith.constant 3072 : i32
    %dma_start3A_174 = tpu.memref_slice %arg17[%dma_start3A_173] : memref<4096xf32, #tpu.memory_space<vmem>> -> memref<128xf32, #tpu.memory_space<vmem>>
    %dma_start3A_175 = arith.constant 3072 : i32
    %dma_start3A_176 = tpu.memref_slice %arg15[%dma_start3A_175] : memref<4096xi32, #tpu.memory_space<vmem>> -> memref<128xi32, #tpu.memory_space<vmem>>
    %dma_start3A_177 = arith.constant 0 : i32
    %dma_start3A_178 = tpu.memref_slice %arg2[%dma_start3A_177] : memref<131072xf32, #tpu.memory_space<hbm>> -> memref<131072xf32, #tpu.memory_space<hbm>>
    tpu.enqueue_indirect_dma source(%dma_start3A_178 : memref<131072xf32, #tpu.memory_space<hbm>>) target(%dma_start3A_174 : memref<128xf32, #tpu.memory_space<vmem>>) offsets(%dma_start3A_176 : memref<128xi32, #tpu.memory_space<vmem>>) semaphore(%arg19 : memref<!tpu.dma_semaphore, #tpu.memory_space<semaphore_mem>>)
    %dma_start3A_179 = arith.constant 3200 : i32
    %dma_start3A_180 = tpu.memref_slice %arg17[%dma_start3A_179] : memref<4096xf32, #tpu.memory_space<vmem>> -> memref<128xf32, #tpu.memory_space<vmem>>
    %dma_start3A_181 = arith.constant 3200 : i32
    %dma_start3A_182 = tpu.memref_slice %arg15[%dma_start3A_181] : memref<4096xi32, #tpu.memory_space<vmem>> -> memref<128xi32, #tpu.memory_space<vmem>>
    %dma_start3A_183 = arith.constant 0 : i32
    %dma_start3A_184 = tpu.memref_slice %arg2[%dma_start3A_183] : memref<131072xf32, #tpu.memory_space<hbm>> -> memref<131072xf32, #tpu.memory_space<hbm>>
    tpu.enqueue_indirect_dma source(%dma_start3A_184 : memref<131072xf32, #tpu.memory_space<hbm>>) target(%dma_start3A_180 : memref<128xf32, #tpu.memory_space<vmem>>) offsets(%dma_start3A_182 : memref<128xi32, #tpu.memory_space<vmem>>) semaphore(%arg19 : memref<!tpu.dma_semaphore, #tpu.memory_space<semaphore_mem>>)
    %dma_start3A_185 = arith.constant 3328 : i32
    %dma_start3A_186 = tpu.memref_slice %arg17[%dma_start3A_185] : memref<4096xf32, #tpu.memory_space<vmem>> -> memref<128xf32, #tpu.memory_space<vmem>>
    %dma_start3A_187 = arith.constant 3328 : i32
    %dma_start3A_188 = tpu.memref_slice %arg15[%dma_start3A_187] : memref<4096xi32, #tpu.memory_space<vmem>> -> memref<128xi32, #tpu.memory_space<vmem>>
    %dma_start3A_189 = arith.constant 0 : i32
    %dma_start3A_190 = tpu.memref_slice %arg2[%dma_start3A_189] : memref<131072xf32, #tpu.memory_space<hbm>> -> memref<131072xf32, #tpu.memory_space<hbm>>
    tpu.enqueue_indirect_dma source(%dma_start3A_190 : memref<131072xf32, #tpu.memory_space<hbm>>) target(%dma_start3A_186 : memref<128xf32, #tpu.memory_space<vmem>>) offsets(%dma_start3A_188 : memref<128xi32, #tpu.memory_space<vmem>>) semaphore(%arg19 : memref<!tpu.dma_semaphore, #tpu.memory_space<semaphore_mem>>)
    %dma_start3A_191 = arith.constant 3456 : i32
    %dma_start3A_192 = tpu.memref_slice %arg17[%dma_start3A_191] : memref<4096xf32, #tpu.memory_space<vmem>> -> memref<128xf32, #tpu.memory_space<vmem>>
    %dma_start3A_193 = arith.constant 3456 : i32
    %dma_start3A_194 = tpu.memref_slice %arg15[%dma_start3A_193] : memref<4096xi32, #tpu.memory_space<vmem>> -> memref<128xi32, #tpu.memory_space<vmem>>
    %dma_start3A_195 = arith.constant 0 : i32
    %dma_start3A_196 = tpu.memref_slice %arg2[%dma_start3A_195] : memref<131072xf32, #tpu.memory_space<hbm>> -> memref<131072xf32, #tpu.memory_space<hbm>>
    tpu.enqueue_indirect_dma source(%dma_start3A_196 : memref<131072xf32, #tpu.memory_space<hbm>>) target(%dma_start3A_192 : memref<128xf32, #tpu.memory_space<vmem>>) offsets(%dma_start3A_194 : memref<128xi32, #tpu.memory_space<vmem>>) semaphore(%arg19 : memref<!tpu.dma_semaphore, #tpu.memory_space<semaphore_mem>>)
    %dma_start3A_197 = arith.constant 3584 : i32
    %dma_start3A_198 = tpu.memref_slice %arg17[%dma_start3A_197] : memref<4096xf32, #tpu.memory_space<vmem>> -> memref<128xf32, #tpu.memory_space<vmem>>
    %dma_start3A_199 = arith.constant 3584 : i32
    %dma_start3A_200 = tpu.memref_slice %arg15[%dma_start3A_199] : memref<4096xi32, #tpu.memory_space<vmem>> -> memref<128xi32, #tpu.memory_space<vmem>>
    %dma_start3A_201 = arith.constant 0 : i32
    %dma_start3A_202 = tpu.memref_slice %arg2[%dma_start3A_201] : memref<131072xf32, #tpu.memory_space<hbm>> -> memref<131072xf32, #tpu.memory_space<hbm>>
    tpu.enqueue_indirect_dma source(%dma_start3A_202 : memref<131072xf32, #tpu.memory_space<hbm>>) target(%dma_start3A_198 : memref<128xf32, #tpu.memory_space<vmem>>) offsets(%dma_start3A_200 : memref<128xi32, #tpu.memory_space<vmem>>) semaphore(%arg19 : memref<!tpu.dma_semaphore, #tpu.memory_space<semaphore_mem>>)
    %dma_start3A_203 = arith.constant 3712 : i32
    %dma_start3A_204 = tpu.memref_slice %arg17[%dma_start3A_203] : memref<4096xf32, #tpu.memory_space<vmem>> -> memref<128xf32, #tpu.memory_space<vmem>>
    %dma_start3A_205 = arith.constant 3712 : i32
    %dma_start3A_206 = tpu.memref_slice %arg15[%dma_start3A_205] : memref<4096xi32, #tpu.memory_space<vmem>> -> memref<128xi32, #tpu.memory_space<vmem>>
    %dma_start3A_207 = arith.constant 0 : i32
    %dma_start3A_208 = tpu.memref_slice %arg2[%dma_start3A_207] : memref<131072xf32, #tpu.memory_space<hbm>> -> memref<131072xf32, #tpu.memory_space<hbm>>
    tpu.enqueue_indirect_dma source(%dma_start3A_208 : memref<131072xf32, #tpu.memory_space<hbm>>) target(%dma_start3A_204 : memref<128xf32, #tpu.memory_space<vmem>>) offsets(%dma_start3A_206 : memref<128xi32, #tpu.memory_space<vmem>>) semaphore(%arg19 : memref<!tpu.dma_semaphore, #tpu.memory_space<semaphore_mem>>)
    %dma_start3A_209 = arith.constant 3840 : i32
    %dma_start3A_210 = tpu.memref_slice %arg17[%dma_start3A_209] : memref<4096xf32, #tpu.memory_space<vmem>> -> memref<128xf32, #tpu.memory_space<vmem>>
    %dma_start3A_211 = arith.constant 3840 : i32
    %dma_start3A_212 = tpu.memref_slice %arg15[%dma_start3A_211] : memref<4096xi32, #tpu.memory_space<vmem>> -> memref<128xi32, #tpu.memory_space<vmem>>
    %dma_start3A_213 = arith.constant 0 : i32
    %dma_start3A_214 = tpu.memref_slice %arg2[%dma_start3A_213] : memref<131072xf32, #tpu.memory_space<hbm>> -> memref<131072xf32, #tpu.memory_space<hbm>>
    tpu.enqueue_indirect_dma source(%dma_start3A_214 : memref<131072xf32, #tpu.memory_space<hbm>>) target(%dma_start3A_210 : memref<128xf32, #tpu.memory_space<vmem>>) offsets(%dma_start3A_212 : memref<128xi32, #tpu.memory_space<vmem>>) semaphore(%arg19 : memref<!tpu.dma_semaphore, #tpu.memory_space<semaphore_mem>>)
    %dma_start3A_215 = arith.constant 3968 : i32
    %dma_start3A_216 = tpu.memref_slice %arg17[%dma_start3A_215] : memref<4096xf32, #tpu.memory_space<vmem>> -> memref<128xf32, #tpu.memory_space<vmem>>
    %dma_start3A_217 = arith.constant 3968 : i32
    %dma_start3A_218 = tpu.memref_slice %arg15[%dma_start3A_217] : memref<4096xi32, #tpu.memory_space<vmem>> -> memref<128xi32, #tpu.memory_space<vmem>>
    %dma_start3A_219 = arith.constant 0 : i32
    %dma_start3A_220 = tpu.memref_slice %arg2[%dma_start3A_219] : memref<131072xf32, #tpu.memory_space<hbm>> -> memref<131072xf32, #tpu.memory_space<hbm>>
    tpu.enqueue_indirect_dma source(%dma_start3A_220 : memref<131072xf32, #tpu.memory_space<hbm>>) target(%dma_start3A_216 : memref<128xf32, #tpu.memory_space<vmem>>) offsets(%dma_start3A_218 : memref<128xi32, #tpu.memory_space<vmem>>) semaphore(%arg19 : memref<!tpu.dma_semaphore, #tpu.memory_space<semaphore_mem>>)
    %gt3A = arith.constant 0 : i32
    %gt3A_221 = arith.cmpi sgt, %scan3A_28, %gt3A : i32
    %convert_element_type3A = arith.extui %gt3A_221 : i1 to i32
    %cond3A = arith.constant 0 : i32
    %cond3A_222 = arith.cmpi ne, %convert_element_type3A, %cond3A : i32
    scf.if %cond3A_222 {
      %dma_start3A_736 = arith.constant 0 : i32
      %dma_start3A_737 = tpu.memref_slice %arg16[%dma_start3A_736] : memref<4096xf32, #tpu.memory_space<vmem>> -> memref<128xf32, #tpu.memory_space<vmem>>
      %dma_start3A_738 = arith.constant 0 : i32
      %dma_start3A_739 = tpu.memref_slice %arg14[%dma_start3A_738] : memref<4096xi32, #tpu.memory_space<vmem>> -> memref<128xi32, #tpu.memory_space<vmem>>
      %dma_start3A_740 = arith.constant 0 : i32
      %dma_start3A_741 = tpu.memref_slice %arg2[%dma_start3A_740] : memref<131072xf32, #tpu.memory_space<hbm>> -> memref<131072xf32, #tpu.memory_space<hbm>>
      tpu.enqueue_indirect_dma source(%dma_start3A_741 : memref<131072xf32, #tpu.memory_space<hbm>>) target(%dma_start3A_737 : memref<128xf32, #tpu.memory_space<vmem>>) offsets(%dma_start3A_739 : memref<128xi32, #tpu.memory_space<vmem>>) semaphore(%arg19 : memref<!tpu.dma_semaphore, #tpu.memory_space<semaphore_mem>>)
    } else {
    }
    %gt3A_223 = arith.constant 128 : i32
    %gt3A_224 = arith.cmpi sgt, %scan3A_28, %gt3A_223 : i32
    %convert_element_type3A_225 = arith.extui %gt3A_224 : i1 to i32
    %cond3A_226 = arith.constant 0 : i32
    %cond3A_227 = arith.cmpi ne, %convert_element_type3A_225, %cond3A_226 : i32
    scf.if %cond3A_227 {
      %dma_start3A_736 = arith.constant 128 : i32
      %dma_start3A_737 = tpu.memref_slice %arg16[%dma_start3A_736] : memref<4096xf32, #tpu.memory_space<vmem>> -> memref<128xf32, #tpu.memory_space<vmem>>
      %dma_start3A_738 = arith.constant 128 : i32
      %dma_start3A_739 = tpu.memref_slice %arg14[%dma_start3A_738] : memref<4096xi32, #tpu.memory_space<vmem>> -> memref<128xi32, #tpu.memory_space<vmem>>
      %dma_start3A_740 = arith.constant 0 : i32
      %dma_start3A_741 = tpu.memref_slice %arg2[%dma_start3A_740] : memref<131072xf32, #tpu.memory_space<hbm>> -> memref<131072xf32, #tpu.memory_space<hbm>>
      tpu.enqueue_indirect_dma source(%dma_start3A_741 : memref<131072xf32, #tpu.memory_space<hbm>>) target(%dma_start3A_737 : memref<128xf32, #tpu.memory_space<vmem>>) offsets(%dma_start3A_739 : memref<128xi32, #tpu.memory_space<vmem>>) semaphore(%arg19 : memref<!tpu.dma_semaphore, #tpu.memory_space<semaphore_mem>>)
    } else {
    }
    %gt3A_228 = arith.constant 256 : i32
    %gt3A_229 = arith.cmpi sgt, %scan3A_28, %gt3A_228 : i32
    %convert_element_type3A_230 = arith.extui %gt3A_229 : i1 to i32
    %cond3A_231 = arith.constant 0 : i32
    %cond3A_232 = arith.cmpi ne, %convert_element_type3A_230, %cond3A_231 : i32
    scf.if %cond3A_232 {
      %dma_start3A_736 = arith.constant 256 : i32
      %dma_start3A_737 = tpu.memref_slice %arg16[%dma_start3A_736] : memref<4096xf32, #tpu.memory_space<vmem>> -> memref<128xf32, #tpu.memory_space<vmem>>
      %dma_start3A_738 = arith.constant 256 : i32
      %dma_start3A_739 = tpu.memref_slice %arg14[%dma_start3A_738] : memref<4096xi32, #tpu.memory_space<vmem>> -> memref<128xi32, #tpu.memory_space<vmem>>
      %dma_start3A_740 = arith.constant 0 : i32
      %dma_start3A_741 = tpu.memref_slice %arg2[%dma_start3A_740] : memref<131072xf32, #tpu.memory_space<hbm>> -> memref<131072xf32, #tpu.memory_space<hbm>>
      tpu.enqueue_indirect_dma source(%dma_start3A_741 : memref<131072xf32, #tpu.memory_space<hbm>>) target(%dma_start3A_737 : memref<128xf32, #tpu.memory_space<vmem>>) offsets(%dma_start3A_739 : memref<128xi32, #tpu.memory_space<vmem>>) semaphore(%arg19 : memref<!tpu.dma_semaphore, #tpu.memory_space<semaphore_mem>>)
    } else {
    }
    %gt3A_233 = arith.constant 384 : i32
    %gt3A_234 = arith.cmpi sgt, %scan3A_28, %gt3A_233 : i32
    %convert_element_type3A_235 = arith.extui %gt3A_234 : i1 to i32
    %cond3A_236 = arith.constant 0 : i32
    %cond3A_237 = arith.cmpi ne, %convert_element_type3A_235, %cond3A_236 : i32
    scf.if %cond3A_237 {
      %dma_start3A_736 = arith.constant 384 : i32
      %dma_start3A_737 = tpu.memref_slice %arg16[%dma_start3A_736] : memref<4096xf32, #tpu.memory_space<vmem>> -> memref<128xf32, #tpu.memory_space<vmem>>
      %dma_start3A_738 = arith.constant 384 : i32
      %dma_start3A_739 = tpu.memref_slice %arg14[%dma_start3A_738] : memref<4096xi32, #tpu.memory_space<vmem>> -> memref<128xi32, #tpu.memory_space<vmem>>
      %dma_start3A_740 = arith.constant 0 : i32
      %dma_start3A_741 = tpu.memref_slice %arg2[%dma_start3A_740] : memref<131072xf32, #tpu.memory_space<hbm>> -> memref<131072xf32, #tpu.memory_space<hbm>>
      tpu.enqueue_indirect_dma source(%dma_start3A_741 : memref<131072xf32, #tpu.memory_space<hbm>>) target(%dma_start3A_737 : memref<128xf32, #tpu.memory_space<vmem>>) offsets(%dma_start3A_739 : memref<128xi32, #tpu.memory_space<vmem>>) semaphore(%arg19 : memref<!tpu.dma_semaphore, #tpu.memory_space<semaphore_mem>>)
    } else {
    }
    %gt3A_238 = arith.constant 512 : i32
    %gt3A_239 = arith.cmpi sgt, %scan3A_28, %gt3A_238 : i32
    %convert_element_type3A_240 = arith.extui %gt3A_239 : i1 to i32
    %cond3A_241 = arith.constant 0 : i32
    %cond3A_242 = arith.cmpi ne, %convert_element_type3A_240, %cond3A_241 : i32
    scf.if %cond3A_242 {
      %dma_start3A_736 = arith.constant 512 : i32
      %dma_start3A_737 = tpu.memref_slice %arg16[%dma_start3A_736] : memref<4096xf32, #tpu.memory_space<vmem>> -> memref<128xf32, #tpu.memory_space<vmem>>
      %dma_start3A_738 = arith.constant 512 : i32
      %dma_start3A_739 = tpu.memref_slice %arg14[%dma_start3A_738] : memref<4096xi32, #tpu.memory_space<vmem>> -> memref<128xi32, #tpu.memory_space<vmem>>
      %dma_start3A_740 = arith.constant 0 : i32
      %dma_start3A_741 = tpu.memref_slice %arg2[%dma_start3A_740] : memref<131072xf32, #tpu.memory_space<hbm>> -> memref<131072xf32, #tpu.memory_space<hbm>>
      tpu.enqueue_indirect_dma source(%dma_start3A_741 : memref<131072xf32, #tpu.memory_space<hbm>>) target(%dma_start3A_737 : memref<128xf32, #tpu.memory_space<vmem>>) offsets(%dma_start3A_739 : memref<128xi32, #tpu.memory_space<vmem>>) semaphore(%arg19 : memref<!tpu.dma_semaphore, #tpu.memory_space<semaphore_mem>>)
    } else {
    }
    %gt3A_243 = arith.constant 640 : i32
    %gt3A_244 = arith.cmpi sgt, %scan3A_28, %gt3A_243 : i32
    %convert_element_type3A_245 = arith.extui %gt3A_244 : i1 to i32
    %cond3A_246 = arith.constant 0 : i32
    %cond3A_247 = arith.cmpi ne, %convert_element_type3A_245, %cond3A_246 : i32
    scf.if %cond3A_247 {
      %dma_start3A_736 = arith.constant 640 : i32
      %dma_start3A_737 = tpu.memref_slice %arg16[%dma_start3A_736] : memref<4096xf32, #tpu.memory_space<vmem>> -> memref<128xf32, #tpu.memory_space<vmem>>
      %dma_start3A_738 = arith.constant 640 : i32
      %dma_start3A_739 = tpu.memref_slice %arg14[%dma_start3A_738] : memref<4096xi32, #tpu.memory_space<vmem>> -> memref<128xi32, #tpu.memory_space<vmem>>
      %dma_start3A_740 = arith.constant 0 : i32
      %dma_start3A_741 = tpu.memref_slice %arg2[%dma_start3A_740] : memref<131072xf32, #tpu.memory_space<hbm>> -> memref<131072xf32, #tpu.memory_space<hbm>>
      tpu.enqueue_indirect_dma source(%dma_start3A_741 : memref<131072xf32, #tpu.memory_space<hbm>>) target(%dma_start3A_737 : memref<128xf32, #tpu.memory_space<vmem>>) offsets(%dma_start3A_739 : memref<128xi32, #tpu.memory_space<vmem>>) semaphore(%arg19 : memref<!tpu.dma_semaphore, #tpu.memory_space<semaphore_mem>>)
    } else {
    }
    %gt3A_248 = arith.constant 768 : i32
    %gt3A_249 = arith.cmpi sgt, %scan3A_28, %gt3A_248 : i32
    %convert_element_type3A_250 = arith.extui %gt3A_249 : i1 to i32
    %cond3A_251 = arith.constant 0 : i32
    %cond3A_252 = arith.cmpi ne, %convert_element_type3A_250, %cond3A_251 : i32
    scf.if %cond3A_252 {
      %dma_start3A_736 = arith.constant 768 : i32
      %dma_start3A_737 = tpu.memref_slice %arg16[%dma_start3A_736] : memref<4096xf32, #tpu.memory_space<vmem>> -> memref<128xf32, #tpu.memory_space<vmem>>
      %dma_start3A_738 = arith.constant 768 : i32
      %dma_start3A_739 = tpu.memref_slice %arg14[%dma_start3A_738] : memref<4096xi32, #tpu.memory_space<vmem>> -> memref<128xi32, #tpu.memory_space<vmem>>
      %dma_start3A_740 = arith.constant 0 : i32
      %dma_start3A_741 = tpu.memref_slice %arg2[%dma_start3A_740] : memref<131072xf32, #tpu.memory_space<hbm>> -> memref<131072xf32, #tpu.memory_space<hbm>>
      tpu.enqueue_indirect_dma source(%dma_start3A_741 : memref<131072xf32, #tpu.memory_space<hbm>>) target(%dma_start3A_737 : memref<128xf32, #tpu.memory_space<vmem>>) offsets(%dma_start3A_739 : memref<128xi32, #tpu.memory_space<vmem>>) semaphore(%arg19 : memref<!tpu.dma_semaphore, #tpu.memory_space<semaphore_mem>>)
    } else {
    }
    %gt3A_253 = arith.constant 896 : i32
    %gt3A_254 = arith.cmpi sgt, %scan3A_28, %gt3A_253 : i32
    %convert_element_type3A_255 = arith.extui %gt3A_254 : i1 to i32
    %cond3A_256 = arith.constant 0 : i32
    %cond3A_257 = arith.cmpi ne, %convert_element_type3A_255, %cond3A_256 : i32
    scf.if %cond3A_257 {
      %dma_start3A_736 = arith.constant 896 : i32
      %dma_start3A_737 = tpu.memref_slice %arg16[%dma_start3A_736] : memref<4096xf32, #tpu.memory_space<vmem>> -> memref<128xf32, #tpu.memory_space<vmem>>
      %dma_start3A_738 = arith.constant 896 : i32
      %dma_start3A_739 = tpu.memref_slice %arg14[%dma_start3A_738] : memref<4096xi32, #tpu.memory_space<vmem>> -> memref<128xi32, #tpu.memory_space<vmem>>
      %dma_start3A_740 = arith.constant 0 : i32
      %dma_start3A_741 = tpu.memref_slice %arg2[%dma_start3A_740] : memref<131072xf32, #tpu.memory_space<hbm>> -> memref<131072xf32, #tpu.memory_space<hbm>>
      tpu.enqueue_indirect_dma source(%dma_start3A_741 : memref<131072xf32, #tpu.memory_space<hbm>>) target(%dma_start3A_737 : memref<128xf32, #tpu.memory_space<vmem>>) offsets(%dma_start3A_739 : memref<128xi32, #tpu.memory_space<vmem>>) semaphore(%arg19 : memref<!tpu.dma_semaphore, #tpu.memory_space<semaphore_mem>>)
    } else {
    }
    %gt3A_258 = arith.constant 1024 : i32
    %gt3A_259 = arith.cmpi sgt, %scan3A_28, %gt3A_258 : i32
    %convert_element_type3A_260 = arith.extui %gt3A_259 : i1 to i32
    %cond3A_261 = arith.constant 0 : i32
    %cond3A_262 = arith.cmpi ne, %convert_element_type3A_260, %cond3A_261 : i32
    scf.if %cond3A_262 {
      %dma_start3A_736 = arith.constant 1024 : i32
      %dma_start3A_737 = tpu.memref_slice %arg16[%dma_start3A_736] : memref<4096xf32, #tpu.memory_space<vmem>> -> memref<128xf32, #tpu.memory_space<vmem>>
      %dma_start3A_738 = arith.constant 1024 : i32
      %dma_start3A_739 = tpu.memref_slice %arg14[%dma_start3A_738] : memref<4096xi32, #tpu.memory_space<vmem>> -> memref<128xi32, #tpu.memory_space<vmem>>
      %dma_start3A_740 = arith.constant 0 : i32
      %dma_start3A_741 = tpu.memref_slice %arg2[%dma_start3A_740] : memref<131072xf32, #tpu.memory_space<hbm>> -> memref<131072xf32, #tpu.memory_space<hbm>>
      tpu.enqueue_indirect_dma source(%dma_start3A_741 : memref<131072xf32, #tpu.memory_space<hbm>>) target(%dma_start3A_737 : memref<128xf32, #tpu.memory_space<vmem>>) offsets(%dma_start3A_739 : memref<128xi32, #tpu.memory_space<vmem>>) semaphore(%arg19 : memref<!tpu.dma_semaphore, #tpu.memory_space<semaphore_mem>>)
    } else {
    }
    %gt3A_263 = arith.constant 1152 : i32
    %gt3A_264 = arith.cmpi sgt, %scan3A_28, %gt3A_263 : i32
    %convert_element_type3A_265 = arith.extui %gt3A_264 : i1 to i32
    %cond3A_266 = arith.constant 0 : i32
    %cond3A_267 = arith.cmpi ne, %convert_element_type3A_265, %cond3A_266 : i32
    scf.if %cond3A_267 {
      %dma_start3A_736 = arith.constant 1152 : i32
      %dma_start3A_737 = tpu.memref_slice %arg16[%dma_start3A_736] : memref<4096xf32, #tpu.memory_space<vmem>> -> memref<128xf32, #tpu.memory_space<vmem>>
      %dma_start3A_738 = arith.constant 1152 : i32
      %dma_start3A_739 = tpu.memref_slice %arg14[%dma_start3A_738] : memref<4096xi32, #tpu.memory_space<vmem>> -> memref<128xi32, #tpu.memory_space<vmem>>
      %dma_start3A_740 = arith.constant 0 : i32
      %dma_start3A_741 = tpu.memref_slice %arg2[%dma_start3A_740] : memref<131072xf32, #tpu.memory_space<hbm>> -> memref<131072xf32, #tpu.memory_space<hbm>>
      tpu.enqueue_indirect_dma source(%dma_start3A_741 : memref<131072xf32, #tpu.memory_space<hbm>>) target(%dma_start3A_737 : memref<128xf32, #tpu.memory_space<vmem>>) offsets(%dma_start3A_739 : memref<128xi32, #tpu.memory_space<vmem>>) semaphore(%arg19 : memref<!tpu.dma_semaphore, #tpu.memory_space<semaphore_mem>>)
    } else {
    }
    %gt3A_268 = arith.constant 1280 : i32
    %gt3A_269 = arith.cmpi sgt, %scan3A_28, %gt3A_268 : i32
    %convert_element_type3A_270 = arith.extui %gt3A_269 : i1 to i32
    %cond3A_271 = arith.constant 0 : i32
    %cond3A_272 = arith.cmpi ne, %convert_element_type3A_270, %cond3A_271 : i32
    scf.if %cond3A_272 {
      %dma_start3A_736 = arith.constant 1280 : i32
      %dma_start3A_737 = tpu.memref_slice %arg16[%dma_start3A_736] : memref<4096xf32, #tpu.memory_space<vmem>> -> memref<128xf32, #tpu.memory_space<vmem>>
      %dma_start3A_738 = arith.constant 1280 : i32
      %dma_start3A_739 = tpu.memref_slice %arg14[%dma_start3A_738] : memref<4096xi32, #tpu.memory_space<vmem>> -> memref<128xi32, #tpu.memory_space<vmem>>
      %dma_start3A_740 = arith.constant 0 : i32
      %dma_start3A_741 = tpu.memref_slice %arg2[%dma_start3A_740] : memref<131072xf32, #tpu.memory_space<hbm>> -> memref<131072xf32, #tpu.memory_space<hbm>>
      tpu.enqueue_indirect_dma source(%dma_start3A_741 : memref<131072xf32, #tpu.memory_space<hbm>>) target(%dma_start3A_737 : memref<128xf32, #tpu.memory_space<vmem>>) offsets(%dma_start3A_739 : memref<128xi32, #tpu.memory_space<vmem>>) semaphore(%arg19 : memref<!tpu.dma_semaphore, #tpu.memory_space<semaphore_mem>>)
    } else {
    }
    %gt3A_273 = arith.constant 1408 : i32
    %gt3A_274 = arith.cmpi sgt, %scan3A_28, %gt3A_273 : i32
    %convert_element_type3A_275 = arith.extui %gt3A_274 : i1 to i32
    %cond3A_276 = arith.constant 0 : i32
    %cond3A_277 = arith.cmpi ne, %convert_element_type3A_275, %cond3A_276 : i32
    scf.if %cond3A_277 {
      %dma_start3A_736 = arith.constant 1408 : i32
      %dma_start3A_737 = tpu.memref_slice %arg16[%dma_start3A_736] : memref<4096xf32, #tpu.memory_space<vmem>> -> memref<128xf32, #tpu.memory_space<vmem>>
      %dma_start3A_738 = arith.constant 1408 : i32
      %dma_start3A_739 = tpu.memref_slice %arg14[%dma_start3A_738] : memref<4096xi32, #tpu.memory_space<vmem>> -> memref<128xi32, #tpu.memory_space<vmem>>
      %dma_start3A_740 = arith.constant 0 : i32
      %dma_start3A_741 = tpu.memref_slice %arg2[%dma_start3A_740] : memref<131072xf32, #tpu.memory_space<hbm>> -> memref<131072xf32, #tpu.memory_space<hbm>>
      tpu.enqueue_indirect_dma source(%dma_start3A_741 : memref<131072xf32, #tpu.memory_space<hbm>>) target(%dma_start3A_737 : memref<128xf32, #tpu.memory_space<vmem>>) offsets(%dma_start3A_739 : memref<128xi32, #tpu.memory_space<vmem>>) semaphore(%arg19 : memref<!tpu.dma_semaphore, #tpu.memory_space<semaphore_mem>>)
    } else {
    }
    %gt3A_278 = arith.constant 1536 : i32
    %gt3A_279 = arith.cmpi sgt, %scan3A_28, %gt3A_278 : i32
    %convert_element_type3A_280 = arith.extui %gt3A_279 : i1 to i32
    %cond3A_281 = arith.constant 0 : i32
    %cond3A_282 = arith.cmpi ne, %convert_element_type3A_280, %cond3A_281 : i32
    scf.if %cond3A_282 {
      %dma_start3A_736 = arith.constant 1536 : i32
      %dma_start3A_737 = tpu.memref_slice %arg16[%dma_start3A_736] : memref<4096xf32, #tpu.memory_space<vmem>> -> memref<128xf32, #tpu.memory_space<vmem>>
      %dma_start3A_738 = arith.constant 1536 : i32
      %dma_start3A_739 = tpu.memref_slice %arg14[%dma_start3A_738] : memref<4096xi32, #tpu.memory_space<vmem>> -> memref<128xi32, #tpu.memory_space<vmem>>
      %dma_start3A_740 = arith.constant 0 : i32
      %dma_start3A_741 = tpu.memref_slice %arg2[%dma_start3A_740] : memref<131072xf32, #tpu.memory_space<hbm>> -> memref<131072xf32, #tpu.memory_space<hbm>>
      tpu.enqueue_indirect_dma source(%dma_start3A_741 : memref<131072xf32, #tpu.memory_space<hbm>>) target(%dma_start3A_737 : memref<128xf32, #tpu.memory_space<vmem>>) offsets(%dma_start3A_739 : memref<128xi32, #tpu.memory_space<vmem>>) semaphore(%arg19 : memref<!tpu.dma_semaphore, #tpu.memory_space<semaphore_mem>>)
    } else {
    }
    %gt3A_283 = arith.constant 1664 : i32
    %gt3A_284 = arith.cmpi sgt, %scan3A_28, %gt3A_283 : i32
    %convert_element_type3A_285 = arith.extui %gt3A_284 : i1 to i32
    %cond3A_286 = arith.constant 0 : i32
    %cond3A_287 = arith.cmpi ne, %convert_element_type3A_285, %cond3A_286 : i32
    scf.if %cond3A_287 {
      %dma_start3A_736 = arith.constant 1664 : i32
      %dma_start3A_737 = tpu.memref_slice %arg16[%dma_start3A_736] : memref<4096xf32, #tpu.memory_space<vmem>> -> memref<128xf32, #tpu.memory_space<vmem>>
      %dma_start3A_738 = arith.constant 1664 : i32
      %dma_start3A_739 = tpu.memref_slice %arg14[%dma_start3A_738] : memref<4096xi32, #tpu.memory_space<vmem>> -> memref<128xi32, #tpu.memory_space<vmem>>
      %dma_start3A_740 = arith.constant 0 : i32
      %dma_start3A_741 = tpu.memref_slice %arg2[%dma_start3A_740] : memref<131072xf32, #tpu.memory_space<hbm>> -> memref<131072xf32, #tpu.memory_space<hbm>>
      tpu.enqueue_indirect_dma source(%dma_start3A_741 : memref<131072xf32, #tpu.memory_space<hbm>>) target(%dma_start3A_737 : memref<128xf32, #tpu.memory_space<vmem>>) offsets(%dma_start3A_739 : memref<128xi32, #tpu.memory_space<vmem>>) semaphore(%arg19 : memref<!tpu.dma_semaphore, #tpu.memory_space<semaphore_mem>>)
    } else {
    }
    %gt3A_288 = arith.constant 1792 : i32
    %gt3A_289 = arith.cmpi sgt, %scan3A_28, %gt3A_288 : i32
    %convert_element_type3A_290 = arith.extui %gt3A_289 : i1 to i32
    %cond3A_291 = arith.constant 0 : i32
    %cond3A_292 = arith.cmpi ne, %convert_element_type3A_290, %cond3A_291 : i32
    scf.if %cond3A_292 {
      %dma_start3A_736 = arith.constant 1792 : i32
      %dma_start3A_737 = tpu.memref_slice %arg16[%dma_start3A_736] : memref<4096xf32, #tpu.memory_space<vmem>> -> memref<128xf32, #tpu.memory_space<vmem>>
      %dma_start3A_738 = arith.constant 1792 : i32
      %dma_start3A_739 = tpu.memref_slice %arg14[%dma_start3A_738] : memref<4096xi32, #tpu.memory_space<vmem>> -> memref<128xi32, #tpu.memory_space<vmem>>
      %dma_start3A_740 = arith.constant 0 : i32
      %dma_start3A_741 = tpu.memref_slice %arg2[%dma_start3A_740] : memref<131072xf32, #tpu.memory_space<hbm>> -> memref<131072xf32, #tpu.memory_space<hbm>>
      tpu.enqueue_indirect_dma source(%dma_start3A_741 : memref<131072xf32, #tpu.memory_space<hbm>>) target(%dma_start3A_737 : memref<128xf32, #tpu.memory_space<vmem>>) offsets(%dma_start3A_739 : memref<128xi32, #tpu.memory_space<vmem>>) semaphore(%arg19 : memref<!tpu.dma_semaphore, #tpu.memory_space<semaphore_mem>>)
    } else {
    }
    %gt3A_293 = arith.constant 1920 : i32
    %gt3A_294 = arith.cmpi sgt, %scan3A_28, %gt3A_293 : i32
    %convert_element_type3A_295 = arith.extui %gt3A_294 : i1 to i32
    %cond3A_296 = arith.constant 0 : i32
    %cond3A_297 = arith.cmpi ne, %convert_element_type3A_295, %cond3A_296 : i32
    scf.if %cond3A_297 {
      %dma_start3A_736 = arith.constant 1920 : i32
      %dma_start3A_737 = tpu.memref_slice %arg16[%dma_start3A_736] : memref<4096xf32, #tpu.memory_space<vmem>> -> memref<128xf32, #tpu.memory_space<vmem>>
      %dma_start3A_738 = arith.constant 1920 : i32
      %dma_start3A_739 = tpu.memref_slice %arg14[%dma_start3A_738] : memref<4096xi32, #tpu.memory_space<vmem>> -> memref<128xi32, #tpu.memory_space<vmem>>
      %dma_start3A_740 = arith.constant 0 : i32
      %dma_start3A_741 = tpu.memref_slice %arg2[%dma_start3A_740] : memref<131072xf32, #tpu.memory_space<hbm>> -> memref<131072xf32, #tpu.memory_space<hbm>>
      tpu.enqueue_indirect_dma source(%dma_start3A_741 : memref<131072xf32, #tpu.memory_space<hbm>>) target(%dma_start3A_737 : memref<128xf32, #tpu.memory_space<vmem>>) offsets(%dma_start3A_739 : memref<128xi32, #tpu.memory_space<vmem>>) semaphore(%arg19 : memref<!tpu.dma_semaphore, #tpu.memory_space<semaphore_mem>>)
    } else {
    }
    %gt3A_298 = arith.constant 2048 : i32
    %gt3A_299 = arith.cmpi sgt, %scan3A_28, %gt3A_298 : i32
    %convert_element_type3A_300 = arith.extui %gt3A_299 : i1 to i32
    %cond3A_301 = arith.constant 0 : i32
    %cond3A_302 = arith.cmpi ne, %convert_element_type3A_300, %cond3A_301 : i32
    scf.if %cond3A_302 {
      %dma_start3A_736 = arith.constant 2048 : i32
      %dma_start3A_737 = tpu.memref_slice %arg16[%dma_start3A_736] : memref<4096xf32, #tpu.memory_space<vmem>> -> memref<128xf32, #tpu.memory_space<vmem>>
      %dma_start3A_738 = arith.constant 2048 : i32
      %dma_start3A_739 = tpu.memref_slice %arg14[%dma_start3A_738] : memref<4096xi32, #tpu.memory_space<vmem>> -> memref<128xi32, #tpu.memory_space<vmem>>
      %dma_start3A_740 = arith.constant 0 : i32
      %dma_start3A_741 = tpu.memref_slice %arg2[%dma_start3A_740] : memref<131072xf32, #tpu.memory_space<hbm>> -> memref<131072xf32, #tpu.memory_space<hbm>>
      tpu.enqueue_indirect_dma source(%dma_start3A_741 : memref<131072xf32, #tpu.memory_space<hbm>>) target(%dma_start3A_737 : memref<128xf32, #tpu.memory_space<vmem>>) offsets(%dma_start3A_739 : memref<128xi32, #tpu.memory_space<vmem>>) semaphore(%arg19 : memref<!tpu.dma_semaphore, #tpu.memory_space<semaphore_mem>>)
    } else {
    }
    %gt3A_303 = arith.constant 2176 : i32
    %gt3A_304 = arith.cmpi sgt, %scan3A_28, %gt3A_303 : i32
    %convert_element_type3A_305 = arith.extui %gt3A_304 : i1 to i32
    %cond3A_306 = arith.constant 0 : i32
    %cond3A_307 = arith.cmpi ne, %convert_element_type3A_305, %cond3A_306 : i32
    scf.if %cond3A_307 {
      %dma_start3A_736 = arith.constant 2176 : i32
      %dma_start3A_737 = tpu.memref_slice %arg16[%dma_start3A_736] : memref<4096xf32, #tpu.memory_space<vmem>> -> memref<128xf32, #tpu.memory_space<vmem>>
      %dma_start3A_738 = arith.constant 2176 : i32
      %dma_start3A_739 = tpu.memref_slice %arg14[%dma_start3A_738] : memref<4096xi32, #tpu.memory_space<vmem>> -> memref<128xi32, #tpu.memory_space<vmem>>
      %dma_start3A_740 = arith.constant 0 : i32
      %dma_start3A_741 = tpu.memref_slice %arg2[%dma_start3A_740] : memref<131072xf32, #tpu.memory_space<hbm>> -> memref<131072xf32, #tpu.memory_space<hbm>>
      tpu.enqueue_indirect_dma source(%dma_start3A_741 : memref<131072xf32, #tpu.memory_space<hbm>>) target(%dma_start3A_737 : memref<128xf32, #tpu.memory_space<vmem>>) offsets(%dma_start3A_739 : memref<128xi32, #tpu.memory_space<vmem>>) semaphore(%arg19 : memref<!tpu.dma_semaphore, #tpu.memory_space<semaphore_mem>>)
    } else {
    }
    %gt3A_308 = arith.constant 2304 : i32
    %gt3A_309 = arith.cmpi sgt, %scan3A_28, %gt3A_308 : i32
    %convert_element_type3A_310 = arith.extui %gt3A_309 : i1 to i32
    %cond3A_311 = arith.constant 0 : i32
    %cond3A_312 = arith.cmpi ne, %convert_element_type3A_310, %cond3A_311 : i32
    scf.if %cond3A_312 {
      %dma_start3A_736 = arith.constant 2304 : i32
      %dma_start3A_737 = tpu.memref_slice %arg16[%dma_start3A_736] : memref<4096xf32, #tpu.memory_space<vmem>> -> memref<128xf32, #tpu.memory_space<vmem>>
      %dma_start3A_738 = arith.constant 2304 : i32
      %dma_start3A_739 = tpu.memref_slice %arg14[%dma_start3A_738] : memref<4096xi32, #tpu.memory_space<vmem>> -> memref<128xi32, #tpu.memory_space<vmem>>
      %dma_start3A_740 = arith.constant 0 : i32
      %dma_start3A_741 = tpu.memref_slice %arg2[%dma_start3A_740] : memref<131072xf32, #tpu.memory_space<hbm>> -> memref<131072xf32, #tpu.memory_space<hbm>>
      tpu.enqueue_indirect_dma source(%dma_start3A_741 : memref<131072xf32, #tpu.memory_space<hbm>>) target(%dma_start3A_737 : memref<128xf32, #tpu.memory_space<vmem>>) offsets(%dma_start3A_739 : memref<128xi32, #tpu.memory_space<vmem>>) semaphore(%arg19 : memref<!tpu.dma_semaphore, #tpu.memory_space<semaphore_mem>>)
    } else {
    }
    %gt3A_313 = arith.constant 2432 : i32
    %gt3A_314 = arith.cmpi sgt, %scan3A_28, %gt3A_313 : i32
    %convert_element_type3A_315 = arith.extui %gt3A_314 : i1 to i32
    %cond3A_316 = arith.constant 0 : i32
    %cond3A_317 = arith.cmpi ne, %convert_element_type3A_315, %cond3A_316 : i32
    scf.if %cond3A_317 {
      %dma_start3A_736 = arith.constant 2432 : i32
      %dma_start3A_737 = tpu.memref_slice %arg16[%dma_start3A_736] : memref<4096xf32, #tpu.memory_space<vmem>> -> memref<128xf32, #tpu.memory_space<vmem>>
      %dma_start3A_738 = arith.constant 2432 : i32
      %dma_start3A_739 = tpu.memref_slice %arg14[%dma_start3A_738] : memref<4096xi32, #tpu.memory_space<vmem>> -> memref<128xi32, #tpu.memory_space<vmem>>
      %dma_start3A_740 = arith.constant 0 : i32
      %dma_start3A_741 = tpu.memref_slice %arg2[%dma_start3A_740] : memref<131072xf32, #tpu.memory_space<hbm>> -> memref<131072xf32, #tpu.memory_space<hbm>>
      tpu.enqueue_indirect_dma source(%dma_start3A_741 : memref<131072xf32, #tpu.memory_space<hbm>>) target(%dma_start3A_737 : memref<128xf32, #tpu.memory_space<vmem>>) offsets(%dma_start3A_739 : memref<128xi32, #tpu.memory_space<vmem>>) semaphore(%arg19 : memref<!tpu.dma_semaphore, #tpu.memory_space<semaphore_mem>>)
    } else {
    }
    %gt3A_318 = arith.constant 2560 : i32
    %gt3A_319 = arith.cmpi sgt, %scan3A_28, %gt3A_318 : i32
    %convert_element_type3A_320 = arith.extui %gt3A_319 : i1 to i32
    %cond3A_321 = arith.constant 0 : i32
    %cond3A_322 = arith.cmpi ne, %convert_element_type3A_320, %cond3A_321 : i32
    scf.if %cond3A_322 {
      %dma_start3A_736 = arith.constant 2560 : i32
      %dma_start3A_737 = tpu.memref_slice %arg16[%dma_start3A_736] : memref<4096xf32, #tpu.memory_space<vmem>> -> memref<128xf32, #tpu.memory_space<vmem>>
      %dma_start3A_738 = arith.constant 2560 : i32
      %dma_start3A_739 = tpu.memref_slice %arg14[%dma_start3A_738] : memref<4096xi32, #tpu.memory_space<vmem>> -> memref<128xi32, #tpu.memory_space<vmem>>
      %dma_start3A_740 = arith.constant 0 : i32
      %dma_start3A_741 = tpu.memref_slice %arg2[%dma_start3A_740] : memref<131072xf32, #tpu.memory_space<hbm>> -> memref<131072xf32, #tpu.memory_space<hbm>>
      tpu.enqueue_indirect_dma source(%dma_start3A_741 : memref<131072xf32, #tpu.memory_space<hbm>>) target(%dma_start3A_737 : memref<128xf32, #tpu.memory_space<vmem>>) offsets(%dma_start3A_739 : memref<128xi32, #tpu.memory_space<vmem>>) semaphore(%arg19 : memref<!tpu.dma_semaphore, #tpu.memory_space<semaphore_mem>>)
    } else {
    }
    %gt3A_323 = arith.constant 2688 : i32
    %gt3A_324 = arith.cmpi sgt, %scan3A_28, %gt3A_323 : i32
    %convert_element_type3A_325 = arith.extui %gt3A_324 : i1 to i32
    %cond3A_326 = arith.constant 0 : i32
    %cond3A_327 = arith.cmpi ne, %convert_element_type3A_325, %cond3A_326 : i32
    scf.if %cond3A_327 {
      %dma_start3A_736 = arith.constant 2688 : i32
      %dma_start3A_737 = tpu.memref_slice %arg16[%dma_start3A_736] : memref<4096xf32, #tpu.memory_space<vmem>> -> memref<128xf32, #tpu.memory_space<vmem>>
      %dma_start3A_738 = arith.constant 2688 : i32
      %dma_start3A_739 = tpu.memref_slice %arg14[%dma_start3A_738] : memref<4096xi32, #tpu.memory_space<vmem>> -> memref<128xi32, #tpu.memory_space<vmem>>
      %dma_start3A_740 = arith.constant 0 : i32
      %dma_start3A_741 = tpu.memref_slice %arg2[%dma_start3A_740] : memref<131072xf32, #tpu.memory_space<hbm>> -> memref<131072xf32, #tpu.memory_space<hbm>>
      tpu.enqueue_indirect_dma source(%dma_start3A_741 : memref<131072xf32, #tpu.memory_space<hbm>>) target(%dma_start3A_737 : memref<128xf32, #tpu.memory_space<vmem>>) offsets(%dma_start3A_739 : memref<128xi32, #tpu.memory_space<vmem>>) semaphore(%arg19 : memref<!tpu.dma_semaphore, #tpu.memory_space<semaphore_mem>>)
    } else {
    }
    %gt3A_328 = arith.constant 2816 : i32
    %gt3A_329 = arith.cmpi sgt, %scan3A_28, %gt3A_328 : i32
    %convert_element_type3A_330 = arith.extui %gt3A_329 : i1 to i32
    %cond3A_331 = arith.constant 0 : i32
    %cond3A_332 = arith.cmpi ne, %convert_element_type3A_330, %cond3A_331 : i32
    scf.if %cond3A_332 {
      %dma_start3A_736 = arith.constant 2816 : i32
      %dma_start3A_737 = tpu.memref_slice %arg16[%dma_start3A_736] : memref<4096xf32, #tpu.memory_space<vmem>> -> memref<128xf32, #tpu.memory_space<vmem>>
      %dma_start3A_738 = arith.constant 2816 : i32
      %dma_start3A_739 = tpu.memref_slice %arg14[%dma_start3A_738] : memref<4096xi32, #tpu.memory_space<vmem>> -> memref<128xi32, #tpu.memory_space<vmem>>
      %dma_start3A_740 = arith.constant 0 : i32
      %dma_start3A_741 = tpu.memref_slice %arg2[%dma_start3A_740] : memref<131072xf32, #tpu.memory_space<hbm>> -> memref<131072xf32, #tpu.memory_space<hbm>>
      tpu.enqueue_indirect_dma source(%dma_start3A_741 : memref<131072xf32, #tpu.memory_space<hbm>>) target(%dma_start3A_737 : memref<128xf32, #tpu.memory_space<vmem>>) offsets(%dma_start3A_739 : memref<128xi32, #tpu.memory_space<vmem>>) semaphore(%arg19 : memref<!tpu.dma_semaphore, #tpu.memory_space<semaphore_mem>>)
    } else {
    }
    %gt3A_333 = arith.constant 2944 : i32
    %gt3A_334 = arith.cmpi sgt, %scan3A_28, %gt3A_333 : i32
    %convert_element_type3A_335 = arith.extui %gt3A_334 : i1 to i32
    %cond3A_336 = arith.constant 0 : i32
    %cond3A_337 = arith.cmpi ne, %convert_element_type3A_335, %cond3A_336 : i32
    scf.if %cond3A_337 {
      %dma_start3A_736 = arith.constant 2944 : i32
      %dma_start3A_737 = tpu.memref_slice %arg16[%dma_start3A_736] : memref<4096xf32, #tpu.memory_space<vmem>> -> memref<128xf32, #tpu.memory_space<vmem>>
      %dma_start3A_738 = arith.constant 2944 : i32
      %dma_start3A_739 = tpu.memref_slice %arg14[%dma_start3A_738] : memref<4096xi32, #tpu.memory_space<vmem>> -> memref<128xi32, #tpu.memory_space<vmem>>
      %dma_start3A_740 = arith.constant 0 : i32
      %dma_start3A_741 = tpu.memref_slice %arg2[%dma_start3A_740] : memref<131072xf32, #tpu.memory_space<hbm>> -> memref<131072xf32, #tpu.memory_space<hbm>>
      tpu.enqueue_indirect_dma source(%dma_start3A_741 : memref<131072xf32, #tpu.memory_space<hbm>>) target(%dma_start3A_737 : memref<128xf32, #tpu.memory_space<vmem>>) offsets(%dma_start3A_739 : memref<128xi32, #tpu.memory_space<vmem>>) semaphore(%arg19 : memref<!tpu.dma_semaphore, #tpu.memory_space<semaphore_mem>>)
    } else {
    }
    %gt3A_338 = arith.constant 3072 : i32
    %gt3A_339 = arith.cmpi sgt, %scan3A_28, %gt3A_338 : i32
    %convert_element_type3A_340 = arith.extui %gt3A_339 : i1 to i32
    %cond3A_341 = arith.constant 0 : i32
    %cond3A_342 = arith.cmpi ne, %convert_element_type3A_340, %cond3A_341 : i32
    scf.if %cond3A_342 {
      %dma_start3A_736 = arith.constant 3072 : i32
      %dma_start3A_737 = tpu.memref_slice %arg16[%dma_start3A_736] : memref<4096xf32, #tpu.memory_space<vmem>> -> memref<128xf32, #tpu.memory_space<vmem>>
      %dma_start3A_738 = arith.constant 3072 : i32
      %dma_start3A_739 = tpu.memref_slice %arg14[%dma_start3A_738] : memref<4096xi32, #tpu.memory_space<vmem>> -> memref<128xi32, #tpu.memory_space<vmem>>
      %dma_start3A_740 = arith.constant 0 : i32
      %dma_start3A_741 = tpu.memref_slice %arg2[%dma_start3A_740] : memref<131072xf32, #tpu.memory_space<hbm>> -> memref<131072xf32, #tpu.memory_space<hbm>>
      tpu.enqueue_indirect_dma source(%dma_start3A_741 : memref<131072xf32, #tpu.memory_space<hbm>>) target(%dma_start3A_737 : memref<128xf32, #tpu.memory_space<vmem>>) offsets(%dma_start3A_739 : memref<128xi32, #tpu.memory_space<vmem>>) semaphore(%arg19 : memref<!tpu.dma_semaphore, #tpu.memory_space<semaphore_mem>>)
    } else {
    }
    %gt3A_343 = arith.constant 3200 : i32
    %gt3A_344 = arith.cmpi sgt, %scan3A_28, %gt3A_343 : i32
    %convert_element_type3A_345 = arith.extui %gt3A_344 : i1 to i32
    %cond3A_346 = arith.constant 0 : i32
    %cond3A_347 = arith.cmpi ne, %convert_element_type3A_345, %cond3A_346 : i32
    scf.if %cond3A_347 {
      %dma_start3A_736 = arith.constant 3200 : i32
      %dma_start3A_737 = tpu.memref_slice %arg16[%dma_start3A_736] : memref<4096xf32, #tpu.memory_space<vmem>> -> memref<128xf32, #tpu.memory_space<vmem>>
      %dma_start3A_738 = arith.constant 3200 : i32
      %dma_start3A_739 = tpu.memref_slice %arg14[%dma_start3A_738] : memref<4096xi32, #tpu.memory_space<vmem>> -> memref<128xi32, #tpu.memory_space<vmem>>
      %dma_start3A_740 = arith.constant 0 : i32
      %dma_start3A_741 = tpu.memref_slice %arg2[%dma_start3A_740] : memref<131072xf32, #tpu.memory_space<hbm>> -> memref<131072xf32, #tpu.memory_space<hbm>>
      tpu.enqueue_indirect_dma source(%dma_start3A_741 : memref<131072xf32, #tpu.memory_space<hbm>>) target(%dma_start3A_737 : memref<128xf32, #tpu.memory_space<vmem>>) offsets(%dma_start3A_739 : memref<128xi32, #tpu.memory_space<vmem>>) semaphore(%arg19 : memref<!tpu.dma_semaphore, #tpu.memory_space<semaphore_mem>>)
    } else {
    }
    %gt3A_348 = arith.constant 3328 : i32
    %gt3A_349 = arith.cmpi sgt, %scan3A_28, %gt3A_348 : i32
    %convert_element_type3A_350 = arith.extui %gt3A_349 : i1 to i32
    %cond3A_351 = arith.constant 0 : i32
    %cond3A_352 = arith.cmpi ne, %convert_element_type3A_350, %cond3A_351 : i32
    scf.if %cond3A_352 {
      %dma_start3A_736 = arith.constant 3328 : i32
      %dma_start3A_737 = tpu.memref_slice %arg16[%dma_start3A_736] : memref<4096xf32, #tpu.memory_space<vmem>> -> memref<128xf32, #tpu.memory_space<vmem>>
      %dma_start3A_738 = arith.constant 3328 : i32
      %dma_start3A_739 = tpu.memref_slice %arg14[%dma_start3A_738] : memref<4096xi32, #tpu.memory_space<vmem>> -> memref<128xi32, #tpu.memory_space<vmem>>
      %dma_start3A_740 = arith.constant 0 : i32
      %dma_start3A_741 = tpu.memref_slice %arg2[%dma_start3A_740] : memref<131072xf32, #tpu.memory_space<hbm>> -> memref<131072xf32, #tpu.memory_space<hbm>>
      tpu.enqueue_indirect_dma source(%dma_start3A_741 : memref<131072xf32, #tpu.memory_space<hbm>>) target(%dma_start3A_737 : memref<128xf32, #tpu.memory_space<vmem>>) offsets(%dma_start3A_739 : memref<128xi32, #tpu.memory_space<vmem>>) semaphore(%arg19 : memref<!tpu.dma_semaphore, #tpu.memory_space<semaphore_mem>>)
    } else {
    }
    %gt3A_353 = arith.constant 3456 : i32
    %gt3A_354 = arith.cmpi sgt, %scan3A_28, %gt3A_353 : i32
    %convert_element_type3A_355 = arith.extui %gt3A_354 : i1 to i32
    %cond3A_356 = arith.constant 0 : i32
    %cond3A_357 = arith.cmpi ne, %convert_element_type3A_355, %cond3A_356 : i32
    scf.if %cond3A_357 {
      %dma_start3A_736 = arith.constant 3456 : i32
      %dma_start3A_737 = tpu.memref_slice %arg16[%dma_start3A_736] : memref<4096xf32, #tpu.memory_space<vmem>> -> memref<128xf32, #tpu.memory_space<vmem>>
      %dma_start3A_738 = arith.constant 3456 : i32
      %dma_start3A_739 = tpu.memref_slice %arg14[%dma_start3A_738] : memref<4096xi32, #tpu.memory_space<vmem>> -> memref<128xi32, #tpu.memory_space<vmem>>
      %dma_start3A_740 = arith.constant 0 : i32
      %dma_start3A_741 = tpu.memref_slice %arg2[%dma_start3A_740] : memref<131072xf32, #tpu.memory_space<hbm>> -> memref<131072xf32, #tpu.memory_space<hbm>>
      tpu.enqueue_indirect_dma source(%dma_start3A_741 : memref<131072xf32, #tpu.memory_space<hbm>>) target(%dma_start3A_737 : memref<128xf32, #tpu.memory_space<vmem>>) offsets(%dma_start3A_739 : memref<128xi32, #tpu.memory_space<vmem>>) semaphore(%arg19 : memref<!tpu.dma_semaphore, #tpu.memory_space<semaphore_mem>>)
    } else {
    }
    %gt3A_358 = arith.constant 3584 : i32
    %gt3A_359 = arith.cmpi sgt, %scan3A_28, %gt3A_358 : i32
    %convert_element_type3A_360 = arith.extui %gt3A_359 : i1 to i32
    %cond3A_361 = arith.constant 0 : i32
    %cond3A_362 = arith.cmpi ne, %convert_element_type3A_360, %cond3A_361 : i32
    scf.if %cond3A_362 {
      %dma_start3A_736 = arith.constant 3584 : i32
      %dma_start3A_737 = tpu.memref_slice %arg16[%dma_start3A_736] : memref<4096xf32, #tpu.memory_space<vmem>> -> memref<128xf32, #tpu.memory_space<vmem>>
      %dma_start3A_738 = arith.constant 3584 : i32
      %dma_start3A_739 = tpu.memref_slice %arg14[%dma_start3A_738] : memref<4096xi32, #tpu.memory_space<vmem>> -> memref<128xi32, #tpu.memory_space<vmem>>
      %dma_start3A_740 = arith.constant 0 : i32
      %dma_start3A_741 = tpu.memref_slice %arg2[%dma_start3A_740] : memref<131072xf32, #tpu.memory_space<hbm>> -> memref<131072xf32, #tpu.memory_space<hbm>>
      tpu.enqueue_indirect_dma source(%dma_start3A_741 : memref<131072xf32, #tpu.memory_space<hbm>>) target(%dma_start3A_737 : memref<128xf32, #tpu.memory_space<vmem>>) offsets(%dma_start3A_739 : memref<128xi32, #tpu.memory_space<vmem>>) semaphore(%arg19 : memref<!tpu.dma_semaphore, #tpu.memory_space<semaphore_mem>>)
    } else {
    }
    %gt3A_363 = arith.constant 3712 : i32
    %gt3A_364 = arith.cmpi sgt, %scan3A_28, %gt3A_363 : i32
    %convert_element_type3A_365 = arith.extui %gt3A_364 : i1 to i32
    %cond3A_366 = arith.constant 0 : i32
    %cond3A_367 = arith.cmpi ne, %convert_element_type3A_365, %cond3A_366 : i32
    scf.if %cond3A_367 {
      %dma_start3A_736 = arith.constant 3712 : i32
      %dma_start3A_737 = tpu.memref_slice %arg16[%dma_start3A_736] : memref<4096xf32, #tpu.memory_space<vmem>> -> memref<128xf32, #tpu.memory_space<vmem>>
      %dma_start3A_738 = arith.constant 3712 : i32
      %dma_start3A_739 = tpu.memref_slice %arg14[%dma_start3A_738] : memref<4096xi32, #tpu.memory_space<vmem>> -> memref<128xi32, #tpu.memory_space<vmem>>
      %dma_start3A_740 = arith.constant 0 : i32
      %dma_start3A_741 = tpu.memref_slice %arg2[%dma_start3A_740] : memref<131072xf32, #tpu.memory_space<hbm>> -> memref<131072xf32, #tpu.memory_space<hbm>>
      tpu.enqueue_indirect_dma source(%dma_start3A_741 : memref<131072xf32, #tpu.memory_space<hbm>>) target(%dma_start3A_737 : memref<128xf32, #tpu.memory_space<vmem>>) offsets(%dma_start3A_739 : memref<128xi32, #tpu.memory_space<vmem>>) semaphore(%arg19 : memref<!tpu.dma_semaphore, #tpu.memory_space<semaphore_mem>>)
    } else {
    }
    %gt3A_368 = arith.constant 3840 : i32
    %gt3A_369 = arith.cmpi sgt, %scan3A_28, %gt3A_368 : i32
    %convert_element_type3A_370 = arith.extui %gt3A_369 : i1 to i32
    %cond3A_371 = arith.constant 0 : i32
    %cond3A_372 = arith.cmpi ne, %convert_element_type3A_370, %cond3A_371 : i32
    scf.if %cond3A_372 {
      %dma_start3A_736 = arith.constant 3840 : i32
      %dma_start3A_737 = tpu.memref_slice %arg16[%dma_start3A_736] : memref<4096xf32, #tpu.memory_space<vmem>> -> memref<128xf32, #tpu.memory_space<vmem>>
      %dma_start3A_738 = arith.constant 3840 : i32
      %dma_start3A_739 = tpu.memref_slice %arg14[%dma_start3A_738] : memref<4096xi32, #tpu.memory_space<vmem>> -> memref<128xi32, #tpu.memory_space<vmem>>
      %dma_start3A_740 = arith.constant 0 : i32
      %dma_start3A_741 = tpu.memref_slice %arg2[%dma_start3A_740] : memref<131072xf32, #tpu.memory_space<hbm>> -> memref<131072xf32, #tpu.memory_space<hbm>>
      tpu.enqueue_indirect_dma source(%dma_start3A_741 : memref<131072xf32, #tpu.memory_space<hbm>>) target(%dma_start3A_737 : memref<128xf32, #tpu.memory_space<vmem>>) offsets(%dma_start3A_739 : memref<128xi32, #tpu.memory_space<vmem>>) semaphore(%arg19 : memref<!tpu.dma_semaphore, #tpu.memory_space<semaphore_mem>>)
    } else {
    }
    %gt3A_373 = arith.constant 3968 : i32
    %gt3A_374 = arith.cmpi sgt, %scan3A_28, %gt3A_373 : i32
    %convert_element_type3A_375 = arith.extui %gt3A_374 : i1 to i32
    %cond3A_376 = arith.constant 0 : i32
    %cond3A_377 = arith.cmpi ne, %convert_element_type3A_375, %cond3A_376 : i32
    scf.if %cond3A_377 {
      %dma_start3A_736 = arith.constant 3968 : i32
      %dma_start3A_737 = tpu.memref_slice %arg16[%dma_start3A_736] : memref<4096xf32, #tpu.memory_space<vmem>> -> memref<128xf32, #tpu.memory_space<vmem>>
      %dma_start3A_738 = arith.constant 3968 : i32
      %dma_start3A_739 = tpu.memref_slice %arg14[%dma_start3A_738] : memref<4096xi32, #tpu.memory_space<vmem>> -> memref<128xi32, #tpu.memory_space<vmem>>
      %dma_start3A_740 = arith.constant 0 : i32
      %dma_start3A_741 = tpu.memref_slice %arg2[%dma_start3A_740] : memref<131072xf32, #tpu.memory_space<hbm>> -> memref<131072xf32, #tpu.memory_space<hbm>>
      tpu.enqueue_indirect_dma source(%dma_start3A_741 : memref<131072xf32, #tpu.memory_space<hbm>>) target(%dma_start3A_737 : memref<128xf32, #tpu.memory_space<vmem>>) offsets(%dma_start3A_739 : memref<128xi32, #tpu.memory_space<vmem>>) semaphore(%arg19 : memref<!tpu.dma_semaphore, #tpu.memory_space<semaphore_mem>>)
    } else {
    }
    %dma_wait3A = arith.constant 0 : i32
    %dma_wait3A_378 = tpu.memref_slice %arg17[%dma_wait3A] : memref<4096xf32, #tpu.memory_space<vmem>> -> memref<128xf32, #tpu.memory_space<vmem>>
    %dma_wait3A_379 = arith.constant 0 : i32
    %dma_wait3A_380 = tpu.memref_slice %arg15[%dma_wait3A_379] : memref<4096xi32, #tpu.memory_space<vmem>> -> memref<128xi32, #tpu.memory_space<vmem>>
    %dma_wait3A_381 = arith.constant 0 : i32
    %dma_wait3A_382 = tpu.memref_slice %arg2[%dma_wait3A_381] : memref<131072xf32, #tpu.memory_space<hbm>> -> memref<131072xf32, #tpu.memory_space<hbm>>
    tpu.wait_indirect_dma semaphore(%arg19 : memref<!tpu.dma_semaphore, #tpu.memory_space<semaphore_mem>>) src(%dma_wait3A_382 : memref<131072xf32, #tpu.memory_space<hbm>>) dst(%dma_wait3A_378 : memref<128xf32, #tpu.memory_space<vmem>>)
    %dma_wait3A_383 = arith.constant 128 : i32
    %dma_wait3A_384 = tpu.memref_slice %arg17[%dma_wait3A_383] : memref<4096xf32, #tpu.memory_space<vmem>> -> memref<128xf32, #tpu.memory_space<vmem>>
    %dma_wait3A_385 = arith.constant 128 : i32
    %dma_wait3A_386 = tpu.memref_slice %arg15[%dma_wait3A_385] : memref<4096xi32, #tpu.memory_space<vmem>> -> memref<128xi32, #tpu.memory_space<vmem>>
    %dma_wait3A_387 = arith.constant 0 : i32
    %dma_wait3A_388 = tpu.memref_slice %arg2[%dma_wait3A_387] : memref<131072xf32, #tpu.memory_space<hbm>> -> memref<131072xf32, #tpu.memory_space<hbm>>
    tpu.wait_indirect_dma semaphore(%arg19 : memref<!tpu.dma_semaphore, #tpu.memory_space<semaphore_mem>>) src(%dma_wait3A_388 : memref<131072xf32, #tpu.memory_space<hbm>>) dst(%dma_wait3A_384 : memref<128xf32, #tpu.memory_space<vmem>>)
    %dma_wait3A_389 = arith.constant 256 : i32
    %dma_wait3A_390 = tpu.memref_slice %arg17[%dma_wait3A_389] : memref<4096xf32, #tpu.memory_space<vmem>> -> memref<128xf32, #tpu.memory_space<vmem>>
    %dma_wait3A_391 = arith.constant 256 : i32
    %dma_wait3A_392 = tpu.memref_slice %arg15[%dma_wait3A_391] : memref<4096xi32, #tpu.memory_space<vmem>> -> memref<128xi32, #tpu.memory_space<vmem>>
    %dma_wait3A_393 = arith.constant 0 : i32
    %dma_wait3A_394 = tpu.memref_slice %arg2[%dma_wait3A_393] : memref<131072xf32, #tpu.memory_space<hbm>> -> memref<131072xf32, #tpu.memory_space<hbm>>
    tpu.wait_indirect_dma semaphore(%arg19 : memref<!tpu.dma_semaphore, #tpu.memory_space<semaphore_mem>>) src(%dma_wait3A_394 : memref<131072xf32, #tpu.memory_space<hbm>>) dst(%dma_wait3A_390 : memref<128xf32, #tpu.memory_space<vmem>>)
    %dma_wait3A_395 = arith.constant 384 : i32
    %dma_wait3A_396 = tpu.memref_slice %arg17[%dma_wait3A_395] : memref<4096xf32, #tpu.memory_space<vmem>> -> memref<128xf32, #tpu.memory_space<vmem>>
    %dma_wait3A_397 = arith.constant 384 : i32
    %dma_wait3A_398 = tpu.memref_slice %arg15[%dma_wait3A_397] : memref<4096xi32, #tpu.memory_space<vmem>> -> memref<128xi32, #tpu.memory_space<vmem>>
    %dma_wait3A_399 = arith.constant 0 : i32
    %dma_wait3A_400 = tpu.memref_slice %arg2[%dma_wait3A_399] : memref<131072xf32, #tpu.memory_space<hbm>> -> memref<131072xf32, #tpu.memory_space<hbm>>
    tpu.wait_indirect_dma semaphore(%arg19 : memref<!tpu.dma_semaphore, #tpu.memory_space<semaphore_mem>>) src(%dma_wait3A_400 : memref<131072xf32, #tpu.memory_space<hbm>>) dst(%dma_wait3A_396 : memref<128xf32, #tpu.memory_space<vmem>>)
    %dma_wait3A_401 = arith.constant 512 : i32
    %dma_wait3A_402 = tpu.memref_slice %arg17[%dma_wait3A_401] : memref<4096xf32, #tpu.memory_space<vmem>> -> memref<128xf32, #tpu.memory_space<vmem>>
    %dma_wait3A_403 = arith.constant 512 : i32
    %dma_wait3A_404 = tpu.memref_slice %arg15[%dma_wait3A_403] : memref<4096xi32, #tpu.memory_space<vmem>> -> memref<128xi32, #tpu.memory_space<vmem>>
    %dma_wait3A_405 = arith.constant 0 : i32
    %dma_wait3A_406 = tpu.memref_slice %arg2[%dma_wait3A_405] : memref<131072xf32, #tpu.memory_space<hbm>> -> memref<131072xf32, #tpu.memory_space<hbm>>
    tpu.wait_indirect_dma semaphore(%arg19 : memref<!tpu.dma_semaphore, #tpu.memory_space<semaphore_mem>>) src(%dma_wait3A_406 : memref<131072xf32, #tpu.memory_space<hbm>>) dst(%dma_wait3A_402 : memref<128xf32, #tpu.memory_space<vmem>>)
    %dma_wait3A_407 = arith.constant 640 : i32
    %dma_wait3A_408 = tpu.memref_slice %arg17[%dma_wait3A_407] : memref<4096xf32, #tpu.memory_space<vmem>> -> memref<128xf32, #tpu.memory_space<vmem>>
    %dma_wait3A_409 = arith.constant 640 : i32
    %dma_wait3A_410 = tpu.memref_slice %arg15[%dma_wait3A_409] : memref<4096xi32, #tpu.memory_space<vmem>> -> memref<128xi32, #tpu.memory_space<vmem>>
    %dma_wait3A_411 = arith.constant 0 : i32
    %dma_wait3A_412 = tpu.memref_slice %arg2[%dma_wait3A_411] : memref<131072xf32, #tpu.memory_space<hbm>> -> memref<131072xf32, #tpu.memory_space<hbm>>
    tpu.wait_indirect_dma semaphore(%arg19 : memref<!tpu.dma_semaphore, #tpu.memory_space<semaphore_mem>>) src(%dma_wait3A_412 : memref<131072xf32, #tpu.memory_space<hbm>>) dst(%dma_wait3A_408 : memref<128xf32, #tpu.memory_space<vmem>>)
    %dma_wait3A_413 = arith.constant 768 : i32
    %dma_wait3A_414 = tpu.memref_slice %arg17[%dma_wait3A_413] : memref<4096xf32, #tpu.memory_space<vmem>> -> memref<128xf32, #tpu.memory_space<vmem>>
    %dma_wait3A_415 = arith.constant 768 : i32
    %dma_wait3A_416 = tpu.memref_slice %arg15[%dma_wait3A_415] : memref<4096xi32, #tpu.memory_space<vmem>> -> memref<128xi32, #tpu.memory_space<vmem>>
    %dma_wait3A_417 = arith.constant 0 : i32
    %dma_wait3A_418 = tpu.memref_slice %arg2[%dma_wait3A_417] : memref<131072xf32, #tpu.memory_space<hbm>> -> memref<131072xf32, #tpu.memory_space<hbm>>
    tpu.wait_indirect_dma semaphore(%arg19 : memref<!tpu.dma_semaphore, #tpu.memory_space<semaphore_mem>>) src(%dma_wait3A_418 : memref<131072xf32, #tpu.memory_space<hbm>>) dst(%dma_wait3A_414 : memref<128xf32, #tpu.memory_space<vmem>>)
    %dma_wait3A_419 = arith.constant 896 : i32
    %dma_wait3A_420 = tpu.memref_slice %arg17[%dma_wait3A_419] : memref<4096xf32, #tpu.memory_space<vmem>> -> memref<128xf32, #tpu.memory_space<vmem>>
    %dma_wait3A_421 = arith.constant 896 : i32
    %dma_wait3A_422 = tpu.memref_slice %arg15[%dma_wait3A_421] : memref<4096xi32, #tpu.memory_space<vmem>> -> memref<128xi32, #tpu.memory_space<vmem>>
    %dma_wait3A_423 = arith.constant 0 : i32
    %dma_wait3A_424 = tpu.memref_slice %arg2[%dma_wait3A_423] : memref<131072xf32, #tpu.memory_space<hbm>> -> memref<131072xf32, #tpu.memory_space<hbm>>
    tpu.wait_indirect_dma semaphore(%arg19 : memref<!tpu.dma_semaphore, #tpu.memory_space<semaphore_mem>>) src(%dma_wait3A_424 : memref<131072xf32, #tpu.memory_space<hbm>>) dst(%dma_wait3A_420 : memref<128xf32, #tpu.memory_space<vmem>>)
    %dma_wait3A_425 = arith.constant 1024 : i32
    %dma_wait3A_426 = tpu.memref_slice %arg17[%dma_wait3A_425] : memref<4096xf32, #tpu.memory_space<vmem>> -> memref<128xf32, #tpu.memory_space<vmem>>
    %dma_wait3A_427 = arith.constant 1024 : i32
    %dma_wait3A_428 = tpu.memref_slice %arg15[%dma_wait3A_427] : memref<4096xi32, #tpu.memory_space<vmem>> -> memref<128xi32, #tpu.memory_space<vmem>>
    %dma_wait3A_429 = arith.constant 0 : i32
    %dma_wait3A_430 = tpu.memref_slice %arg2[%dma_wait3A_429] : memref<131072xf32, #tpu.memory_space<hbm>> -> memref<131072xf32, #tpu.memory_space<hbm>>
    tpu.wait_indirect_dma semaphore(%arg19 : memref<!tpu.dma_semaphore, #tpu.memory_space<semaphore_mem>>) src(%dma_wait3A_430 : memref<131072xf32, #tpu.memory_space<hbm>>) dst(%dma_wait3A_426 : memref<128xf32, #tpu.memory_space<vmem>>)
    %dma_wait3A_431 = arith.constant 1152 : i32
    %dma_wait3A_432 = tpu.memref_slice %arg17[%dma_wait3A_431] : memref<4096xf32, #tpu.memory_space<vmem>> -> memref<128xf32, #tpu.memory_space<vmem>>
    %dma_wait3A_433 = arith.constant 1152 : i32
    %dma_wait3A_434 = tpu.memref_slice %arg15[%dma_wait3A_433] : memref<4096xi32, #tpu.memory_space<vmem>> -> memref<128xi32, #tpu.memory_space<vmem>>
    %dma_wait3A_435 = arith.constant 0 : i32
    %dma_wait3A_436 = tpu.memref_slice %arg2[%dma_wait3A_435] : memref<131072xf32, #tpu.memory_space<hbm>> -> memref<131072xf32, #tpu.memory_space<hbm>>
    tpu.wait_indirect_dma semaphore(%arg19 : memref<!tpu.dma_semaphore, #tpu.memory_space<semaphore_mem>>) src(%dma_wait3A_436 : memref<131072xf32, #tpu.memory_space<hbm>>) dst(%dma_wait3A_432 : memref<128xf32, #tpu.memory_space<vmem>>)
    %dma_wait3A_437 = arith.constant 1280 : i32
    %dma_wait3A_438 = tpu.memref_slice %arg17[%dma_wait3A_437] : memref<4096xf32, #tpu.memory_space<vmem>> -> memref<128xf32, #tpu.memory_space<vmem>>
    %dma_wait3A_439 = arith.constant 1280 : i32
    %dma_wait3A_440 = tpu.memref_slice %arg15[%dma_wait3A_439] : memref<4096xi32, #tpu.memory_space<vmem>> -> memref<128xi32, #tpu.memory_space<vmem>>
    %dma_wait3A_441 = arith.constant 0 : i32
    %dma_wait3A_442 = tpu.memref_slice %arg2[%dma_wait3A_441] : memref<131072xf32, #tpu.memory_space<hbm>> -> memref<131072xf32, #tpu.memory_space<hbm>>
    tpu.wait_indirect_dma semaphore(%arg19 : memref<!tpu.dma_semaphore, #tpu.memory_space<semaphore_mem>>) src(%dma_wait3A_442 : memref<131072xf32, #tpu.memory_space<hbm>>) dst(%dma_wait3A_438 : memref<128xf32, #tpu.memory_space<vmem>>)
    %dma_wait3A_443 = arith.constant 1408 : i32
    %dma_wait3A_444 = tpu.memref_slice %arg17[%dma_wait3A_443] : memref<4096xf32, #tpu.memory_space<vmem>> -> memref<128xf32, #tpu.memory_space<vmem>>
    %dma_wait3A_445 = arith.constant 1408 : i32
    %dma_wait3A_446 = tpu.memref_slice %arg15[%dma_wait3A_445] : memref<4096xi32, #tpu.memory_space<vmem>> -> memref<128xi32, #tpu.memory_space<vmem>>
    %dma_wait3A_447 = arith.constant 0 : i32
    %dma_wait3A_448 = tpu.memref_slice %arg2[%dma_wait3A_447] : memref<131072xf32, #tpu.memory_space<hbm>> -> memref<131072xf32, #tpu.memory_space<hbm>>
    tpu.wait_indirect_dma semaphore(%arg19 : memref<!tpu.dma_semaphore, #tpu.memory_space<semaphore_mem>>) src(%dma_wait3A_448 : memref<131072xf32, #tpu.memory_space<hbm>>) dst(%dma_wait3A_444 : memref<128xf32, #tpu.memory_space<vmem>>)
    %dma_wait3A_449 = arith.constant 1536 : i32
    %dma_wait3A_450 = tpu.memref_slice %arg17[%dma_wait3A_449] : memref<4096xf32, #tpu.memory_space<vmem>> -> memref<128xf32, #tpu.memory_space<vmem>>
    %dma_wait3A_451 = arith.constant 1536 : i32
    %dma_wait3A_452 = tpu.memref_slice %arg15[%dma_wait3A_451] : memref<4096xi32, #tpu.memory_space<vmem>> -> memref<128xi32, #tpu.memory_space<vmem>>
    %dma_wait3A_453 = arith.constant 0 : i32
    %dma_wait3A_454 = tpu.memref_slice %arg2[%dma_wait3A_453] : memref<131072xf32, #tpu.memory_space<hbm>> -> memref<131072xf32, #tpu.memory_space<hbm>>
    tpu.wait_indirect_dma semaphore(%arg19 : memref<!tpu.dma_semaphore, #tpu.memory_space<semaphore_mem>>) src(%dma_wait3A_454 : memref<131072xf32, #tpu.memory_space<hbm>>) dst(%dma_wait3A_450 : memref<128xf32, #tpu.memory_space<vmem>>)
    %dma_wait3A_455 = arith.constant 1664 : i32
    %dma_wait3A_456 = tpu.memref_slice %arg17[%dma_wait3A_455] : memref<4096xf32, #tpu.memory_space<vmem>> -> memref<128xf32, #tpu.memory_space<vmem>>
    %dma_wait3A_457 = arith.constant 1664 : i32
    %dma_wait3A_458 = tpu.memref_slice %arg15[%dma_wait3A_457] : memref<4096xi32, #tpu.memory_space<vmem>> -> memref<128xi32, #tpu.memory_space<vmem>>
    %dma_wait3A_459 = arith.constant 0 : i32
    %dma_wait3A_460 = tpu.memref_slice %arg2[%dma_wait3A_459] : memref<131072xf32, #tpu.memory_space<hbm>> -> memref<131072xf32, #tpu.memory_space<hbm>>
    tpu.wait_indirect_dma semaphore(%arg19 : memref<!tpu.dma_semaphore, #tpu.memory_space<semaphore_mem>>) src(%dma_wait3A_460 : memref<131072xf32, #tpu.memory_space<hbm>>) dst(%dma_wait3A_456 : memref<128xf32, #tpu.memory_space<vmem>>)
    %dma_wait3A_461 = arith.constant 1792 : i32
    %dma_wait3A_462 = tpu.memref_slice %arg17[%dma_wait3A_461] : memref<4096xf32, #tpu.memory_space<vmem>> -> memref<128xf32, #tpu.memory_space<vmem>>
    %dma_wait3A_463 = arith.constant 1792 : i32
    %dma_wait3A_464 = tpu.memref_slice %arg15[%dma_wait3A_463] : memref<4096xi32, #tpu.memory_space<vmem>> -> memref<128xi32, #tpu.memory_space<vmem>>
    %dma_wait3A_465 = arith.constant 0 : i32
    %dma_wait3A_466 = tpu.memref_slice %arg2[%dma_wait3A_465] : memref<131072xf32, #tpu.memory_space<hbm>> -> memref<131072xf32, #tpu.memory_space<hbm>>
    tpu.wait_indirect_dma semaphore(%arg19 : memref<!tpu.dma_semaphore, #tpu.memory_space<semaphore_mem>>) src(%dma_wait3A_466 : memref<131072xf32, #tpu.memory_space<hbm>>) dst(%dma_wait3A_462 : memref<128xf32, #tpu.memory_space<vmem>>)
    %dma_wait3A_467 = arith.constant 1920 : i32
    %dma_wait3A_468 = tpu.memref_slice %arg17[%dma_wait3A_467] : memref<4096xf32, #tpu.memory_space<vmem>> -> memref<128xf32, #tpu.memory_space<vmem>>
    %dma_wait3A_469 = arith.constant 1920 : i32
    %dma_wait3A_470 = tpu.memref_slice %arg15[%dma_wait3A_469] : memref<4096xi32, #tpu.memory_space<vmem>> -> memref<128xi32, #tpu.memory_space<vmem>>
    %dma_wait3A_471 = arith.constant 0 : i32
    %dma_wait3A_472 = tpu.memref_slice %arg2[%dma_wait3A_471] : memref<131072xf32, #tpu.memory_space<hbm>> -> memref<131072xf32, #tpu.memory_space<hbm>>
    tpu.wait_indirect_dma semaphore(%arg19 : memref<!tpu.dma_semaphore, #tpu.memory_space<semaphore_mem>>) src(%dma_wait3A_472 : memref<131072xf32, #tpu.memory_space<hbm>>) dst(%dma_wait3A_468 : memref<128xf32, #tpu.memory_space<vmem>>)
    %dma_wait3A_473 = arith.constant 2048 : i32
    %dma_wait3A_474 = tpu.memref_slice %arg17[%dma_wait3A_473] : memref<4096xf32, #tpu.memory_space<vmem>> -> memref<128xf32, #tpu.memory_space<vmem>>
    %dma_wait3A_475 = arith.constant 2048 : i32
    %dma_wait3A_476 = tpu.memref_slice %arg15[%dma_wait3A_475] : memref<4096xi32, #tpu.memory_space<vmem>> -> memref<128xi32, #tpu.memory_space<vmem>>
    %dma_wait3A_477 = arith.constant 0 : i32
    %dma_wait3A_478 = tpu.memref_slice %arg2[%dma_wait3A_477] : memref<131072xf32, #tpu.memory_space<hbm>> -> memref<131072xf32, #tpu.memory_space<hbm>>
    tpu.wait_indirect_dma semaphore(%arg19 : memref<!tpu.dma_semaphore, #tpu.memory_space<semaphore_mem>>) src(%dma_wait3A_478 : memref<131072xf32, #tpu.memory_space<hbm>>) dst(%dma_wait3A_474 : memref<128xf32, #tpu.memory_space<vmem>>)
    %dma_wait3A_479 = arith.constant 2176 : i32
    %dma_wait3A_480 = tpu.memref_slice %arg17[%dma_wait3A_479] : memref<4096xf32, #tpu.memory_space<vmem>> -> memref<128xf32, #tpu.memory_space<vmem>>
    %dma_wait3A_481 = arith.constant 2176 : i32
    %dma_wait3A_482 = tpu.memref_slice %arg15[%dma_wait3A_481] : memref<4096xi32, #tpu.memory_space<vmem>> -> memref<128xi32, #tpu.memory_space<vmem>>
    %dma_wait3A_483 = arith.constant 0 : i32
    %dma_wait3A_484 = tpu.memref_slice %arg2[%dma_wait3A_483] : memref<131072xf32, #tpu.memory_space<hbm>> -> memref<131072xf32, #tpu.memory_space<hbm>>
    tpu.wait_indirect_dma semaphore(%arg19 : memref<!tpu.dma_semaphore, #tpu.memory_space<semaphore_mem>>) src(%dma_wait3A_484 : memref<131072xf32, #tpu.memory_space<hbm>>) dst(%dma_wait3A_480 : memref<128xf32, #tpu.memory_space<vmem>>)
    %dma_wait3A_485 = arith.constant 2304 : i32
    %dma_wait3A_486 = tpu.memref_slice %arg17[%dma_wait3A_485] : memref<4096xf32, #tpu.memory_space<vmem>> -> memref<128xf32, #tpu.memory_space<vmem>>
    %dma_wait3A_487 = arith.constant 2304 : i32
    %dma_wait3A_488 = tpu.memref_slice %arg15[%dma_wait3A_487] : memref<4096xi32, #tpu.memory_space<vmem>> -> memref<128xi32, #tpu.memory_space<vmem>>
    %dma_wait3A_489 = arith.constant 0 : i32
    %dma_wait3A_490 = tpu.memref_slice %arg2[%dma_wait3A_489] : memref<131072xf32, #tpu.memory_space<hbm>> -> memref<131072xf32, #tpu.memory_space<hbm>>
    tpu.wait_indirect_dma semaphore(%arg19 : memref<!tpu.dma_semaphore, #tpu.memory_space<semaphore_mem>>) src(%dma_wait3A_490 : memref<131072xf32, #tpu.memory_space<hbm>>) dst(%dma_wait3A_486 : memref<128xf32, #tpu.memory_space<vmem>>)
    %dma_wait3A_491 = arith.constant 2432 : i32
    %dma_wait3A_492 = tpu.memref_slice %arg17[%dma_wait3A_491] : memref<4096xf32, #tpu.memory_space<vmem>> -> memref<128xf32, #tpu.memory_space<vmem>>
    %dma_wait3A_493 = arith.constant 2432 : i32
    %dma_wait3A_494 = tpu.memref_slice %arg15[%dma_wait3A_493] : memref<4096xi32, #tpu.memory_space<vmem>> -> memref<128xi32, #tpu.memory_space<vmem>>
    %dma_wait3A_495 = arith.constant 0 : i32
    %dma_wait3A_496 = tpu.memref_slice %arg2[%dma_wait3A_495] : memref<131072xf32, #tpu.memory_space<hbm>> -> memref<131072xf32, #tpu.memory_space<hbm>>
    tpu.wait_indirect_dma semaphore(%arg19 : memref<!tpu.dma_semaphore, #tpu.memory_space<semaphore_mem>>) src(%dma_wait3A_496 : memref<131072xf32, #tpu.memory_space<hbm>>) dst(%dma_wait3A_492 : memref<128xf32, #tpu.memory_space<vmem>>)
    %dma_wait3A_497 = arith.constant 2560 : i32
    %dma_wait3A_498 = tpu.memref_slice %arg17[%dma_wait3A_497] : memref<4096xf32, #tpu.memory_space<vmem>> -> memref<128xf32, #tpu.memory_space<vmem>>
    %dma_wait3A_499 = arith.constant 2560 : i32
    %dma_wait3A_500 = tpu.memref_slice %arg15[%dma_wait3A_499] : memref<4096xi32, #tpu.memory_space<vmem>> -> memref<128xi32, #tpu.memory_space<vmem>>
    %dma_wait3A_501 = arith.constant 0 : i32
    %dma_wait3A_502 = tpu.memref_slice %arg2[%dma_wait3A_501] : memref<131072xf32, #tpu.memory_space<hbm>> -> memref<131072xf32, #tpu.memory_space<hbm>>
    tpu.wait_indirect_dma semaphore(%arg19 : memref<!tpu.dma_semaphore, #tpu.memory_space<semaphore_mem>>) src(%dma_wait3A_502 : memref<131072xf32, #tpu.memory_space<hbm>>) dst(%dma_wait3A_498 : memref<128xf32, #tpu.memory_space<vmem>>)
    %dma_wait3A_503 = arith.constant 2688 : i32
    %dma_wait3A_504 = tpu.memref_slice %arg17[%dma_wait3A_503] : memref<4096xf32, #tpu.memory_space<vmem>> -> memref<128xf32, #tpu.memory_space<vmem>>
    %dma_wait3A_505 = arith.constant 2688 : i32
    %dma_wait3A_506 = tpu.memref_slice %arg15[%dma_wait3A_505] : memref<4096xi32, #tpu.memory_space<vmem>> -> memref<128xi32, #tpu.memory_space<vmem>>
    %dma_wait3A_507 = arith.constant 0 : i32
    %dma_wait3A_508 = tpu.memref_slice %arg2[%dma_wait3A_507] : memref<131072xf32, #tpu.memory_space<hbm>> -> memref<131072xf32, #tpu.memory_space<hbm>>
    tpu.wait_indirect_dma semaphore(%arg19 : memref<!tpu.dma_semaphore, #tpu.memory_space<semaphore_mem>>) src(%dma_wait3A_508 : memref<131072xf32, #tpu.memory_space<hbm>>) dst(%dma_wait3A_504 : memref<128xf32, #tpu.memory_space<vmem>>)
    %dma_wait3A_509 = arith.constant 2816 : i32
    %dma_wait3A_510 = tpu.memref_slice %arg17[%dma_wait3A_509] : memref<4096xf32, #tpu.memory_space<vmem>> -> memref<128xf32, #tpu.memory_space<vmem>>
    %dma_wait3A_511 = arith.constant 2816 : i32
    %dma_wait3A_512 = tpu.memref_slice %arg15[%dma_wait3A_511] : memref<4096xi32, #tpu.memory_space<vmem>> -> memref<128xi32, #tpu.memory_space<vmem>>
    %dma_wait3A_513 = arith.constant 0 : i32
    %dma_wait3A_514 = tpu.memref_slice %arg2[%dma_wait3A_513] : memref<131072xf32, #tpu.memory_space<hbm>> -> memref<131072xf32, #tpu.memory_space<hbm>>
    tpu.wait_indirect_dma semaphore(%arg19 : memref<!tpu.dma_semaphore, #tpu.memory_space<semaphore_mem>>) src(%dma_wait3A_514 : memref<131072xf32, #tpu.memory_space<hbm>>) dst(%dma_wait3A_510 : memref<128xf32, #tpu.memory_space<vmem>>)
    %dma_wait3A_515 = arith.constant 2944 : i32
    %dma_wait3A_516 = tpu.memref_slice %arg17[%dma_wait3A_515] : memref<4096xf32, #tpu.memory_space<vmem>> -> memref<128xf32, #tpu.memory_space<vmem>>
    %dma_wait3A_517 = arith.constant 2944 : i32
    %dma_wait3A_518 = tpu.memref_slice %arg15[%dma_wait3A_517] : memref<4096xi32, #tpu.memory_space<vmem>> -> memref<128xi32, #tpu.memory_space<vmem>>
    %dma_wait3A_519 = arith.constant 0 : i32
    %dma_wait3A_520 = tpu.memref_slice %arg2[%dma_wait3A_519] : memref<131072xf32, #tpu.memory_space<hbm>> -> memref<131072xf32, #tpu.memory_space<hbm>>
    tpu.wait_indirect_dma semaphore(%arg19 : memref<!tpu.dma_semaphore, #tpu.memory_space<semaphore_mem>>) src(%dma_wait3A_520 : memref<131072xf32, #tpu.memory_space<hbm>>) dst(%dma_wait3A_516 : memref<128xf32, #tpu.memory_space<vmem>>)
    %dma_wait3A_521 = arith.constant 3072 : i32
    %dma_wait3A_522 = tpu.memref_slice %arg17[%dma_wait3A_521] : memref<4096xf32, #tpu.memory_space<vmem>> -> memref<128xf32, #tpu.memory_space<vmem>>
    %dma_wait3A_523 = arith.constant 3072 : i32
    %dma_wait3A_524 = tpu.memref_slice %arg15[%dma_wait3A_523] : memref<4096xi32, #tpu.memory_space<vmem>> -> memref<128xi32, #tpu.memory_space<vmem>>
    %dma_wait3A_525 = arith.constant 0 : i32
    %dma_wait3A_526 = tpu.memref_slice %arg2[%dma_wait3A_525] : memref<131072xf32, #tpu.memory_space<hbm>> -> memref<131072xf32, #tpu.memory_space<hbm>>
    tpu.wait_indirect_dma semaphore(%arg19 : memref<!tpu.dma_semaphore, #tpu.memory_space<semaphore_mem>>) src(%dma_wait3A_526 : memref<131072xf32, #tpu.memory_space<hbm>>) dst(%dma_wait3A_522 : memref<128xf32, #tpu.memory_space<vmem>>)
    %dma_wait3A_527 = arith.constant 3200 : i32
    %dma_wait3A_528 = tpu.memref_slice %arg17[%dma_wait3A_527] : memref<4096xf32, #tpu.memory_space<vmem>> -> memref<128xf32, #tpu.memory_space<vmem>>
    %dma_wait3A_529 = arith.constant 3200 : i32
    %dma_wait3A_530 = tpu.memref_slice %arg15[%dma_wait3A_529] : memref<4096xi32, #tpu.memory_space<vmem>> -> memref<128xi32, #tpu.memory_space<vmem>>
    %dma_wait3A_531 = arith.constant 0 : i32
    %dma_wait3A_532 = tpu.memref_slice %arg2[%dma_wait3A_531] : memref<131072xf32, #tpu.memory_space<hbm>> -> memref<131072xf32, #tpu.memory_space<hbm>>
    tpu.wait_indirect_dma semaphore(%arg19 : memref<!tpu.dma_semaphore, #tpu.memory_space<semaphore_mem>>) src(%dma_wait3A_532 : memref<131072xf32, #tpu.memory_space<hbm>>) dst(%dma_wait3A_528 : memref<128xf32, #tpu.memory_space<vmem>>)
    %dma_wait3A_533 = arith.constant 3328 : i32
    %dma_wait3A_534 = tpu.memref_slice %arg17[%dma_wait3A_533] : memref<4096xf32, #tpu.memory_space<vmem>> -> memref<128xf32, #tpu.memory_space<vmem>>
    %dma_wait3A_535 = arith.constant 3328 : i32
    %dma_wait3A_536 = tpu.memref_slice %arg15[%dma_wait3A_535] : memref<4096xi32, #tpu.memory_space<vmem>> -> memref<128xi32, #tpu.memory_space<vmem>>
    %dma_wait3A_537 = arith.constant 0 : i32
    %dma_wait3A_538 = tpu.memref_slice %arg2[%dma_wait3A_537] : memref<131072xf32, #tpu.memory_space<hbm>> -> memref<131072xf32, #tpu.memory_space<hbm>>
    tpu.wait_indirect_dma semaphore(%arg19 : memref<!tpu.dma_semaphore, #tpu.memory_space<semaphore_mem>>) src(%dma_wait3A_538 : memref<131072xf32, #tpu.memory_space<hbm>>) dst(%dma_wait3A_534 : memref<128xf32, #tpu.memory_space<vmem>>)
    %dma_wait3A_539 = arith.constant 3456 : i32
    %dma_wait3A_540 = tpu.memref_slice %arg17[%dma_wait3A_539] : memref<4096xf32, #tpu.memory_space<vmem>> -> memref<128xf32, #tpu.memory_space<vmem>>
    %dma_wait3A_541 = arith.constant 3456 : i32
    %dma_wait3A_542 = tpu.memref_slice %arg15[%dma_wait3A_541] : memref<4096xi32, #tpu.memory_space<vmem>> -> memref<128xi32, #tpu.memory_space<vmem>>
    %dma_wait3A_543 = arith.constant 0 : i32
    %dma_wait3A_544 = tpu.memref_slice %arg2[%dma_wait3A_543] : memref<131072xf32, #tpu.memory_space<hbm>> -> memref<131072xf32, #tpu.memory_space<hbm>>
    tpu.wait_indirect_dma semaphore(%arg19 : memref<!tpu.dma_semaphore, #tpu.memory_space<semaphore_mem>>) src(%dma_wait3A_544 : memref<131072xf32, #tpu.memory_space<hbm>>) dst(%dma_wait3A_540 : memref<128xf32, #tpu.memory_space<vmem>>)
    %dma_wait3A_545 = arith.constant 3584 : i32
    %dma_wait3A_546 = tpu.memref_slice %arg17[%dma_wait3A_545] : memref<4096xf32, #tpu.memory_space<vmem>> -> memref<128xf32, #tpu.memory_space<vmem>>
    %dma_wait3A_547 = arith.constant 3584 : i32
    %dma_wait3A_548 = tpu.memref_slice %arg15[%dma_wait3A_547] : memref<4096xi32, #tpu.memory_space<vmem>> -> memref<128xi32, #tpu.memory_space<vmem>>
    %dma_wait3A_549 = arith.constant 0 : i32
    %dma_wait3A_550 = tpu.memref_slice %arg2[%dma_wait3A_549] : memref<131072xf32, #tpu.memory_space<hbm>> -> memref<131072xf32, #tpu.memory_space<hbm>>
    tpu.wait_indirect_dma semaphore(%arg19 : memref<!tpu.dma_semaphore, #tpu.memory_space<semaphore_mem>>) src(%dma_wait3A_550 : memref<131072xf32, #tpu.memory_space<hbm>>) dst(%dma_wait3A_546 : memref<128xf32, #tpu.memory_space<vmem>>)
    %dma_wait3A_551 = arith.constant 3712 : i32
    %dma_wait3A_552 = tpu.memref_slice %arg17[%dma_wait3A_551] : memref<4096xf32, #tpu.memory_space<vmem>> -> memref<128xf32, #tpu.memory_space<vmem>>
    %dma_wait3A_553 = arith.constant 3712 : i32
    %dma_wait3A_554 = tpu.memref_slice %arg15[%dma_wait3A_553] : memref<4096xi32, #tpu.memory_space<vmem>> -> memref<128xi32, #tpu.memory_space<vmem>>
    %dma_wait3A_555 = arith.constant 0 : i32
    %dma_wait3A_556 = tpu.memref_slice %arg2[%dma_wait3A_555] : memref<131072xf32, #tpu.memory_space<hbm>> -> memref<131072xf32, #tpu.memory_space<hbm>>
    tpu.wait_indirect_dma semaphore(%arg19 : memref<!tpu.dma_semaphore, #tpu.memory_space<semaphore_mem>>) src(%dma_wait3A_556 : memref<131072xf32, #tpu.memory_space<hbm>>) dst(%dma_wait3A_552 : memref<128xf32, #tpu.memory_space<vmem>>)
    %dma_wait3A_557 = arith.constant 3840 : i32
    %dma_wait3A_558 = tpu.memref_slice %arg17[%dma_wait3A_557] : memref<4096xf32, #tpu.memory_space<vmem>> -> memref<128xf32, #tpu.memory_space<vmem>>
    %dma_wait3A_559 = arith.constant 3840 : i32
    %dma_wait3A_560 = tpu.memref_slice %arg15[%dma_wait3A_559] : memref<4096xi32, #tpu.memory_space<vmem>> -> memref<128xi32, #tpu.memory_space<vmem>>
    %dma_wait3A_561 = arith.constant 0 : i32
    %dma_wait3A_562 = tpu.memref_slice %arg2[%dma_wait3A_561] : memref<131072xf32, #tpu.memory_space<hbm>> -> memref<131072xf32, #tpu.memory_space<hbm>>
    tpu.wait_indirect_dma semaphore(%arg19 : memref<!tpu.dma_semaphore, #tpu.memory_space<semaphore_mem>>) src(%dma_wait3A_562 : memref<131072xf32, #tpu.memory_space<hbm>>) dst(%dma_wait3A_558 : memref<128xf32, #tpu.memory_space<vmem>>)
    %dma_wait3A_563 = arith.constant 3968 : i32
    %dma_wait3A_564 = tpu.memref_slice %arg17[%dma_wait3A_563] : memref<4096xf32, #tpu.memory_space<vmem>> -> memref<128xf32, #tpu.memory_space<vmem>>
    %dma_wait3A_565 = arith.constant 3968 : i32
    %dma_wait3A_566 = tpu.memref_slice %arg15[%dma_wait3A_565] : memref<4096xi32, #tpu.memory_space<vmem>> -> memref<128xi32, #tpu.memory_space<vmem>>
    %dma_wait3A_567 = arith.constant 0 : i32
    %dma_wait3A_568 = tpu.memref_slice %arg2[%dma_wait3A_567] : memref<131072xf32, #tpu.memory_space<hbm>> -> memref<131072xf32, #tpu.memory_space<hbm>>
    tpu.wait_indirect_dma semaphore(%arg19 : memref<!tpu.dma_semaphore, #tpu.memory_space<semaphore_mem>>) src(%dma_wait3A_568 : memref<131072xf32, #tpu.memory_space<hbm>>) dst(%dma_wait3A_564 : memref<128xf32, #tpu.memory_space<vmem>>)
    %gt3A_569 = arith.constant 0 : i32
    %gt3A_570 = arith.cmpi sgt, %scan3A_28, %gt3A_569 : i32
    %convert_element_type3A_571 = arith.extui %gt3A_570 : i1 to i32
    %cond3A_572 = arith.constant 0 : i32
    %cond3A_573 = arith.cmpi ne, %convert_element_type3A_571, %cond3A_572 : i32
    scf.if %cond3A_573 {
      %dma_wait3A_736 = arith.constant 0 : i32
      %dma_wait3A_737 = tpu.memref_slice %arg16[%dma_wait3A_736] : memref<4096xf32, #tpu.memory_space<vmem>> -> memref<128xf32, #tpu.memory_space<vmem>>
      %dma_wait3A_738 = arith.constant 0 : i32
      %dma_wait3A_739 = tpu.memref_slice %arg14[%dma_wait3A_738] : memref<4096xi32, #tpu.memory_space<vmem>> -> memref<128xi32, #tpu.memory_space<vmem>>
      %dma_wait3A_740 = arith.constant 0 : i32
      %dma_wait3A_741 = tpu.memref_slice %arg2[%dma_wait3A_740] : memref<131072xf32, #tpu.memory_space<hbm>> -> memref<131072xf32, #tpu.memory_space<hbm>>
      tpu.wait_indirect_dma semaphore(%arg19 : memref<!tpu.dma_semaphore, #tpu.memory_space<semaphore_mem>>) src(%dma_wait3A_741 : memref<131072xf32, #tpu.memory_space<hbm>>) dst(%dma_wait3A_737 : memref<128xf32, #tpu.memory_space<vmem>>)
    } else {
    }
    %gt3A_574 = arith.constant 128 : i32
    %gt3A_575 = arith.cmpi sgt, %scan3A_28, %gt3A_574 : i32
    %convert_element_type3A_576 = arith.extui %gt3A_575 : i1 to i32
    %cond3A_577 = arith.constant 0 : i32
    %cond3A_578 = arith.cmpi ne, %convert_element_type3A_576, %cond3A_577 : i32
    scf.if %cond3A_578 {
      %dma_wait3A_736 = arith.constant 128 : i32
      %dma_wait3A_737 = tpu.memref_slice %arg16[%dma_wait3A_736] : memref<4096xf32, #tpu.memory_space<vmem>> -> memref<128xf32, #tpu.memory_space<vmem>>
      %dma_wait3A_738 = arith.constant 128 : i32
      %dma_wait3A_739 = tpu.memref_slice %arg14[%dma_wait3A_738] : memref<4096xi32, #tpu.memory_space<vmem>> -> memref<128xi32, #tpu.memory_space<vmem>>
      %dma_wait3A_740 = arith.constant 0 : i32
      %dma_wait3A_741 = tpu.memref_slice %arg2[%dma_wait3A_740] : memref<131072xf32, #tpu.memory_space<hbm>> -> memref<131072xf32, #tpu.memory_space<hbm>>
      tpu.wait_indirect_dma semaphore(%arg19 : memref<!tpu.dma_semaphore, #tpu.memory_space<semaphore_mem>>) src(%dma_wait3A_741 : memref<131072xf32, #tpu.memory_space<hbm>>) dst(%dma_wait3A_737 : memref<128xf32, #tpu.memory_space<vmem>>)
    } else {
    }
    %gt3A_579 = arith.constant 256 : i32
    %gt3A_580 = arith.cmpi sgt, %scan3A_28, %gt3A_579 : i32
    %convert_element_type3A_581 = arith.extui %gt3A_580 : i1 to i32
    %cond3A_582 = arith.constant 0 : i32
    %cond3A_583 = arith.cmpi ne, %convert_element_type3A_581, %cond3A_582 : i32
    scf.if %cond3A_583 {
      %dma_wait3A_736 = arith.constant 256 : i32
      %dma_wait3A_737 = tpu.memref_slice %arg16[%dma_wait3A_736] : memref<4096xf32, #tpu.memory_space<vmem>> -> memref<128xf32, #tpu.memory_space<vmem>>
      %dma_wait3A_738 = arith.constant 256 : i32
      %dma_wait3A_739 = tpu.memref_slice %arg14[%dma_wait3A_738] : memref<4096xi32, #tpu.memory_space<vmem>> -> memref<128xi32, #tpu.memory_space<vmem>>
      %dma_wait3A_740 = arith.constant 0 : i32
      %dma_wait3A_741 = tpu.memref_slice %arg2[%dma_wait3A_740] : memref<131072xf32, #tpu.memory_space<hbm>> -> memref<131072xf32, #tpu.memory_space<hbm>>
      tpu.wait_indirect_dma semaphore(%arg19 : memref<!tpu.dma_semaphore, #tpu.memory_space<semaphore_mem>>) src(%dma_wait3A_741 : memref<131072xf32, #tpu.memory_space<hbm>>) dst(%dma_wait3A_737 : memref<128xf32, #tpu.memory_space<vmem>>)
    } else {
    }
    %gt3A_584 = arith.constant 384 : i32
    %gt3A_585 = arith.cmpi sgt, %scan3A_28, %gt3A_584 : i32
    %convert_element_type3A_586 = arith.extui %gt3A_585 : i1 to i32
    %cond3A_587 = arith.constant 0 : i32
    %cond3A_588 = arith.cmpi ne, %convert_element_type3A_586, %cond3A_587 : i32
    scf.if %cond3A_588 {
      %dma_wait3A_736 = arith.constant 384 : i32
      %dma_wait3A_737 = tpu.memref_slice %arg16[%dma_wait3A_736] : memref<4096xf32, #tpu.memory_space<vmem>> -> memref<128xf32, #tpu.memory_space<vmem>>
      %dma_wait3A_738 = arith.constant 384 : i32
      %dma_wait3A_739 = tpu.memref_slice %arg14[%dma_wait3A_738] : memref<4096xi32, #tpu.memory_space<vmem>> -> memref<128xi32, #tpu.memory_space<vmem>>
      %dma_wait3A_740 = arith.constant 0 : i32
      %dma_wait3A_741 = tpu.memref_slice %arg2[%dma_wait3A_740] : memref<131072xf32, #tpu.memory_space<hbm>> -> memref<131072xf32, #tpu.memory_space<hbm>>
      tpu.wait_indirect_dma semaphore(%arg19 : memref<!tpu.dma_semaphore, #tpu.memory_space<semaphore_mem>>) src(%dma_wait3A_741 : memref<131072xf32, #tpu.memory_space<hbm>>) dst(%dma_wait3A_737 : memref<128xf32, #tpu.memory_space<vmem>>)
    } else {
    }
    %gt3A_589 = arith.constant 512 : i32
    %gt3A_590 = arith.cmpi sgt, %scan3A_28, %gt3A_589 : i32
    %convert_element_type3A_591 = arith.extui %gt3A_590 : i1 to i32
    %cond3A_592 = arith.constant 0 : i32
    %cond3A_593 = arith.cmpi ne, %convert_element_type3A_591, %cond3A_592 : i32
    scf.if %cond3A_593 {
      %dma_wait3A_736 = arith.constant 512 : i32
      %dma_wait3A_737 = tpu.memref_slice %arg16[%dma_wait3A_736] : memref<4096xf32, #tpu.memory_space<vmem>> -> memref<128xf32, #tpu.memory_space<vmem>>
      %dma_wait3A_738 = arith.constant 512 : i32
      %dma_wait3A_739 = tpu.memref_slice %arg14[%dma_wait3A_738] : memref<4096xi32, #tpu.memory_space<vmem>> -> memref<128xi32, #tpu.memory_space<vmem>>
      %dma_wait3A_740 = arith.constant 0 : i32
      %dma_wait3A_741 = tpu.memref_slice %arg2[%dma_wait3A_740] : memref<131072xf32, #tpu.memory_space<hbm>> -> memref<131072xf32, #tpu.memory_space<hbm>>
      tpu.wait_indirect_dma semaphore(%arg19 : memref<!tpu.dma_semaphore, #tpu.memory_space<semaphore_mem>>) src(%dma_wait3A_741 : memref<131072xf32, #tpu.memory_space<hbm>>) dst(%dma_wait3A_737 : memref<128xf32, #tpu.memory_space<vmem>>)
    } else {
    }
    %gt3A_594 = arith.constant 640 : i32
    %gt3A_595 = arith.cmpi sgt, %scan3A_28, %gt3A_594 : i32
    %convert_element_type3A_596 = arith.extui %gt3A_595 : i1 to i32
    %cond3A_597 = arith.constant 0 : i32
    %cond3A_598 = arith.cmpi ne, %convert_element_type3A_596, %cond3A_597 : i32
    scf.if %cond3A_598 {
      %dma_wait3A_736 = arith.constant 640 : i32
      %dma_wait3A_737 = tpu.memref_slice %arg16[%dma_wait3A_736] : memref<4096xf32, #tpu.memory_space<vmem>> -> memref<128xf32, #tpu.memory_space<vmem>>
      %dma_wait3A_738 = arith.constant 640 : i32
      %dma_wait3A_739 = tpu.memref_slice %arg14[%dma_wait3A_738] : memref<4096xi32, #tpu.memory_space<vmem>> -> memref<128xi32, #tpu.memory_space<vmem>>
      %dma_wait3A_740 = arith.constant 0 : i32
      %dma_wait3A_741 = tpu.memref_slice %arg2[%dma_wait3A_740] : memref<131072xf32, #tpu.memory_space<hbm>> -> memref<131072xf32, #tpu.memory_space<hbm>>
      tpu.wait_indirect_dma semaphore(%arg19 : memref<!tpu.dma_semaphore, #tpu.memory_space<semaphore_mem>>) src(%dma_wait3A_741 : memref<131072xf32, #tpu.memory_space<hbm>>) dst(%dma_wait3A_737 : memref<128xf32, #tpu.memory_space<vmem>>)
    } else {
    }
    %gt3A_599 = arith.constant 768 : i32
    %gt3A_600 = arith.cmpi sgt, %scan3A_28, %gt3A_599 : i32
    %convert_element_type3A_601 = arith.extui %gt3A_600 : i1 to i32
    %cond3A_602 = arith.constant 0 : i32
    %cond3A_603 = arith.cmpi ne, %convert_element_type3A_601, %cond3A_602 : i32
    scf.if %cond3A_603 {
      %dma_wait3A_736 = arith.constant 768 : i32
      %dma_wait3A_737 = tpu.memref_slice %arg16[%dma_wait3A_736] : memref<4096xf32, #tpu.memory_space<vmem>> -> memref<128xf32, #tpu.memory_space<vmem>>
      %dma_wait3A_738 = arith.constant 768 : i32
      %dma_wait3A_739 = tpu.memref_slice %arg14[%dma_wait3A_738] : memref<4096xi32, #tpu.memory_space<vmem>> -> memref<128xi32, #tpu.memory_space<vmem>>
      %dma_wait3A_740 = arith.constant 0 : i32
      %dma_wait3A_741 = tpu.memref_slice %arg2[%dma_wait3A_740] : memref<131072xf32, #tpu.memory_space<hbm>> -> memref<131072xf32, #tpu.memory_space<hbm>>
      tpu.wait_indirect_dma semaphore(%arg19 : memref<!tpu.dma_semaphore, #tpu.memory_space<semaphore_mem>>) src(%dma_wait3A_741 : memref<131072xf32, #tpu.memory_space<hbm>>) dst(%dma_wait3A_737 : memref<128xf32, #tpu.memory_space<vmem>>)
    } else {
    }
    %gt3A_604 = arith.constant 896 : i32
    %gt3A_605 = arith.cmpi sgt, %scan3A_28, %gt3A_604 : i32
    %convert_element_type3A_606 = arith.extui %gt3A_605 : i1 to i32
    %cond3A_607 = arith.constant 0 : i32
    %cond3A_608 = arith.cmpi ne, %convert_element_type3A_606, %cond3A_607 : i32
    scf.if %cond3A_608 {
      %dma_wait3A_736 = arith.constant 896 : i32
      %dma_wait3A_737 = tpu.memref_slice %arg16[%dma_wait3A_736] : memref<4096xf32, #tpu.memory_space<vmem>> -> memref<128xf32, #tpu.memory_space<vmem>>
      %dma_wait3A_738 = arith.constant 896 : i32
      %dma_wait3A_739 = tpu.memref_slice %arg14[%dma_wait3A_738] : memref<4096xi32, #tpu.memory_space<vmem>> -> memref<128xi32, #tpu.memory_space<vmem>>
      %dma_wait3A_740 = arith.constant 0 : i32
      %dma_wait3A_741 = tpu.memref_slice %arg2[%dma_wait3A_740] : memref<131072xf32, #tpu.memory_space<hbm>> -> memref<131072xf32, #tpu.memory_space<hbm>>
      tpu.wait_indirect_dma semaphore(%arg19 : memref<!tpu.dma_semaphore, #tpu.memory_space<semaphore_mem>>) src(%dma_wait3A_741 : memref<131072xf32, #tpu.memory_space<hbm>>) dst(%dma_wait3A_737 : memref<128xf32, #tpu.memory_space<vmem>>)
    } else {
    }
    %gt3A_609 = arith.constant 1024 : i32
    %gt3A_610 = arith.cmpi sgt, %scan3A_28, %gt3A_609 : i32
    %convert_element_type3A_611 = arith.extui %gt3A_610 : i1 to i32
    %cond3A_612 = arith.constant 0 : i32
    %cond3A_613 = arith.cmpi ne, %convert_element_type3A_611, %cond3A_612 : i32
    scf.if %cond3A_613 {
      %dma_wait3A_736 = arith.constant 1024 : i32
      %dma_wait3A_737 = tpu.memref_slice %arg16[%dma_wait3A_736] : memref<4096xf32, #tpu.memory_space<vmem>> -> memref<128xf32, #tpu.memory_space<vmem>>
      %dma_wait3A_738 = arith.constant 1024 : i32
      %dma_wait3A_739 = tpu.memref_slice %arg14[%dma_wait3A_738] : memref<4096xi32, #tpu.memory_space<vmem>> -> memref<128xi32, #tpu.memory_space<vmem>>
      %dma_wait3A_740 = arith.constant 0 : i32
      %dma_wait3A_741 = tpu.memref_slice %arg2[%dma_wait3A_740] : memref<131072xf32, #tpu.memory_space<hbm>> -> memref<131072xf32, #tpu.memory_space<hbm>>
      tpu.wait_indirect_dma semaphore(%arg19 : memref<!tpu.dma_semaphore, #tpu.memory_space<semaphore_mem>>) src(%dma_wait3A_741 : memref<131072xf32, #tpu.memory_space<hbm>>) dst(%dma_wait3A_737 : memref<128xf32, #tpu.memory_space<vmem>>)
    } else {
    }
    %gt3A_614 = arith.constant 1152 : i32
    %gt3A_615 = arith.cmpi sgt, %scan3A_28, %gt3A_614 : i32
    %convert_element_type3A_616 = arith.extui %gt3A_615 : i1 to i32
    %cond3A_617 = arith.constant 0 : i32
    %cond3A_618 = arith.cmpi ne, %convert_element_type3A_616, %cond3A_617 : i32
    scf.if %cond3A_618 {
      %dma_wait3A_736 = arith.constant 1152 : i32
      %dma_wait3A_737 = tpu.memref_slice %arg16[%dma_wait3A_736] : memref<4096xf32, #tpu.memory_space<vmem>> -> memref<128xf32, #tpu.memory_space<vmem>>
      %dma_wait3A_738 = arith.constant 1152 : i32
      %dma_wait3A_739 = tpu.memref_slice %arg14[%dma_wait3A_738] : memref<4096xi32, #tpu.memory_space<vmem>> -> memref<128xi32, #tpu.memory_space<vmem>>
      %dma_wait3A_740 = arith.constant 0 : i32
      %dma_wait3A_741 = tpu.memref_slice %arg2[%dma_wait3A_740] : memref<131072xf32, #tpu.memory_space<hbm>> -> memref<131072xf32, #tpu.memory_space<hbm>>
      tpu.wait_indirect_dma semaphore(%arg19 : memref<!tpu.dma_semaphore, #tpu.memory_space<semaphore_mem>>) src(%dma_wait3A_741 : memref<131072xf32, #tpu.memory_space<hbm>>) dst(%dma_wait3A_737 : memref<128xf32, #tpu.memory_space<vmem>>)
    } else {
    }
    %gt3A_619 = arith.constant 1280 : i32
    %gt3A_620 = arith.cmpi sgt, %scan3A_28, %gt3A_619 : i32
    %convert_element_type3A_621 = arith.extui %gt3A_620 : i1 to i32
    %cond3A_622 = arith.constant 0 : i32
    %cond3A_623 = arith.cmpi ne, %convert_element_type3A_621, %cond3A_622 : i32
    scf.if %cond3A_623 {
      %dma_wait3A_736 = arith.constant 1280 : i32
      %dma_wait3A_737 = tpu.memref_slice %arg16[%dma_wait3A_736] : memref<4096xf32, #tpu.memory_space<vmem>> -> memref<128xf32, #tpu.memory_space<vmem>>
      %dma_wait3A_738 = arith.constant 1280 : i32
      %dma_wait3A_739 = tpu.memref_slice %arg14[%dma_wait3A_738] : memref<4096xi32, #tpu.memory_space<vmem>> -> memref<128xi32, #tpu.memory_space<vmem>>
      %dma_wait3A_740 = arith.constant 0 : i32
      %dma_wait3A_741 = tpu.memref_slice %arg2[%dma_wait3A_740] : memref<131072xf32, #tpu.memory_space<hbm>> -> memref<131072xf32, #tpu.memory_space<hbm>>
      tpu.wait_indirect_dma semaphore(%arg19 : memref<!tpu.dma_semaphore, #tpu.memory_space<semaphore_mem>>) src(%dma_wait3A_741 : memref<131072xf32, #tpu.memory_space<hbm>>) dst(%dma_wait3A_737 : memref<128xf32, #tpu.memory_space<vmem>>)
    } else {
    }
    %gt3A_624 = arith.constant 1408 : i32
    %gt3A_625 = arith.cmpi sgt, %scan3A_28, %gt3A_624 : i32
    %convert_element_type3A_626 = arith.extui %gt3A_625 : i1 to i32
    %cond3A_627 = arith.constant 0 : i32
    %cond3A_628 = arith.cmpi ne, %convert_element_type3A_626, %cond3A_627 : i32
    scf.if %cond3A_628 {
      %dma_wait3A_736 = arith.constant 1408 : i32
      %dma_wait3A_737 = tpu.memref_slice %arg16[%dma_wait3A_736] : memref<4096xf32, #tpu.memory_space<vmem>> -> memref<128xf32, #tpu.memory_space<vmem>>
      %dma_wait3A_738 = arith.constant 1408 : i32
      %dma_wait3A_739 = tpu.memref_slice %arg14[%dma_wait3A_738] : memref<4096xi32, #tpu.memory_space<vmem>> -> memref<128xi32, #tpu.memory_space<vmem>>
      %dma_wait3A_740 = arith.constant 0 : i32
      %dma_wait3A_741 = tpu.memref_slice %arg2[%dma_wait3A_740] : memref<131072xf32, #tpu.memory_space<hbm>> -> memref<131072xf32, #tpu.memory_space<hbm>>
      tpu.wait_indirect_dma semaphore(%arg19 : memref<!tpu.dma_semaphore, #tpu.memory_space<semaphore_mem>>) src(%dma_wait3A_741 : memref<131072xf32, #tpu.memory_space<hbm>>) dst(%dma_wait3A_737 : memref<128xf32, #tpu.memory_space<vmem>>)
    } else {
    }
    %gt3A_629 = arith.constant 1536 : i32
    %gt3A_630 = arith.cmpi sgt, %scan3A_28, %gt3A_629 : i32
    %convert_element_type3A_631 = arith.extui %gt3A_630 : i1 to i32
    %cond3A_632 = arith.constant 0 : i32
    %cond3A_633 = arith.cmpi ne, %convert_element_type3A_631, %cond3A_632 : i32
    scf.if %cond3A_633 {
      %dma_wait3A_736 = arith.constant 1536 : i32
      %dma_wait3A_737 = tpu.memref_slice %arg16[%dma_wait3A_736] : memref<4096xf32, #tpu.memory_space<vmem>> -> memref<128xf32, #tpu.memory_space<vmem>>
      %dma_wait3A_738 = arith.constant 1536 : i32
      %dma_wait3A_739 = tpu.memref_slice %arg14[%dma_wait3A_738] : memref<4096xi32, #tpu.memory_space<vmem>> -> memref<128xi32, #tpu.memory_space<vmem>>
      %dma_wait3A_740 = arith.constant 0 : i32
      %dma_wait3A_741 = tpu.memref_slice %arg2[%dma_wait3A_740] : memref<131072xf32, #tpu.memory_space<hbm>> -> memref<131072xf32, #tpu.memory_space<hbm>>
      tpu.wait_indirect_dma semaphore(%arg19 : memref<!tpu.dma_semaphore, #tpu.memory_space<semaphore_mem>>) src(%dma_wait3A_741 : memref<131072xf32, #tpu.memory_space<hbm>>) dst(%dma_wait3A_737 : memref<128xf32, #tpu.memory_space<vmem>>)
    } else {
    }
    %gt3A_634 = arith.constant 1664 : i32
    %gt3A_635 = arith.cmpi sgt, %scan3A_28, %gt3A_634 : i32
    %convert_element_type3A_636 = arith.extui %gt3A_635 : i1 to i32
    %cond3A_637 = arith.constant 0 : i32
    %cond3A_638 = arith.cmpi ne, %convert_element_type3A_636, %cond3A_637 : i32
    scf.if %cond3A_638 {
      %dma_wait3A_736 = arith.constant 1664 : i32
      %dma_wait3A_737 = tpu.memref_slice %arg16[%dma_wait3A_736] : memref<4096xf32, #tpu.memory_space<vmem>> -> memref<128xf32, #tpu.memory_space<vmem>>
      %dma_wait3A_738 = arith.constant 1664 : i32
      %dma_wait3A_739 = tpu.memref_slice %arg14[%dma_wait3A_738] : memref<4096xi32, #tpu.memory_space<vmem>> -> memref<128xi32, #tpu.memory_space<vmem>>
      %dma_wait3A_740 = arith.constant 0 : i32
      %dma_wait3A_741 = tpu.memref_slice %arg2[%dma_wait3A_740] : memref<131072xf32, #tpu.memory_space<hbm>> -> memref<131072xf32, #tpu.memory_space<hbm>>
      tpu.wait_indirect_dma semaphore(%arg19 : memref<!tpu.dma_semaphore, #tpu.memory_space<semaphore_mem>>) src(%dma_wait3A_741 : memref<131072xf32, #tpu.memory_space<hbm>>) dst(%dma_wait3A_737 : memref<128xf32, #tpu.memory_space<vmem>>)
    } else {
    }
    %gt3A_639 = arith.constant 1792 : i32
    %gt3A_640 = arith.cmpi sgt, %scan3A_28, %gt3A_639 : i32
    %convert_element_type3A_641 = arith.extui %gt3A_640 : i1 to i32
    %cond3A_642 = arith.constant 0 : i32
    %cond3A_643 = arith.cmpi ne, %convert_element_type3A_641, %cond3A_642 : i32
    scf.if %cond3A_643 {
      %dma_wait3A_736 = arith.constant 1792 : i32
      %dma_wait3A_737 = tpu.memref_slice %arg16[%dma_wait3A_736] : memref<4096xf32, #tpu.memory_space<vmem>> -> memref<128xf32, #tpu.memory_space<vmem>>
      %dma_wait3A_738 = arith.constant 1792 : i32
      %dma_wait3A_739 = tpu.memref_slice %arg14[%dma_wait3A_738] : memref<4096xi32, #tpu.memory_space<vmem>> -> memref<128xi32, #tpu.memory_space<vmem>>
      %dma_wait3A_740 = arith.constant 0 : i32
      %dma_wait3A_741 = tpu.memref_slice %arg2[%dma_wait3A_740] : memref<131072xf32, #tpu.memory_space<hbm>> -> memref<131072xf32, #tpu.memory_space<hbm>>
      tpu.wait_indirect_dma semaphore(%arg19 : memref<!tpu.dma_semaphore, #tpu.memory_space<semaphore_mem>>) src(%dma_wait3A_741 : memref<131072xf32, #tpu.memory_space<hbm>>) dst(%dma_wait3A_737 : memref<128xf32, #tpu.memory_space<vmem>>)
    } else {
    }
    %gt3A_644 = arith.constant 1920 : i32
    %gt3A_645 = arith.cmpi sgt, %scan3A_28, %gt3A_644 : i32
    %convert_element_type3A_646 = arith.extui %gt3A_645 : i1 to i32
    %cond3A_647 = arith.constant 0 : i32
    %cond3A_648 = arith.cmpi ne, %convert_element_type3A_646, %cond3A_647 : i32
    scf.if %cond3A_648 {
      %dma_wait3A_736 = arith.constant 1920 : i32
      %dma_wait3A_737 = tpu.memref_slice %arg16[%dma_wait3A_736] : memref<4096xf32, #tpu.memory_space<vmem>> -> memref<128xf32, #tpu.memory_space<vmem>>
      %dma_wait3A_738 = arith.constant 1920 : i32
      %dma_wait3A_739 = tpu.memref_slice %arg14[%dma_wait3A_738] : memref<4096xi32, #tpu.memory_space<vmem>> -> memref<128xi32, #tpu.memory_space<vmem>>
      %dma_wait3A_740 = arith.constant 0 : i32
      %dma_wait3A_741 = tpu.memref_slice %arg2[%dma_wait3A_740] : memref<131072xf32, #tpu.memory_space<hbm>> -> memref<131072xf32, #tpu.memory_space<hbm>>
      tpu.wait_indirect_dma semaphore(%arg19 : memref<!tpu.dma_semaphore, #tpu.memory_space<semaphore_mem>>) src(%dma_wait3A_741 : memref<131072xf32, #tpu.memory_space<hbm>>) dst(%dma_wait3A_737 : memref<128xf32, #tpu.memory_space<vmem>>)
    } else {
    }
    %gt3A_649 = arith.constant 2048 : i32
    %gt3A_650 = arith.cmpi sgt, %scan3A_28, %gt3A_649 : i32
    %convert_element_type3A_651 = arith.extui %gt3A_650 : i1 to i32
    %cond3A_652 = arith.constant 0 : i32
    %cond3A_653 = arith.cmpi ne, %convert_element_type3A_651, %cond3A_652 : i32
    scf.if %cond3A_653 {
      %dma_wait3A_736 = arith.constant 2048 : i32
      %dma_wait3A_737 = tpu.memref_slice %arg16[%dma_wait3A_736] : memref<4096xf32, #tpu.memory_space<vmem>> -> memref<128xf32, #tpu.memory_space<vmem>>
      %dma_wait3A_738 = arith.constant 2048 : i32
      %dma_wait3A_739 = tpu.memref_slice %arg14[%dma_wait3A_738] : memref<4096xi32, #tpu.memory_space<vmem>> -> memref<128xi32, #tpu.memory_space<vmem>>
      %dma_wait3A_740 = arith.constant 0 : i32
      %dma_wait3A_741 = tpu.memref_slice %arg2[%dma_wait3A_740] : memref<131072xf32, #tpu.memory_space<hbm>> -> memref<131072xf32, #tpu.memory_space<hbm>>
      tpu.wait_indirect_dma semaphore(%arg19 : memref<!tpu.dma_semaphore, #tpu.memory_space<semaphore_mem>>) src(%dma_wait3A_741 : memref<131072xf32, #tpu.memory_space<hbm>>) dst(%dma_wait3A_737 : memref<128xf32, #tpu.memory_space<vmem>>)
    } else {
    }
    %gt3A_654 = arith.constant 2176 : i32
    %gt3A_655 = arith.cmpi sgt, %scan3A_28, %gt3A_654 : i32
    %convert_element_type3A_656 = arith.extui %gt3A_655 : i1 to i32
    %cond3A_657 = arith.constant 0 : i32
    %cond3A_658 = arith.cmpi ne, %convert_element_type3A_656, %cond3A_657 : i32
    scf.if %cond3A_658 {
      %dma_wait3A_736 = arith.constant 2176 : i32
      %dma_wait3A_737 = tpu.memref_slice %arg16[%dma_wait3A_736] : memref<4096xf32, #tpu.memory_space<vmem>> -> memref<128xf32, #tpu.memory_space<vmem>>
      %dma_wait3A_738 = arith.constant 2176 : i32
      %dma_wait3A_739 = tpu.memref_slice %arg14[%dma_wait3A_738] : memref<4096xi32, #tpu.memory_space<vmem>> -> memref<128xi32, #tpu.memory_space<vmem>>
      %dma_wait3A_740 = arith.constant 0 : i32
      %dma_wait3A_741 = tpu.memref_slice %arg2[%dma_wait3A_740] : memref<131072xf32, #tpu.memory_space<hbm>> -> memref<131072xf32, #tpu.memory_space<hbm>>
      tpu.wait_indirect_dma semaphore(%arg19 : memref<!tpu.dma_semaphore, #tpu.memory_space<semaphore_mem>>) src(%dma_wait3A_741 : memref<131072xf32, #tpu.memory_space<hbm>>) dst(%dma_wait3A_737 : memref<128xf32, #tpu.memory_space<vmem>>)
    } else {
    }
    %gt3A_659 = arith.constant 2304 : i32
    %gt3A_660 = arith.cmpi sgt, %scan3A_28, %gt3A_659 : i32
    %convert_element_type3A_661 = arith.extui %gt3A_660 : i1 to i32
    %cond3A_662 = arith.constant 0 : i32
    %cond3A_663 = arith.cmpi ne, %convert_element_type3A_661, %cond3A_662 : i32
    scf.if %cond3A_663 {
      %dma_wait3A_736 = arith.constant 2304 : i32
      %dma_wait3A_737 = tpu.memref_slice %arg16[%dma_wait3A_736] : memref<4096xf32, #tpu.memory_space<vmem>> -> memref<128xf32, #tpu.memory_space<vmem>>
      %dma_wait3A_738 = arith.constant 2304 : i32
      %dma_wait3A_739 = tpu.memref_slice %arg14[%dma_wait3A_738] : memref<4096xi32, #tpu.memory_space<vmem>> -> memref<128xi32, #tpu.memory_space<vmem>>
      %dma_wait3A_740 = arith.constant 0 : i32
      %dma_wait3A_741 = tpu.memref_slice %arg2[%dma_wait3A_740] : memref<131072xf32, #tpu.memory_space<hbm>> -> memref<131072xf32, #tpu.memory_space<hbm>>
      tpu.wait_indirect_dma semaphore(%arg19 : memref<!tpu.dma_semaphore, #tpu.memory_space<semaphore_mem>>) src(%dma_wait3A_741 : memref<131072xf32, #tpu.memory_space<hbm>>) dst(%dma_wait3A_737 : memref<128xf32, #tpu.memory_space<vmem>>)
    } else {
    }
    %gt3A_664 = arith.constant 2432 : i32
    %gt3A_665 = arith.cmpi sgt, %scan3A_28, %gt3A_664 : i32
    %convert_element_type3A_666 = arith.extui %gt3A_665 : i1 to i32
    %cond3A_667 = arith.constant 0 : i32
    %cond3A_668 = arith.cmpi ne, %convert_element_type3A_666, %cond3A_667 : i32
    scf.if %cond3A_668 {
      %dma_wait3A_736 = arith.constant 2432 : i32
      %dma_wait3A_737 = tpu.memref_slice %arg16[%dma_wait3A_736] : memref<4096xf32, #tpu.memory_space<vmem>> -> memref<128xf32, #tpu.memory_space<vmem>>
      %dma_wait3A_738 = arith.constant 2432 : i32
      %dma_wait3A_739 = tpu.memref_slice %arg14[%dma_wait3A_738] : memref<4096xi32, #tpu.memory_space<vmem>> -> memref<128xi32, #tpu.memory_space<vmem>>
      %dma_wait3A_740 = arith.constant 0 : i32
      %dma_wait3A_741 = tpu.memref_slice %arg2[%dma_wait3A_740] : memref<131072xf32, #tpu.memory_space<hbm>> -> memref<131072xf32, #tpu.memory_space<hbm>>
      tpu.wait_indirect_dma semaphore(%arg19 : memref<!tpu.dma_semaphore, #tpu.memory_space<semaphore_mem>>) src(%dma_wait3A_741 : memref<131072xf32, #tpu.memory_space<hbm>>) dst(%dma_wait3A_737 : memref<128xf32, #tpu.memory_space<vmem>>)
    } else {
    }
    %gt3A_669 = arith.constant 2560 : i32
    %gt3A_670 = arith.cmpi sgt, %scan3A_28, %gt3A_669 : i32
    %convert_element_type3A_671 = arith.extui %gt3A_670 : i1 to i32
    %cond3A_672 = arith.constant 0 : i32
    %cond3A_673 = arith.cmpi ne, %convert_element_type3A_671, %cond3A_672 : i32
    scf.if %cond3A_673 {
      %dma_wait3A_736 = arith.constant 2560 : i32
      %dma_wait3A_737 = tpu.memref_slice %arg16[%dma_wait3A_736] : memref<4096xf32, #tpu.memory_space<vmem>> -> memref<128xf32, #tpu.memory_space<vmem>>
      %dma_wait3A_738 = arith.constant 2560 : i32
      %dma_wait3A_739 = tpu.memref_slice %arg14[%dma_wait3A_738] : memref<4096xi32, #tpu.memory_space<vmem>> -> memref<128xi32, #tpu.memory_space<vmem>>
      %dma_wait3A_740 = arith.constant 0 : i32
      %dma_wait3A_741 = tpu.memref_slice %arg2[%dma_wait3A_740] : memref<131072xf32, #tpu.memory_space<hbm>> -> memref<131072xf32, #tpu.memory_space<hbm>>
      tpu.wait_indirect_dma semaphore(%arg19 : memref<!tpu.dma_semaphore, #tpu.memory_space<semaphore_mem>>) src(%dma_wait3A_741 : memref<131072xf32, #tpu.memory_space<hbm>>) dst(%dma_wait3A_737 : memref<128xf32, #tpu.memory_space<vmem>>)
    } else {
    }
    %gt3A_674 = arith.constant 2688 : i32
    %gt3A_675 = arith.cmpi sgt, %scan3A_28, %gt3A_674 : i32
    %convert_element_type3A_676 = arith.extui %gt3A_675 : i1 to i32
    %cond3A_677 = arith.constant 0 : i32
    %cond3A_678 = arith.cmpi ne, %convert_element_type3A_676, %cond3A_677 : i32
    scf.if %cond3A_678 {
      %dma_wait3A_736 = arith.constant 2688 : i32
      %dma_wait3A_737 = tpu.memref_slice %arg16[%dma_wait3A_736] : memref<4096xf32, #tpu.memory_space<vmem>> -> memref<128xf32, #tpu.memory_space<vmem>>
      %dma_wait3A_738 = arith.constant 2688 : i32
      %dma_wait3A_739 = tpu.memref_slice %arg14[%dma_wait3A_738] : memref<4096xi32, #tpu.memory_space<vmem>> -> memref<128xi32, #tpu.memory_space<vmem>>
      %dma_wait3A_740 = arith.constant 0 : i32
      %dma_wait3A_741 = tpu.memref_slice %arg2[%dma_wait3A_740] : memref<131072xf32, #tpu.memory_space<hbm>> -> memref<131072xf32, #tpu.memory_space<hbm>>
      tpu.wait_indirect_dma semaphore(%arg19 : memref<!tpu.dma_semaphore, #tpu.memory_space<semaphore_mem>>) src(%dma_wait3A_741 : memref<131072xf32, #tpu.memory_space<hbm>>) dst(%dma_wait3A_737 : memref<128xf32, #tpu.memory_space<vmem>>)
    } else {
    }
    %gt3A_679 = arith.constant 2816 : i32
    %gt3A_680 = arith.cmpi sgt, %scan3A_28, %gt3A_679 : i32
    %convert_element_type3A_681 = arith.extui %gt3A_680 : i1 to i32
    %cond3A_682 = arith.constant 0 : i32
    %cond3A_683 = arith.cmpi ne, %convert_element_type3A_681, %cond3A_682 : i32
    scf.if %cond3A_683 {
      %dma_wait3A_736 = arith.constant 2816 : i32
      %dma_wait3A_737 = tpu.memref_slice %arg16[%dma_wait3A_736] : memref<4096xf32, #tpu.memory_space<vmem>> -> memref<128xf32, #tpu.memory_space<vmem>>
      %dma_wait3A_738 = arith.constant 2816 : i32
      %dma_wait3A_739 = tpu.memref_slice %arg14[%dma_wait3A_738] : memref<4096xi32, #tpu.memory_space<vmem>> -> memref<128xi32, #tpu.memory_space<vmem>>
      %dma_wait3A_740 = arith.constant 0 : i32
      %dma_wait3A_741 = tpu.memref_slice %arg2[%dma_wait3A_740] : memref<131072xf32, #tpu.memory_space<hbm>> -> memref<131072xf32, #tpu.memory_space<hbm>>
      tpu.wait_indirect_dma semaphore(%arg19 : memref<!tpu.dma_semaphore, #tpu.memory_space<semaphore_mem>>) src(%dma_wait3A_741 : memref<131072xf32, #tpu.memory_space<hbm>>) dst(%dma_wait3A_737 : memref<128xf32, #tpu.memory_space<vmem>>)
    } else {
    }
    %gt3A_684 = arith.constant 2944 : i32
    %gt3A_685 = arith.cmpi sgt, %scan3A_28, %gt3A_684 : i32
    %convert_element_type3A_686 = arith.extui %gt3A_685 : i1 to i32
    %cond3A_687 = arith.constant 0 : i32
    %cond3A_688 = arith.cmpi ne, %convert_element_type3A_686, %cond3A_687 : i32
    scf.if %cond3A_688 {
      %dma_wait3A_736 = arith.constant 2944 : i32
      %dma_wait3A_737 = tpu.memref_slice %arg16[%dma_wait3A_736] : memref<4096xf32, #tpu.memory_space<vmem>> -> memref<128xf32, #tpu.memory_space<vmem>>
      %dma_wait3A_738 = arith.constant 2944 : i32
      %dma_wait3A_739 = tpu.memref_slice %arg14[%dma_wait3A_738] : memref<4096xi32, #tpu.memory_space<vmem>> -> memref<128xi32, #tpu.memory_space<vmem>>
      %dma_wait3A_740 = arith.constant 0 : i32
      %dma_wait3A_741 = tpu.memref_slice %arg2[%dma_wait3A_740] : memref<131072xf32, #tpu.memory_space<hbm>> -> memref<131072xf32, #tpu.memory_space<hbm>>
      tpu.wait_indirect_dma semaphore(%arg19 : memref<!tpu.dma_semaphore, #tpu.memory_space<semaphore_mem>>) src(%dma_wait3A_741 : memref<131072xf32, #tpu.memory_space<hbm>>) dst(%dma_wait3A_737 : memref<128xf32, #tpu.memory_space<vmem>>)
    } else {
    }
    %gt3A_689 = arith.constant 3072 : i32
    %gt3A_690 = arith.cmpi sgt, %scan3A_28, %gt3A_689 : i32
    %convert_element_type3A_691 = arith.extui %gt3A_690 : i1 to i32
    %cond3A_692 = arith.constant 0 : i32
    %cond3A_693 = arith.cmpi ne, %convert_element_type3A_691, %cond3A_692 : i32
    scf.if %cond3A_693 {
      %dma_wait3A_736 = arith.constant 3072 : i32
      %dma_wait3A_737 = tpu.memref_slice %arg16[%dma_wait3A_736] : memref<4096xf32, #tpu.memory_space<vmem>> -> memref<128xf32, #tpu.memory_space<vmem>>
      %dma_wait3A_738 = arith.constant 3072 : i32
      %dma_wait3A_739 = tpu.memref_slice %arg14[%dma_wait3A_738] : memref<4096xi32, #tpu.memory_space<vmem>> -> memref<128xi32, #tpu.memory_space<vmem>>
      %dma_wait3A_740 = arith.constant 0 : i32
      %dma_wait3A_741 = tpu.memref_slice %arg2[%dma_wait3A_740] : memref<131072xf32, #tpu.memory_space<hbm>> -> memref<131072xf32, #tpu.memory_space<hbm>>
      tpu.wait_indirect_dma semaphore(%arg19 : memref<!tpu.dma_semaphore, #tpu.memory_space<semaphore_mem>>) src(%dma_wait3A_741 : memref<131072xf32, #tpu.memory_space<hbm>>) dst(%dma_wait3A_737 : memref<128xf32, #tpu.memory_space<vmem>>)
    } else {
    }
    %gt3A_694 = arith.constant 3200 : i32
    %gt3A_695 = arith.cmpi sgt, %scan3A_28, %gt3A_694 : i32
    %convert_element_type3A_696 = arith.extui %gt3A_695 : i1 to i32
    %cond3A_697 = arith.constant 0 : i32
    %cond3A_698 = arith.cmpi ne, %convert_element_type3A_696, %cond3A_697 : i32
    scf.if %cond3A_698 {
      %dma_wait3A_736 = arith.constant 3200 : i32
      %dma_wait3A_737 = tpu.memref_slice %arg16[%dma_wait3A_736] : memref<4096xf32, #tpu.memory_space<vmem>> -> memref<128xf32, #tpu.memory_space<vmem>>
      %dma_wait3A_738 = arith.constant 3200 : i32
      %dma_wait3A_739 = tpu.memref_slice %arg14[%dma_wait3A_738] : memref<4096xi32, #tpu.memory_space<vmem>> -> memref<128xi32, #tpu.memory_space<vmem>>
      %dma_wait3A_740 = arith.constant 0 : i32
      %dma_wait3A_741 = tpu.memref_slice %arg2[%dma_wait3A_740] : memref<131072xf32, #tpu.memory_space<hbm>> -> memref<131072xf32, #tpu.memory_space<hbm>>
      tpu.wait_indirect_dma semaphore(%arg19 : memref<!tpu.dma_semaphore, #tpu.memory_space<semaphore_mem>>) src(%dma_wait3A_741 : memref<131072xf32, #tpu.memory_space<hbm>>) dst(%dma_wait3A_737 : memref<128xf32, #tpu.memory_space<vmem>>)
    } else {
    }
    %gt3A_699 = arith.constant 3328 : i32
    %gt3A_700 = arith.cmpi sgt, %scan3A_28, %gt3A_699 : i32
    %convert_element_type3A_701 = arith.extui %gt3A_700 : i1 to i32
    %cond3A_702 = arith.constant 0 : i32
    %cond3A_703 = arith.cmpi ne, %convert_element_type3A_701, %cond3A_702 : i32
    scf.if %cond3A_703 {
      %dma_wait3A_736 = arith.constant 3328 : i32
      %dma_wait3A_737 = tpu.memref_slice %arg16[%dma_wait3A_736] : memref<4096xf32, #tpu.memory_space<vmem>> -> memref<128xf32, #tpu.memory_space<vmem>>
      %dma_wait3A_738 = arith.constant 3328 : i32
      %dma_wait3A_739 = tpu.memref_slice %arg14[%dma_wait3A_738] : memref<4096xi32, #tpu.memory_space<vmem>> -> memref<128xi32, #tpu.memory_space<vmem>>
      %dma_wait3A_740 = arith.constant 0 : i32
      %dma_wait3A_741 = tpu.memref_slice %arg2[%dma_wait3A_740] : memref<131072xf32, #tpu.memory_space<hbm>> -> memref<131072xf32, #tpu.memory_space<hbm>>
      tpu.wait_indirect_dma semaphore(%arg19 : memref<!tpu.dma_semaphore, #tpu.memory_space<semaphore_mem>>) src(%dma_wait3A_741 : memref<131072xf32, #tpu.memory_space<hbm>>) dst(%dma_wait3A_737 : memref<128xf32, #tpu.memory_space<vmem>>)
    } else {
    }
    %gt3A_704 = arith.constant 3456 : i32
    %gt3A_705 = arith.cmpi sgt, %scan3A_28, %gt3A_704 : i32
    %convert_element_type3A_706 = arith.extui %gt3A_705 : i1 to i32
    %cond3A_707 = arith.constant 0 : i32
    %cond3A_708 = arith.cmpi ne, %convert_element_type3A_706, %cond3A_707 : i32
    scf.if %cond3A_708 {
      %dma_wait3A_736 = arith.constant 3456 : i32
      %dma_wait3A_737 = tpu.memref_slice %arg16[%dma_wait3A_736] : memref<4096xf32, #tpu.memory_space<vmem>> -> memref<128xf32, #tpu.memory_space<vmem>>
      %dma_wait3A_738 = arith.constant 3456 : i32
      %dma_wait3A_739 = tpu.memref_slice %arg14[%dma_wait3A_738] : memref<4096xi32, #tpu.memory_space<vmem>> -> memref<128xi32, #tpu.memory_space<vmem>>
      %dma_wait3A_740 = arith.constant 0 : i32
      %dma_wait3A_741 = tpu.memref_slice %arg2[%dma_wait3A_740] : memref<131072xf32, #tpu.memory_space<hbm>> -> memref<131072xf32, #tpu.memory_space<hbm>>
      tpu.wait_indirect_dma semaphore(%arg19 : memref<!tpu.dma_semaphore, #tpu.memory_space<semaphore_mem>>) src(%dma_wait3A_741 : memref<131072xf32, #tpu.memory_space<hbm>>) dst(%dma_wait3A_737 : memref<128xf32, #tpu.memory_space<vmem>>)
    } else {
    }
    %gt3A_709 = arith.constant 3584 : i32
    %gt3A_710 = arith.cmpi sgt, %scan3A_28, %gt3A_709 : i32
    %convert_element_type3A_711 = arith.extui %gt3A_710 : i1 to i32
    %cond3A_712 = arith.constant 0 : i32
    %cond3A_713 = arith.cmpi ne, %convert_element_type3A_711, %cond3A_712 : i32
    scf.if %cond3A_713 {
      %dma_wait3A_736 = arith.constant 3584 : i32
      %dma_wait3A_737 = tpu.memref_slice %arg16[%dma_wait3A_736] : memref<4096xf32, #tpu.memory_space<vmem>> -> memref<128xf32, #tpu.memory_space<vmem>>
      %dma_wait3A_738 = arith.constant 3584 : i32
      %dma_wait3A_739 = tpu.memref_slice %arg14[%dma_wait3A_738] : memref<4096xi32, #tpu.memory_space<vmem>> -> memref<128xi32, #tpu.memory_space<vmem>>
      %dma_wait3A_740 = arith.constant 0 : i32
      %dma_wait3A_741 = tpu.memref_slice %arg2[%dma_wait3A_740] : memref<131072xf32, #tpu.memory_space<hbm>> -> memref<131072xf32, #tpu.memory_space<hbm>>
      tpu.wait_indirect_dma semaphore(%arg19 : memref<!tpu.dma_semaphore, #tpu.memory_space<semaphore_mem>>) src(%dma_wait3A_741 : memref<131072xf32, #tpu.memory_space<hbm>>) dst(%dma_wait3A_737 : memref<128xf32, #tpu.memory_space<vmem>>)
    } else {
    }
    %gt3A_714 = arith.constant 3712 : i32
    %gt3A_715 = arith.cmpi sgt, %scan3A_28, %gt3A_714 : i32
    %convert_element_type3A_716 = arith.extui %gt3A_715 : i1 to i32
    %cond3A_717 = arith.constant 0 : i32
    %cond3A_718 = arith.cmpi ne, %convert_element_type3A_716, %cond3A_717 : i32
    scf.if %cond3A_718 {
      %dma_wait3A_736 = arith.constant 3712 : i32
      %dma_wait3A_737 = tpu.memref_slice %arg16[%dma_wait3A_736] : memref<4096xf32, #tpu.memory_space<vmem>> -> memref<128xf32, #tpu.memory_space<vmem>>
      %dma_wait3A_738 = arith.constant 3712 : i32
      %dma_wait3A_739 = tpu.memref_slice %arg14[%dma_wait3A_738] : memref<4096xi32, #tpu.memory_space<vmem>> -> memref<128xi32, #tpu.memory_space<vmem>>
      %dma_wait3A_740 = arith.constant 0 : i32
      %dma_wait3A_741 = tpu.memref_slice %arg2[%dma_wait3A_740] : memref<131072xf32, #tpu.memory_space<hbm>> -> memref<131072xf32, #tpu.memory_space<hbm>>
      tpu.wait_indirect_dma semaphore(%arg19 : memref<!tpu.dma_semaphore, #tpu.memory_space<semaphore_mem>>) src(%dma_wait3A_741 : memref<131072xf32, #tpu.memory_space<hbm>>) dst(%dma_wait3A_737 : memref<128xf32, #tpu.memory_space<vmem>>)
    } else {
    }
    %gt3A_719 = arith.constant 3840 : i32
    %gt3A_720 = arith.cmpi sgt, %scan3A_28, %gt3A_719 : i32
    %convert_element_type3A_721 = arith.extui %gt3A_720 : i1 to i32
    %cond3A_722 = arith.constant 0 : i32
    %cond3A_723 = arith.cmpi ne, %convert_element_type3A_721, %cond3A_722 : i32
    scf.if %cond3A_723 {
      %dma_wait3A_736 = arith.constant 3840 : i32
      %dma_wait3A_737 = tpu.memref_slice %arg16[%dma_wait3A_736] : memref<4096xf32, #tpu.memory_space<vmem>> -> memref<128xf32, #tpu.memory_space<vmem>>
      %dma_wait3A_738 = arith.constant 3840 : i32
      %dma_wait3A_739 = tpu.memref_slice %arg14[%dma_wait3A_738] : memref<4096xi32, #tpu.memory_space<vmem>> -> memref<128xi32, #tpu.memory_space<vmem>>
      %dma_wait3A_740 = arith.constant 0 : i32
      %dma_wait3A_741 = tpu.memref_slice %arg2[%dma_wait3A_740] : memref<131072xf32, #tpu.memory_space<hbm>> -> memref<131072xf32, #tpu.memory_space<hbm>>
      tpu.wait_indirect_dma semaphore(%arg19 : memref<!tpu.dma_semaphore, #tpu.memory_space<semaphore_mem>>) src(%dma_wait3A_741 : memref<131072xf32, #tpu.memory_space<hbm>>) dst(%dma_wait3A_737 : memref<128xf32, #tpu.memory_space<vmem>>)
    } else {
    }
    %gt3A_724 = arith.constant 3968 : i32
    %gt3A_725 = arith.cmpi sgt, %scan3A_28, %gt3A_724 : i32
    %convert_element_type3A_726 = arith.extui %gt3A_725 : i1 to i32
    %cond3A_727 = arith.constant 0 : i32
    %cond3A_728 = arith.cmpi ne, %convert_element_type3A_726, %cond3A_727 : i32
    scf.if %cond3A_728 {
      %dma_wait3A_736 = arith.constant 3968 : i32
      %dma_wait3A_737 = tpu.memref_slice %arg16[%dma_wait3A_736] : memref<4096xf32, #tpu.memory_space<vmem>> -> memref<128xf32, #tpu.memory_space<vmem>>
      %dma_wait3A_738 = arith.constant 3968 : i32
      %dma_wait3A_739 = tpu.memref_slice %arg14[%dma_wait3A_738] : memref<4096xi32, #tpu.memory_space<vmem>> -> memref<128xi32, #tpu.memory_space<vmem>>
      %dma_wait3A_740 = arith.constant 0 : i32
      %dma_wait3A_741 = tpu.memref_slice %arg2[%dma_wait3A_740] : memref<131072xf32, #tpu.memory_space<hbm>> -> memref<131072xf32, #tpu.memory_space<hbm>>
      tpu.wait_indirect_dma semaphore(%arg19 : memref<!tpu.dma_semaphore, #tpu.memory_space<semaphore_mem>>) src(%dma_wait3A_741 : memref<131072xf32, #tpu.memory_space<hbm>>) dst(%dma_wait3A_737 : memref<128xf32, #tpu.memory_space<vmem>>)
    } else {
    }
    %scan3A_729 = arith.constant 0 : i32
    %scan3A_730 = arith.constant 0 : i32
    %scan3A_731 = arith.constant 256 : i32
    %scan3A_732 = arith.addi %scan3A_730, %scan3A_731 : i32
    %scan3A_733 = arith.constant 1 : i32
    %scan3A_734 = scf.for %scan3A_736 = %scan3A_730 to %scan3A_732 step %scan3A_733 iter_args(%scan3A_737 = %scan3A_729) -> (i32)  : i32 {
      %mul3A_738 = arith.constant 16 : i32
      %mul3A_739 = arith.muli %scan3A_736, %mul3A_738 : i32
      %get3A = arith.index_cast %mul3A_739 : i32 to index
      %get3A_740 = tpu.vector_load %arg9[%get3A] {strides = array<i32>} : memref<4096xi32, #tpu.memory_space<vmem>>, vector<16xi32>,
      %jit3A = arith.constant 10 : i32
      %eq3A = arith.constant 0 : i32
      %eq3A_741 = arith.cmpi eq, %jit3A, %eq3A : i32
      %jit3A_742 = arith.constant 1 : i32
      %select_n3A = arith.select %eq3A_741, %jit3A_742, %jit3A : i32
      %rem3A = vector.broadcast %select_n3A : i32 to vector<16xi32>
      %rem3A_743 = arith.remsi %get3A_740, %rem3A : vector<16xi32>
      %ne3A = arith.constant 0 : i32
      %ne3A_744 = vector.broadcast %ne3A : i32 to vector<16xi32>
      %ne3A_745 = arith.cmpi ne, %rem3A_743, %ne3A_744 : vector<16xi32>
      %lt3A = arith.constant 0 : i32
      %lt3A_746 = vector.broadcast %lt3A : i32 to vector<16xi32>
      %lt3A_747 = arith.cmpi slt, %rem3A_743, %lt3A_746 : vector<16xi32>
      %lt3A_748 = arith.constant 0 : i32
      %lt3A_749 = arith.cmpi slt, %select_n3A, %lt3A_748 : i32
      %ne3A_750 = vector.broadcast %lt3A_749 : i1 to vector<16xi1>
      %ne3A_751 = vector.broadcast %ne3A_750 : vector<16xi1> to vector<16xi1>
      %ne3A_752 = arith.xori %lt3A_747, %ne3A_751 : vector<16xi1>
      %and3A = arith.andi %ne3A_752, %ne3A_745 : vector<16xi1>
      %add3A_753 = vector.broadcast %select_n3A : i32 to vector<16xi32>
      %add3A_754 = arith.addi %rem3A_743, %add3A_753 : vector<16xi32>
      %select_n3A_755 = arith.select %and3A, %add3A_754, %rem3A_743 : vector<16xi1>, vector<16xi32>
      %eq3A_756 = arith.constant 9 : i32
      %eq3A_757 = vector.broadcast %eq3A_756 : i32 to vector<16xi32>
      %eq3A_758 = arith.cmpi eq, %select_n3A_755, %eq3A_757 : vector<16xi32>
      %load3A = arith.index_cast %scan3A_737 : i32 to index
      %load3A_759 = tpu.vector_load %arg16[%load3A] masked %eq3A_758 {strides = array<i32>} : memref<4096xf32, #tpu.memory_space<vmem>>, vector<16xf32>, vector<16xi1>
      %jit3A_760 = arith.constant 0.000000e+00 : f32
      %broadcast_in_dim3A_761 = vector.broadcast %jit3A_760 : f32 to vector<16xf32>
      %select_n3A_762 = arith.select %eq3A_758, %load3A_759, %broadcast_in_dim3A_761 : vector<16xi1>, vector<16xf32>
      %swap3A_763 = arith.index_cast %mul3A_739 : i32 to index
      %swap3A_764 = tpu.vector_load %arg18[%swap3A_763] {strides = array<i32>} : memref<4096xf32, #tpu.memory_space<vmem>>, vector<16xf32>,
      tpu.vector_store %arg18[%swap3A_763], %select_n3A_762 {strides = array<i32>} : memref<4096xf32, #tpu.memory_space<vmem>>, vector<16xf32>,
      %convert_element_type3A_765 = arith.extui %eq3A_758 : vector<16xi1> to vector<16xi32>
      %reduce_sum3A = arith.constant true
      %reduce_sum3A_766 = vector.broadcast %reduce_sum3A : i1 to vector<16xi1>
      %reduce_sum3A_767 = tpu.scan <sum>, %convert_element_type3A_765 masked %reduce_sum3A_766 : vector<16xi32>, vector<16xi1> -> vector<16xi32>
      %reduce_sum3A_768 = vector.extract %reduce_sum3A_767[15] : i32 from vector<16xi32>
      %add3A_769 = arith.addi %scan3A_737, %reduce_sum3A_768 : i32
      scf.yield %add3A_769 : i32
    }
    %scan3A_735 = arith.constant 256 : i32
    "tpu.region"() ({
      %run_scoped3A = tpu.sem_alloc : memref<!tpu.dma_semaphore, #tpu.memory_space<semaphore_mem>>
      %dma_start3A_736 = tpu.memref_slice %arg7[%mul3A_2] : memref<131072xf32, #tpu.memory_space<hbm>> -> memref<4096xf32, #tpu.memory_space<hbm>>
      %dma_start3A_737 = tpu.memref_slice %arg7[%mul3A_2] : memref<131072xf32, #tpu.memory_space<hbm>> -> memref<4096xf32, #tpu.memory_space<hbm>>
      tpu.enqueue_dma source(%arg18 : memref<4096xf32, #tpu.memory_space<vmem>>) target(%dma_start3A_737 : memref<4096xf32, #tpu.memory_space<hbm>>) target_semaphore(%run_scoped3A : memref<!tpu.dma_semaphore, #tpu.memory_space<semaphore_mem>>)
      %dma_wait3A_738 = tpu.memref_slice %arg7[%mul3A_2] : memref<131072xf32, #tpu.memory_space<hbm>> -> memref<4096xf32, #tpu.memory_space<hbm>>
      %dma_wait3A_739 = tpu.memref_slice %arg7[%mul3A_2] : memref<131072xf32, #tpu.memory_space<hbm>> -> memref<4096xf32, #tpu.memory_space<hbm>>
      tpu.wait_dma2 semaphore(%run_scoped3A : memref<!tpu.dma_semaphore, #tpu.memory_space<semaphore_mem>>) src(%arg18 : memref<4096xf32, #tpu.memory_space<vmem>>) dst(%dma_wait3A_739 : memref<4096xf32, #tpu.memory_space<hbm>>)
      tpu.yield
    }) : () -> ()
    "tpu.region"() ({
      %run_scoped3A = tpu.sem_alloc : memref<!tpu.dma_semaphore, #tpu.memory_space<semaphore_mem>>
      %dma_start3A_736 = tpu.memref_slice %arg8[%mul3A_2] : memref<131072xf32, #tpu.memory_space<hbm>> -> memref<4096xf32, #tpu.memory_space<hbm>>
      %dma_start3A_737 = tpu.memref_slice %arg8[%mul3A_2] : memref<131072xf32, #tpu.memory_space<hbm>> -> memref<4096xf32, #tpu.memory_space<hbm>>
      tpu.enqueue_dma source(%arg17 : memref<4096xf32, #tpu.memory_space<vmem>>) target(%dma_start3A_737 : memref<4096xf32, #tpu.memory_space<hbm>>) target_semaphore(%run_scoped3A : memref<!tpu.dma_semaphore, #tpu.memory_space<semaphore_mem>>)
      %dma_wait3A_738 = tpu.memref_slice %arg8[%mul3A_2] : memref<131072xf32, #tpu.memory_space<hbm>> -> memref<4096xf32, #tpu.memory_space<hbm>>
      %dma_wait3A_739 = tpu.memref_slice %arg8[%mul3A_2] : memref<131072xf32, #tpu.memory_space<hbm>> -> memref<4096xf32, #tpu.memory_space<hbm>>
      tpu.wait_dma2 semaphore(%run_scoped3A : memref<!tpu.dma_semaphore, #tpu.memory_space<semaphore_mem>>) src(%arg17 : memref<4096xf32, #tpu.memory_space<vmem>>) dst(%dma_wait3A_739 : memref<4096xf32, #tpu.memory_space<hbm>>)
      tpu.yield
    }) : () -> ()
    return
  }
}

</mosaic_0001>

<sc_bundles>
// kernel: kernel.4.cloned.1.call-start
scs
__scs_entry_jumppad:
0x0: {  	(pc) =	sbr.rel $0x88, $3  }
0x1: {  	(tag) =	ssettag $0x0;
	lr =	simm.s32 $0x1  }
0x2: {  	[smem:$0x3F9F] =	sst lr;
	_ =	strace $0xD0000000  }
0x3: {  	_ = 	snop  }
0x4: {  	_ = 	snop  }
0x5: {  	_ = 	snop  }
0x6: {  	_ = 	snop  }
0x7: {  	_ = 	snop  }
__scs_overlays_trampoline_lowered:
0x8: {  	[smem:$0x3FAE] =	sst s0  }
0x9: {  	[smem:$0x3FAF] =	sst s1  }
0xa: {  	[smem:$0x3FB0] =	sst s2  }
0xb: {  	[smem:$0x3FB1] =	sst s3  }
0xc: {  	[smem:$0x3FB2] =	sst s4  }
0xd: {  	[smem:$0x3FB3] =	sst s5  }
0xe: {  	[smem:$0x3FB4] =	sst s6  }
0xf: {  	[smem:$0x3FB5] =	sst s7  }
0x10: {  	[smem:$0x3FB6] =	sst s8  }
0x11: {  	[smem:$0x3FB7] =	sst s9;
	s0 =	simm.s32 @!p0 $0x0  }
0x12: {  	s1 =	sld [smem:$0x3F9D];
	s0 =	simm.s32 @p0 $0x1  }
0x13: {  	[smem:$0x3FB8] =	sst s0;
	s0 =	simm.s32 @!p1 $0x0  }
0x14: {  	s2 =	sld [smem:$0x3F9C];
	s0 =	simm.s32 @p1 $0x1  }
0x15: {  	[smem:$0x3FB9] =	sst s0;
	s0 =	simm.s32 @!p2 $0x0  }
0x16: {  	s3 =	sld [smem:$0x3FDB];
	s0 =	simm.s32 @p2 $0x1  }
0x17: {  	s4 =	simm.s32 $0x1BF5;
	[smem:$0x3FBB] =	sst s0  }
0x18: {  	s0 =	sld [smem:$0x3F9E];
	_ =	swait.ge [sflag:s4], $0x0  }
0x19: {  	s7 =	sld [smem:$0x3F9F]  }
0x1a: {  	s8 =	sadd.s32 $0xFFFFE003, lr  }
0x1b: {  	s9 =	sadd.s32 $0xFFFFFEF7, lr;
	s5 =	simm.s32 $0xFFFFFFFF;
	p2 =	slt.u32 s8, $0xFFFFF086  }
0x1c: {  	p1 =	slt.u32 s9, $0xF7A;
	s5 =	simm.s32 @!p2 $0x0  }
0x1d: {  	s5 =	simm.s32 @p1 $0x1;
	p0 =	seq.s32 s7, s2  }
0x1e: {  	s7 =	smul.u32 @!p0 $0xF7A, s2;
	p2 =	seq.s32 @!p0 s5, $0x0  }
0x1f: {  	s9 =	smul.u32 $0xF7A, s1;
	s8 =	simm.s32 @!p0 $0x1BF5;
	p2 =	por !p2, p0  }
0x20: {  	[sflag:s8] =	ssyncset.s32 @!p0 $0xFFFFF086;
	s6 =	sadd.s32 @!p0 s3, s7;
	s7 =	simm.s32 @!p0 $0x108  }
0x21: {  	s3 =	sadd.s32 s3, s9;
	s6 =	sadd.s32 @!p0 $0x88, s6;
	s7 =	simm.s32 @p2 $0x1082  }
0x22: {  	[simem:s7], [sflag:s8] =	dma.local @!p0 [hbm:s6], $0xF7A  }
0x23: {  	s9 =	sor.u32 $0xD0000000, s2;
	s6 =	simm.s32 $0x108;
	_ =	swait.ge @!p0 [sflag:s8], $0x0  }
0x24: {  	s3 =	sadd.s32 $0x88, s3;
	s6 =	simm.s32 @!p1 $0x1082;
	[sflag:s4] =	ssyncset.s32 $0xFFFFF086  }
0x25: {  	[simem:s6], [sflag:s4] =	dma.local [hbm:s3], $0xF7A  }
0x26: {  	[smem:$0x3F9F] =	sst s1;
	(tag) =	ssettag s2;
	_ =	strace s9  }
0x27: {  	s1 =	sld [smem:$0x3FAF]  }
0x28: {  	s2 =	sld [smem:$0x3FB0]  }
0x29: {  	s4 =	sld [smem:$0x3FB2]  }
0x2a: {  	p0 =	seq.s32 s5, $0x0;
	s5 =	sld [smem:$0x3FB3]  }
0x2b: {  	s6 =	sld [smem:$0x3FB4]  }
0x2c: {  	s7 =	sld [smem:$0x3FB5]  }
0x2d: {  	s3 =	simm.s32 $0x108;
	s8 =	sld [smem:$0x3FB6]  }
0x2e: {  	s3 =	simm.s32 @!p0 $0x1082;
	s9 =	sld [smem:$0x3FB7]  }
0x2f: {  	lr =	sadd.s32 s0, s3;
	s0 =	sld [smem:$0x3FAE]  }
0x30: {  	s3 =	sld [smem:$0x3FB1]  }
0x31: {  	[smem:$0x3FBA] =	sst s10  }
0x32: {  	s10 =	sld [smem:$0x3FB8];
	_ =	sdelay $0x3  }
0x33: {  	p0 =	seq.s32 s10, $0x1;
	s10 =	sld [smem:$0x3FBA];
	_ =	sdelay $0x3  }
0x34: {  	[smem:$0x3FBA] =	sst s10  }
0x35: {  	s10 =	sld [smem:$0x3FB9];
	_ =	sdelay $0x3  }
0x36: {  	p1 =	seq.s32 s10, $0x1;
	s10 =	sld [smem:$0x3FBA];
	_ =	sdelay $0x3  }
0x37: {  	[smem:$0x3FBA] =	sst s10  }
0x38: {  	s10 =	sld [smem:$0x3FBB]  }
0x39: {  	_ = 	snop;
	(pc) =	sbr.ind lr, $3  }
0x3a: {  	_ = 	snop  }
0x3b: {  	_ = 	snop  }
0x3c: {  	p2 =	seq.s32 s10, $0x1;
	s10 =	sld [smem:$0x3FBA]  }
0x3d: {  	_ =	shalt  }
0x3e: {  	_ =	shalt  }
0x3f: {  	_ =	shalt  }
0x40: {  	_ =	shalt  }
0x41: {  	_ =	shalt  }
0x42: {  	_ =	shalt  }
0x43: {  	_ =	shalt  }
0x44: {  	_ =	shalt  }
0x45: {  	_ =	shalt  }
0x46: {  	_ =	shalt  }
0x47: {  	_ =	shalt  }
0x48: {  	_ =	shalt  }
0x49: {  	_ =	shalt  }
0x4a: {  	_ =	shalt  }
0x4b: {  	_ =	shalt  }
0x4c: {  	_ =	shalt  }
0x4d: {  	_ =	shalt  }
0x4e: {  	_ =	shalt  }
0x4f: {  	_ =	shalt  }
0x50: {  	_ =	shalt  }
0x51: {  	_ =	shalt  }
0x52: {  	_ =	shalt  }
0x53: {  	_ =	shalt  }
0x54: {  	_ =	shalt  }
0x55: {  	_ =	shalt  }
0x56: {  	_ =	shalt  }
0x57: {  	_ =	shalt  }
0x58: {  	_ =	shalt  }
0x59: {  	_ =	shalt  }
0x5a: {  	_ =	shalt  }
0x5b: {  	_ =	shalt  }
0x5c: {  	_ =	shalt  }
0x5d: {  	_ =	shalt  }
0x5e: {  	_ =	shalt  }
0x5f: {  	_ =	shalt  }
0x60: {  	_ =	shalt  }
0x61: {  	_ =	shalt  }
0x62: {  	_ =	shalt  }
0x63: {  	_ =	shalt  }
0x64: {  	_ =	shalt  }
0x65: {  	_ =	shalt  }
0x66: {  	_ =	shalt  }
0x67: {  	_ =	shalt  }
0x68: {  	_ =	shalt  }
0x69: {  	_ =	shalt  }
0x6a: {  	_ =	shalt  }
0x6b: {  	_ =	shalt  }
0x6c: {  	_ =	shalt  }
0x6d: {  	_ =	shalt  }
0x6e: {  	_ =	shalt  }
0x6f: {  	_ =	shalt  }
0x70: {  	_ =	shalt  }
0x71: {  	_ =	shalt  }
0x72: {  	_ =	shalt  }
0x73: {  	_ =	shalt  }
0x74: {  	_ =	shalt  }
0x75: {  	_ =	shalt  }
0x76: {  	_ =	shalt  }
0x77: {  	_ =	shalt  }
0x78: {  	_ =	shalt  }
0x79: {  	_ =	shalt  }
0x7a: {  	_ =	shalt  }
0x7b: {  	_ =	shalt  }
0x7c: {  	_ =	shalt  }
0x7d: {  	_ =	shalt  }
0x7e: {  	_ =	shalt  }
0x7f: {  	_ =	shalt  }
0x80: {  	_ =	shalt  }
0x81: {  	_ =	shalt  }
0x82: {  	_ =	shalt  }
0x83: {  	_ =	shalt  }
0x84: {  	_ =	shalt  }
0x85: {  	_ =	shalt  }
0x86: {  	_ =	shalt  }
0x87: {  	_ =	shalt  }
.Lfunc_end0:
.L_simem_size_0:
called_computation_lowered:
.L_overlay_start_0:
0x88: {  	s2 =	sld [smem:$0x3FD9]  }
0x89: {  	s3 =	sld [smem:$0x3FFE];
	_ =	sdelay $0x1  }
0x8a: {  	s1 =	srdreg.scid  }
0x8b: {  	s0 =	sand.u32 $0x1, s1  }
0x8c: {  	s17 =	sshll.u32 s0, $0xA;
	s2 =	sadd.s32 s3, s2  }
0x8d: {  	s2 =	sadd.s32 s2, s17  }
0x8e: {  	[smem:$0x3FC6] =	sst s2  }
0x8f: {  	_ = 	snop  }
0x90: {  	s2 =	sld [smem:$0x3FC8];
	(tm) =	ssettm $0x1  }
0x91: {  	s18 =	sld [smem:$0x3FFB];
	_ =	sdelay $0x3  }
0x92: {  	_ =	strace s18  }
0x93: {  	s3 =	sld [smem:$0x3FFC];
	_ =	sdelay $0x3  }
0x94: {  	_ =	strace s3  }
0x95: {  	s3 =	sld [smem:$0x3FFD];
	_ =	sdelay $0x3  }
0x96: {  	_ =	strace s3  }
0x97: {  	_ =	strace $0x8FFFFFFF  }
0x98: {  	s19 =	sld [smem:$0x3FDB];
	_ =	sdelay $0x1  }
0x99: {  	s4 =	simm.s32 $_scs_section_size  }
0x9a: {  	s5 =	simm.s32 $_size__tile_overlayer_lowered;
	s6 =	simm.s32 $_tile_overlayer_lowered  }
0x9b: {  	s22 =	simm.s32 $0x1BFF;
	s21 =	sshll.u32 s6, $0x1;
	s3 =	sadd.s32 s4, s19  }
0x9c: {  	s7 =	simm.s32 $0x0;
	s20 =	sshll.u32 s5, $0x1;
	s5 =	sadd.s32 s21, s3  }
0x9d: {  	[timem:s7], [sflag:s22] =	dma.local [hbm:s5], s20  }
0x9e: {  	_ =	swait.ge [sflag:s22], s20  }
0x9f: {  	s4 =	ssub.s32 $0x0, s20;
	[sflag:s22] =	ssyncset.done $0x0  }
0xa0: {  	[sflag:s22] =	ssyncadd.s32 s4;
	_ =	sdelay $0x1  }
0xa1: {  	s23 =	simm.s32 $0x1B8B  }
0xa2: {  	_ =	swait.ge [sflag:s23], $0x1  }
0xa3: {  	[sflag:s23] =	ssyncset.done $0x0  }
0xa4: {  	s25 =	simm.s32 $0x1B8E;
	s24 =	sld [smem:$0x3FFE];
	[sflag:s23] =	ssyncadd.s32 $0xFFFFFFFF  }
0xa5: {  	s26 =	simm.s32 $execute0_lowered;
	[smem:$0x3FD2] =	sst s25  }
0xa6: {  	s5 =	sshll.u32 s26, $0x1;
	_ =	strace $0x80000046;
	[dreg:$0x1] =	wrdreg $0xFFFFFFFF  }
0xa7: {  	s28 =	simm.s32 $_size_execute0_lowered;
	s3 =	sadd.s32 s3, s5;
	[dreg:$0x0] =	wrdreg $0x0  }
0xa8: {  	s5 =	sshll.u32 s28, $0x1;
	[dreg:$0x2] =	wrdreg s3  }
0xa9: {  	[dreg:$0x3] =	wrdreg s5  }
0xaa: {  	[dreg:$0x4] =	wrdreg $0xC0  }
0xab: {  	_ =	task [dreg:s7], $0x5FFFF  }
0xac: {  	[dreg:$0x1] =	wrdreg $0xFFFFFFFF  }
0xad: {  	[dreg:$0x0] =	wrdreg $0x60  }
0xae: {  	[dreg:$0x2] =	wrdreg s24  }
0xaf: {  	[dreg:$0x3] =	wrdreg s2  }
0xb0: {  	[dreg:$0x4] =	wrdreg $0x9  }
0xb1: {  	_ =	task.clear_ibuf [dreg:s7], $0x5FFFF;
	_ =	strace $0x90000046  }
0xb2: {  	s29 =	simm.s32 $0x9;
	_ =	strace $0x80000048  }
0xb3: {  	_ =	swait.ge [sflag:s29], $0x1  }
0xb4: {  	[sflag:s29] =	ssyncadd.s32 $0xFFFFFFFF  }
0xb5: {  	_ =	strace $0x90000048  }
0xb6: {  	_ =	sfence  }
0xb7: {  	s30 =	sld [smem:$0x0];
	_ =	sdelay $0x2  }
0xb8: {  	s31 =	sshll.u32 s1, $0xD;
	s1 =	sshrl.u32 s1, $0x2  }
0xb9: {  	s3 =	sand.u32 $0x4000, s31;
	s1 =	sadd.s32 s1, s30  }
0xba: {  	s0 =	sor.u32 s3, s0;
	s1 =	sshll.u32 s1, $0x11  }
0xbb: {  	s0 =	sor.u32 s1, s0  }
0xbc: {  	s0 =	sadd.s32 $0x8F2B, s0  }
0xbd: {  	[sflag:s0] =	ssyncadd.remote.s32 $0x1  }
0xbe: {  	_ =	sfence.sel $0xFFFF  }
0xbf: {  	[dreg:$0x0] =	wrdreg $0xFFFFFFFF;
	(pc) =	sbr.abs _section_cstart, $3  }
0xc0: {  	[dreg:$0x1] =	wrdreg $0xFFFFFFFF  }
0xc1: {  	_ =	task.clear_ibuf [dreg:s7], $0x2FFFF;
	_ =	strace $0x9FFFFFFF  }
0xc2: {  	(tm) =	ssettm $0x7FFFFFFF  }
0xc3: {  	_ =	shalt  }
tec
execute0_lowered:
.L_overlay_start_1:
0x0: {  	(tag) =	ssettag $0x1  }
0x1: {  	s0 =	rddreg [dreg:$0x0]  }
0x2: {  	s1 =	rddreg [dreg:$0x1]  }
0x3: {  	s9 =	simm.s32 $0x0;
	s3 =	srdreg.scid;
	s2 =	stileid.u32  }
0x4: {  	[smem:$0x7FF] =	sst s9;
	s4 =	sand.u32 $0x1, s3;
	s5 =	sshll.u32 s2, $0x1  }
0x5: {  	s23 =	sadd.s32 $0x401000, s0;
	s30 =	sshll.u32 s2, $0xD;
	s5 =	sor.u32 s4, s5  }
0x6: {  	v1 =	vimm.s32 $0xECA86420;
	_ =	strace $0x80000047;
	[dreg:$0x8] =	wrdreg s23;
	s6 =	sshll.u32 s5, $0x9  }
0x7: {  	v0 =	vimm.s32 $0x0;
	v3 =	vlaneseq.u32;
	vm0 =	vcmask $0xB08;
	s7 =	ssub.s32 $0x2, s4;
	s8 =	sadd.s32 s6, s0;
	s1 =	sadd.s32 s1, s6  }
0x8: {  	vm1 =	vcmask $0x1310;
	vm2 =	vcmask $0x1B18;
	vm4 =	vcmask $0x300;
	s5 =	sshll.u32 s5, $0x2;
	[dreg:$0x9] =	wrdreg s1;
	s25 =	sadd.s32 $0x1000, s8  }
0x9: {  	vm5 =	vcmask $0x2320;
	vm6 =	vcmask $0x2B28;
	vm7 =	vcmask $0x3330;
	s24 =	sshrl.u32 s7, $0x1;
	s26 =	sadd.s32 $0x5000, s8;
	[dreg:$0xa] =	wrdreg s25  }
0xa: {  	vm8 =	vcmask $0x3B38;
	vm3 =	vmmov $0xff;
	vm10 =	vcmask $0x704;
	s0 =	sadd.s32 s5, s0;
	s28 =	sadd.s32 $0x9000, s8;
	[dreg:$0xb] =	wrdreg s26  }
0xb: {  	vm11 =	vcmask $0xF0C;
	vm12 =	vcmask $0x1714;
	vm9 =	vcmask $0x1F1C;
	s5 =	ssub.s32 s7, s24;
	s0 =	sadd.s32 $0xD000, s0;
	[dreg:$0xc] =	wrdreg s28  }
0xc: {  	vm13 =	vcmask $0x2724;
	vm14 =	vcmask $0x2F2C;
	v2 =	vunpack.c.l.s4.s8 v1;
	s31 =	sshll.u32 s4, $0xC;
	s29 =	smax.u32 s5, $0x1;
	[dreg:$0xd] =	wrdreg s0  }
0xd: {  	vm15 =	vcmask $0x3734;
	v4 =	vimm.s32 $0x11;
	v5 =	vimm.s32 $0x12;
	s3 =	simm.s32 $0x5000;
	[dreg:$0xe] =	wrdreg s29;
	s0 =	sor.u32 s31, s30  }
0xe: {  	v1 =	vmul.u32 $0xBE, v3;
	v3 =	vmul.u32 $0x2, v3;
	s2 =	simm.s32 $0x0;
	v2 =	vunpack.c.0.s8.s32 v2;
	s1 =	simm.s32 $0x2;
	[dreg:$0xf] =	wrdreg s0  }
.LBB2_1:
0xf: {  	[dreg:$0x10] =	wrdreg s2  }
0x10: {  	s0 =	rddreg [dreg:$0x9]  }
0x11: {  	[tilespmem:s9], [sflag:$0x2] =	stream.linear.gather [hbm4b:s0+s9], $0x1000, $0x38;
	[tilespmem:$0x5020] =	vst v63  }
0x12: {  	_ =	swait.ge [sflag:s1], $0x1000  }
0x13: {  	[sflag:s1] =	ssyncset.done $0x0  }
0x14: {  	[sflag:s1] =	ssyncadd.s32 $0xFFFFF000  }
0x15: {  	[tilespmem:$0x5000] =	vst v0  }
0x16: {  	s12 =	simm.s32 $0x0;
	[tilespmem:$0x5010] =	vst v0  }
0x17: {  	v6 =	vld [tilespmem:s12+$0x0];
	_ =	sdelay $0x4  }
0x18: {  	(v2sf) =	vpush v6, $0x4  }
0x19: {  	(v2sf) =	vpush v6, $0x3;
	_ =	sdelay $0x1  }
0x1a: {  	(v2sf) =	vpush v6, $0x2;
	_ =	sdelay $0x2  }
0x1b: {  	(v2sf) =	vpush v6, $0x6  }
0x1c: {  	(v2sf) =	vpush v6, $0x1  }
0x1d: {  	(v2sf) =	vpush v6, $0x7;
	_ =	sdelay $0x3  }
0x1e: {  	(v2sf) =	vpush v6, $0x5  }
0x1f: {  	(v2sf) =	vpush v6, $0xB;
	_ =	sdelay $0x1  }
0x20: {  	s13 =	spop (v2sf)  }
0x21: {  	(v2sf) =	vpush v6, $0xC;
	s4 =	spop (v2sf);
	s5 =	smulhi.u32 $0x66666667, s13  }
0x22: {  	(v2sf) =	vpush v6, $0xE;
	s26 =	sshra.s32 s13, $0x1F;
	s21 =	sshra.s32 s4, $0x1F;
	s4 =	smulhi.u32 $0x66666667, s4  }
0x23: {  	s23 =	spop (v2sf);
	s13 =	smul.u32 $0x66666667, s26  }
0x24: {  	s6 =	smulhi.u32 $0x66666667, s23  }
0x25: {  	(v2sf) =	vpush v6, $0x8;
	s0 =	sshra.s32 s23, $0x1F;
	s21 =	smul.u32 $0x66666667, s21  }
0x26: {  	(v2sf) =	vpush v6, $0xD;
	s7 =	spop (v2sf);
	s10 =	smul.u32 $0x66666667, s0  }
0x27: {  	s14 =	spop (v2sf);
	s0 =	smulhi.u32 $0x66666667, s7  }
0x28: {  	(v2sf) =	vpush v6, $0x0;
	s15 =	spop (v2sf);
	s16 =	smulhi.u32 $0x66666667, s14  }
0x29: {  	s23 =	sshra.s32 s14, $0x1F;
	s17 =	sshra.s32 s15, $0x1F;
	s15 =	smulhi.u32 $0x66666667, s15  }
0x2a: {  	s14 =	sshra.s32 s7, $0x1F;
	s23 =	smul.u32 $0x66666667, s23  }
0x2b: {  	s14 =	smul.u32 $0x66666667, s14  }
0x2c: {  	s5 =	sadd.s32 s13, s5;
	s18 =	spop (v2sf);
	s17 =	smul.u32 $0x66666667, s17  }
0x2d: {  	(v2sf) =	vpush v6, $0x9;
	s19 =	spop (v2sf);
	s8 =	sshra.s32 s18, $0x1F;
	s18 =	smulhi.u32 $0x66666667, s18  }
0x2e: {  	(v2sf) =	vpush v6, $0xA;
	s21 =	sadd.s32 s21, s4;
	s20 =	sshra.s32 s19, $0x1F;
	s19 =	smulhi.u32 $0x66666667, s19  }
0x2f: {  	s6 =	sadd.s32 s10, s6;
	s4 =	sshrl.u32 s21, $0x1F;
	s8 =	smul.u32 $0x66666667, s8  }
0x30: {  	(v2sf) =	vpush v6, $0xF;
	s28 =	sshra.s32 s6, $0x1F;
	s22 =	spop (v2sf);
	s20 =	smul.u32 $0x66666667, s20  }
0x31: {  	s25 =	spop (v2sf);
	s2 =	sshra.s32 s22, $0x1F;
	s22 =	smulhi.u32 $0x66666667, s22  }
0x32: {  	s1 =	sadd.s32 s17, s15;
	s17 =	sshra.s32 s21, $0x1F;
	s31 =	smulhi.u32 $0x66666667, s25  }
0x33: {  	s21 =	sshra.s32 s21, $0x2;
	s29 =	sshra.s32 s25, $0x1F;
	s2 =	smul.u32 $0x66666667, s2  }
0x34: {  	s7 =	spop (v2sf);
	s10 =	sadd.s32 s20, s19;
	s19 =	smul.u32 $0x66666667, s29  }
0x35: {  	s30 =	spop (v2sf);
	s15 =	sshra.s32 s7, $0x1F;
	s7 =	smulhi.u32 $0x66666667, s7  }
0x36: {  	s20 =	sadd.s32 s23, s16;
	s16 =	sadd.s32 s8, s18;
	s8 =	smulhi.u32 $0x66666667, s30  }
0x37: {  	s25 =	sshra.s32 s6, $0x2;
	s24 =	spop (v2sf);
	s15 =	smul.u32 $0x66666667, s15  }
0x38: {  	s26 =	sshra.s32 s30, $0x1F;
	s2 =	sadd.s32 s2, s22;
	s11 =	smulhi.u32 $0x66666667, s24  }
0x39: {  	s9 =	sshra.s32 s24, $0x1F;
	s24 =	sshra.s32 s1, $0x1F;
	s23 =	smul.u32 $0x66666667, s26  }
0x3a: {  	s19 =	sadd.s32 s19, s31;
	s26 =	sshra.s32 s20, $0x2;
	s9 =	smul.u32 $0x66666667, s9  }
0x3b: {  	s31 =	sshra.s32 s20, $0x1F;
	s20 =	sshrl.u32 s20, $0x1F;
	s7 =	sadd.s32 s15, s7  }
0x3c: {  	s29 =	spop (v2sf);
	s8 =	sadd.s32 s23, s8;
	s9 =	sadd.s32 s9, s11  }
0x3d: {  	s13 =	spop (v2sf);
	s30 =	smulhi.u32 $0x66666667, s29;
	s18 =	sshra.s32 s29, $0x1F  }
0x3e: {  	v7 =	vmov s24;
	s22 =	smulhi.u32 $0x66666667, s13;
	s11 =	sshra.s32 s13, $0x1F;
	s24 =	sshra.s32 s9, $0x2  }
0x3f: {  	s29 =	sshra.s32 s9, $0x1F;
	s13 =	spop (v2sf);
	s9 =	sshrl.u32 s9, $0x1F  }
0x40: {  	s15 =	sshra.s32 s7, $0x2;
	s11 =	smul.u32 $0x66666667, s11;
	v7 =	vsel vm4, s24, v7;
	s24 =	sshra.s32 s13, $0x1F;
	v8 =	vmov s9  }
0x41: {  	v11 =	vmov s15;
	v7 =	vsel vm10, s29, v7;
	s29 =	smulhi.u32 $0x66666667, s13;
	s13 =	sshra.s32 s2, $0x2;
	s2 =	sshrl.u32 s2, $0x1F;
	v8 =	vnsel vm4, $0x0, v8  }
0x42: {  	s11 =	sadd.s32 s11, s22;
	v7 =	vsel vm0, s26, v7;
	s22 =	smul.u32 $0x66666667, s24;
	v9 =	vmov s13;
	v10 =	vmov s2;
	s24 =	sshra.s32 s8, $0x2  }
0x43: {  	s6 =	sshrl.u32 s6, $0x1F;
	s18 =	smul.u32 $0x66666667, s18;
	v8 =	vsel vm0, s20, v8;
	s8 =	sshrl.u32 s8, $0x1F;
	v7 =	vsel vm11, s31, v7;
	v9 =	vsel vm0, s24, v9  }
0x44: {  	s26 =	sshra.s32 s19, $0x2;
	s20 =	sshrl.u32 s7, $0x1F;
	v10 =	vsel vm0, s8, v10;
	v8 =	vsel vm1, s6, v8;
	s31 =	sshrl.u32 s19, $0x1F;
	v7 =	vsel vm1, s25, v7  }
0x45: {  	v12 =	vmov s20;
	s23 =	sadd.s32 s22, s29;
	s25 =	sadd.s32 s18, s30;
	v9 =	vsel vm1, s26, v9;
	s29 =	sshra.s32 s5, $0x1F;
	v7 =	vsel vm12, s28, v7  }
0x46: {  	v10 =	vsel vm1, s31, v10;
	v8 =	vsel vm2, s4, v8;
	s28 =	sshra.s32 s5, $0x2;
	s5 =	sshrl.u32 s5, $0x1F;
	s18 =	sshra.s32 s25, $0x2;
	v7 =	vsel vm2, s21, v7  }
0x47: {  	s13 =	sshrl.u32 s16, $0x1F;
	s2 =	sshra.s32 s23, $0x2;
	v8 =	vsel vm5, s5, v8;
	v11 =	vsel vm0, s18, v11;
	v7 =	vsel vm9, s17, v7  }
0x48: {  	s0 =	sadd.s32 s14, s0;
	v9 =	vsel vm2, s2, v9;
	s21 =	sshra.s32 s11, $0x2;
	s17 =	sshrl.u32 s23, $0x1F;
	v8 =	vsel vm6, s13, v8;
	v7 =	vsel vm5, s28, v7  }
0x49: {  	s19 =	sshra.s32 s16, $0x2;
	s23 =	sshrl.u32 s25, $0x1F;
	s25 =	sshra.s32 s10, $0x2;
	v11 =	vsel vm1, s21, v11;
	v10 =	vsel vm2, s17, v10;
	v7 =	vsel vm13, s29, v7  }
0x4a: {  	s24 =	sshrl.u32 s11, $0x1F;
	s22 =	sshra.s32 s16, $0x1F;
	s26 =	sshra.s32 s0, $0x2;
	v12 =	vsel vm0, s23, v12;
	v11 =	vsel vm2, s25, v11;
	v7 =	vsel vm6, s19, v7  }
0x4b: {  	s28 =	sshra.s32 s0, $0x1F;
	s0 =	sshrl.u32 s0, $0x1F;
	v12 =	vsel vm1, s24, v12;
	s29 =	sshrl.u32 s10, $0x1F;
	v9 =	vcombine.low v11, v9;
	v7 =	vsel vm14, s22, v7  }
0x4c: {  	s31 =	sshra.s32 s1, $0x2;
	s1 =	sshrl.u32 s1, $0x1F;
	v8 =	vsel vm7, s0, v8;
	v12 =	vsel vm2, s29, v12;
	v7 =	vsel vm7, s26, v7  }
0x4d: {  	v8 =	vsel vm8, s1, v8;
	v10 =	vcombine.low v12, v10;
	v7 =	vsel vm15, s28, v7  }
0x4e: {  	v9 =	vperm.xlane v9, v2;
	v8 =	vperm.xlane v8, v3;
	v7 =	vsel vm8, s31, v7  }
0x4f: {  	v10 =	vperm.xlane v10, v2;
	v7 =	vperm.xlane v7, v3;
	_ =	sdelay $0x1  }
0x50: {  	s23 =	rddreg [dreg:$0xf];
	v8 =	vsel vm3, v8, v10;
	v7 =	vsel vm3, v7, v9  }
0x51: {  	v9 =	vmov s23;
	v8 =	vadd.s32 v8, v7  }
0x52: {  	v7 =	vmul.u32 $0xBE, v9;
	v9 =	vmul.u32 $0xFFFFFFF6, v8;
	_ =	sdelay $0x1  }
0x53: {  	vm9 =	vlt.s32 v6, $0x1;
	v7 =	vbroadcast v7, $0x0;
	v9 =	vadd.s32 v6, v9  }
0x54: {  	vm10 =	vne.s32 v9, $0x0;
	vm11 =	vlt.s32 v9, $0x0;
	v10 =	vadd.s32 $0xA, v9  }
0x55: {  	v9 =	vsel vm11, v10, v9;
	vm9 =	vmand vm9, vm10  }
0x56: {  	v7 =	vadd.s32 v6, v7;
	vm10 =	veq.s32 v9, $0x9;
	v9 =	vsel vm9, $0xFFFFFFFF, v0  }
0x57: {  	s30 =	simm.s32 $0x40;
	v7 =	vadd.s32 v1, v7;
	vm9 =	veq.s32 v6, $0xB3;
	v8 =	vadd.s32 v9, v8;
	(xrf1) =	vunique.msk.u32 vm10, v6  }
.LBB2_2:
0x58: {  	_ =	sdelay $0x7  }
0x59: {  	[tilespmem:s12+$0x1000] =	vst v7  }
0x5a: {  	v7 =	vld.idx.msk [tilespmem:v8+s3+$0x0], vm10;
	_ =	sdelay $0x3  }
0x5b: {  	_, v9, vm12 =	vpop (xrf1)  }
0x5c: {  	v7 =	vadd.s32 v7, v9  }
0x5d: {  	v9 =	vadd.s32 $0xFFFFFFFF, v7  }
0x5e: {  	vm11 =	veq.s32 v6, $0xBD;
	v6 =	vnsel vm10, $0x0, v9  }
0x5f: {  	v10 =	vsel vm9, $0x10000, v0;
	v9 =	vsel vm11, $0x1, v0;
	[tilespmem:s12+$0x3000] =	vst v6  }
0x60: {  	s0 =	smov.u32 s30;
	v6 =	vor.u32 v9, v10;
	v9 =	vld.idx.msk [tilespmem:v4+s3+$0x0], $0xffff  }
0x61: {  	s0 =	sshra.s32 s0, $0x2;
	v10 =	vld.idx.msk [tilespmem:v5+s3+$0x0], $0xffff;
	[tilespmem:v8+s3+$0x0] =	vst.idx.msk vm12, v7  }
0x62: {  	(xrf0) =	vadd.scan.msk.s32 $0xffff, v6;
	v6 =	vld [tilespmem:s0+$0x0];
	_ =	sdelay $0x4  }
0x63: {  	(v2sf) =	vpush v6, $0x4  }
0x64: {  	(v2sf) =	vpush v6, $0x3  }
0x65: {  	(v2sf) =	vpush v6, $0x2;
	_ =	sdelay $0x1  }
0x66: {  	(v2sf) =	vpush v6, $0x6  }
0x67: {  	(v2sf) =	vpush v6, $0x1;
	_ =	sdelay $0x1  }
0x68: {  	(v2sf) =	vpush v6, $0x7  }
0x69: {  	(v2sf) =	vpush v6, $0x5;
	_ =	sdelay $0x1  }
0x6a: {  	(v2sf) =	vpush v6, $0xB  }
0x6b: {  	(v2sf) =	vpush v6, $0xC;
	_ =	sdelay $0x3  }
0x6c: {  	(v2sf) =	vpush v6, $0xE;
	s15 =	spop (v2sf)  }
0x6d: {  	(v2sf) =	vpush v6, $0x8;
	s16 =	spop (v2sf);
	s18 =	smulhi.u32 $0x66666667, s15;
	s9 =	sshra.s32 s15, $0x1F  }
0x6e: {  	s1 =	smov.u32 s0;
	s4 =	spop (v2sf);
	s9 =	smul.u32 $0x66666667, s9  }
0x6f: {  	[dreg:$0x3] =	wrdreg s1;
	s2 =	sshra.s32 s16, $0x1F;
	s5 =	smulhi.u32 $0x66666667, s4  }
0x70: {  	v8 =	vsel vm9, $0xFFFFFFFF, v0;
	s4 =	sshra.s32 s4, $0x1F;
	s6 =	spop (v2sf);
	s2 =	smul.u32 $0x66666667, s2  }
0x71: {  	v11 =	vsel vm11, $0xFFFFFFFF, v0;
	v8 =	vadd.s32 v8, v9;
	v9, _, _ =	vpop (xrf0);
	(v2sf) =	vpush v6, $0xD;
	s4 =	smul.u32 $0x66666667, s4;
	s17 =	sshra.s32 s6, $0x1F;
	s7 =	spop (v2sf)  }
0x72: {  	v10 =	vadd.s32 v11, v10;
	v12 =	vand.u32 $0xFFFF, v9;
	v9 =	vshra.s32 v9, $0x10;
	s24 =	smulhi.u32 $0x66666667, s6;
	s9 =	sadd.s32 s9, s18;
	[dreg:$0x5] =	wrdreg s17  }
0x73: {  	v10 =	vadd.s32 v12, v10;
	v8 =	vadd.s32 v9, v8;
	(v2sf) =	vpush v6, $0x0;
	s8 =	sshra.s32 s7, $0x1F;
	s19 =	spop (v2sf);
	s11 =	smulhi.u32 $0x66666667, s7  }
0x74: {  	v8 =	vsel vm11, v8, v10;
	s22 =	sshra.s32 s19, $0x1F;
	s15 =	spop (v2sf);
	s0 =	smulhi.u32 $0x66666667, s19  }
0x75: {  	[tilespmem:s12+$0x4000] =	vst v8;
	[dreg:$0x4] =	wrdreg s24;
	s4 =	sadd.s32 s4, s5;
	s12 =	smul.u32 $0x66666667, s8  }
0x76: {  	s26 =	sshra.s32 s15, $0x1F;
	s25 =	spop (v2sf);
	s20 =	smul.u32 $0x66666667, s22  }
0x77: {  	s31 =	sshra.s32 s4, $0x2;
	s19 =	smulhi.u32 $0x66666667, s15;
	s28 =	spop (v2sf)  }
0x78: {  	(v2sf) =	vpush v6, $0x9;
	s10 =	sshra.s32 s4, $0x1F;
	s6 =	smulhi.u32 $0x66666667, s25;
	[dreg:$0x7] =	wrdreg s31  }
0x79: {  	s17 =	sshra.s32 s25, $0x1F;
	s31 =	smulhi.u32 $0x66666667, s16;
	[dreg:$0x6] =	wrdreg s10  }
0x7a: {  	s25 =	sadd.s32 s12, s11;
	s26 =	smul.u32 $0x66666667, s26;
	s7 =	sshra.s32 s28, $0x1F  }
0x7b: {  	(v2sf) =	vpush v6, $0xA;
	s29 =	smul.u32 $0x66666667, s17;
	s21 =	spop (v2sf);
	s0 =	sadd.s32 s20, s0  }
0x7c: {  	s22 =	sshra.s32 s21, $0x1F;
	s13 =	spop (v2sf);
	s3 =	smulhi.u32 $0x66666667, s21  }
0x7d: {  	s2 =	sadd.s32 s2, s31;
	s18 =	sadd.s32 s26, s19;
	s19 =	smul.u32 $0x66666667, s7  }
0x7e: {  	s21 =	sshrl.u32 s4, $0x1F;
	s12 =	smul.u32 $0x66666667, s22;
	s20 =	sshrl.u32 s2, $0x1F  }
0x7f: {  	(v2sf) =	vpush v6, $0xF;
	s22 =	sshra.s32 s2, $0x1F;
	s5 =	sshra.s32 s2, $0x2;
	s2 =	smulhi.u32 $0x66666667, s28  }
0x80: {  	s4 =	sshra.s32 s9, $0x2;
	s8 =	spop (v2sf);
	s15 =	smulhi.u32 $0x66666667, s13  }
0x81: {  	s1 =	sshra.s32 s13, $0x1F;
	s11 =	sshra.s32 s8, $0x1F;
	s8 =	smulhi.u32 $0x66666667, s8  }
0x82: {  	s26 =	sshra.s32 s9, $0x1F;
	s14 =	spop (v2sf);
	s1 =	smul.u32 $0x66666667, s1  }
0x83: {  	s7 =	sshrl.u32 s9, $0x1F;
	s17 =	sadd.s32 s29, s6;
	s24 =	smulhi.u32 $0x66666667, s14  }
0x84: {  	s29 =	sshra.s32 s0, $0x1F;
	s16 =	sshra.s32 s14, $0x1F;
	s11 =	smul.u32 $0x66666667, s11  }
0x85: {  	s13 =	sshra.s32 s25, $0x1F;
	s3 =	sadd.s32 s12, s3;
	s31 =	smul.u32 $0x66666667, s16  }
0x86: {  	s2 =	sadd.s32 s19, s2;
	s16 =	sshra.s32 s25, $0x2;
	s1 =	sadd.s32 s1, s15  }
0x87: {  	s8 =	sadd.s32 s11, s8;
	s24 =	sadd.s32 s31, s24;
	s10 =	spop (v2sf)  }
0x88: {  	v8 =	vmov s29;
	s29 =	sshra.s32 s8, $0x2;
	s31 =	sshra.s32 s24, $0x1F;
	s6 =	sshra.s32 s10, $0x1F  }
0x89: {  	s9 =	smulhi.u32 $0x66666667, s10;
	s10 =	sshra.s32 s24, $0x2;
	s24 =	sshrl.u32 s24, $0x1F  }
0x8a: {  	vm10 =	vcmask $0x704;
	s8 =	sshrl.u32 s8, $0x1F;
	s28 =	spop (v2sf);
	v8 =	vsel vm4, s10, v8;
	v9 =	vmov s24;
	s24 =	rddreg [dreg:$0x7]  }
0x8b: {  	s6 =	smul.u32 $0x66666667, s6;
	v8 =	vsel vm10, s31, v8;
	s31 =	sshra.s32 s2, $0x2;
	s2 =	sshrl.u32 s2, $0x1F;
	vm10 =	vcmask $0xF0C;
	v9 =	vnsel vm4, $0x0, v9  }
0x8c: {  	s14 =	sshra.s32 s28, $0x1F;
	s12 =	smulhi.u32 $0x66666667, s28;
	s28 =	sshrl.u32 s25, $0x1F;
	v8 =	vsel vm0, s16, v8;
	v10 =	vmov s31;
	v11 =	vmov s2  }
0x8d: {  	s14 =	smul.u32 $0x66666667, s14;
	s31 =	sshra.s32 s3, $0x2;
	s3 =	sshrl.u32 s3, $0x1F;
	v9 =	vsel vm0, s28, v9;
	v8 =	vsel vm10, s13, v8;
	v10 =	vsel vm0, s29, v10  }
0x8e: {  	s16 =	sshra.s32 s1, $0x2;
	s1 =	sshrl.u32 s1, $0x1F;
	vm10 =	vcmask $0x1714;
	v11 =	vsel vm0, s8, v11;
	v9 =	vsel vm1, s21, v9;
	s10 =	spop (v2sf)  }
0x8f: {  	s29 =	rddreg [dreg:$0x6];
	v63 =	vmov s16;
	v13 =	vmov s1;
	v8 =	vsel vm1, s24, v8;
	s19 =	sshra.s32 s10, $0x1F;
	s10 =	smulhi.u32 $0x66666667, s10  }
0x90: {  	s6 =	sadd.s32 s6, s9;
	s28 =	sshrl.u32 s17, $0x1F;
	v10 =	vsel vm1, s31, v10;
	v11 =	vsel vm1, s3, v11;
	v8 =	vsel vm10, s29, v8;
	s11 =	smul.u32 $0x66666667, s19  }
0x91: {  	s15 =	sshra.s32 s6, $0x2;
	s6 =	sshrl.u32 s6, $0x1F;
	s12 =	sadd.s32 s14, s12;
	v9 =	vsel vm2, s20, v9;
	vm10 =	vcmask $0x1F1C;
	v8 =	vsel vm2, s5, v8  }
0x92: {  	v12 =	vsel vm0, s15, v63;
	v13 =	vsel vm0, s6, v13;
	s20 =	sshra.s32 s12, $0x2;
	v8 =	vsel vm10, s22, v8;
	s31 =	sadd.s32 s11, s10;
	s11 =	rddreg [dreg:$0x5]  }
0x93: {  	s24 =	sshra.s32 s17, $0x2;
	s14 =	sshrl.u32 s12, $0x1F;
	v9 =	vsel vm5, s7, v9;
	v12 =	vsel vm1, s20, v12;
	v8 =	vsel vm5, s4, v8;
	s8 =	smul.u32 $0x66666667, s11  }
0x94: {  	s21 =	sshra.s32 s18, $0x2;
	s19 =	rddreg [dreg:$0x4];
	v13 =	vsel vm1, s14, v13;
	v12 =	vsel vm2, s24, v12;
	v8 =	vsel vm13, s26, v8;
	s2 =	sshra.s32 s31, $0x2  }
0x95: {  	s22 =	sshra.s32 s18, $0x1F;
	v13 =	vsel vm2, s28, v13;
	s13 =	sshrl.u32 s31, $0x1F;
	v8 =	vsel vm6, s21, v8;
	v10 =	vsel vm2, s2, v10;
	s5 =	sadd.s32 s8, s19  }
0x96: {  	s10 =	sshrl.u32 s18, $0x1F;
	v11 =	vsel vm2, s13, v11;
	v8 =	vsel vm14, s22, v8;
	v10 =	vcombine.low v12, v10;
	s25 =	sshra.s32 s5, $0x2  }
0x97: {  	v9 =	vsel vm6, s10, v9;
	v11 =	vcombine.low v13, v11;
	s26 =	sshra.s32 s5, $0x1F;
	s31 =	sshrl.u32 s5, $0x1F;
	v8 =	vsel vm7, s25, v8  }
0x98: {  	s29 =	sshra.s32 s0, $0x2;
	s0 =	sshrl.u32 s0, $0x1F;
	v9 =	vsel vm7, s31, v9;
	v10 =	vperm.xlane v10, v2;
	v8 =	vsel vm15, s26, v8  }
0x99: {  	v11 =	vperm.xlane v11, v2;
	v9 =	vsel vm8, s0, v9;
	v8 =	vsel vm8, s29, v8  }
0x9a: {  	v9 =	vperm.xlane v9, v3;
	v8 =	vperm.xlane v8, v3;
	_ =	sdelay $0x1  }
0x9b: {  	s23 =	sadd.s32 $0x10, s23;
	v9 =	vsel vm3, v9, v11;
	v8 =	vsel vm3, v8, v10  }
0x9c: {  	v7 =	vmov s23;
	v8 =	vadd.s32 v9, v8  }
0x9d: {  	v7 =	vmul.u32 $0xBE, v7;
	v9 =	vmul.u32 $0xFFFFFFF6, v8  }
0x9e: {  	p0 =	sne.s32 s30, $0x3FC0  }
.Ltmp0:
0x9f: {  	v7 =	vbroadcast v7, $0x0;
	vm10 =	vlt.s32 v6, $0x1;
	v9 =	vadd.s32 v6, v9;
	(pc) =	sbr.rel @p0 .LBB2_2-.Ltmp0, $4  }
0xa0: {  	vm11 =	vne.s32 v9, $0x0;
	vm12 =	vlt.s32 v9, $0x0;
	v10 =	vadd.s32 $0xA, v9  }
0xa1: {  	v9 =	vsel vm12, v10, v9;
	vm11 =	vmand vm10, vm11  }
0xa2: {  	v7 =	vadd.s32 v6, v7;
	vm10 =	veq.s32 v9, $0x9;
	v9 =	vsel vm11, $0xFFFFFFFF, v0  }
0xa3: {  	s30 =	sadd.s32 $0x40, s30;
	vm9 =	veq.s32 v6, $0xB3;
	v7 =	vadd.s32 v1, v7;
	s3 =	simm.s32 $0x5000;
	s12 =	rddreg [dreg:$0x3];
	v8 =	vadd.s32 v9, v8;
	(xrf1) =	vunique.msk.u32 vm10, v6  }
0xa4: {  	_ =	sdelay $0x7  }
0xa5: {  	[tilespmem:s12+$0x1000] =	vst v7  }
0xa6: {  	v7 =	vld.idx.msk [tilespmem:v8+s3+$0x0], vm10;
	_ =	sdelay $0x3  }
0xa7: {  	vm12 =	veq.s32 v6, $0xBD;
	_, v9, vm11 =	vpop (xrf1)  }
0xa8: {  	v10 =	vsel vm9, $0x10000, v0;
	v59 =	vsel vm12, $0x1, v0;
	v7 =	vadd.s32 v7, v9  }
0xa9: {  	v9 =	vor.u32 v59, v10;
	v6 =	vadd.s32 $0xFFFFFFFF, v7  }
0xaa: {  	(xrf0) =	vadd.scan.msk.s32 $0xffff, v9;
	v6 =	vnsel vm10, $0x0, v6  }
0xab: {  	[tilespmem:s12+$0x3000] =	vst v6  }
0xac: {  	v6 =	vld.idx.msk [tilespmem:v4+s3+$0x0], $0xffff  }
0xad: {  	v60 =	vld.idx.msk [tilespmem:v5+s3+$0x0], $0xffff;
	_ =	sdelay $0x2  }
0xae: {  	v62, _, _ =	vpop (xrf0)  }
0xaf: {  	v61 =	vsel vm9, $0xFFFFFFFF, v0;
	v11 =	vsel vm12, $0xFFFFFFFF, v0;
	v63 =	vand.u32 $0xFFFF, v62  }
0xb0: {  	v10 =	vshra.s32 v62, $0x10;
	v6 =	vadd.s32 v61, v6;
	v9 =	vadd.s32 v11, v60  }
0xb1: {  	v9 =	vadd.s32 v63, v9;
	v6 =	vadd.s32 v10, v6  }
0xb2: {  	s0 =	rddreg [dreg:$0x8];
	[tilespmem:v8+s3+$0x0] =	vst.idx.msk vm11, v7;
	v6 =	vsel vm12, v6, v9  }
0xb3: {  	s1 =	simm.s32 $0x80;
	s2 =	simm.s32 $0x1000;
	s4 =	simm.s32 $0x2000;
	[tilespmem:s12+$0x4000] =	vst v6  }
0xb4: {  	[tilespmem:s4], [sflag:$0x1] =	stream.indirect.gather [hbm4b:s0+s1], $0x1, s2, s1, $0xb8;
	[tilespmem:$0x5020] =	vst v63  }
0xb5: {  	s5 =	simm.s32 $0x2080;
	s12 =	simm.s32 $0x1080  }
0xb6: {  	[tilespmem:s5], [sflag:$0x1] =	stream.indirect.gather [hbm4b:s0+s1], $0x1, s12, s1, $0xb8;
	[tilespmem:$0x5020] =	vst v63  }
0xb7: {  	s13 =	simm.s32 $0x1100;
	s14 =	simm.s32 $0x2100  }
0xb8: {  	[tilespmem:s14], [sflag:$0x1] =	stream.indirect.gather [hbm4b:s0+s1], $0x1, s13, s1, $0xb8;
	[tilespmem:$0x5020] =	vst v63  }
0xb9: {  	s15 =	simm.s32 $0x1180;
	s16 =	simm.s32 $0x2180  }
0xba: {  	[tilespmem:s16], [sflag:$0x1] =	stream.indirect.gather [hbm4b:s0+s1], $0x1, s15, s1, $0xb8;
	[tilespmem:$0x5020] =	vst v63  }
0xbb: {  	s17 =	simm.s32 $0x1200;
	s18 =	simm.s32 $0x2200  }
0xbc: {  	[tilespmem:s18], [sflag:$0x1] =	stream.indirect.gather [hbm4b:s0+s1], $0x1, s17, s1, $0xb8;
	[tilespmem:$0x5020] =	vst v63  }
0xbd: {  	s19 =	simm.s32 $0x1280;
	s20 =	simm.s32 $0x2280  }
0xbe: {  	[tilespmem:s20], [sflag:$0x1] =	stream.indirect.gather [hbm4b:s0+s1], $0x1, s19, s1, $0xb8;
	[tilespmem:$0x5020] =	vst v63  }
0xbf: {  	s21 =	simm.s32 $0x1300;
	s22 =	simm.s32 $0x2300  }
0xc0: {  	[tilespmem:s22], [sflag:$0x1] =	stream.indirect.gather [hbm4b:s0+s1], $0x1, s21, s1, $0xb8;
	[tilespmem:$0x5020] =	vst v63  }
0xc1: {  	s23 =	simm.s32 $0x1380;
	s24 =	simm.s32 $0x2380  }
0xc2: {  	[tilespmem:s24], [sflag:$0x1] =	stream.indirect.gather [hbm4b:s0+s1], $0x1, s23, s1, $0xb8;
	[tilespmem:$0x5020] =	vst v63  }
0xc3: {  	s25 =	simm.s32 $0x1400;
	s26 =	simm.s32 $0x2400  }
0xc4: {  	[tilespmem:s26], [sflag:$0x1] =	stream.indirect.gather [hbm4b:s0+s1], $0x1, s25, s1, $0xb8;
	[tilespmem:$0x5020] =	vst v63  }
0xc5: {  	s28 =	simm.s32 $0x1480;
	s29 =	simm.s32 $0x2480  }
0xc6: {  	[tilespmem:s29], [sflag:$0x1] =	stream.indirect.gather [hbm4b:s0+s1], $0x1, s28, s1, $0xb8;
	[tilespmem:$0x5020] =	vst v63  }
0xc7: {  	s30 =	simm.s32 $0x1500;
	s31 =	simm.s32 $0x2500  }
0xc8: {  	[tilespmem:s31], [sflag:$0x1] =	stream.indirect.gather [hbm4b:s0+s1], $0x1, s30, s1, $0xb8;
	[tilespmem:$0x5020] =	vst v63  }
0xc9: {  	s6 =	simm.s32 $0x2580;
	s5 =	simm.s32 $0x1580  }
0xca: {  	[tilespmem:s6], [sflag:$0x1] =	stream.indirect.gather [hbm4b:s0+s1], $0x1, s5, s1, $0xb8;
	[tilespmem:$0x5020] =	vst v63  }
0xcb: {  	s7 =	simm.s32 $0x1600;
	s8 =	simm.s32 $0x2600  }
0xcc: {  	[tilespmem:s8], [sflag:$0x1] =	stream.indirect.gather [hbm4b:s0+s1], $0x1, s7, s1, $0xb8;
	[tilespmem:$0x5020] =	vst v63  }
0xcd: {  	s9 =	simm.s32 $0x1680;
	s10 =	simm.s32 $0x2680  }
0xce: {  	[tilespmem:s10], [sflag:$0x1] =	stream.indirect.gather [hbm4b:s0+s1], $0x1, s9, s1, $0xb8;
	[tilespmem:$0x5020] =	vst v63  }
0xcf: {  	s11 =	simm.s32 $0x1700;
	s12 =	simm.s32 $0x2700  }
0xd0: {  	[tilespmem:s12], [sflag:$0x1] =	stream.indirect.gather [hbm4b:s0+s1], $0x1, s11, s1, $0xb8;
	[tilespmem:$0x5020] =	vst v63  }
0xd1: {  	s13 =	simm.s32 $0x1780;
	s14 =	simm.s32 $0x2780  }
0xd2: {  	[tilespmem:s14], [sflag:$0x1] =	stream.indirect.gather [hbm4b:s0+s1], $0x1, s13, s1, $0xb8;
	[tilespmem:$0x5020] =	vst v63  }
0xd3: {  	s15 =	simm.s32 $0x1800;
	s16 =	simm.s32 $0x2800  }
0xd4: {  	[tilespmem:s16], [sflag:$0x1] =	stream.indirect.gather [hbm4b:s0+s1], $0x1, s15, s1, $0xb8;
	[tilespmem:$0x5020] =	vst v63  }
0xd5: {  	s17 =	simm.s32 $0x1880;
	s18 =	simm.s32 $0x2880  }
0xd6: {  	[tilespmem:s18], [sflag:$0x1] =	stream.indirect.gather [hbm4b:s0+s1], $0x1, s17, s1, $0xb8;
	[tilespmem:$0x5020] =	vst v63  }
0xd7: {  	s19 =	simm.s32 $0x1900;
	s20 =	simm.s32 $0x2900  }
0xd8: {  	[tilespmem:s20], [sflag:$0x1] =	stream.indirect.gather [hbm4b:s0+s1], $0x1, s19, s1, $0xb8;
	[tilespmem:$0x5020] =	vst v63  }
0xd9: {  	s21 =	simm.s32 $0x1980;
	s22 =	simm.s32 $0x2980  }
0xda: {  	[tilespmem:s22], [sflag:$0x1] =	stream.indirect.gather [hbm4b:s0+s1], $0x1, s21, s1, $0xb8;
	[tilespmem:$0x5020] =	vst v63  }
0xdb: {  	s23 =	simm.s32 $0x1A00;
	s24 =	simm.s32 $0x2A00  }
0xdc: {  	[tilespmem:s24], [sflag:$0x1] =	stream.indirect.gather [hbm4b:s0+s1], $0x1, s23, s1, $0xb8;
	[tilespmem:$0x5020] =	vst v63  }
0xdd: {  	s25 =	simm.s32 $0x1A80;
	s26 =	simm.s32 $0x2A80  }
0xde: {  	[tilespmem:s26], [sflag:$0x1] =	stream.indirect.gather [hbm4b:s0+s1], $0x1, s25, s1, $0xb8;
	[tilespmem:$0x5020] =	vst v63  }
0xdf: {  	s28 =	simm.s32 $0x1B00;
	s29 =	simm.s32 $0x2B00  }
0xe0: {  	[tilespmem:s29], [sflag:$0x1] =	stream.indirect.gather [hbm4b:s0+s1], $0x1, s28, s1, $0xb8;
	[tilespmem:$0x5020] =	vst v63  }
0xe1: {  	s30 =	simm.s32 $0x1B80;
	s31 =	simm.s32 $0x2B80  }
0xe2: {  	[tilespmem:s31], [sflag:$0x1] =	stream.indirect.gather [hbm4b:s0+s1], $0x1, s30, s1, $0xb8;
	[tilespmem:$0x5020] =	vst v63  }
0xe3: {  	s6 =	simm.s32 $0x1C00;
	s7 =	simm.s32 $0x2C00  }
0xe4: {  	[tilespmem:s7], [sflag:$0x1] =	stream.indirect.gather [hbm4b:s0+s1], $0x1, s6, s1, $0xb8;
	[tilespmem:$0x5020] =	vst v63  }
0xe5: {  	s8 =	simm.s32 $0x1C80;
	s9 =	simm.s32 $0x2C80  }
0xe6: {  	[tilespmem:s9], [sflag:$0x1] =	stream.indirect.gather [hbm4b:s0+s1], $0x1, s8, s1, $0xb8;
	[tilespmem:$0x5020] =	vst v63  }
0xe7: {  	s10 =	simm.s32 $0x1D00;
	s11 =	simm.s32 $0x2D00  }
0xe8: {  	[tilespmem:s11], [sflag:$0x1] =	stream.indirect.gather [hbm4b:s0+s1], $0x1, s10, s1, $0xb8;
	[tilespmem:$0x5020] =	vst v63  }
0xe9: {  	s12 =	simm.s32 $0x1D80;
	s13 =	simm.s32 $0x2D80  }
0xea: {  	[tilespmem:s13], [sflag:$0x1] =	stream.indirect.gather [hbm4b:s0+s1], $0x1, s12, s1, $0xb8;
	[tilespmem:$0x5020] =	vst v63  }
0xeb: {  	s14 =	simm.s32 $0x1E00;
	s15 =	simm.s32 $0x2E00  }
0xec: {  	[tilespmem:s15], [sflag:$0x1] =	stream.indirect.gather [hbm4b:s0+s1], $0x1, s14, s1, $0xb8;
	[tilespmem:$0x5020] =	vst v63  }
0xed: {  	s16 =	simm.s32 $0x1E80;
	s17 =	simm.s32 $0x2E80  }
0xee: {  	[tilespmem:s17], [sflag:$0x1] =	stream.indirect.gather [hbm4b:s0+s1], $0x1, s16, s1, $0xb8;
	[tilespmem:$0x5020] =	vst v63  }
0xef: {  	s18 =	simm.s32 $0x1F00;
	s19 =	simm.s32 $0x2F00  }
0xf0: {  	[tilespmem:s19], [sflag:$0x1] =	stream.indirect.gather [hbm4b:s0+s1], $0x1, s18, s1, $0xb8;
	[tilespmem:$0x5020] =	vst v63  }
0xf1: {  	s20 =	simm.s32 $0x1F80;
	s21 =	simm.s32 $0x2F80;
	s22 =	simm.s32 $0x1  }
0xf2: {  	[tilespmem:s21], [sflag:$0x1] =	stream.indirect.gather [hbm4b:s0+s1], $0x1, s20, s1, $0xb8;
	[tilespmem:$0x5020] =	vst v63  }
0xf3: {  	_ =	swait.ge [sflag:s22], $0x80  }
0xf4: {  	[sflag:s22] =	ssyncset.done $0x0  }
0xf5: {  	[sflag:s22] =	ssyncadd.s32 $0xFFFFFF80  }
0xf6: {  	_ =	swait.ge [sflag:s22], $0x80  }
0xf7: {  	[sflag:s22] =	ssyncset.done $0x0  }
0xf8: {  	[sflag:s22] =	ssyncadd.s32 $0xFFFFFF80  }
0xf9: {  	_ =	swait.ge [sflag:s22], $0x80  }
0xfa: {  	[sflag:s22] =	ssyncset.done $0x0  }
0xfb: {  	[sflag:s22] =	ssyncadd.s32 $0xFFFFFF80  }
0xfc: {  	_ =	swait.ge [sflag:s22], $0x80  }
0xfd: {  	[sflag:s22] =	ssyncset.done $0x0  }
0xfe: {  	[sflag:s22] =	ssyncadd.s32 $0xFFFFFF80  }
0xff: {  	_ =	swait.ge [sflag:s22], $0x80  }
0x100: {  	[sflag:s22] =	ssyncset.done $0x0  }
0x101: {  	[sflag:s22] =	ssyncadd.s32 $0xFFFFFF80  }
0x102: {  	_ =	swait.ge [sflag:s22], $0x80  }
0x103: {  	[sflag:s22] =	ssyncset.done $0x0  }
0x104: {  	[sflag:s22] =	ssyncadd.s32 $0xFFFFFF80  }
0x105: {  	_ =	swait.ge [sflag:s22], $0x80  }
0x106: {  	[sflag:s22] =	ssyncset.done $0x0  }
0x107: {  	[sflag:s22] =	ssyncadd.s32 $0xFFFFFF80  }
0x108: {  	_ =	swait.ge [sflag:s22], $0x80  }
0x109: {  	[sflag:s22] =	ssyncset.done $0x0  }
0x10a: {  	[sflag:s22] =	ssyncadd.s32 $0xFFFFFF80  }
0x10b: {  	_ =	swait.ge [sflag:s22], $0x80  }
0x10c: {  	[sflag:s22] =	ssyncset.done $0x0  }
0x10d: {  	[sflag:s22] =	ssyncadd.s32 $0xFFFFFF80  }
0x10e: {  	_ =	swait.ge [sflag:s22], $0x80  }
0x10f: {  	[sflag:s22] =	ssyncset.done $0x0  }
0x110: {  	[sflag:s22] =	ssyncadd.s32 $0xFFFFFF80  }
0x111: {  	_ =	swait.ge [sflag:s22], $0x80  }
0x112: {  	[sflag:s22] =	ssyncset.done $0x0  }
0x113: {  	[sflag:s22] =	ssyncadd.s32 $0xFFFFFF80  }
0x114: {  	_ =	swait.ge [sflag:s22], $0x80  }
0x115: {  	[sflag:s22] =	ssyncset.done $0x0  }
0x116: {  	[sflag:s22] =	ssyncadd.s32 $0xFFFFFF80  }
0x117: {  	_ =	swait.ge [sflag:s22], $0x80  }
0x118: {  	[sflag:s22] =	ssyncset.done $0x0  }
0x119: {  	[sflag:s22] =	ssyncadd.s32 $0xFFFFFF80  }
0x11a: {  	_ =	swait.ge [sflag:s22], $0x80  }
0x11b: {  	[sflag:s22] =	ssyncset.done $0x0  }
0x11c: {  	[sflag:s22] =	ssyncadd.s32 $0xFFFFFF80  }
0x11d: {  	_ =	swait.ge [sflag:s22], $0x80  }
0x11e: {  	[sflag:s22] =	ssyncset.done $0x0  }
0x11f: {  	[sflag:s22] =	ssyncadd.s32 $0xFFFFFF80  }
0x120: {  	_ =	swait.ge [sflag:s22], $0x80  }
0x121: {  	[sflag:s22] =	ssyncset.done $0x0  }
0x122: {  	[sflag:s22] =	ssyncadd.s32 $0xFFFFFF80  }
0x123: {  	_ =	swait.ge [sflag:s22], $0x80  }
0x124: {  	[sflag:s22] =	ssyncset.done $0x0  }
0x125: {  	[sflag:s22] =	ssyncadd.s32 $0xFFFFFF80  }
0x126: {  	_ =	swait.ge [sflag:s22], $0x80  }
0x127: {  	[sflag:s22] =	ssyncset.done $0x0  }
0x128: {  	[sflag:s22] =	ssyncadd.s32 $0xFFFFFF80  }
0x129: {  	_ =	swait.ge [sflag:s22], $0x80  }
0x12a: {  	[sflag:s22] =	ssyncset.done $0x0  }
0x12b: {  	[sflag:s22] =	ssyncadd.s32 $0xFFFFFF80  }
0x12c: {  	_ =	swait.ge [sflag:s22], $0x80  }
0x12d: {  	[sflag:s22] =	ssyncset.done $0x0  }
0x12e: {  	[sflag:s22] =	ssyncadd.s32 $0xFFFFFF80  }
0x12f: {  	_ =	swait.ge [sflag:s22], $0x80  }
0x130: {  	[sflag:s22] =	ssyncset.done $0x0  }
0x131: {  	[sflag:s22] =	ssyncadd.s32 $0xFFFFFF80  }
0x132: {  	_ =	swait.ge [sflag:s22], $0x80  }
0x133: {  	[sflag:s22] =	ssyncset.done $0x0  }
0x134: {  	[sflag:s22] =	ssyncadd.s32 $0xFFFFFF80  }
0x135: {  	_ =	swait.ge [sflag:s22], $0x80  }
0x136: {  	[sflag:s22] =	ssyncset.done $0x0  }
0x137: {  	[sflag:s22] =	ssyncadd.s32 $0xFFFFFF80  }
0x138: {  	_ =	swait.ge [sflag:s22], $0x80  }
0x139: {  	[sflag:s22] =	ssyncset.done $0x0  }
0x13a: {  	[sflag:s22] =	ssyncadd.s32 $0xFFFFFF80  }
0x13b: {  	_ =	swait.ge [sflag:s22], $0x80  }
0x13c: {  	[sflag:s22] =	ssyncset.done $0x0  }
0x13d: {  	[sflag:s22] =	ssyncadd.s32 $0xFFFFFF80  }
0x13e: {  	_ =	swait.ge [sflag:s22], $0x80  }
0x13f: {  	[sflag:s22] =	ssyncset.done $0x0  }
0x140: {  	[sflag:s22] =	ssyncadd.s32 $0xFFFFFF80  }
0x141: {  	_ =	swait.ge [sflag:s22], $0x80  }
0x142: {  	[sflag:s22] =	ssyncset.done $0x0  }
0x143: {  	[sflag:s22] =	ssyncadd.s32 $0xFFFFFF80  }
0x144: {  	_ =	swait.ge [sflag:s22], $0x80  }
0x145: {  	[sflag:s22] =	ssyncset.done $0x0  }
0x146: {  	[sflag:s22] =	ssyncadd.s32 $0xFFFFFF80  }
0x147: {  	_ =	swait.ge [sflag:s22], $0x80  }
0x148: {  	[sflag:s22] =	ssyncset.done $0x0  }
0x149: {  	[sflag:s22] =	ssyncadd.s32 $0xFFFFFF80  }
0x14a: {  	_ =	swait.ge [sflag:s22], $0x80  }
0x14b: {  	[sflag:s22] =	ssyncset.done $0x0  }
0x14c: {  	[sflag:s22] =	ssyncadd.s32 $0xFFFFFF80  }
0x14d: {  	_ =	swait.ge [sflag:s22], $0x80  }
0x14e: {  	[sflag:s22] =	ssyncset.done $0x0  }
0x14f: {  	[sflag:s22] =	ssyncadd.s32 $0xFFFFFF80  }
0x150: {  	_ =	swait.ge [sflag:s22], $0x80  }
0x151: {  	s9 =	simm.s32 $0x0;
	[sflag:s22] =	ssyncset.done $0x0  }
0x152: {  	s1 =	simm.s32 $0x2;
	s23 =	rddreg [dreg:$0xa];
	[sflag:s22] =	ssyncadd.s32 $0xFFFFFF80  }
0x153: {  	[hbm4b:s23+s9] =	stream.linear.scatter [tilespmem:s4], [sflag:$0x2], $0x1000, $0x38;
	[tilespmem:$0x5020] =	vst v63  }
0x154: {  	_ =	swait.ge [sflag:s1], $0x1000  }
0x155: {  	[sflag:s1] =	ssyncset.done $0x0  }
0x156: {  	s25 =	simm.s32 $0x3000;
	s24 =	rddreg [dreg:$0xb];
	[sflag:s1] =	ssyncadd.s32 $0xFFFFF000  }
0x157: {  	[hbm4b:s24+s9] =	stream.linear.scatter [tilespmem:s25], [sflag:$0x2], $0x1000, $0x38;
	[tilespmem:$0x5020] =	vst v63  }
0x158: {  	_ =	swait.ge [sflag:s1], $0x1000  }
0x159: {  	[sflag:s1] =	ssyncset.done $0x0  }
0x15a: {  	s28 =	simm.s32 $0x4000;
	s26 =	rddreg [dreg:$0xc];
	[sflag:s1] =	ssyncadd.s32 $0xFFFFF000  }
0x15b: {  	[hbm4b:s26+s9] =	stream.linear.scatter [tilespmem:s28], [sflag:$0x2], $0x1000, $0x38;
	[tilespmem:$0x5020] =	vst v63  }
0x15c: {  	_ =	swait.ge [sflag:s1], $0x1000  }
0x15d: {  	[sflag:s1] =	ssyncset.done $0x0  }
0x15e: {  	s29 =	rddreg [dreg:$0xd];
	[sflag:s1] =	ssyncadd.s32 $0xFFFFF000  }
0x15f: {  	[hbm4b:s29+s9] =	stream.linear.scatter [tilespmem:s3], [sflag:$0x2], $0x20, $0x38;
	[tilespmem:$0x5020] =	vst v63  }
0x160: {  	_ =	swait.ge [sflag:s1], $0x20  }
0x161: {  	s30 =	rddreg [dreg:$0x10]  }
0x162: {  	s31 =	rddreg [dreg:$0xe];
	s2 =	sadd.s32 $0x1, s30  }
0x163: {  	p0 =	sne.s32 s2, s31  }
.Ltmp1:
0x164: {  	_ = 	snop;
	(pc) =	sbr.rel @p0 .LBB2_1-.Ltmp1, $3  }
0x165: {  	_ =	sdelay $0x1  }
0x166: {  	vm9 =	vcmask $0x1F1C;
	[sflag:s1] =	ssyncset.done $0x0  }
0x167: {  	vm10 =	vcmask $0x704;
	vm11 =	vcmask $0xF0C;
	vm12 =	vcmask $0x1714;
	[sflag:s1] =	ssyncadd.s32 $0xFFFFFFE0  }
0x168: {  	_ =	sfence.sel $0x180000  }
0x169: {  	[bflag:$0x0] =	sbarrier.arrive $0xFFFF  }
0x16a: {  	_ =	strace $0x90000047  }
0x16b: {  	s0 =	stileid.u32;
	[bflag:$0x2] =	sbarrier.arrive $0xFFFF  }
0x16c: {  	p0 =	sne.s32 s0, $0x0;
	s0 =	rddreg [dreg:$0x2]  }
0x16d: {  	s0 =	sadd.s32 @!p0 $0x100000, s0  }
0x16e: {  	[sflag:s0] =	ssyncadd.tile.s32 @!p0 $0x1;
	_ =	shalt  }
.Lfunc_end2:
_tile_overlayer_lowered:
.L_overlay_start_2:
0x16f: {  	(tag) =	ssettag $0x2  }
0x170: {  	s0 =	rddreg [dreg:$0x0];
	s2 =	stileid.u32  }
0x171: {  	s1 =	rddreg [dreg:$0x1];
	p0 =	sne.s32 s2, $0x0  }
0x172: {  	s3 =	rddreg [dreg:$0x2];
	[bflag:$0x3] =	sbarrier.arrive $0xFFFF;
	s2 =	simm.s32 @!p0 $0x1C02  }
0x173: {  	[timem:s3], [sflag:s2] =	dma.local @!p0 [hbm:s0], s1  }
0x174: {  	s0 =	simm.s32 @!p0 $0x2  }
0x175: {  	_ =	swait.ge @!p0 [sflag:s0], s1  }
0x176: {  	s1 =	ssub.s32 @!p0 $0x0, s1;
	[sflag:s0] =	ssyncset.done @!p0 $0x0  }
0x177: {  	[sflag:s0] =	ssyncadd.s32 @!p0 s1  }
0x178: {  	[bflag:$0x3] =	sbarrier.arrive $0xFFFF  }
0x179: {  	_ =	shalt  }

// kernel: kernel.7.cloned.1.call-start
scs
__scs_entry_jumppad:
0x0: {  	(pc) =	sbr.rel $0x88, $3  }
0x1: {  	(tag) =	ssettag $0x0;
	lr =	simm.s32 $0x1  }
0x2: {  	[smem:$0x3F9F] =	sst lr;
	_ =	strace $0xD0000000  }
0x3: {  	_ = 	snop  }
0x4: {  	_ = 	snop  }
0x5: {  	_ = 	snop  }
0x6: {  	_ = 	snop  }
0x7: {  	_ = 	snop  }
__scs_overlays_trampoline_lowered:
0x8: {  	[smem:$0x3FAE] =	sst s0  }
0x9: {  	[smem:$0x3FAF] =	sst s1  }
0xa: {  	[smem:$0x3FB0] =	sst s2  }
0xb: {  	[smem:$0x3FB1] =	sst s3  }
0xc: {  	[smem:$0x3FB2] =	sst s4  }
0xd: {  	[smem:$0x3FB3] =	sst s5  }
0xe: {  	[smem:$0x3FB4] =	sst s6  }
0xf: {  	[smem:$0x3FB5] =	sst s7  }
0x10: {  	[smem:$0x3FB6] =	sst s8  }
0x11: {  	[smem:$0x3FB7] =	sst s9;
	s0 =	simm.s32 @!p0 $0x0  }
0x12: {  	s1 =	sld [smem:$0x3F9D];
	s0 =	simm.s32 @p0 $0x1  }
0x13: {  	[smem:$0x3FB8] =	sst s0;
	s0 =	simm.s32 @!p1 $0x0  }
0x14: {  	s2 =	sld [smem:$0x3F9C];
	s0 =	simm.s32 @p1 $0x1  }
0x15: {  	[smem:$0x3FB9] =	sst s0;
	s0 =	simm.s32 @!p2 $0x0  }
0x16: {  	s3 =	sld [smem:$0x3FDB];
	s0 =	simm.s32 @p2 $0x1  }
0x17: {  	s4 =	simm.s32 $0x1BF5;
	[smem:$0x3FBB] =	sst s0  }
0x18: {  	s0 =	sld [smem:$0x3F9E];
	_ =	swait.ge [sflag:s4], $0x0  }
0x19: {  	s7 =	sld [smem:$0x3F9F]  }
0x1a: {  	s8 =	sadd.s32 $0xFFFFE003, lr  }
0x1b: {  	s9 =	sadd.s32 $0xFFFFFEF7, lr;
	s5 =	simm.s32 $0xFFFFFFFF;
	p2 =	slt.u32 s8, $0xFFFFF086  }
0x1c: {  	p1 =	slt.u32 s9, $0xF7A;
	s5 =	simm.s32 @!p2 $0x0  }
0x1d: {  	s5 =	simm.s32 @p1 $0x1;
	p0 =	seq.s32 s7, s2  }
0x1e: {  	s7 =	smul.u32 @!p0 $0xF7A, s2;
	p2 =	seq.s32 @!p0 s5, $0x0  }
0x1f: {  	s9 =	smul.u32 $0xF7A, s1;
	s8 =	simm.s32 @!p0 $0x1BF5;
	p2 =	por !p2, p0  }
0x20: {  	[sflag:s8] =	ssyncset.s32 @!p0 $0xFFFFF086;
	s6 =	sadd.s32 @!p0 s3, s7;
	s7 =	simm.s32 @!p0 $0x108  }
0x21: {  	s3 =	sadd.s32 s3, s9;
	s6 =	sadd.s32 @!p0 $0x88, s6;
	s7 =	simm.s32 @p2 $0x1082  }
0x22: {  	[simem:s7], [sflag:s8] =	dma.local @!p0 [hbm:s6], $0xF7A  }
0x23: {  	s9 =	sor.u32 $0xD0000000, s2;
	s6 =	simm.s32 $0x108;
	_ =	swait.ge @!p0 [sflag:s8], $0x0  }
0x24: {  	s3 =	sadd.s32 $0x88, s3;
	s6 =	simm.s32 @!p1 $0x1082;
	[sflag:s4] =	ssyncset.s32 $0xFFFFF086  }
0x25: {  	[simem:s6], [sflag:s4] =	dma.local [hbm:s3], $0xF7A  }
0x26: {  	[smem:$0x3F9F] =	sst s1;
	(tag) =	ssettag s2;
	_ =	strace s9  }
0x27: {  	s1 =	sld [smem:$0x3FAF]  }
0x28: {  	s2 =	sld [smem:$0x3FB0]  }
0x29: {  	s4 =	sld [smem:$0x3FB2]  }
0x2a: {  	p0 =	seq.s32 s5, $0x0;
	s5 =	sld [smem:$0x3FB3]  }
0x2b: {  	s6 =	sld [smem:$0x3FB4]  }
0x2c: {  	s7 =	sld [smem:$0x3FB5]  }
0x2d: {  	s3 =	simm.s32 $0x108;
	s8 =	sld [smem:$0x3FB6]  }
0x2e: {  	s3 =	simm.s32 @!p0 $0x1082;
	s9 =	sld [smem:$0x3FB7]  }
0x2f: {  	lr =	sadd.s32 s0, s3;
	s0 =	sld [smem:$0x3FAE]  }
0x30: {  	s3 =	sld [smem:$0x3FB1]  }
0x31: {  	[smem:$0x3FBA] =	sst s10  }
0x32: {  	s10 =	sld [smem:$0x3FB8];
	_ =	sdelay $0x3  }
0x33: {  	p0 =	seq.s32 s10, $0x1;
	s10 =	sld [smem:$0x3FBA];
	_ =	sdelay $0x3  }
0x34: {  	[smem:$0x3FBA] =	sst s10  }
0x35: {  	s10 =	sld [smem:$0x3FB9];
	_ =	sdelay $0x3  }
0x36: {  	p1 =	seq.s32 s10, $0x1;
	s10 =	sld [smem:$0x3FBA];
	_ =	sdelay $0x3  }
0x37: {  	[smem:$0x3FBA] =	sst s10  }
0x38: {  	s10 =	sld [smem:$0x3FBB]  }
0x39: {  	_ = 	snop;
	(pc) =	sbr.ind lr, $3  }
0x3a: {  	_ = 	snop  }
0x3b: {  	_ = 	snop  }
0x3c: {  	p2 =	seq.s32 s10, $0x1;
	s10 =	sld [smem:$0x3FBA]  }
0x3d: {  	_ =	shalt  }
0x3e: {  	_ =	shalt  }
0x3f: {  	_ =	shalt  }
0x40: {  	_ =	shalt  }
0x41: {  	_ =	shalt  }
0x42: {  	_ =	shalt  }
0x43: {  	_ =	shalt  }
0x44: {  	_ =	shalt  }
0x45: {  	_ =	shalt  }
0x46: {  	_ =	shalt  }
0x47: {  	_ =	shalt  }
0x48: {  	_ =	shalt  }
0x49: {  	_ =	shalt  }
0x4a: {  	_ =	shalt  }
0x4b: {  	_ =	shalt  }
0x4c: {  	_ =	shalt  }
0x4d: {  	_ =	shalt  }
0x4e: {  	_ =	shalt  }
0x4f: {  	_ =	shalt  }
0x50: {  	_ =	shalt  }
0x51: {  	_ =	shalt  }
0x52: {  	_ =	shalt  }
0x53: {  	_ =	shalt  }
0x54: {  	_ =	shalt  }
0x55: {  	_ =	shalt  }
0x56: {  	_ =	shalt  }
0x57: {  	_ =	shalt  }
0x58: {  	_ =	shalt  }
0x59: {  	_ =	shalt  }
0x5a: {  	_ =	shalt  }
0x5b: {  	_ =	shalt  }
0x5c: {  	_ =	shalt  }
0x5d: {  	_ =	shalt  }
0x5e: {  	_ =	shalt  }
0x5f: {  	_ =	shalt  }
0x60: {  	_ =	shalt  }
0x61: {  	_ =	shalt  }
0x62: {  	_ =	shalt  }
0x63: {  	_ =	shalt  }
0x64: {  	_ =	shalt  }
0x65: {  	_ =	shalt  }
0x66: {  	_ =	shalt  }
0x67: {  	_ =	shalt  }
0x68: {  	_ =	shalt  }
0x69: {  	_ =	shalt  }
0x6a: {  	_ =	shalt  }
0x6b: {  	_ =	shalt  }
0x6c: {  	_ =	shalt  }
0x6d: {  	_ =	shalt  }
0x6e: {  	_ =	shalt  }
0x6f: {  	_ =	shalt  }
0x70: {  	_ =	shalt  }
0x71: {  	_ =	shalt  }
0x72: {  	_ =	shalt  }
0x73: {  	_ =	shalt  }
0x74: {  	_ =	shalt  }
0x75: {  	_ =	shalt  }
0x76: {  	_ =	shalt  }
0x77: {  	_ =	shalt  }
0x78: {  	_ =	shalt  }
0x79: {  	_ =	shalt  }
0x7a: {  	_ =	shalt  }
0x7b: {  	_ =	shalt  }
0x7c: {  	_ =	shalt  }
0x7d: {  	_ =	shalt  }
0x7e: {  	_ =	shalt  }
0x7f: {  	_ =	shalt  }
0x80: {  	_ =	shalt  }
0x81: {  	_ =	shalt  }
0x82: {  	_ =	shalt  }
0x83: {  	_ =	shalt  }
0x84: {  	_ =	shalt  }
0x85: {  	_ =	shalt  }
0x86: {  	_ =	shalt  }
0x87: {  	_ =	shalt  }
.Lfunc_end0:
.L_simem_size_0:
called_computation.1_lowered:
.L_overlay_start_0:
0x88: {  	s2 =	sld [smem:$0x3FD9]  }
0x89: {  	s3 =	sld [smem:$0x3FFE];
	_ =	sdelay $0x1  }
0x8a: {  	s1 =	srdreg.scid  }
0x8b: {  	s0 =	sand.u32 $0x1, s1  }
0x8c: {  	s14 =	sshll.u32 s0, $0xA;
	s2 =	sadd.s32 s3, s2  }
0x8d: {  	s2 =	sadd.s32 s2, s14  }
0x8e: {  	[smem:$0x3FC6] =	sst s2  }
0x8f: {  	_ = 	snop  }
0x90: {  	s2 =	sld [smem:$0x3FD0];
	_ =	sdelay $0x2  }
0x91: {  	s4 =	simm.s32 $0xA;
	s5 =	simm.s32 $0x10;
	s15 =	sld [smem:$0x3FC8]  }
0x92: {  	[smem:s5], [sflag:s4] =	dma.local [hbm:s2], $0x1  }
0x93: {  	_ =	swait.eq [sflag:s4], $0x1  }
0x94: {  	[sflag:s4] =	ssyncset.done $0x0  }
0x95: {  	s16 =	sld [smem:$0x10];
	[sflag:s4] =	ssyncadd.s32 $0xFFFFFFFF  }
0x96: {  	s17 =	sld [smem:$0x11];
	(tm) =	ssettm $0x1  }
0x97: {  	s18 =	sld [smem:$0x3FFB];
	_ =	sdelay $0x3  }
0x98: {  	_ =	strace s18  }
0x99: {  	s5 =	sld [smem:$0x3FFC];
	_ =	sdelay $0x3  }
0x9a: {  	_ =	strace s5  }
0x9b: {  	s5 =	sld [smem:$0x3FFD];
	_ =	sdelay $0x3  }
0x9c: {  	_ =	strace s5  }
0x9d: {  	_ =	strace $0x8FFFFFFF  }
0x9e: {  	s19 =	sld [smem:$0x3FDB];
	_ =	sdelay $0x1  }
0x9f: {  	s6 =	simm.s32 $_scs_section_size  }
0xa0: {  	s7 =	simm.s32 $_size__tile_overlayer_lowered;
	s8 =	simm.s32 $_tile_overlayer_lowered  }
0xa1: {  	s22 =	simm.s32 $0x1BFF;
	s21 =	sshll.u32 s8, $0x1;
	s5 =	sadd.s32 s6, s19  }
0xa2: {  	s9 =	simm.s32 $0x0;
	s20 =	sshll.u32 s7, $0x1;
	s7 =	sadd.s32 s21, s5  }
0xa3: {  	[timem:s9], [sflag:s22] =	dma.local [hbm:s7], s20  }
0xa4: {  	_ =	swait.ge [sflag:s22], s20  }
0xa5: {  	s6 =	ssub.s32 $0x0, s20;
	[sflag:s22] =	ssyncset.done $0x0  }
0xa6: {  	[sflag:s22] =	ssyncadd.s32 s6;
	_ =	sdelay $0x1  }
0xa7: {  	s23 =	simm.s32 $0x1B8B  }
0xa8: {  	_ =	swait.ge [sflag:s23], $0x1  }
0xa9: {  	[sflag:s23] =	ssyncset.done $0x0  }
0xaa: {  	s25 =	simm.s32 $0x1B8E;
	s24 =	sld [smem:$0x3FFE];
	[sflag:s23] =	ssyncadd.s32 $0xFFFFFFFF  }
0xab: {  	s26 =	simm.s32 $execute0_lowered;
	[smem:$0x3FD2] =	sst s25  }
0xac: {  	s7 =	sshll.u32 s26, $0x1;
	_ =	strace $0x80000049;
	[dreg:$0x1] =	wrdreg $0xFFFFFFFF  }
0xad: {  	s28 =	simm.s32 $_size_execute0_lowered;
	s5 =	sadd.s32 s5, s7;
	[dreg:$0x0] =	wrdreg $0x0  }
0xae: {  	s7 =	sshll.u32 s28, $0x1;
	[dreg:$0x2] =	wrdreg s5  }
0xaf: {  	[dreg:$0x3] =	wrdreg s7  }
0xb0: {  	[dreg:$0x4] =	wrdreg $0xC0  }
0xb1: {  	_ =	task [dreg:s9], $0x5FFFF  }
0xb2: {  	[dreg:$0x1] =	wrdreg $0xFFFFFFFF  }
0xb3: {  	[dreg:$0x0] =	wrdreg $0x60  }
0xb4: {  	[dreg:$0x2] =	wrdreg s24  }
0xb5: {  	[dreg:$0x3] =	wrdreg s15  }
0xb6: {  	[dreg:$0x4] =	wrdreg s16  }
0xb7: {  	[dreg:$0x5] =	wrdreg s17  }
0xb8: {  	[dreg:$0x6] =	wrdreg $0x9  }
0xb9: {  	_ =	task.clear_ibuf [dreg:s9], $0x7FFFF;
	_ =	strace $0x90000049  }
0xba: {  	s29 =	simm.s32 $0x9;
	_ =	strace $0x8000004B  }
0xbb: {  	_ =	swait.ge [sflag:s29], $0x1  }
0xbc: {  	[sflag:s29] =	ssyncadd.s32 $0xFFFFFFFF  }
0xbd: {  	_ =	strace $0x9000004B  }
0xbe: {  	_ =	sfence  }
0xbf: {  	s30 =	sld [smem:$0x0];
	_ =	sdelay $0x2  }
0xc0: {  	s31 =	sshll.u32 s1, $0xD;
	s1 =	sshrl.u32 s1, $0x2  }
0xc1: {  	s3 =	sand.u32 $0x4000, s31;
	s1 =	sadd.s32 s1, s30  }
0xc2: {  	s0 =	sor.u32 s3, s0;
	s1 =	sshll.u32 s1, $0x11  }
0xc3: {  	s0 =	sor.u32 s1, s0  }
0xc4: {  	s0 =	sadd.s32 $0x8F2B, s0  }
0xc5: {  	[sflag:s0] =	ssyncadd.remote.s32 $0x1  }
0xc6: {  	_ =	sfence.sel $0xFFFF  }
0xc7: {  	[dreg:$0x0] =	wrdreg $0xFFFFFFFF;
	(pc) =	sbr.abs _section_cstart, $3  }
0xc8: {  	[dreg:$0x1] =	wrdreg $0xFFFFFFFF  }
0xc9: {  	_ =	task.clear_ibuf [dreg:s9], $0x2FFFF;
	_ =	strace $0x9FFFFFFF  }
0xca: {  	(tm) =	ssettm $0x7FFFFFFF  }
0xcb: {  	_ =	shalt  }
tec
execute0_lowered:
.L_overlay_start_1:
0x0: {  	(tag) =	ssettag $0x1  }
0x1: {  	s0 =	rddreg [dreg:$0x0]  }
0x2: {  	s1 =	rddreg [dreg:$0x1]  }
0x3: {  	s2 =	rddreg [dreg:$0x2]  }
0x4: {  	s5 =	rddreg [dreg:$0x3]  }
0x5: {  	s11 =	simm.s32 $0x0;
	s3 =	srdreg.scid;
	s4 =	stileid.u32  }
0x6: {  	[smem:$0x7FF] =	sst s11;
	s6 =	sand.u32 $0x1, s3;
	s21 =	sshll.u32 s4, $0x1  }
0x7: {  	s8 =	sadd.s32 $0x1000, s0;
	s28 =	sshll.u32 s4, $0xD;
	_ =	strace $0x8000004A  }
0x8: {  	s3 =	sor.u32 s6, s21;
	[dreg:$0xb] =	wrdreg s8;
	s29 =	sshll.u32 s6, $0xC  }
0x9: {  	s22 =	sshll.u32 s3, $0x9;
	s31 =	sor.u32 s29, s28;
	[dreg:$0xa] =	wrdreg s3  }
0xa: {  	v1 =	vimm.s32 $0xECA86420;
	s10 =	sadd.s32 s22, s0;
	s0 =	sadd.s32 $0xD000, s0;
	[dreg:$0x13] =	wrdreg s31  }
0xb: {  	v0 =	vimm.s32 $0x11;
	v2 =	vlaneseq.u32;
	vm0 =	vcmask $0xB08;
	s1 =	sadd.s32 s1, s22;
	[dreg:$0xc] =	wrdreg s0  }
0xc: {  	vm1 =	vcmask $0x1310;
	vm2 =	vcmask $0x1B18;
	vm3 =	vcmask $0x300;
	s26 =	sadd.s32 s2, s22;
	[dreg:$0xd] =	wrdreg s1  }
0xd: {  	vm4 =	vcmask $0x2320;
	vm5 =	vcmask $0x2B28;
	vm6 =	vcmask $0x3330;
	s7 =	ssub.s32 $0x2, s6;
	s30 =	sadd.s32 s5, s22;
	[dreg:$0x10] =	wrdreg s26  }
0xe: {  	vm7 =	vcmask $0x3B38;
	vm8 =	vmmov $0xff;
	vm11 =	vcmask $0x704;
	s9 =	sshrl.u32 s7, $0x1;
	s24 =	sadd.s32 $0x5000, s10;
	[dreg:$0x11] =	wrdreg s30  }
0xf: {  	vm12 =	vcmask $0xF0C;
	vm13 =	vcmask $0x1714;
	v3 =	vunpack.c.l.s4.s8 v1;
	s23 =	ssub.s32 s7, s9;
	s25 =	sadd.s32 $0x9000, s10;
	[dreg:$0xe] =	wrdreg s24  }
0x10: {  	vm14 =	vcmask $0x1F1C;
	vm15 =	vcmask $0x2724;
	v5 =	vimm.s32 $0x0;
	s4 =	simm.s32 $0x3400;
	s0 =	smax.u32 s23, $0x1;
	[dreg:$0xf] =	wrdreg s25  }
0x11: {  	v1 =	vimm.s32 $0x12;
	v4 =	vmul.u32 $0x2, v2;
	v3 =	vunpack.c.0.s8.s32 v3;
	s2 =	simm.s32 $0x0;
	s1 =	simm.s32 $0x2;
	[dreg:$0x12] =	wrdreg s0  }
.LBB2_1:
0x12: {  	[dreg:$0x14] =	wrdreg s2  }
0x13: {  	s0 =	rddreg [dreg:$0xd]  }
0x14: {  	[tilespmem:s11], [sflag:$0x2] =	stream.linear.gather [hbm4b:s0+s11], $0x1000, $0x38;
	[tilespmem:$0x8420] =	vst v63  }
0x15: {  	_ =	swait.ge [sflag:s1], $0x1000  }
0x16: {  	[sflag:s1] =	ssyncset.done $0x0  }
0x17: {  	s25 =	simm.s32 $0x1000;
	s24 =	rddreg [dreg:$0xe];
	[sflag:s1] =	ssyncadd.s32 $0xFFFFF000  }
0x18: {  	[tilespmem:s25], [sflag:$0x2] =	stream.linear.gather [hbm4b:s24+s11], $0x1000, $0x38;
	[tilespmem:$0x8420] =	vst v63  }
0x19: {  	_ =	swait.ge [sflag:s1], $0x1000  }
0x1a: {  	[sflag:s1] =	ssyncset.done $0x0  }
0x1b: {  	s28 =	simm.s32 $0x2000;
	s26 =	rddreg [dreg:$0xf];
	[sflag:s1] =	ssyncadd.s32 $0xFFFFF000  }
0x1c: {  	[tilespmem:s28], [sflag:$0x2] =	stream.linear.gather [hbm4b:s26+s11], $0x1000, $0x38;
	[tilespmem:$0x8420] =	vst v63  }
0x1d: {  	_ =	swait.ge [sflag:s1], $0x1000  }
0x1e: {  	[sflag:s1] =	ssyncset.done $0x0  }
0x1f: {  	s30 =	simm.s32 $0x3000;
	s29 =	rddreg [dreg:$0xc];
	[sflag:s1] =	ssyncadd.s32 $0xFFFFF000  }
0x20: {  	[tilespmem:s30], [sflag:$0x2] =	stream.linear.gather [hbm4b:s29+s11], $0x400, $0x38;
	[tilespmem:$0x8420] =	vst v63  }
0x21: {  	_ =	swait.ge [sflag:s1], $0x400  }
0x22: {  	[sflag:s1] =	ssyncset.done $0x0  }
0x23: {  	s31 =	simm.s32 $0x3010;
	[sflag:s1] =	ssyncadd.s32 $0xFFFFFC00  }
0x24: {  	v6 =	vld [tilespmem:s31+$0x0]  }
0x25: {  	v8 =	vld [tilespmem:s31+$0xFFFFFFF0];
	_ =	sdelay $0x2  }
0x26: {  	p0 =	sgt.u32 s3, $0x0  }
0x27: {  	v7 =	vimm.s32 $0x0;
	s0 =	simm.s32 $0x1;
	s1 =	simm.s32 $0x3030;
	v9 =	vpsel !p0, $0x0, v6;
	v6 =	vimm.s32 $0x0  }
.LBB2_2:
0x28: {  	v10 =	vld [tilespmem:s1+$0x0];
	p1 =	sne.s32 s0, $0x1F;
	v11 =	vpsel !p0, $0x0, v8;
	v6 =	vadd.s32 v6, v9;
	s2 =	smov.u32 s0;
	s0 =	sadd.s32 $0x1, s0  }
.Ltmp0:
0x29: {  	v8 =	vld [tilespmem:s1+$0xFFFFFFF0];
	v7 =	vadd.s32 v7, v11;
	(pc) =	sbr.rel @p1 .LBB2_2-.Ltmp0, $3  }
0x2a: {  	_ =	sdelay $0x1  }
0x2b: {  	p0 =	slt.u32 s2, s3  }
0x2c: {  	s1 =	sadd.s32 $0x20, s1;
	v9 =	vpsel !p0, $0x0, v10  }
0x2d: {  	_ = 	snop  }
0x2e: {  	v8 =	vpsel !p0, $0x0, v8;
	v6 =	vadd.s32 v6, v9  }
0x2f: {  	v7 =	vadd.s32 v7, v8;
	[tilespmem:$0x3410] =	vst v6  }
0x30: {  	s17 =	simm.s32 $0x0;
	[tilespmem:$0x3400] =	vst v7  }
0x31: {  	s0 =	simm.s32 $0x3420;
	v8 =	vor.u32 s17, v2;
	v6 =	vld.idx.msk [tilespmem:v0+s4+$0x0], $0xffff  }
0x32: {  	s1 =	simm.s32 $0x10;
	vm9 =	vcmask $0x2F2C;
	v7 =	vld.idx.msk [tilespmem:v1+s4+$0x0], $0xffff;
	[tilespmem:s0+$0x0] =	vst v8  }
.LBB2_4:
0x33: {  	p0 =	sne.s32 s1, $0xFF0  }
.Ltmp1:
0x34: {  	_ = 	snop;
	(pc) =	sbr.rel @p0 .LBB2_4-.Ltmp1, $3  }
0x35: {  	_ =	sdelay $0x1  }
0x36: {  	v8 =	vor.u32 s1, v2;
	s1 =	sadd.s32 $0x10, s1;
	s0 =	sadd.s32 $0x10, s0  }
0x37: {  	[tilespmem:s0+$0x0] =	vst v8  }
0x38: {  	s22 =	simm.s32 $0x0  }
0x39: {  	v8 =	vld [tilespmem:s22+$0x0];
	_ =	sdelay $0x4  }
0x3a: {  	(v2sf) =	vpush v8, $0x2  }
0x3b: {  	(v2sf) =	vpush v8, $0x1;
	_ =	sdelay $0x1  }
0x3c: {  	(v2sf) =	vpush v8, $0xB  }
0x3d: {  	(v2sf) =	vpush v8, $0x3  }
0x3e: {  	(v2sf) =	vpush v8, $0x4  }
0x3f: {  	(v2sf) =	vpush v8, $0x7;
	_ =	sdelay $0x1  }
0x40: {  	(v2sf) =	vpush v8, $0xC  }
0x41: {  	(v2sf) =	vpush v8, $0xD;
	_ =	sdelay $0x1  }
0x42: {  	(v2sf) =	vpush v8, $0x0;
	_ =	sdelay $0x3  }
0x43: {  	s1 =	spop (v2sf)  }
0x44: {  	(v2sf) =	vpush v8, $0xE;
	s2 =	spop (v2sf);
	s9 =	smulhi.u32 $0x66666667, s1  }
0x45: {  	(v2sf) =	vpush v8, $0x6;
	s1 =	sshra.s32 s1, $0x1F;
	s7 =	smulhi.u32 $0x66666667, s2  }
0x46: {  	s5 =	spop (v2sf);
	s21 =	smul.u32 $0x66666667, s1  }
0x47: {  	(v2sf) =	vpush v8, $0x8;
	s2 =	sshra.s32 s2, $0x1F;
	s23 =	smulhi.u32 $0x66666667, s5;
	s6 =	spop (v2sf)  }
0x48: {  	s2 =	smul.u32 $0x66666667, s2;
	s8 =	spop (v2sf)  }
0x49: {  	(v2sf) =	vpush v8, $0x9;
	s3 =	smulhi.u32 $0x66666667, s6;
	s10 =	spop (v2sf)  }
0x4a: {  	s20 =	sshra.s32 s8, $0x1F;
	s11 =	smulhi.u32 $0x66666667, s10  }
0x4b: {  	s12 =	spop (v2sf);
	s10 =	sshra.s32 s10, $0x1F;
	s20 =	smul.u32 $0x66666667, s20  }
0x4c: {  	s14 =	spop (v2sf);
	s10 =	smul.u32 $0x66666667, s10  }
0x4d: {  	(v2sf) =	vpush v8, $0xF;
	s13 =	sshra.s32 s12, $0x1F;
	s28 =	smulhi.u32 $0x66666667, s14  }
0x4e: {  	(v2sf) =	vpush v8, $0xA;
	s15 =	spop (v2sf);
	s13 =	smul.u32 $0x66666667, s13  }
0x4f: {  	s16 =	sshra.s32 s14, $0x1F;
	s19 =	smulhi.u32 $0x66666667, s15  }
0x50: {  	s24 =	sshra.s32 s6, $0x1F;
	s6 =	smul.u32 $0x66666667, s16  }
0x51: {  	s1 =	sadd.s32 s10, s11;
	s11 =	smul.u32 $0x66666667, s24  }
0x52: {  	s15 =	sshra.s32 s15, $0x1F;
	s16 =	smulhi.u32 $0x66666667, s12  }
0x53: {  	s5 =	sshra.s32 s5, $0x1F;
	s25 =	spop (v2sf);
	s15 =	smul.u32 $0x66666667, s15  }
0x54: {  	s26 =	spop (v2sf);
	s14 =	sshra.s32 s25, $0x1F;
	s25 =	smulhi.u32 $0x66666667, s25  }
0x55: {  	s21 =	sadd.s32 s21, s9;
	s2 =	sadd.s32 s2, s7;
	s29 =	smulhi.u32 $0x66666667, s26  }
0x56: {  	s30 =	spop (v2sf);
	s6 =	sadd.s32 s6, s28;
	s28 =	smulhi.u32 $0x66666667, s8  }
0x57: {  	(v2sf) =	vpush v8, $0x5;
	s8 =	sadd.s32 s11, s3;
	s11 =	sshra.s32 s1, $0x1F;
	s13 =	sadd.s32 s13, s16  }
0x58: {  	s31 =	spop (v2sf);
	s18 =	sshra.s32 s30, $0x1F;
	s15 =	sadd.s32 s15, s19  }
0x59: {  	s19 =	sshrl.u32 s8, $0x1F;
	s0 =	sshra.s32 s31, $0x1F;
	s16 =	smulhi.u32 $0x66666667, s31  }
0x5a: {  	v9 =	vmov s11;
	s20 =	sadd.s32 s20, s28;
	s31 =	sshrl.u32 s6, $0x1F;
	s11 =	smul.u32 $0x66666667, s18  }
0x5b: {  	s28 =	sshra.s32 s26, $0x1F;
	s26 =	sshra.s32 s8, $0x1F;
	s0 =	smul.u32 $0x66666667, s0  }
0x5c: {  	s7 =	smul.u32 $0x66666667, s28;
	s28 =	sshra.s32 s15, $0x2;
	s10 =	spop (v2sf)  }
0x5d: {  	s6 =	sshra.s32 s6, $0x2;
	v9 =	vsel vm3, s28, v9;
	s28 =	sshra.s32 s2, $0x2;
	s24 =	spop (v2sf)  }
0x5e: {  	s12 =	sshra.s32 s10, $0x1F;
	s9 =	sadd.s32 s0, s16;
	s16 =	smul.u32 $0x66666667, s14  }
0x5f: {  	s0 =	sshra.s32 s8, $0x2;
	s7 =	sadd.s32 s7, s29;
	s10 =	smulhi.u32 $0x66666667, s10  }
0x60: {  	s14 =	sshrl.u32 s13, $0x1F;
	s29 =	smulhi.u32 $0x66666667, s30;
	s30 =	sshrl.u32 s15, $0x1F  }
0x61: {  	s13 =	sshra.s32 s13, $0x2;
	s3 =	sshra.s32 s24, $0x1F;
	s24 =	smulhi.u32 $0x66666667, s24  }
0x62: {  	s12 =	smul.u32 $0x66666667, s12;
	s18 =	sshrl.u32 s9, $0x1F;
	s8 =	sadd.s32 s16, s25  }
0x63: {  	s25 =	sshra.s32 s2, $0x1F;
	s16 =	sshra.s32 s15, $0x1F;
	s15 =	sshra.s32 s21, $0x1F  }
0x64: {  	vm10 =	vcmask $0x3734;
	v10 =	vmov s30;
	s2 =	sshrl.u32 s2, $0x1F;
	s11 =	sadd.s32 s11, s29;
	s29 =	sshra.s32 s21, $0x2  }
0x65: {  	v11 =	vmov s14;
	v12 =	vmov s13;
	s30 =	smul.u32 $0x66666667, s3;
	s21 =	sshrl.u32 s21, $0x1F;
	v9 =	vsel vm11, s16, v9;
	s16 =	sshra.s32 s20, $0x2  }
0x66: {  	v10 =	vnsel vm3, $0x0, v10;
	v11 =	vsel vm0, s31, v11;
	s10 =	sadd.s32 s12, s10;
	s31 =	sshrl.u32 s8, $0x1F;
	v9 =	vsel vm0, s28, v9;
	s28 =	spop (v2sf)  }
0x67: {  	v12 =	vsel vm0, s6, v12;
	v10 =	vsel vm0, s2, v10;
	s8 =	sshra.s32 s8, $0x2;
	v9 =	vsel vm12, s25, v9;
	s3 =	sshra.s32 s28, $0x1F;
	s12 =	smulhi.u32 $0x66666667, s28  }
0x68: {  	v10 =	vsel vm1, s21, v10;
	s30 =	sadd.s32 s30, s24;
	v11 =	vsel vm1, s31, v11;
	s13 =	sshrl.u32 s10, $0x1F;
	v9 =	vsel vm1, s29, v9;
	s2 =	smul.u32 $0x66666667, s3  }
0x69: {  	v12 =	vsel vm1, s8, v12;
	s28 =	sshra.s32 s20, $0x1F;
	v10 =	vsel vm2, s19, v10;
	s29 =	sshrl.u32 s20, $0x1F;
	s3 =	smul.u32 $0x66666667, s5;
	v9 =	vsel vm13, s15, v9  }
0x6a: {  	v11 =	vsel vm2, s13, v11;
	v10 =	vsel vm4, s29, v10;
	v9 =	vsel vm2, s0, v9;
	s2 =	sadd.s32 s2, s12;
	s12 =	sshra.s32 s11, $0x2;
	s11 =	sshrl.u32 s11, $0x1F  }
0x6b: {  	s0 =	sadd.s32 s3, s23;
	v9 =	vsel vm14, s26, v9;
	v13 =	vmov s12;
	v14 =	vmov s11;
	s21 =	sshra.s32 s2, $0x2;
	s26 =	sshra.s32 s10, $0x2  }
0x6c: {  	s23 =	sshra.s32 s2, $0x1F;
	s2 =	sshrl.u32 s2, $0x1F;
	v9 =	vsel vm4, s16, v9;
	s16 =	sshra.s32 s9, $0x2;
	v14 =	vsel vm0, s18, v14;
	v12 =	vsel vm2, s26, v12  }
0x6d: {  	s20 =	sshrl.u32 s30, $0x1F;
	s29 =	sshrl.u32 s7, $0x1F;
	v10 =	vsel vm5, s2, v10;
	v13 =	vsel vm0, s16, v13;
	v9 =	vsel vm15, s28, v9  }
0x6e: {  	s19 =	sshra.s32 s30, $0x2;
	s24 =	sshrl.u32 s0, $0x1F;
	v14 =	vsel vm1, s20, v14;
	v10 =	vsel vm6, s29, v10;
	v9 =	vsel vm5, s21, v9  }
0x6f: {  	s25 =	sshra.s32 s7, $0x2;
	s0 =	sshra.s32 s0, $0x2;
	v13 =	vsel vm1, s19, v13;
	v14 =	vsel vm2, s24, v14;
	v9 =	vsel vm9, s23, v9  }
0x70: {  	s30 =	sshra.s32 s1, $0x2;
	s1 =	sshrl.u32 s1, $0x1F;
	s28 =	sshra.s32 s7, $0x1F;
	v13 =	vsel vm2, s0, v13;
	v11 =	vcombine.low v14, v11;
	v9 =	vsel vm6, s25, v9  }
0x71: {  	v10 =	vsel vm7, s1, v10;
	v12 =	vcombine.low v13, v12;
	v9 =	vsel vm10, s28, v9  }
0x72: {  	v10 =	vperm.xlane v10, v4;
	v11 =	vperm.xlane v11, v3;
	v9 =	vsel vm7, s30, v9  }
0x73: {  	v12 =	vperm.xlane v12, v3;
	v9 =	vperm.xlane v9, v4;
	_ =	sdelay $0x1  }
0x74: {  	v10 =	vsel vm8, v10, v11;
	v9 =	vsel vm8, v9, v12  }
0x75: {  	v9 =	vadd.s32 v10, v9  }
0x76: {  	v10 =	vmul.u32 $0xFFFFFFF6, v9  }
0x77: {  	s31 =	rddreg [dreg:$0x13];
	vm14 =	vmmov vm13;
	vm13 =	vmmov vm12  }
0x78: {  	s2 =	smov.u32 s31;
	s1 =	smov.u32 s31;
	vm9 =	veq.s32 v8, $0xBD;
	s25 =	simm.s32 $0x40;
	vm10 =	vlt.s32 v8, $0x1;
	v8 =	vadd.s32 v8, v10  }
.LBB2_6:
0x79: {  	vm11 =	vne.s32 v8, $0x0;
	vm12 =	vlt.s32 v8, $0x0;
	v10 =	vadd.s32 $0xA, v8  }
0x7a: {  	v8 =	vsel vm12, v10, v8;
	vm10 =	vmand vm10, vm11  }
0x7b: {  	vm11 =	veq.s32 v8, $0x9;
	v8 =	vsel vm10, $0xFFFFFFFF, v5  }
0x7c: {  	v8 =	vadd.s32 v8, v9;
	_ =	sdelay $0x2  }
0x7d: {  	v9 =	vsel vm11, $0x1, v5  }
0x7e: {  	(xrf0) =	vadd.scan.msk.s32 $0xffff, v9;
	v9 =	vld [tilespmem:s22+$0x1000]  }
0x7f: {  	v8 =	vld.idx.msk [tilespmem:v8+s4+$0x0], vm11;
	_ =	sdelay $0x4  }
0x80: {  	s0 =	smov.u32 s25;
	v8 =	vadd.s32 v8, v9  }
0x81: {  	s0 =	sshra.s32 s0, $0x2;
	v10, _, _ =	vpop (xrf0);
	[tilespmem:s17+$0x3420] =	vst.msk vm11, v8  }
0x82: {  	(v2sf) =	vpush v10, $0xF;
	v8 =	vld [tilespmem:s0+$0x0];
	_ =	sdelay $0x4  }
0x83: {  	(v2sf) =	vpush v8, $0x2  }
0x84: {  	(v2sf) =	vpush v8, $0x1;
	_ =	sdelay $0x1  }
0x85: {  	(v2sf) =	vpush v8, $0xB;
	_ =	sdelay $0x1  }
0x86: {  	(v2sf) =	vpush v8, $0x3;
	_ =	sdelay $0x1  }
0x87: {  	(v2sf) =	vpush v8, $0x4  }
0x88: {  	(v2sf) =	vpush v8, $0x7;
	_ =	sdelay $0x1  }
0x89: {  	s16 =	spop (v2sf);
	(v2sf) =	vpush v8, $0xC  }
0x8a: {  	(v2sf) =	vpush v8, $0xD;
	_ =	sdelay $0x1  }
0x8b: {  	s2 =	sadd.s32 $0x10, s2;
	(v2sf) =	vpush v8, $0x0  }
0x8c: {  	[dreg:$0x6] =	wrdreg s2;
	s14 =	smov.u32 s2  }
0x8d: {  	[dreg:$0x7] =	wrdreg s14;
	(v2sf) =	vpush v8, $0xE;
	s19 =	spop (v2sf)  }
0x8e: {  	s15 =	smov.u32 s0;
	(v2sf) =	vpush v8, $0x6;
	s20 =	spop (v2sf);
	s13 =	smulhi.u32 $0x66666667, s19  }
0x8f: {  	[dreg:$0x9] =	wrdreg s15;
	s6 =	sshra.s32 s19, $0x1F;
	s2 =	smulhi.u32 $0x66666667, s20  }
0x90: {  	v9 =	vld [tilespmem:s22+$0x2000];
	s18 =	sadd.s32 s17, s16;
	s21 =	spop (v2sf);
	s31 =	smul.u32 $0x66666667, s6  }
0x91: {  	[dreg:$0x5] =	wrdreg s18;
	(v2sf) =	vpush v8, $0x8;
	s5 =	sshra.s32 s20, $0x1F;
	s3 =	smulhi.u32 $0x66666667, s21  }
0x92: {  	s10 =	spop (v2sf);
	s5 =	smul.u32 $0x66666667, s5  }
0x93: {  	v11 =	vor.u32 s1, v2;
	s1 =	sshra.s32 s21, $0x1F;
	s11 =	sshra.s32 s10, $0x1F;
	s10 =	smulhi.u32 $0x66666667, s10  }
0x94: {  	v10 =	vsel vm9, v6, v7;
	s9 =	spop (v2sf);
	s1 =	smul.u32 $0x66666667, s1  }
0x95: {  	v9 =	vadd.s32 v9, v10;
	(v2sf) =	vpush v8, $0x9;
	s13 =	sadd.s32 s31, s13;
	s7 =	spop (v2sf);
	s11 =	smul.u32 $0x66666667, s11  }
0x96: {  	v9 =	vsub.s32 v11, v9;
	[dreg:$0x8] =	wrdreg s3;
	s14 =	smulhi.u32 $0x66666667, s7;
	s7 =	sshra.s32 s7, $0x1F  }
0x97: {  	[tilespmem:s22+$0x4420] =	vst v9;
	(v2sf) =	vpush v8, $0xF;
	s22 =	sshra.s32 s9, $0x1F;
	s16 =	spop (v2sf);
	s20 =	smul.u32 $0x66666667, s7  }
0x98: {  	s18 =	spop (v2sf);
	s7 =	sadd.s32 s5, s2;
	s2 =	smul.u32 $0x66666667, s22  }
0x99: {  	(v2sf) =	vpush v8, $0xA;
	s19 =	sshra.s32 s16, $0x1F;
	s16 =	smulhi.u32 $0x66666667, s16;
	s22 =	sadd.s32 s11, s10  }
0x9a: {  	s23 =	spop (v2sf);
	s21 =	sshra.s32 s18, $0x1F;
	s18 =	smulhi.u32 $0x66666667, s18  }
0x9b: {  	s19 =	smul.u32 $0x66666667, s19;
	s10 =	sshra.s32 s22, $0x2;
	s31 =	sshra.s32 s7, $0x2  }
0x9c: {  	s26 =	smulhi.u32 $0x66666667, s23;
	s29 =	spop (v2sf);
	s30 =	sshra.s32 s23, $0x1F  }
0x9d: {  	s0 =	sadd.s32 s20, s14;
	s12 =	smul.u32 $0x66666667, s21;
	s24 =	spop (v2sf)  }
0x9e: {  	s8 =	sshra.s32 s29, $0x1F;
	s28 =	sshra.s32 s0, $0x1F;
	s11 =	smulhi.u32 $0x66666667, s29  }
0x9f: {  	s29 =	sshrl.u32 s22, $0x1F;
	s16 =	sadd.s32 s19, s16;
	s30 =	smul.u32 $0x66666667, s30  }
0xa0: {  	(v2sf) =	vpush v8, $0x5;
	s19 =	sshra.s32 s7, $0x1F;
	s7 =	sshrl.u32 s7, $0x1F;
	s15 =	spop (v2sf)  }
0xa1: {  	s6 =	smulhi.u32 $0x66666667, s24;
	s14 =	sadd.s32 s12, s18;
	s4 =	sshra.s32 s24, $0x1F  }
0xa2: {  	s24 =	smulhi.u32 $0x66666667, s9;
	s9 =	sshra.s32 s22, $0x1F;
	s12 =	sshrl.u32 s16, $0x1F  }
0xa3: {  	s16 =	sshra.s32 s16, $0x2;
	s8 =	smul.u32 $0x66666667, s8;
	s5 =	sshra.s32 s15, $0x1F  }
0xa4: {  	v9 =	vmov s28;
	s17 =	spop (v2sf);
	s28 =	sshrl.u32 s14, $0x1F;
	s4 =	smul.u32 $0x66666667, s4  }
0xa5: {  	s26 =	sadd.s32 s30, s26;
	s15 =	smulhi.u32 $0x66666667, s15;
	s3 =	sshra.s32 s17, $0x1F  }
0xa6: {  	v10 =	vmov s12;
	s23 =	spop (v2sf);
	s17 =	smulhi.u32 $0x66666667, s17;
	s2 =	sadd.s32 s2, s24  }
0xa7: {  	v10 =	vsel vm0, s28, v10;
	s28 =	sshra.s32 s13, $0x1F;
	s30 =	sshra.s32 s26, $0x2;
	s22 =	sshrl.u32 s26, $0x1F  }
0xa8: {  	s8 =	sadd.s32 s8, s11;
	s5 =	smul.u32 $0x66666667, s5;
	s20 =	spop (v2sf)  }
0xa9: {  	s21 =	sshra.s32 s23, $0x1F;
	s23 =	smulhi.u32 $0x66666667, s23;
	v9 =	vsel vm3, s30, v9;
	s30 =	sshra.s32 s2, $0x2  }
0xaa: {  	vm11 =	vcmask $0x704;
	s3 =	smul.u32 $0x66666667, s3;
	s12 =	sshra.s32 s2, $0x1F;
	v11 =	vmov s22;
	s22 =	sshra.s32 s26, $0x1F  }
0xab: {  	s4 =	sadd.s32 s4, s6;
	s18 =	sshra.s32 s20, $0x1F;
	s20 =	smulhi.u32 $0x66666667, s20;
	v11 =	vnsel vm3, $0x0, v11;
	v9 =	vsel vm11, s22, v9  }
0xac: {  	v12 =	vmov s16;
	s2 =	sshrl.u32 s2, $0x1F;
	s16 =	smul.u32 $0x66666667, s21;
	v11 =	vsel vm0, s7, v11;
	s7 =	sshrl.u32 s13, $0x1F;
	v9 =	vsel vm0, s31, v9  }
0xad: {  	s5 =	sadd.s32 s5, s15;
	s13 =	sshra.s32 s13, $0x2;
	s3 =	sadd.s32 s3, s17;
	v11 =	vsel vm1, s7, v11;
	v9 =	vsel vm13, s19, v9  }
0xae: {  	s21 =	smul.u32 $0x66666667, s18;
	s31 =	sshrl.u32 s8, $0x1F;
	s6 =	sshrl.u32 s3, $0x1F;
	v11 =	vsel vm2, s29, v11;
	v9 =	vsel vm1, s13, v9  }
0xaf: {  	s3 =	sshra.s32 s3, $0x2;
	v11 =	vsel vm4, s2, v11;
	v9 =	vsel vm14, s28, v9;
	s2 =	sadd.s32 s16, s23;
	s24 =	spop (v2sf)  }
0xb0: {  	vm11 =	vcmask $0x1F1C;
	v10 =	vsel vm1, s31, v10;
	v9 =	vsel vm2, s10, v9;
	s15 =	sshrl.u32 s2, $0x1F;
	s26 =	sshra.s32 s24, $0x1F;
	s24 =	smulhi.u32 $0x66666667, s24  }
0xb1: {  	s16 =	sadd.s32 s21, s20;
	v9 =	vsel vm11, s9, v9;
	v10 =	vsel vm2, s15, v10;
	s15 =	sshra.s32 s5, $0x2;
	s29 =	smul.u32 $0x66666667, s26  }
0xb2: {  	s18 =	sshrl.u32 s16, $0x1F;
	s21 =	sshra.s32 s16, $0x2;
	s5 =	sshrl.u32 s5, $0x1F;
	vm11 =	vcmask $0x2F2C;
	v9 =	vsel vm4, s30, v9;
	v13 =	vmov s15  }
0xb3: {  	s2 =	sshra.s32 s2, $0x2;
	v14 =	vmov s5;
	v9 =	vsel vm15, s12, v9;
	v13 =	vsel vm0, s3, v13;
	s26 =	sshra.s32 s14, $0x2;
	s7 =	sadd.s32 s29, s24  }
0xb4: {  	s30 =	sshra.s32 s8, $0x2;
	v14 =	vsel vm0, s6, v14;
	v13 =	vsel vm1, s21, v13;
	v12 =	vsel vm0, s26, v12;
	s24 =	rddreg [dreg:$0x8];
	s23 =	sshra.s32 s7, $0x2  }
0xb5: {  	v14 =	vsel vm1, s18, v14;
	v12 =	vsel vm1, s30, v12;
	s20 =	sshrl.u32 s7, $0x1F;
	s1 =	sadd.s32 s1, s24;
	s28 =	sshra.s32 s7, $0x1F;
	v9 =	vsel vm5, s23, v9  }
0xb6: {  	v12 =	vsel vm2, s2, v12;
	s29 =	sshrl.u32 s1, $0x1F;
	s1 =	sshra.s32 s1, $0x2;
	v11 =	vsel vm5, s20, v11;
	v9 =	vsel vm11, s28, v9  }
0xb7: {  	s19 =	sshra.s32 s4, $0x2;
	s13 =	sshrl.u32 s4, $0x1F;
	v14 =	vsel vm2, s29, v14;
	v13 =	vsel vm2, s1, v13;
	vm11 =	vcmask $0x3734  }
0xb8: {  	s31 =	sshra.s32 s0, $0x2;
	s0 =	sshrl.u32 s0, $0x1F;
	s4 =	sshra.s32 s4, $0x1F;
	v11 =	vsel vm6, s13, v11;
	v9 =	vsel vm6, s19, v9;
	v10 =	vcombine.low v14, v10  }
0xb9: {  	v12 =	vcombine.low v13, v12;
	v11 =	vsel vm7, s0, v11;
	v9 =	vsel vm11, s4, v9  }
0xba: {  	v11 =	vperm.xlane v11, v4;
	v10 =	vperm.xlane v10, v3;
	v9 =	vsel vm7, s31, v9  }
0xbb: {  	v12 =	vperm.xlane v12, v3;
	v9 =	vperm.xlane v9, v4  }
0xbc: {  	p0 =	sne.s32 s25, $0x3FC0  }
.Ltmp2:
0xbd: {  	v10 =	vsel vm8, v11, v10;
	v9 =	vsel vm8, v9, v12;
	(pc) =	sbr.rel @p0 .LBB2_6-.Ltmp2, $4  }
0xbe: {  	s22 =	rddreg [dreg:$0x9];
	v9 =	vadd.s32 v10, v9  }
0xbf: {  	s17 =	rddreg [dreg:$0x5];
	v10 =	vmul.u32 $0xFFFFFFF6, v9  }
0xc0: {  	s2 =	rddreg [dreg:$0x6]  }
0xc1: {  	s25 =	sadd.s32 $0x40, s25;
	vm10 =	vlt.s32 v8, $0x1;
	vm9 =	veq.s32 v8, $0xBD;
	s1 =	rddreg [dreg:$0x7];
	s4 =	simm.s32 $0x3400;
	v8 =	vadd.s32 v8, v10  }
0xc2: {  	vm11 =	vne.s32 v8, $0x0;
	vm12 =	vlt.s32 v8, $0x0;
	v10 =	vadd.s32 $0xA, v8  }
0xc3: {  	v8 =	vsel vm12, v10, v8;
	vm10 =	vmand vm10, vm11  }
0xc4: {  	vm11 =	veq.s32 v8, $0x9;
	v62 =	vsel vm10, $0xFFFFFFFF, v5  }
0xc5: {  	v8 =	vadd.s32 v62, v9;
	_ =	sdelay $0x3  }
0xc6: {  	v63 =	vld [tilespmem:s22+$0x1000]  }
0xc7: {  	v8 =	vld.idx.msk [tilespmem:v8+s4+$0x0], vm11;
	_ =	sdelay $0x4  }
0xc8: {  	v8 =	vadd.s32 v8, v63  }
0xc9: {  	[tilespmem:s17+$0x3420] =	vst.msk vm11, v8  }
0xca: {  	v8 =	vld [tilespmem:s22+$0x2000];
	_ =	sdelay $0x3  }
0xcb: {  	v6 =	vsel vm9, v6, v7  }
0xcc: {  	v7 =	vor.u32 s1, v2;
	v6 =	vadd.s32 v8, v6  }
0xcd: {  	s3 =	rddreg [dreg:$0xb];
	v6 =	vsub.s32 v7, v6  }
0xce: {  	s0 =	simm.s32 $0x4420;
	s20 =	simm.s32 $0x6420;
	s4 =	simm.s32 $0x80;
	[tilespmem:s22+$0x4420] =	vst v6  }
0xcf: {  	[tilespmem:s20], [sflag:$0x1] =	stream.indirect.gather [hbm4b:s3+s4], $0x1, s0, s4, $0xb8;
	[tilespmem:$0x8420] =	vst v63  }
0xd0: {  	s21 =	simm.s32 $0x44A0;
	s22 =	simm.s32 $0x64A0  }
0xd1: {  	[tilespmem:s22], [sflag:$0x1] =	stream.indirect.gather [hbm4b:s3+s4], $0x1, s21, s4, $0xb8;
	[tilespmem:$0x8420] =	vst v63  }
0xd2: {  	s23 =	simm.s32 $0x4520;
	s24 =	simm.s32 $0x6520  }
0xd3: {  	[tilespmem:s24], [sflag:$0x1] =	stream.indirect.gather [hbm4b:s3+s4], $0x1, s23, s4, $0xb8;
	[tilespmem:$0x8420] =	vst v63  }
0xd4: {  	s25 =	simm.s32 $0x45A0;
	s26 =	simm.s32 $0x65A0  }
0xd5: {  	[tilespmem:s26], [sflag:$0x1] =	stream.indirect.gather [hbm4b:s3+s4], $0x1, s25, s4, $0xb8;
	[tilespmem:$0x8420] =	vst v63  }
0xd6: {  	s28 =	simm.s32 $0x4620;
	s29 =	simm.s32 $0x6620  }
0xd7: {  	[tilespmem:s29], [sflag:$0x1] =	stream.indirect.gather [hbm4b:s3+s4], $0x1, s28, s4, $0xb8;
	[tilespmem:$0x8420] =	vst v63  }
0xd8: {  	s30 =	simm.s32 $0x46A0;
	s31 =	simm.s32 $0x66A0  }
0xd9: {  	[tilespmem:s31], [sflag:$0x1] =	stream.indirect.gather [hbm4b:s3+s4], $0x1, s30, s4, $0xb8;
	[tilespmem:$0x8420] =	vst v63  }
0xda: {  	s2 =	simm.s32 $0x4720;
	s5 =	simm.s32 $0x6720  }
0xdb: {  	[tilespmem:s5], [sflag:$0x1] =	stream.indirect.gather [hbm4b:s3+s4], $0x1, s2, s4, $0xb8;
	[tilespmem:$0x8420] =	vst v63  }
0xdc: {  	s6 =	simm.s32 $0x47A0;
	s7 =	simm.s32 $0x67A0  }
0xdd: {  	[tilespmem:s7], [sflag:$0x1] =	stream.indirect.gather [hbm4b:s3+s4], $0x1, s6, s4, $0xb8;
	[tilespmem:$0x8420] =	vst v63  }
0xde: {  	s8 =	simm.s32 $0x4820;
	s9 =	simm.s32 $0x6820  }
0xdf: {  	[tilespmem:s9], [sflag:$0x1] =	stream.indirect.gather [hbm4b:s3+s4], $0x1, s8, s4, $0xb8;
	[tilespmem:$0x8420] =	vst v63  }
0xe0: {  	s10 =	simm.s32 $0x48A0;
	s11 =	simm.s32 $0x68A0  }
0xe1: {  	[tilespmem:s11], [sflag:$0x1] =	stream.indirect.gather [hbm4b:s3+s4], $0x1, s10, s4, $0xb8;
	[tilespmem:$0x8420] =	vst v63  }
0xe2: {  	s12 =	simm.s32 $0x4920;
	s13 =	simm.s32 $0x6920  }
0xe3: {  	[tilespmem:s13], [sflag:$0x1] =	stream.indirect.gather [hbm4b:s3+s4], $0x1, s12, s4, $0xb8;
	[tilespmem:$0x8420] =	vst v63  }
0xe4: {  	s14 =	simm.s32 $0x49A0;
	s15 =	simm.s32 $0x69A0  }
0xe5: {  	[tilespmem:s15], [sflag:$0x1] =	stream.indirect.gather [hbm4b:s3+s4], $0x1, s14, s4, $0xb8;
	[tilespmem:$0x8420] =	vst v63  }
0xe6: {  	s16 =	simm.s32 $0x4A20;
	s18 =	simm.s32 $0x6A20  }
0xe7: {  	[tilespmem:s18], [sflag:$0x1] =	stream.indirect.gather [hbm4b:s3+s4], $0x1, s16, s4, $0xb8;
	[tilespmem:$0x8420] =	vst v63  }
0xe8: {  	s19 =	simm.s32 $0x4AA0;
	s20 =	simm.s32 $0x6AA0  }
0xe9: {  	[tilespmem:s20], [sflag:$0x1] =	stream.indirect.gather [hbm4b:s3+s4], $0x1, s19, s4, $0xb8;
	[tilespmem:$0x8420] =	vst v63  }
0xea: {  	s21 =	simm.s32 $0x4B20;
	s22 =	simm.s32 $0x6B20  }
0xeb: {  	[tilespmem:s22], [sflag:$0x1] =	stream.indirect.gather [hbm4b:s3+s4], $0x1, s21, s4, $0xb8;
	[tilespmem:$0x8420] =	vst v63  }
0xec: {  	s23 =	simm.s32 $0x4BA0;
	s24 =	simm.s32 $0x6BA0  }
0xed: {  	[tilespmem:s24], [sflag:$0x1] =	stream.indirect.gather [hbm4b:s3+s4], $0x1, s23, s4, $0xb8;
	[tilespmem:$0x8420] =	vst v63  }
0xee: {  	s25 =	simm.s32 $0x4C20;
	s26 =	simm.s32 $0x6C20  }
0xef: {  	[tilespmem:s26], [sflag:$0x1] =	stream.indirect.gather [hbm4b:s3+s4], $0x1, s25, s4, $0xb8;
	[tilespmem:$0x8420] =	vst v63  }
0xf0: {  	s28 =	simm.s32 $0x4CA0;
	s29 =	simm.s32 $0x6CA0  }
0xf1: {  	v6 =	vsel vm11, $0x1, v5;
	[tilespmem:s29], [sflag:$0x1] =	stream.indirect.gather [hbm4b:s3+s4], $0x1, s28, s4, $0xb8;
	[tilespmem:$0x8420] =	vst v63  }
0xf2: {  	(xrf0) =	vadd.scan.msk.s32 $0xffff, v6;
	s30 =	simm.s32 $0x4D20;
	s31 =	simm.s32 $0x6D20  }
0xf3: {  	[tilespmem:s31], [sflag:$0x1] =	stream.indirect.gather [hbm4b:s3+s4], $0x1, s30, s4, $0xb8;
	[tilespmem:$0x8420] =	vst v63  }
0xf4: {  	s2 =	simm.s32 $0x4DA0;
	s5 =	simm.s32 $0x6DA0  }
0xf5: {  	[tilespmem:s5], [sflag:$0x1] =	stream.indirect.gather [hbm4b:s3+s4], $0x1, s2, s4, $0xb8;
	[tilespmem:$0x8420] =	vst v63  }
0xf6: {  	s6 =	simm.s32 $0x4E20;
	s7 =	simm.s32 $0x6E20  }
0xf7: {  	[tilespmem:s7], [sflag:$0x1] =	stream.indirect.gather [hbm4b:s3+s4], $0x1, s6, s4, $0xb8;
	[tilespmem:$0x8420] =	vst v63  }
0xf8: {  	v6, _, _ =	vpop (xrf0);
	s8 =	simm.s32 $0x4EA0;
	s9 =	simm.s32 $0x6EA0  }
0xf9: {  	(v2sf) =	vpush v6, $0xF;
	[tilespmem:s9], [sflag:$0x1] =	stream.indirect.gather [hbm4b:s3+s4], $0x1, s8, s4, $0xb8;
	[tilespmem:$0x8420] =	vst v63  }
0xfa: {  	s10 =	simm.s32 $0x4F20;
	s11 =	simm.s32 $0x6F20  }
0xfb: {  	[tilespmem:s11], [sflag:$0x1] =	stream.indirect.gather [hbm4b:s3+s4], $0x1, s10, s4, $0xb8;
	[tilespmem:$0x8420] =	vst v63  }
0xfc: {  	s12 =	simm.s32 $0x4FA0;
	s13 =	simm.s32 $0x6FA0  }
0xfd: {  	[tilespmem:s13], [sflag:$0x1] =	stream.indirect.gather [hbm4b:s3+s4], $0x1, s12, s4, $0xb8;
	[tilespmem:$0x8420] =	vst v63  }
0xfe: {  	s14 =	simm.s32 $0x5020;
	s15 =	simm.s32 $0x7020  }
0xff: {  	[tilespmem:s15], [sflag:$0x1] =	stream.indirect.gather [hbm4b:s3+s4], $0x1, s14, s4, $0xb8;
	[tilespmem:$0x8420] =	vst v63  }
0x100: {  	s16 =	simm.s32 $0x50A0;
	s18 =	simm.s32 $0x70A0  }
0x101: {  	[tilespmem:s18], [sflag:$0x1] =	stream.indirect.gather [hbm4b:s3+s4], $0x1, s16, s4, $0xb8;
	[tilespmem:$0x8420] =	vst v63  }
0x102: {  	s19 =	simm.s32 $0x5120;
	s20 =	simm.s32 $0x7120  }
0x103: {  	[tilespmem:s20], [sflag:$0x1] =	stream.indirect.gather [hbm4b:s3+s4], $0x1, s19, s4, $0xb8;
	[tilespmem:$0x8420] =	vst v63  }
0x104: {  	s21 =	simm.s32 $0x51A0;
	s22 =	simm.s32 $0x71A0  }
0x105: {  	[tilespmem:s22], [sflag:$0x1] =	stream.indirect.gather [hbm4b:s3+s4], $0x1, s21, s4, $0xb8;
	[tilespmem:$0x8420] =	vst v63  }
0x106: {  	s23 =	simm.s32 $0x5220;
	s24 =	simm.s32 $0x7220  }
0x107: {  	[tilespmem:s24], [sflag:$0x1] =	stream.indirect.gather [hbm4b:s3+s4], $0x1, s23, s4, $0xb8;
	[tilespmem:$0x8420] =	vst v63  }
0x108: {  	s25 =	simm.s32 $0x52A0;
	s26 =	simm.s32 $0x72A0;
	s28 =	spop (v2sf)  }
0x109: {  	[tilespmem:s26], [sflag:$0x1] =	stream.indirect.gather [hbm4b:s3+s4], $0x1, s25, s4, $0xb8;
	[tilespmem:$0x8420] =	vst v63  }
0x10a: {  	s29 =	simm.s32 $0x5320;
	s2 =	simm.s32 $0x7320;
	s12 =	sadd.s32 s17, s28  }
0x10b: {  	[tilespmem:s2], [sflag:$0x1] =	stream.indirect.gather [hbm4b:s3+s4], $0x1, s29, s4, $0xb8;
	[tilespmem:$0x8420] =	vst v63  }
0x10c: {  	s30 =	simm.s32 $0x53A0;
	s31 =	simm.s32 $0x73A0;
	p1 =	slt.s32 s12, $0x1  }
0x10d: {  	[tilespmem:s31], [sflag:$0x1] =	stream.indirect.gather [hbm4b:s3+s4], $0x1, s30, s4, $0xb8;
	[tilespmem:$0x8420] =	vst v63  }
0x10e: {  	s0 =	simm.s32 @!p1 $0x80;
	s1 =	simm.s32 @!p1 $0x3420;
	s2 =	simm.s32 @!p1 $0x5420  }
0x10f: {  	[tilespmem:s2], [sflag:$0x1] =	stream.indirect.gather @!p1 [hbm4b:s3+s0], $0x1, s1, s0, $0xb8;
	[tilespmem:$0x8420] =	vst v63  }
0x110: {  	s0 =	simm.s32 @!p1 $0x0  }
0x111: {  	p0 =	slt.u32 @!p1 s12, $0x81;
	s0 =	simm.s32 @p1 $0x1  }
0x112: {  	p1 =	por p1, p0;
	[smem:$0x7E6] =	sst s0  }
0x113: {  	s0 =	simm.s32 @!p1 $0x80;
	s1 =	simm.s32 @!p1 $0x34A0;
	s2 =	simm.s32 @!p1 $0x54A0  }
0x114: {  	[tilespmem:s2], [sflag:$0x1] =	stream.indirect.gather @!p1 [hbm4b:s3+s0], $0x1, s1, s0, $0xb8;
	[tilespmem:$0x8420] =	vst v63  }
0x115: {  	s0 =	simm.s32 @!p1 $0x0  }
0x116: {  	p0 =	slt.u32 @!p1 s12, $0x101;
	s0 =	simm.s32 @p1 $0x1  }
0x117: {  	p1 =	por p1, p0;
	[smem:$0x7E7] =	sst s0  }
0x118: {  	s0 =	simm.s32 @!p1 $0x80;
	s1 =	simm.s32 @!p1 $0x3520;
	s2 =	simm.s32 @!p1 $0x5520  }
0x119: {  	[tilespmem:s2], [sflag:$0x1] =	stream.indirect.gather @!p1 [hbm4b:s3+s0], $0x1, s1, s0, $0xb8;
	[tilespmem:$0x8420] =	vst v63  }
0x11a: {  	s0 =	simm.s32 @!p1 $0x0  }
0x11b: {  	p0 =	slt.u32 @!p1 s12, $0x181;
	s0 =	simm.s32 @p1 $0x1  }
0x11c: {  	p1 =	por p1, p0;
	[smem:$0x7E8] =	sst s0  }
0x11d: {  	s0 =	simm.s32 @!p1 $0x80;
	s1 =	simm.s32 @!p1 $0x35A0;
	s2 =	simm.s32 @!p1 $0x55A0  }
0x11e: {  	[tilespmem:s2], [sflag:$0x1] =	stream.indirect.gather @!p1 [hbm4b:s3+s0], $0x1, s1, s0, $0xb8;
	[tilespmem:$0x8420] =	vst v63  }
0x11f: {  	s0 =	simm.s32 @!p1 $0x0  }
0x120: {  	p0 =	slt.u32 @!p1 s12, $0x201;
	s0 =	simm.s32 @p1 $0x1  }
0x121: {  	p1 =	por p1, p0;
	[smem:$0x7E9] =	sst s0  }
0x122: {  	s0 =	simm.s32 @!p1 $0x80;
	s1 =	simm.s32 @!p1 $0x3620;
	s2 =	simm.s32 @!p1 $0x5620  }
0x123: {  	[tilespmem:s2], [sflag:$0x1] =	stream.indirect.gather @!p1 [hbm4b:s3+s0], $0x1, s1, s0, $0xb8;
	[tilespmem:$0x8420] =	vst v63  }
0x124: {  	s0 =	simm.s32 @!p1 $0x0  }
0x125: {  	p0 =	slt.u32 @!p1 s12, $0x281;
	s0 =	simm.s32 @p1 $0x1  }
0x126: {  	p1 =	por p1, p0;
	[smem:$0x7EA] =	sst s0  }
0x127: {  	s0 =	simm.s32 @!p1 $0x80;
	s1 =	simm.s32 @!p1 $0x36A0;
	s2 =	simm.s32 @!p1 $0x56A0  }
0x128: {  	[tilespmem:s2], [sflag:$0x1] =	stream.indirect.gather @!p1 [hbm4b:s3+s0], $0x1, s1, s0, $0xb8;
	[tilespmem:$0x8420] =	vst v63  }
0x129: {  	s0 =	simm.s32 @!p1 $0x0  }
0x12a: {  	p0 =	slt.u32 @!p1 s12, $0x301;
	s0 =	simm.s32 @p1 $0x1  }
0x12b: {  	p1 =	por p1, p0;
	[smem:$0x7EB] =	sst s0  }
0x12c: {  	s0 =	simm.s32 @!p1 $0x80;
	s1 =	simm.s32 @!p1 $0x3720;
	s2 =	simm.s32 @!p1 $0x5720  }
0x12d: {  	[tilespmem:s2], [sflag:$0x1] =	stream.indirect.gather @!p1 [hbm4b:s3+s0], $0x1, s1, s0, $0xb8;
	[tilespmem:$0x8420] =	vst v63  }
0x12e: {  	s0 =	simm.s32 @!p1 $0x0  }
0x12f: {  	p0 =	slt.u32 @!p1 s12, $0x381;
	s0 =	simm.s32 @p1 $0x1  }
0x130: {  	p1 =	por p1, p0;
	[smem:$0x7EC] =	sst s0  }
0x131: {  	s0 =	simm.s32 @!p1 $0x80;
	s1 =	simm.s32 @!p1 $0x37A0;
	s2 =	simm.s32 @!p1 $0x57A0  }
0x132: {  	[tilespmem:s2], [sflag:$0x1] =	stream.indirect.gather @!p1 [hbm4b:s3+s0], $0x1, s1, s0, $0xb8;
	[tilespmem:$0x8420] =	vst v63  }
0x133: {  	s0 =	simm.s32 @!p1 $0x0  }
0x134: {  	p0 =	slt.u32 @!p1 s12, $0x401;
	s0 =	simm.s32 @p1 $0x1  }
0x135: {  	p1 =	por p1, p0;
	[smem:$0x7ED] =	sst s0  }
0x136: {  	s0 =	simm.s32 @!p1 $0x80;
	s1 =	simm.s32 @!p1 $0x3820;
	s2 =	simm.s32 @!p1 $0x5820  }
0x137: {  	[tilespmem:s2], [sflag:$0x1] =	stream.indirect.gather @!p1 [hbm4b:s3+s0], $0x1, s1, s0, $0xb8;
	[tilespmem:$0x8420] =	vst v63  }
0x138: {  	p0 =	slt.u32 @!p1 s12, $0x481;
	s0 =	simm.s32 @!p1 $0x0  }
0x139: {  	s0 =	simm.s32 @p1 $0x1;
	p1 =	por p1, p0  }
0x13a: {  	[smem:$0x7EE] =	sst s0;
	s0 =	simm.s32 @!p1 $0x80  }
0x13b: {  	s1 =	simm.s32 @!p1 $0x38A0;
	s2 =	simm.s32 @!p1 $0x58A0;
	p0 =	slt.u32 @!p1 s12, $0x501  }
0x13c: {  	[tilespmem:s2], [sflag:$0x1] =	stream.indirect.gather @!p1 [hbm4b:s3+s0], $0x1, s1, s0, $0xb8;
	[tilespmem:$0x8420] =	vst v63  }
0x13d: {  	s0 =	simm.s32 @!p1 $0x0;
	p0 =	por p1, p0  }
0x13e: {  	s0 =	simm.s32 @p1 $0x1;
	s1 =	simm.s32 @!p0 $0x3920  }
0x13f: {  	s2 =	simm.s32 @!p0 $0x5920;
	[smem:$0x7EF] =	sst s0;
	s0 =	simm.s32 @!p0 $0x80  }
0x140: {  	[tilespmem:s2], [sflag:$0x1] =	stream.indirect.gather @!p0 [hbm4b:s3+s0], $0x1, s1, s0, $0xb8;
	[tilespmem:$0x8420] =	vst v63  }
0x141: {  	s0 =	simm.s32 @!p0 $0x0  }
0x142: {  	p2 =	slt.u32 @!p0 s12, $0x581;
	s0 =	simm.s32 @p0 $0x1  }
0x143: {  	p0 =	por p0, p2;
	[smem:$0x7F0] =	sst s0  }
0x144: {  	s0 =	simm.s32 @!p0 $0x80;
	s1 =	simm.s32 @!p0 $0x39A0;
	s2 =	simm.s32 @!p0 $0x59A0  }
0x145: {  	[tilespmem:s2], [sflag:$0x1] =	stream.indirect.gather @!p0 [hbm4b:s3+s0], $0x1, s1, s0, $0xb8;
	[tilespmem:$0x8420] =	vst v63  }
0x146: {  	s0 =	simm.s32 @!p0 $0x0  }
0x147: {  	p3 =	slt.u32 @!p0 s12, $0x601;
	s0 =	simm.s32 @p0 $0x1  }
0x148: {  	p0 =	por p0, p3;
	[smem:$0x7F1] =	sst s0  }
0x149: {  	s0 =	simm.s32 @!p0 $0x80;
	s1 =	simm.s32 @!p0 $0x3A20;
	s2 =	simm.s32 @!p0 $0x5A20  }
0x14a: {  	[tilespmem:s2], [sflag:$0x1] =	stream.indirect.gather @!p0 [hbm4b:s3+s0], $0x1, s1, s0, $0xb8;
	[tilespmem:$0x8420] =	vst v63  }
0x14b: {  	s0 =	simm.s32 @!p0 $0x0  }
0x14c: {  	p3 =	slt.u32 @!p0 s12, $0x681;
	s0 =	simm.s32 @p0 $0x1  }
0x14d: {  	p0 =	por p0, p3;
	[smem:$0x7F2] =	sst s0  }
0x14e: {  	s0 =	simm.s32 @!p0 $0x80;
	s1 =	simm.s32 @!p0 $0x3AA0;
	s2 =	simm.s32 @!p0 $0x5AA0  }
0x14f: {  	[tilespmem:s2], [sflag:$0x1] =	stream.indirect.gather @!p0 [hbm4b:s3+s0], $0x1, s1, s0, $0xb8;
	[tilespmem:$0x8420] =	vst v63  }
0x150: {  	s0 =	simm.s32 @!p0 $0x0  }
0x151: {  	p6 =	slt.u32 @!p0 s12, $0x701;
	s0 =	simm.s32 @p0 $0x1  }
0x152: {  	p0 =	por p0, p6;
	[smem:$0x7F3] =	sst s0  }
0x153: {  	s0 =	simm.s32 @!p0 $0x80;
	s1 =	simm.s32 @!p0 $0x3B20;
	s2 =	simm.s32 @!p0 $0x5B20  }
0x154: {  	[tilespmem:s2], [sflag:$0x1] =	stream.indirect.gather @!p0 [hbm4b:s3+s0], $0x1, s1, s0, $0xb8;
	[tilespmem:$0x8420] =	vst v63  }
0x155: {  	s0 =	simm.s32 @!p0 $0x0  }
0x156: {  	p6 =	slt.u32 @!p0 s12, $0x781;
	s0 =	simm.s32 @p0 $0x1  }
0x157: {  	p0 =	por p0, p6;
	[smem:$0x7F4] =	sst s0  }
0x158: {  	s0 =	simm.s32 @!p0 $0x80;
	s1 =	simm.s32 @!p0 $0x3BA0;
	s2 =	simm.s32 @!p0 $0x5BA0  }
0x159: {  	[tilespmem:s2], [sflag:$0x1] =	stream.indirect.gather @!p0 [hbm4b:s3+s0], $0x1, s1, s0, $0xb8;
	[tilespmem:$0x8420] =	vst v63  }
0x15a: {  	s0 =	simm.s32 @!p0 $0x0  }
0x15b: {  	p6 =	slt.u32 @!p0 s12, $0x801;
	s0 =	simm.s32 @p0 $0x1  }
0x15c: {  	p0 =	por p0, p6;
	[smem:$0x7F5] =	sst s0  }
0x15d: {  	s0 =	simm.s32 @!p0 $0x80;
	s1 =	simm.s32 @!p0 $0x3C20;
	s2 =	simm.s32 @!p0 $0x5C20  }
0x15e: {  	[tilespmem:s2], [sflag:$0x1] =	stream.indirect.gather @!p0 [hbm4b:s3+s0], $0x1, s1, s0, $0xb8;
	[tilespmem:$0x8420] =	vst v63  }
0x15f: {  	s0 =	simm.s32 @!p0 $0x0  }
0x160: {  	p6 =	slt.u32 @!p0 s12, $0x881;
	s0 =	simm.s32 @p0 $0x1  }
0x161: {  	p0 =	por p0, p6;
	[smem:$0x7F6] =	sst s0  }
0x162: {  	s0 =	simm.s32 @!p0 $0x80;
	s1 =	simm.s32 @!p0 $0x3CA0;
	s2 =	simm.s32 @!p0 $0x5CA0  }
0x163: {  	[tilespmem:s2], [sflag:$0x1] =	stream.indirect.gather @!p0 [hbm4b:s3+s0], $0x1, s1, s0, $0xb8;
	[tilespmem:$0x8420] =	vst v63  }
0x164: {  	s0 =	simm.s32 @!p0 $0x0  }
0x165: {  	p6 =	slt.u32 @!p0 s12, $0x901;
	s0 =	simm.s32 @p0 $0x1  }
0x166: {  	p0 =	por p0, p6;
	[smem:$0x7F7] =	sst s0  }
0x167: {  	s0 =	simm.s32 @!p0 $0x80;
	s1 =	simm.s32 @!p0 $0x3D20;
	s2 =	simm.s32 @!p0 $0x5D20  }
0x168: {  	[tilespmem:s2], [sflag:$0x1] =	stream.indirect.gather @!p0 [hbm4b:s3+s0], $0x1, s1, s0, $0xb8;
	[tilespmem:$0x8420] =	vst v63  }
0x169: {  	s0 =	simm.s32 @!p0 $0x0  }
0x16a: {  	p6 =	slt.u32 @!p0 s12, $0x981;
	s0 =	simm.s32 @p0 $0x1  }
0x16b: {  	p0 =	por p0, p6;
	[smem:$0x7F8] =	sst s0  }
0x16c: {  	s0 =	simm.s32 @!p0 $0x80;
	s1 =	simm.s32 @!p0 $0x3DA0;
	s2 =	simm.s32 @!p0 $0x5DA0  }
0x16d: {  	[tilespmem:s2], [sflag:$0x1] =	stream.indirect.gather @!p0 [hbm4b:s3+s0], $0x1, s1, s0, $0xb8;
	[tilespmem:$0x8420] =	vst v63  }
0x16e: {  	s0 =	simm.s32 @!p0 $0x0  }
0x16f: {  	p6 =	slt.u32 @!p0 s12, $0xA01;
	s0 =	simm.s32 @p0 $0x1  }
0x170: {  	p0 =	por p0, p6;
	[smem:$0x7F9] =	sst s0  }
0x171: {  	s0 =	simm.s32 @!p0 $0x80;
	s1 =	simm.s32 @!p0 $0x3E20;
	s2 =	simm.s32 @!p0 $0x5E20  }
0x172: {  	[tilespmem:s2], [sflag:$0x1] =	stream.indirect.gather @!p0 [hbm4b:s3+s0], $0x1, s1, s0, $0xb8;
	[tilespmem:$0x8420] =	vst v63  }
0x173: {  	s0 =	simm.s32 @!p0 $0x0  }
0x174: {  	p6 =	slt.u32 @!p0 s12, $0xA81;
	s0 =	simm.s32 @p0 $0x1  }
0x175: {  	p0 =	por p0, p6;
	[smem:$0x7FA] =	sst s0  }
0x176: {  	s0 =	simm.s32 @!p0 $0x80;
	s1 =	simm.s32 @!p0 $0x3EA0;
	s2 =	simm.s32 @!p0 $0x5EA0  }
0x177: {  	[tilespmem:s2], [sflag:$0x1] =	stream.indirect.gather @!p0 [hbm4b:s3+s0], $0x1, s1, s0, $0xb8;
	[tilespmem:$0x8420] =	vst v63  }
0x178: {  	s0 =	simm.s32 @!p0 $0x0  }
0x179: {  	p6 =	slt.u32 @!p0 s12, $0xB01;
	s0 =	simm.s32 @p0 $0x1  }
0x17a: {  	p0 =	por p0, p6;
	[smem:$0x7FB] =	sst s0  }
0x17b: {  	s0 =	simm.s32 @!p0 $0x80;
	s1 =	simm.s32 @!p0 $0x3F20;
	s2 =	simm.s32 @!p0 $0x5F20  }
0x17c: {  	[tilespmem:s2], [sflag:$0x1] =	stream.indirect.gather @!p0 [hbm4b:s3+s0], $0x1, s1, s0, $0xb8;
	[tilespmem:$0x8420] =	vst v63  }
0x17d: {  	p6 =	slt.u32 @!p0 s12, $0xB81;
	s0 =	simm.s32 @!p0 $0x0  }
0x17e: {  	p5 =	por p0, p6;
	s0 =	simm.s32 @p0 $0x1  }
0x17f: {  	s1 =	simm.s32 @!p5 $0x3FA0;
	s2 =	simm.s32 @!p5 $0x5FA0;
	p6 =	slt.u32 @!p5 s12, $0xC01  }
0x180: {  	[smem:$0x7FC] =	sst s0;
	s0 =	simm.s32 @!p5 $0x80;
	p0 =	por p5, p6  }
0x181: {  	[tilespmem:s2], [sflag:$0x1] =	stream.indirect.gather @!p5 [hbm4b:s3+s0], $0x1, s1, s0, $0xb8;
	[tilespmem:$0x8420] =	vst v63  }
0x182: {  	s0 =	simm.s32 @!p0 $0x80;
	p6 =	slt.u32 @!p0 s12, $0xC81  }
0x183: {  	s1 =	simm.s32 @!p0 $0x4020;
	s2 =	simm.s32 @!p0 $0x6020;
	p1 =	por p0, p6  }
0x184: {  	[tilespmem:s2], [sflag:$0x1] =	stream.indirect.gather @!p0 [hbm4b:s3+s0], $0x1, s1, s0, $0xb8;
	[tilespmem:$0x8420] =	vst v63  }
0x185: {  	s0 =	simm.s32 @!p0 $0x0;
	s1 =	simm.s32 @!p1 $0x40A0;
	p6 =	slt.u32 @!p1 s12, $0xD01  }
0x186: {  	s2 =	simm.s32 @!p1 $0x60A0;
	s0 =	simm.s32 @p0 $0x1;
	p0 =	por p1, p6  }
0x187: {  	[smem:$0x7FD] =	sst s0;
	s0 =	simm.s32 @!p1 $0x80;
	p6 =	slt.u32 @!p0 s12, $0xD81  }
0x188: {  	[tilespmem:s2], [sflag:$0x1] =	stream.indirect.gather @!p1 [hbm4b:s3+s0], $0x1, s1, s0, $0xb8;
	[tilespmem:$0x8420] =	vst v63  }
0x189: {  	s0 =	simm.s32 @!p0 $0x80;
	p4 =	por p0, p6  }
0x18a: {  	s1 =	simm.s32 @!p0 $0x4120;
	s2 =	simm.s32 @!p0 $0x6120;
	p6 =	slt.u32 @!p4 s12, $0xE01  }
0x18b: {  	[tilespmem:s2], [sflag:$0x1] =	stream.indirect.gather @!p0 [hbm4b:s3+s0], $0x1, s1, s0, $0xb8;
	[tilespmem:$0x8420] =	vst v63  }
0x18c: {  	p3 =	por p4, p6  }
0x18d: {  	p6 =	slt.u32 @!p3 s12, $0xE81  }
0x18e: {  	p6 =	por p3, p6  }
.Ltmp3:
0x18f: {  	_ = 	snop;
	(pc) =	sbr.rel @p6 .LBB2_8-.Ltmp3, $4  }
0x190: {  	s0 =	simm.s32 @!p4 $0x80;
	s1 =	simm.s32 @!p4 $0x41A0;
	s2 =	simm.s32 @!p4 $0x61A0  }
0x191: {  	[tilespmem:s2], [sflag:$0x1] =	stream.indirect.gather @!p4 [hbm4b:s3+s0], $0x1, s1, s0, $0xb8;
	[tilespmem:$0x8420] =	vst v63  }
0x192: {  	s0 =	simm.s32 @!p3 $0x80;
	s1 =	simm.s32 @!p3 $0x4220;
	s2 =	simm.s32 @!p3 $0x6220  }
0x193: {  	vm15 =	vcmask $0x1F1C;
	[tilespmem:s2], [sflag:$0x1] =	stream.indirect.gather @!p3 [hbm4b:s3+s0], $0x1, s1, s0, $0xb8;
	[tilespmem:$0x8420] =	vst v63  }
0x194: {  	s0 =	simm.s32 $0x42A0;
	s1 =	simm.s32 $0x62A0;
	p2 =	slt.u32 s12, $0xF01  }
0x195: {  	[tilespmem:s1], [sflag:$0x1] =	stream.indirect.gather [hbm4b:s3+s4], $0x1, s0, s4, $0xb8;
	[tilespmem:$0x8420] =	vst v63  }
0x196: {  	s0 =	simm.s32 @!p2 $0x80;
	p0 =	slt.u32 @!p2 s12, $0xF81  }
0x197: {  	s1 =	simm.s32 @!p2 $0x4320;
	s2 =	simm.s32 @!p2 $0x6320;
	p1 =	por p0, p2  }
0x198: {  	[tilespmem:s2], [sflag:$0x1] =	stream.indirect.gather @!p2 [hbm4b:s3+s0], $0x1, s1, s0, $0xb8;
	[tilespmem:$0x8420] =	vst v63  }
0x199: {  	s0 =	simm.s32 @!p1 $0x80  }
0x19a: {  	s1 =	simm.s32 @!p1 $0x43A0;
	s2 =	simm.s32 @!p1 $0x63A0;
	p5 =	por @!p1 $0x1, $0x1  }
0x19b: {  	[tilespmem:s2], [sflag:$0x1] =	stream.indirect.gather @!p1 [hbm4b:s3+s0], $0x1, s1, s0, $0xb8;
	[tilespmem:$0x8420] =	vst v63  }
0x19c: {  	p0 =	por !p0, p2;
	p3 =	por p5, p5;
	p1 =	por @!p2 $0x0, $0x0  }
0x19d: {  	p3 =	por @!p0 p1, p1;
	p1 =	por $0x0, $0x0  }
0x19e: {  	p4 =	por @!p2 $0x1, $0x1;
	p1 =	por @!p2 p3, p3  }
0x19f: {  	p5 =	por @!p0 p4, p4;
	p0 =	por $0x1, $0x1;
	s0 =	simm.s32 @!p1 $0x0  }
0x1a0: {  	p0 =	por @!p2 p5, p5;
	s0 =	simm.s32 @p1 $0x1  }
0x1a1: {  	p1 =	por $0x1, $0x1;
	[smem:$0x7E3] =	sst s0;
	s0 =	simm.s32 @!p0 $0x0  }
0x1a2: {  	p1 =	por @!p2 p5, p5;
	s0 =	simm.s32 @p0 $0x1  }
0x1a3: {  	p0 =	por $0x1, $0x1;
	[smem:$0x7E4] =	sst s0;
	s0 =	simm.s32 @!p1 $0x0  }
0x1a4: {  	p0 =	por @!p2 p5, p5;
	s0 =	simm.s32 @p1 $0x1  }
0x1a5: {  	[smem:$0x7C7] =	sst s0;
	s0 =	simm.s32 @!p0 $0x0  }
0x1a6: {  	s0 =	simm.s32 @p0 $0x1;
	p0 =	por $0x1, $0x1  }
0x1a7: {  	p0 =	por @!p2 p5, p5  }
0x1a8: {  	p1 =	por $0x1, $0x1;
	[smem:$0x7C8] =	sst s0;
	s0 =	simm.s32 @!p0 $0x0  }
0x1a9: {  	p1 =	por @!p2 p5, p5;
	s0 =	simm.s32 @p0 $0x1  }
0x1aa: {  	p0 =	por $0x1, $0x1;
	[smem:$0x7C9] =	sst s0;
	s0 =	simm.s32 @!p1 $0x0  }
0x1ab: {  	p0 =	por @!p2 p5, p5;
	s0 =	simm.s32 @p1 $0x1  }
0x1ac: {  	[smem:$0x7CA] =	sst s0;
	s0 =	simm.s32 @!p0 $0x0  }
0x1ad: {  	s0 =	simm.s32 @p0 $0x1;
	p0 =	por $0x1, $0x1  }
0x1ae: {  	p0 =	por @!p2 p5, p5  }
0x1af: {  	p1 =	por $0x1, $0x1;
	[smem:$0x7CB] =	sst s0;
	s0 =	simm.s32 @!p0 $0x0  }
0x1b0: {  	p1 =	por @!p2 p5, p5;
	s0 =	simm.s32 @p0 $0x1  }
0x1b1: {  	p0 =	por $0x1, $0x1;
	[smem:$0x7CC] =	sst s0;
	s0 =	simm.s32 @!p1 $0x0  }
0x1b2: {  	p0 =	por @!p2 p5, p5;
	s0 =	simm.s32 @p1 $0x1  }
0x1b3: {  	p1 =	por $0x1, $0x1;
	[smem:$0x7CD] =	sst s0;
	s0 =	simm.s32 @!p0 $0x0  }
0x1b4: {  	p1 =	por @!p2 p5, p5;
	s0 =	simm.s32 @p0 $0x1  }
0x1b5: {  	p3 =	por $0x1, $0x1;
	[smem:$0x7CE] =	sst s0;
	s0 =	simm.s32 @!p1 $0x0  }
0x1b6: {  	p3 =	por @!p2 p5, p5;
	s0 =	simm.s32 @p1 $0x1  }
0x1b7: {  	p1 =	por $0x1, $0x1;
	[smem:$0x7CF] =	sst s0;
	s0 =	simm.s32 @!p3 $0x0  }
0x1b8: {  	p1 =	por @!p2 p5, p5;
	s0 =	simm.s32 @p3 $0x1  }
0x1b9: {  	[smem:$0x7D0] =	sst s0;
	s0 =	simm.s32 @!p1 $0x0  }
0x1ba: {  	s0 =	simm.s32 @p1 $0x1;
	p1 =	por $0x1, $0x1  }
0x1bb: {  	p1 =	por @!p2 p5, p5  }
0x1bc: {  	p0 =	por $0x1, $0x1;
	[smem:$0x7D1] =	sst s0;
	s0 =	simm.s32 @!p1 $0x0  }
0x1bd: {  	p0 =	por @!p2 p5, p5;
	s0 =	simm.s32 @p1 $0x1  }
0x1be: {  	p3 =	por $0x1, $0x1;
	[smem:$0x7D2] =	sst s0;
	s0 =	simm.s32 @!p0 $0x0  }
0x1bf: {  	p3 =	por @!p2 p5, p5;
	s0 =	simm.s32 @p0 $0x1  }
0x1c0: {  	[smem:$0x7D3] =	sst s0;
	s0 =	simm.s32 @!p3 $0x0  }
0x1c1: {  	s0 =	simm.s32 @p3 $0x1;
	p3 =	por $0x1, $0x1  }
0x1c2: {  	p3 =	por @!p2 p5, p5  }
0x1c3: {  	[smem:$0x7D4] =	sst s0;
	s0 =	simm.s32 @!p3 $0x0  }
0x1c4: {  	s0 =	simm.s32 @p3 $0x1;
	p3 =	por $0x1, $0x1  }
0x1c5: {  	p3 =	por @!p2 p5, p5  }
0x1c6: {  	p4 =	por $0x1, $0x1;
	[smem:$0x7D5] =	sst s0;
	s0 =	simm.s32 @!p3 $0x0  }
0x1c7: {  	p4 =	por @!p2 p5, p5;
	s0 =	simm.s32 @p3 $0x1  }
0x1c8: {  	p3 =	por $0x1, $0x1;
	[smem:$0x7D6] =	sst s0;
	s0 =	simm.s32 @!p4 $0x0  }
0x1c9: {  	p3 =	por @!p2 p5, p5;
	s0 =	simm.s32 @p4 $0x1  }
0x1ca: {  	p0 =	por $0x1, $0x1;
	[smem:$0x7D7] =	sst s0;
	s0 =	simm.s32 @!p3 $0x0  }
0x1cb: {  	p0 =	por @!p2 p5, p5;
	s0 =	simm.s32 @p3 $0x1  }
0x1cc: {  	p3 =	por $0x1, $0x1;
	[smem:$0x7D8] =	sst s0;
	s0 =	simm.s32 @!p0 $0x0  }
0x1cd: {  	p3 =	por @!p2 p5, p5;
	s0 =	simm.s32 @p0 $0x1  }
0x1ce: {  	p0 =	por $0x1, $0x1;
	[smem:$0x7D9] =	sst s0;
	s0 =	simm.s32 @!p3 $0x0  }
0x1cf: {  	p0 =	por @!p2 p5, p5;
	s0 =	simm.s32 @p3 $0x1  }
0x1d0: {  	[smem:$0x7DA] =	sst s0;
	s0 =	simm.s32 @!p0 $0x0  }
0x1d1: {  	s0 =	simm.s32 @p0 $0x1;
	p0 =	por $0x1, $0x1  }
0x1d2: {  	p0 =	por @!p2 p5, p5  }
0x1d3: {  	p3 =	por $0x1, $0x1;
	[smem:$0x7DB] =	sst s0;
	s0 =	simm.s32 @!p0 $0x0  }
0x1d4: {  	p3 =	por @!p2 p5, p5;
	s0 =	simm.s32 @p0 $0x1  }
0x1d5: {  	p0 =	por $0x1, $0x1;
	[smem:$0x7DC] =	sst s0;
	s0 =	simm.s32 @!p3 $0x0  }
0x1d6: {  	p0 =	por @!p2 p5, p5;
	s0 =	simm.s32 @p3 $0x1  }
0x1d7: {  	p3 =	por $0x1, $0x1;
	[smem:$0x7DD] =	sst s0;
	s0 =	simm.s32 @!p0 $0x0  }
0x1d8: {  	p3 =	por @!p2 p5, p5;
	s0 =	simm.s32 @p0 $0x1  }
0x1d9: {  	p4 =	por $0x1, $0x1;
	[smem:$0x7DE] =	sst s0;
	s0 =	simm.s32 @!p3 $0x0  }
0x1da: {  	p4 =	por @!p2 p5, p5;
	s0 =	simm.s32 @p3 $0x1  }
0x1db: {  	p0 =	por $0x1, $0x1;
	[smem:$0x7DF] =	sst s0;
	s0 =	simm.s32 @!p4 $0x0  }
0x1dc: {  	p0 =	por @!p2 p5, p5;
	s0 =	simm.s32 @p4 $0x1;
	p4 =	por $0x0, $0x0  }
.Ltmp4:
0x1dd: {  	[smem:$0x7E1] =	sst s0;
	s0 =	simm.s32 @!p0 $0x0;
	(pc) =	sbr.rel .LBB2_10-.Ltmp4, $4  }
0x1de: {  	p4 =	por @!p2 p5, p5;
	s0 =	simm.s32 @p0 $0x1  }
0x1df: {  	[smem:$0x7E2] =	sst s0;
	s0 =	simm.s32 @!p4 $0x0  }
0x1e0: {  	vm11 =	vcmask $0x704;
	p3 =	por $0x1, $0x1;
	s0 =	simm.s32 @p4 $0x1  }
0x1e1: {  	vm12 =	vmmov vm13;
	vm10 =	vcmask $0x2F2C;
	vm9 =	vcmask $0x3734;
	p3 =	por @!p2 p5, p5;
	[smem:$0x7E5] =	sst s0  }
.LBB2_8:
0x1e2: {  	s7 =	sld [smem:$0x7E6]  }
0x1e3: {  	s0 =	simm.s32 @!p4 $0x0  }
0x1e4: {  	s8 =	sld [smem:$0x7E7];
	s0 =	simm.s32 @p4 $0x1  }
0x1e5: {  	[smem:$0x7C6] =	sst s0;
	s0 =	simm.s32 @!p3 $0x0;
	p4 =	seq.s32 s7, $0x1  }
0x1e6: {  	s0 =	simm.s32 @p3 $0x1;
	p3 =	por $0x0, $0x0;
	p6 =	por @!p4 $0x0, $0x0  }
0x1e7: {  	[smem:$0x7C5] =	sst s0;
	p3 =	por @!p4 p6, p6;
	p6 =	seq.s32 s8, $0x1  }
0x1e8: {  	s0 =	simm.s32 @!p5 $0x0;
	p2 =	por @!p6 $0x0, $0x0;
	p4 =	por p3, p3  }
0x1e9: {  	s0 =	simm.s32 @p5 $0x1;
	p4 =	por @!p6 p2, p2  }
0x1ea: {  	[smem:$0x7C0] =	sst s0;
	s0 =	simm.s32 @!p4 $0x0  }
0x1eb: {  	s9 =	sld [smem:$0x7E8];
	s0 =	simm.s32 @p4 $0x1  }
0x1ec: {  	[smem:$0x7D3] =	sst s0  }
0x1ed: {  	s0 =	sld [smem:$0x7D3];
	_ =	sdelay $0x1  }
0x1ee: {  	p5 =	por @!p6 $0x1, $0x1;
	p2 =	seq.s32 s9, $0x1  }
0x1ef: {  	p3 =	por @!p6 p5, p5;
	p6 =	por @!p2 $0x0, $0x0;
	p5 =	seq.s32 s0, $0x1  }
0x1f0: {  	p5 =	por @!p2 p6, p6  }
0x1f1: {  	s10 =	sld [smem:$0x7E9];
	s0 =	simm.s32 @!p5 $0x0  }
0x1f2: {  	s12 =	sld [smem:$0x7EA];
	p6 =	por @!p2 $0x1, $0x1;
	s0 =	simm.s32 @p5 $0x1  }
0x1f3: {  	p4 =	por @!p2 p6, p6;
	p5 =	por @!p2 $0x1, $0x1;
	[smem:$0x7D3] =	sst s0  }
0x1f4: {  	p3 =	por @!p2 p5, p5;
	s0 =	simm.s32 @!p0 $0x0;
	s11 =	sld [smem:$0x7D3]  }
0x1f5: {  	p5 =	por p3, p3;
	p3 =	seq.s32 s10, $0x1;
	s0 =	simm.s32 @p0 $0x1  }
0x1f6: {  	[smem:$0x7C3] =	sst s0;
	s0 =	simm.s32 @!p1 $0x0;
	p2 =	por @!p3 $0x0, $0x0  }
0x1f7: {  	p6 =	por @!p3 $0x1, $0x1;
	s0 =	simm.s32 @p1 $0x1;
	p0 =	seq.s32 s11, $0x1  }
0x1f8: {  	p5 =	por @!p3 p6, p6;
	p1 =	por p0, p0;
	p0 =	por @!p3 p6, p6  }
0x1f9: {  	p1 =	por @!p3 p2, p2;
	p2 =	por p0, p0;
	p0 =	seq.s32 s12, $0x1  }
0x1fa: {  	p4 =	por @!p3 p6, p6;
	p3 =	por p1, p1;
	p6 =	por @!p0 $0x0, $0x0  }
0x1fb: {  	p3 =	por @!p0 p6, p6;
	p6 =	por @!p0 $0x1, $0x1  }
0x1fc: {  	s13 =	sld [smem:$0x7EB];
	p2 =	por @!p0 p6, p6  }
0x1fd: {  	[smem:$0x7C2] =	sst s0;
	s0 =	simm.s32 @!p2 $0x0  }
0x1fe: {  	s16 =	sld [smem:$0x7EC];
	s0 =	simm.s32 @p2 $0x1;
	p2 =	por @!p0 $0x1, $0x1  }
0x1ff: {  	p6 =	por p3, p3;
	[smem:$0x7D3] =	sst s0;
	p4 =	por @!p0 p2, p2  }
0x200: {  	p5 =	por @!p0 p2, p2;
	p2 =	seq.s32 s13, $0x1;
	s0 =	simm.s32 @!p4 $0x0  }
0x201: {  	s14 =	sld [smem:$0x7D3];
	s0 =	simm.s32 @p4 $0x1;
	p4 =	por p3, p3  }
0x202: {  	p3 =	por p1, p1;
	p1 =	por @!p0 $0x1, $0x1;
	[smem:$0x7D5] =	sst s0  }
0x203: {  	p3 =	por @!p0 p1, p1;
	p0 =	por @!p2 $0x0, $0x0;
	p1 =	por @!p2 $0x1, $0x1  }
0x204: {  	p6 =	por @!p2 p0, p0;
	p4 =	por @!p2 p1, p1;
	s15 =	sld [smem:$0x7D5]  }
0x205: {  	p0 =	seq.s32 s14, $0x1;
	p5 =	por @!p2 p1, p1;
	s0 =	simm.s32 @!p4 $0x0  }
0x206: {  	p3 =	por @!p2 p1, p1;
	p0 =	por @!p2 p1, p1;
	s0 =	simm.s32 @p4 $0x1  }
0x207: {  	[smem:$0x7D2] =	sst s0;
	s0 =	simm.s32 @!p0 $0x0;
	p4 =	seq.s32 s15, $0x1  }
0x208: {  	s0 =	simm.s32 @p0 $0x1;
	p4 =	por @!p2 p1, p1;
	p1 =	seq.s32 s16, $0x1  }
0x209: {  	p2 =	por p6, p6;
	s17 =	sld [smem:$0x7D2];
	p0 =	por @!p1 $0x0, $0x0  }
0x20a: {  	s19 =	sld [smem:$0x7ED];
	p2 =	por @!p1 p0, p0  }
0x20b: {  	[smem:$0x7D3] =	sst s0;
	p0 =	por @!p1 $0x1, $0x1;
	s0 =	simm.s32 @!p2 $0x0  }
0x20c: {  	s18 =	sld [smem:$0x7D3];
	s0 =	simm.s32 @p2 $0x1;
	p2 =	seq.s32 s17, $0x1  }
0x20d: {  	s25 =	sld [smem:$0x7EE];
	p2 =	por @!p1 p0, p0  }
0x20e: {  	[smem:$0x7D1] =	sst s0;
	s0 =	simm.s32 @!p2 $0x0  }
0x20f: {  	p0 =	seq.s32 s18, $0x1;
	s0 =	simm.s32 @p2 $0x1;
	p2 =	por @!p1 $0x1, $0x1  }
0x210: {  	s20 =	sld [smem:$0x7D1];
	p0 =	por @!p1 p2, p2  }
0x211: {  	[smem:$0x7D2] =	sst s0;
	s0 =	simm.s32 @!p0 $0x0  }
0x212: {  	p5 =	por @!p1 p2, p2;
	p4 =	por @!p1 p2, p2;
	s0 =	simm.s32 @p0 $0x1  }
0x213: {  	p3 =	por @!p1 p2, p2;
	[smem:$0x7D3] =	sst s0;
	s0 =	simm.s32 @!p5 $0x0  }
0x214: {  	p2 =	seq.s32 s20, $0x1;
	s0 =	simm.s32 @p5 $0x1;
	s22 =	sld [smem:$0x7D3]  }
0x215: {  	p0 =	seq.s32 s19, $0x1;
	p5 =	por @!p1 $0x1, $0x1;
	[smem:$0x7D4] =	sst s0  }
0x216: {  	s0 =	simm.s32 @!p4 $0x0;
	p6 =	por @!p1 p5, p5;
	p1 =	por @!p0 $0x0, $0x0  }
0x217: {  	s0 =	simm.s32 @p4 $0x1;
	p4 =	por p3, p3;
	p3 =	por p2, p2  }
0x218: {  	s23 =	sld [smem:$0x7D4];
	p3 =	por @!p0 p1, p1  }
0x219: {  	[smem:$0x7D5] =	sst s0;
	p1 =	por @!p0 $0x1, $0x1;
	s0 =	simm.s32 @!p3 $0x0  }
0x21a: {  	s21 =	sld [smem:$0x7D2];
	p2 =	por @!p0 p1, p1;
	s0 =	simm.s32 @p3 $0x1  }
0x21b: {  	p5 =	seq.s32 s22, $0x1;
	[smem:$0x7D8] =	sst s0;
	s0 =	simm.s32 @!p2 $0x0  }
0x21c: {  	p5 =	por @!p0 p1, p1;
	s0 =	simm.s32 @p2 $0x1;
	p2 =	seq.s32 s23, $0x1  }
0x21d: {  	s24 =	sld [smem:$0x7D5];
	p4 =	por @!p0 p1, p1;
	p2 =	por @!p0 p1, p1  }
0x21e: {  	p6 =	por @!p0 p1, p1;
	[smem:$0x7D1] =	sst s0;
	s0 =	simm.s32 @!p2 $0x0  }
0x21f: {  	p3 =	seq.s32 s21, $0x1;
	s26 =	sld [smem:$0x7D8];
	s0 =	simm.s32 @p2 $0x1  }
0x220: {  	p3 =	por @!p0 p1, p1;
	p2 =	seq.s32 s24, $0x1;
	[smem:$0x7D4] =	sst s0  }
0x221: {  	p2 =	por @!p0 p1, p1;
	s0 =	simm.s32 @!p6 $0x0;
	p0 =	seq.s32 s25, $0x1  }
0x222: {  	p1 =	seq.s32 s26, $0x1;
	s0 =	simm.s32 @p6 $0x1;
	p6 =	por @!p0 $0x0, $0x0  }
0x223: {  	p1 =	por @!p0 p6, p6  }
0x224: {  	[smem:$0x7D7] =	sst s0;
	s0 =	simm.s32 @!p1 $0x0  }
0x225: {  	s28 =	sld [smem:$0x7D1];
	s0 =	simm.s32 @p1 $0x1;
	p1 =	por @!p0 $0x1, $0x1  }
0x226: {  	s29 =	sld [smem:$0x7D4];
	p3 =	por @!p0 p1, p1  }
0x227: {  	[smem:$0x7D0] =	sst s0;
	s0 =	simm.s32 @!p3 $0x0  }
0x228: {  	p6 =	seq.s32 s28, $0x1;
	s0 =	simm.s32 @p3 $0x1;
	p3 =	por @!p0 $0x1, $0x1  }
0x229: {  	p6 =	por @!p0 p1, p1;
	p5 =	por @!p0 p3, p3  }
0x22a: {  	p1 =	seq.s32 s29, $0x1;
	[smem:$0x7D2] =	sst s0;
	s0 =	simm.s32 @!p5 $0x0  }
0x22b: {  	p1 =	por @!p0 p3, p3;
	s0 =	simm.s32 @p5 $0x1  }
0x22c: {  	[smem:$0x7D3] =	sst s0;
	s0 =	simm.s32 @!p1 $0x0  }
0x22d: {  	s1 =	sld [smem:$0x7D0];
	p2 =	por @!p0 p3, p3;
	s0 =	simm.s32 @p1 $0x1  }
0x22e: {  	[smem:$0x7D4] =	sst s0;
	s0 =	simm.s32 @!p2 $0x0  }
0x22f: {  	s31 =	sld [smem:$0x7EF];
	p4 =	por @!p0 p3, p3;
	s0 =	simm.s32 @p2 $0x1  }
0x230: {  	[smem:$0x7D5] =	sst s0;
	s0 =	simm.s32 @!p4 $0x0  }
0x231: {  	s2 =	sld [smem:$0x7D8];
	s0 =	simm.s32 @p4 $0x1;
	p4 =	seq.s32 s1, $0x1  }
0x232: {  	[smem:$0x7D6] =	sst s0;
	s0 =	simm.s32 @!p4 $0x0  }
0x233: {  	s30 =	sld [smem:$0x7D7];
	s0 =	simm.s32 @p4 $0x1  }
0x234: {  	[smem:$0x7D9] =	sst s0  }
0x235: {  	s3 =	sld [smem:$0x7D9]  }
0x236: {  	p5 =	por @!p0 $0x1, $0x1;
	p2 =	seq.s32 s30, $0x1  }
0x237: {  	p1 =	seq.s32 s2, $0x1;
	p2 =	por @!p0 p3, p3;
	p3 =	seq.s32 s31, $0x1  }
0x238: {  	p1 =	por @!p0 p5, p5;
	p5 =	por @!p3 $0x0, $0x0;
	p0 =	seq.s32 s3, $0x1  }
0x239: {  	p0 =	por @!p3 p5, p5  }
0x23a: {  	s0 =	simm.s32 @!p0 $0x0  }
0x23b: {  	s0 =	simm.s32 @p0 $0x1;
	p0 =	por @!p3 $0x1, $0x1  }
0x23c: {  	s4 =	sld [smem:$0x7D2];
	p4 =	por @!p3 p0, p0  }
0x23d: {  	[smem:$0x7D9] =	sst s0;
	s0 =	simm.s32 @!p4 $0x0  }
0x23e: {  	s5 =	sld [smem:$0x7D3];
	p6 =	por @!p3 p0, p0;
	s0 =	simm.s32 @p4 $0x1  }
0x23f: {  	[smem:$0x7D0] =	sst s0;
	s0 =	simm.s32 @!p6 $0x0  }
0x240: {  	s0 =	simm.s32 @p6 $0x1;
	p6 =	seq.s32 s4, $0x1  }
0x241: {  	s6 =	sld [smem:$0x7D4];
	p6 =	por @!p3 p0, p0  }
0x242: {  	p4 =	seq.s32 s5, $0x1;
	[smem:$0x7D1] =	sst s0;
	s0 =	simm.s32 @!p6 $0x0  }
0x243: {  	s7 =	sld [smem:$0x7D5];
	p4 =	por @!p3 p0, p0;
	s0 =	simm.s32 @p6 $0x1  }
0x244: {  	p5 =	seq.s32 s6, $0x1;
	[smem:$0x7D2] =	sst s0;
	s0 =	simm.s32 @!p4 $0x0  }
0x245: {  	p5 =	por @!p3 p0, p0;
	s0 =	simm.s32 @p4 $0x1  }
0x246: {  	[smem:$0x7D3] =	sst s0;
	s0 =	simm.s32 @!p5 $0x0  }
0x247: {  	s8 =	sld [smem:$0x7D6];
	s0 =	simm.s32 @p5 $0x1;
	p5 =	seq.s32 s7, $0x1  }
0x248: {  	s9 =	sld [smem:$0x7F0];
	p5 =	por @!p3 p0, p0  }
0x249: {  	[smem:$0x7D4] =	sst s0;
	s0 =	simm.s32 @!p5 $0x0  }
0x24a: {  	p2 =	por @!p3 p0, p0;
	s0 =	simm.s32 @p5 $0x1;
	p5 =	seq.s32 s8, $0x1  }
0x24b: {  	p1 =	por @!p3 p0, p0;
	s12 =	sld [smem:$0x7D1];
	p5 =	por @!p3 p0, p0  }
0x24c: {  	p4 =	seq.s32 s9, $0x1;
	[smem:$0x7D5] =	sst s0;
	s0 =	simm.s32 @!p5 $0x0  }
0x24d: {  	s13 =	sld [smem:$0x7D2];
	p3 =	por @!p4 $0x1, $0x1;
	s0 =	simm.s32 @p5 $0x1  }
0x24e: {  	p0 =	seq.s32 s12, $0x1;
	[smem:$0x7D6] =	sst s0;
	s0 =	simm.s32 @!p2 $0x0  }
0x24f: {  	p0 =	por @!p4 p3, p3;
	s0 =	simm.s32 @p2 $0x1  }
0x250: {  	[smem:$0x7D7] =	sst s0;
	s0 =	simm.s32 @!p0 $0x0  }
0x251: {  	s14 =	sld [smem:$0x7D3];
	s0 =	simm.s32 @p0 $0x1;
	p0 =	seq.s32 s13, $0x1  }
0x252: {  	p0 =	por @!p4 p3, p3  }
0x253: {  	[smem:$0x7D1] =	sst s0;
	s0 =	simm.s32 @!p0 $0x0  }
0x254: {  	s15 =	sld [smem:$0x7D4];
	s0 =	simm.s32 @p0 $0x1;
	p0 =	seq.s32 s14, $0x1  }
0x255: {  	p0 =	por @!p4 p3, p3  }
0x256: {  	[smem:$0x7D2] =	sst s0;
	s0 =	simm.s32 @!p0 $0x0  }
0x257: {  	s16 =	sld [smem:$0x7D5];
	s0 =	simm.s32 @p0 $0x1;
	p0 =	seq.s32 s15, $0x1  }
0x258: {  	s19 =	sld [smem:$0x7F1];
	p0 =	por @!p4 p3, p3  }
0x259: {  	[smem:$0x7D3] =	sst s0;
	s0 =	simm.s32 @!p0 $0x0  }
0x25a: {  	s17 =	sld [smem:$0x7D6];
	s0 =	simm.s32 @p0 $0x1;
	p0 =	seq.s32 s16, $0x1  }
0x25b: {  	s10 =	sld [smem:$0x7D9];
	p0 =	por @!p4 p3, p3  }
0x25c: {  	[smem:$0x7D4] =	sst s0;
	s0 =	simm.s32 @!p0 $0x0  }
0x25d: {  	s18 =	sld [smem:$0x7D7];
	s0 =	simm.s32 @p0 $0x1;
	p0 =	seq.s32 s17, $0x1  }
0x25e: {  	s11 =	sld [smem:$0x7D0];
	p0 =	por @!p4 p3, p3  }
0x25f: {  	p6 =	seq.s32 s10, $0x1;
	[smem:$0x7D5] =	sst s0;
	s0 =	simm.s32 @!p0 $0x0  }
0x260: {  	p1 =	por @!p4 p3, p3;
	s0 =	simm.s32 @p0 $0x1;
	p0 =	seq.s32 s18, $0x1  }
0x261: {  	p5 =	por p6, p6;
	p6 =	por @!p4 p3, p3;
	p0 =	por @!p4 p3, p3  }
0x262: {  	p2 =	por @!p4 $0x0, $0x0;
	[smem:$0x7D6] =	sst s0;
	s0 =	simm.s32 @!p0 $0x0  }
0x263: {  	p5 =	por @!p4 p2, p2;
	p2 =	seq.s32 s11, $0x1;
	s0 =	simm.s32 @p0 $0x1  }
0x264: {  	p0 =	seq.s32 s19, $0x1;
	[smem:$0x7D7] =	sst s0;
	s0 =	simm.s32 @!p1 $0x0  }
0x265: {  	p2 =	por @!p4 p3, p3;
	p3 =	por @!p0 $0x0, $0x0;
	s0 =	simm.s32 @p1 $0x1  }
0x266: {  	p1 =	por p5, p5;
	[smem:$0x7D8] =	sst s0;
	s0 =	simm.s32 @!p6 $0x0  }
0x267: {  	p1 =	por @!p0 p3, p3;
	s0 =	simm.s32 @p6 $0x1  }
0x268: {  	[smem:$0x7D9] =	sst s0;
	s0 =	simm.s32 @!p1 $0x0  }
0x269: {  	s20 =	sld [smem:$0x7D1];
	s0 =	simm.s32 @p1 $0x1;
	p1 =	por @!p0 $0x1, $0x1  }
0x26a: {  	s22 =	sld [smem:$0x7D3];
	p5 =	por @!p0 p1, p1  }
0x26b: {  	[smem:$0x7DA] =	sst s0;
	p2 =	por @!p0 p1, p1;
	s0 =	simm.s32 @!p5 $0x0  }
0x26c: {  	s0 =	simm.s32 @p5 $0x1;
	p5 =	por p2, p2;
	p2 =	seq.s32 s20, $0x1  }
0x26d: {  	p2 =	por @!p0 p1, p1  }
0x26e: {  	[smem:$0x7CF] =	sst s0;
	s0 =	simm.s32 @!p2 $0x0  }
0x26f: {  	s24 =	sld [smem:$0x7D5];
	s0 =	simm.s32 @p2 $0x1;
	p2 =	seq.s32 s22, $0x1  }
0x270: {  	p2 =	por @!p0 p1, p1  }
0x271: {  	[smem:$0x7D1] =	sst s0;
	s0 =	simm.s32 @!p2 $0x0  }
0x272: {  	s25 =	sld [smem:$0x7D6];
	s0 =	simm.s32 @p2 $0x1;
	p2 =	seq.s32 s24, $0x1  }
0x273: {  	p2 =	por @!p0 p1, p1  }
0x274: {  	[smem:$0x7D3] =	sst s0;
	s0 =	simm.s32 @!p2 $0x0  }
0x275: {  	s26 =	sld [smem:$0x7D7];
	s0 =	simm.s32 @p2 $0x1;
	p2 =	seq.s32 s25, $0x1  }
0x276: {  	s30 =	sld [smem:$0x7F2];
	p2 =	por @!p0 p1, p1  }
0x277: {  	[smem:$0x7D5] =	sst s0;
	s0 =	simm.s32 @!p2 $0x0  }
0x278: {  	s28 =	sld [smem:$0x7D8];
	s0 =	simm.s32 @p2 $0x1;
	p2 =	seq.s32 s26, $0x1  }
0x279: {  	s21 =	sld [smem:$0x7D2];
	p2 =	por @!p0 p1, p1  }
0x27a: {  	[smem:$0x7D6] =	sst s0;
	s0 =	simm.s32 @!p2 $0x0  }
0x27b: {  	s29 =	sld [smem:$0x7D9];
	s0 =	simm.s32 @p2 $0x1;
	p2 =	seq.s32 s28, $0x1  }
0x27c: {  	s23 =	sld [smem:$0x7D4];
	p2 =	por @!p0 p1, p1  }
0x27d: {  	[smem:$0x7D7] =	sst s0;
	s0 =	simm.s32 @!p2 $0x0  }
0x27e: {  	p4 =	seq.s32 s21, $0x1;
	s0 =	simm.s32 @p2 $0x1;
	p2 =	seq.s32 s29, $0x1  }
0x27f: {  	p3 =	seq.s32 s23, $0x1;
	s31 =	sld [smem:$0x7DA];
	p2 =	por @!p0 p1, p1  }
0x280: {  	p4 =	por @!p0 p1, p1;
	[smem:$0x7D8] =	sst s0;
	s0 =	simm.s32 @!p2 $0x0  }
0x281: {  	p3 =	por @!p0 p1, p1;
	s0 =	simm.s32 @p2 $0x1;
	p2 =	seq.s32 s30, $0x1  }
0x282: {  	s1 =	sld [smem:$0x7CF];
	p1 =	seq.s32 s31, $0x1;
	p6 =	por @!p2 $0x0, $0x0  }
0x283: {  	p1 =	por @!p2 p6, p6  }
0x284: {  	[smem:$0x7D9] =	sst s0;
	s0 =	simm.s32 @!p1 $0x0  }
0x285: {  	p0 =	por @!p2 $0x1, $0x1;
	s0 =	simm.s32 @p1 $0x1;
	p1 =	seq.s32 s1, $0x1  }
0x286: {  	s2 =	sld [smem:$0x7D1];
	p1 =	por @!p2 p0, p0  }
0x287: {  	[smem:$0x7CE] =	sst s0;
	s0 =	simm.s32 @!p1 $0x0  }
0x288: {  	s9 =	sld [smem:$0x7F3];
	p5 =	por @!p2 p0, p0;
	s0 =	simm.s32 @p1 $0x1  }
0x289: {  	p1 =	seq.s32 s2, $0x1;
	[smem:$0x7CF] =	sst s0;
	s0 =	simm.s32 @!p5 $0x0  }
0x28a: {  	s3 =	sld [smem:$0x7D3];
	p1 =	por @!p2 p0, p0;
	s0 =	simm.s32 @p5 $0x1  }
0x28b: {  	[smem:$0x7D0] =	sst s0;
	s0 =	simm.s32 @!p1 $0x0  }
0x28c: {  	s11 =	sld [smem:$0x7DA];
	p4 =	por @!p2 p0, p0;
	s0 =	simm.s32 @p1 $0x1  }
0x28d: {  	p1 =	seq.s32 s3, $0x1;
	[smem:$0x7D1] =	sst s0;
	s0 =	simm.s32 @!p4 $0x0  }
0x28e: {  	s4 =	sld [smem:$0x7D5];
	p1 =	por @!p2 p0, p0;
	s0 =	simm.s32 @p4 $0x1  }
0x28f: {  	[smem:$0x7D2] =	sst s0;
	s0 =	simm.s32 @!p1 $0x0  }
0x290: {  	s6 =	sld [smem:$0x7D7];
	p3 =	por @!p2 p0, p0;
	s0 =	simm.s32 @p1 $0x1  }
0x291: {  	p1 =	seq.s32 s4, $0x1;
	[smem:$0x7D3] =	sst s0;
	s0 =	simm.s32 @!p3 $0x0  }
0x292: {  	s5 =	sld [smem:$0x7D6];
	p1 =	por @!p2 p0, p0;
	s0 =	simm.s32 @p3 $0x1  }
0x293: {  	[smem:$0x7D4] =	sst s0;
	s0 =	simm.s32 @!p1 $0x0  }
0x294: {  	s7 =	sld [smem:$0x7D8];
	s0 =	simm.s32 @p1 $0x1;
	p1 =	seq.s32 s6, $0x1  }
0x295: {  	s8 =	sld [smem:$0x7D9];
	p1 =	por @!p2 p0, p0  }
0x296: {  	[smem:$0x7D5] =	sst s0;
	s0 =	simm.s32 @!p1 $0x0  }
0x297: {  	p6 =	seq.s32 s11, $0x1;
	s0 =	simm.s32 @p1 $0x1;
	p1 =	seq.s32 s7, $0x1  }
0x298: {  	p6 =	por @!p2 p0, p0;
	s10 =	sld [smem:$0x7CE];
	p1 =	por @!p2 p0, p0  }
0x299: {  	p5 =	seq.s32 s5, $0x1;
	[smem:$0x7D7] =	sst s0;
	s0 =	simm.s32 @!p1 $0x0  }
0x29a: {  	s13 =	sld [smem:$0x7CF];
	s0 =	simm.s32 @p1 $0x1;
	p1 =	seq.s32 s8, $0x1  }
0x29b: {  	p5 =	por @!p2 p0, p0;
	s14 =	sld [smem:$0x7D0];
	p1 =	por @!p2 p0, p0  }
0x29c: {  	p4 =	seq.s32 s10, $0x1;
	[smem:$0x7D8] =	sst s0;
	s0 =	simm.s32 @!p1 $0x0  }
0x29d: {  	p3 =	por p4, p4;
	s0 =	simm.s32 @p1 $0x1;
	p1 =	seq.s32 s9, $0x1  }
0x29e: {  	[smem:$0x7D9] =	sst s0;
	s0 =	simm.s32 @!p6 $0x0;
	p0 =	por @!p1 $0x0, $0x0  }
0x29f: {  	p2 =	seq.s32 s13, $0x1;
	s0 =	simm.s32 @p6 $0x1;
	p3 =	por @!p1 p0, p0  }
0x2a0: {  	p0 =	por @!p1 $0x1, $0x1;
	[smem:$0x7DA] =	sst s0;
	s0 =	simm.s32 @!p3 $0x0  }
0x2a1: {  	p2 =	por @!p1 p0, p0;
	s0 =	simm.s32 @p3 $0x1  }
0x2a2: {  	[smem:$0x7DB] =	sst s0;
	s0 =	simm.s32 @!p2 $0x0  }
0x2a3: {  	s15 =	sld [smem:$0x7D1];
	s0 =	simm.s32 @p2 $0x1;
	p2 =	seq.s32 s14, $0x1  }
0x2a4: {  	s23 =	sld [smem:$0x7F4];
	p2 =	por @!p1 p0, p0  }
0x2a5: {  	[smem:$0x7CF] =	sst s0;
	s0 =	simm.s32 @!p2 $0x0  }
0x2a6: {  	s16 =	sld [smem:$0x7D2];
	s0 =	simm.s32 @p2 $0x1;
	p2 =	seq.s32 s15, $0x1  }
0x2a7: {  	s12 =	sld [smem:$0x7D3];
	p2 =	por @!p1 p0, p0  }
0x2a8: {  	[smem:$0x7D0] =	sst s0;
	s0 =	simm.s32 @!p2 $0x0  }
0x2a9: {  	s5 =	sld [smem:$0x7F5];
	s0 =	simm.s32 @p2 $0x1;
	p2 =	seq.s32 s16, $0x1  }
0x2aa: {  	s18 =	sld [smem:$0x7D5];
	p2 =	por @!p1 p0, p0  }
0x2ab: {  	p6 =	seq.s32 s12, $0x1;
	[smem:$0x7D1] =	sst s0;
	s0 =	simm.s32 @!p2 $0x0  }
0x2ac: {  	s17 =	sld [smem:$0x7D4];
	p6 =	por @!p1 p0, p0;
	s0 =	simm.s32 @p2 $0x1  }
0x2ad: {  	p3 =	seq.s32 s18, $0x1;
	[smem:$0x7D2] =	sst s0;
	s0 =	simm.s32 @!p6 $0x0  }
0x2ae: {  	s19 =	sld [smem:$0x7D7];
	p3 =	por @!p1 p0, p0;
	s0 =	simm.s32 @p6 $0x1  }
0x2af: {  	[smem:$0x7D3] =	sst s0;
	s0 =	simm.s32 @!p3 $0x0  }
0x2b0: {  	s20 =	sld [smem:$0x7D8];
	p5 =	por @!p1 p0, p0;
	s0 =	simm.s32 @p3 $0x1  }
0x2b1: {  	p3 =	seq.s32 s19, $0x1;
	[smem:$0x7D5] =	sst s0;
	s0 =	simm.s32 @!p5 $0x0  }
0x2b2: {  	s22 =	sld [smem:$0x7DA];
	p3 =	por @!p1 p0, p0;
	s0 =	simm.s32 @p5 $0x1  }
0x2b3: {  	[smem:$0x7D6] =	sst s0;
	s0 =	simm.s32 @!p3 $0x0  }
0x2b4: {  	s21 =	sld [smem:$0x7D9];
	s0 =	simm.s32 @p3 $0x1;
	p3 =	seq.s32 s20, $0x1  }
0x2b5: {  	p4 =	por @!p1 p0, p0;
	s24 =	sld [smem:$0x7DB];
	p3 =	por @!p1 p0, p0  }
0x2b6: {  	p5 =	seq.s32 s22, $0x1;
	[smem:$0x7D7] =	sst s0;
	s0 =	simm.s32 @!p3 $0x0  }
0x2b7: {  	p2 =	seq.s32 s17, $0x1;
	p5 =	por @!p1 p0, p0;
	s0 =	simm.s32 @p3 $0x1  }
0x2b8: {  	p2 =	por @!p1 p0, p0;
	[smem:$0x7D8] =	sst s0;
	s0 =	simm.s32 @!p5 $0x0  }
0x2b9: {  	p3 =	seq.s32 s21, $0x1;
	s0 =	simm.s32 @p5 $0x1;
	p5 =	seq.s32 s23, $0x1  }
0x2ba: {  	p3 =	por @!p1 p0, p0;
	p1 =	seq.s32 s24, $0x1;
	p6 =	por @!p5 $0x0, $0x0  }
0x2bb: {  	s25 =	sld [smem:$0x7CF];
	p1 =	por @!p5 p6, p6  }
0x2bc: {  	[smem:$0x7DA] =	sst s0;
	p0 =	por @!p5 $0x1, $0x1;
	s0 =	simm.s32 @!p1 $0x0  }
0x2bd: {  	s26 =	sld [smem:$0x7D0];
	p4 =	por @!p5 p0, p0;
	s0 =	simm.s32 @p1 $0x1  }
0x2be: {  	p1 =	seq.s32 s25, $0x1;
	[smem:$0x7CD] =	sst s0;
	s0 =	simm.s32 @!p4 $0x0  }
0x2bf: {  	s28 =	sld [smem:$0x7D1];
	p1 =	por @!p5 p0, p0;
	s0 =	simm.s32 @p4 $0x1  }
0x2c0: {  	p4 =	seq.s32 s26, $0x1;
	[smem:$0x7CE] =	sst s0;
	s0 =	simm.s32 @!p1 $0x0  }
0x2c1: {  	s29 =	sld [smem:$0x7D2];
	p4 =	por @!p5 p0, p0;
	s0 =	simm.s32 @p1 $0x1  }
0x2c2: {  	p1 =	seq.s32 s28, $0x1;
	[smem:$0x7CF] =	sst s0;
	s0 =	simm.s32 @!p4 $0x0  }
0x2c3: {  	s7 =	sld [smem:$0x7DB];
	p1 =	por @!p5 p0, p0;
	s0 =	simm.s32 @p4 $0x1  }
0x2c4: {  	[smem:$0x7D0] =	sst s0;
	s0 =	simm.s32 @!p1 $0x0  }
0x2c5: {  	s30 =	sld [smem:$0x7D3];
	s0 =	simm.s32 @p1 $0x1;
	p1 =	seq.s32 s29, $0x1  }
0x2c6: {  	s31 =	sld [smem:$0x7D5];
	p1 =	por @!p5 p0, p0  }
0x2c7: {  	[smem:$0x7D1] =	sst s0;
	s0 =	simm.s32 @!p1 $0x0  }
0x2c8: {  	s1 =	sld [smem:$0x7D6];
	s0 =	simm.s32 @p1 $0x1;
	p1 =	seq.s32 s30, $0x1  }
0x2c9: {  	s2 =	sld [smem:$0x7D7];
	p1 =	por @!p5 p0, p0  }
0x2ca: {  	[smem:$0x7D2] =	sst s0;
	s0 =	simm.s32 @!p1 $0x0  }
0x2cb: {  	s3 =	sld [smem:$0x7D8];
	p2 =	por @!p5 p0, p0;
	s0 =	simm.s32 @p1 $0x1  }
0x2cc: {  	p1 =	seq.s32 s2, $0x1;
	[smem:$0x7D3] =	sst s0;
	s0 =	simm.s32 @!p2 $0x0  }
0x2cd: {  	p6 =	seq.s32 s1, $0x1;
	p1 =	por @!p5 p0, p0;
	s0 =	simm.s32 @p2 $0x1  }
0x2ce: {  	p3 =	por @!p5 p0, p0;
	[smem:$0x7D4] =	sst s0;
	s0 =	simm.s32 @!p1 $0x0  }
0x2cf: {  	s4 =	sld [smem:$0x7DA];
	s0 =	simm.s32 @p1 $0x1;
	p1 =	seq.s32 s3, $0x1  }
0x2d0: {  	p6 =	por @!p5 p0, p0;
	s6 =	sld [smem:$0x7CD];
	p1 =	por @!p5 p0, p0  }
0x2d1: {  	p4 =	seq.s32 s7, $0x1;
	[smem:$0x7D7] =	sst s0;
	s0 =	simm.s32 @!p1 $0x0  }
0x2d2: {  	s8 =	sld [smem:$0x7CD];
	p4 =	por @!p5 p0, p0;
	s0 =	simm.s32 @p1 $0x1  }
0x2d3: {  	p1 =	seq.s32 s4, $0x1;
	[smem:$0x7D8] =	sst s0;
	s0 =	simm.s32 @!p3 $0x0  }
0x2d4: {  	p2 =	seq.s32 s31, $0x1;
	p1 =	por @!p5 p0, p0;
	s0 =	simm.s32 @p3 $0x1  }
0x2d5: {  	p3 =	seq.s32 s5, $0x1;
	[smem:$0x7D9] =	sst s0;
	s0 =	simm.s32 @!p1 $0x0  }
0x2d6: {  	p2 =	por @!p5 p0, p0;
	p0 =	por @!p3 $0x0, $0x0;
	s0 =	simm.s32 @p1 $0x1  }
0x2d7: {  	p1 =	seq.s32 s6, $0x1;
	[smem:$0x7DA] =	sst s0;
	s0 =	simm.s32 @!p4 $0x0  }
0x2d8: {  	s9 =	sld [smem:$0x7CE];
	p1 =	por @!p3 p0, p0;
	s0 =	simm.s32 @p4 $0x1  }
0x2d9: {  	[smem:$0x7DB] =	sst s0;
	s0 =	simm.s32 @!p1 $0x0  }
0x2da: {  	p0 =	por @!p3 $0x1, $0x1;
	s0 =	simm.s32 @p1 $0x1;
	p1 =	seq.s32 s8, $0x1  }
0x2db: {  	p1 =	por @!p3 p0, p0  }
0x2dc: {  	[smem:$0x7DC] =	sst s0;
	s0 =	simm.s32 @!p1 $0x0  }
0x2dd: {  	s10 =	sld [smem:$0x7CF];
	s0 =	simm.s32 @p1 $0x1;
	p1 =	seq.s32 s9, $0x1  }
0x2de: {  	p1 =	por @!p3 p0, p0  }
0x2df: {  	[smem:$0x7CD] =	sst s0;
	s0 =	simm.s32 @!p1 $0x0  }
0x2e0: {  	s11 =	sld [smem:$0x7D0];
	s0 =	simm.s32 @p1 $0x1;
	p1 =	seq.s32 s10, $0x1  }
0x2e1: {  	p1 =	por @!p3 p0, p0  }
0x2e2: {  	[smem:$0x7CE] =	sst s0;
	s0 =	simm.s32 @!p1 $0x0  }
0x2e3: {  	s12 =	sld [smem:$0x7D1];
	s0 =	simm.s32 @p1 $0x1;
	p1 =	seq.s32 s11, $0x1  }
0x2e4: {  	p1 =	por @!p3 p0, p0  }
0x2e5: {  	[smem:$0x7CF] =	sst s0;
	s0 =	simm.s32 @!p1 $0x0  }
0x2e6: {  	s13 =	sld [smem:$0x7D2];
	s0 =	simm.s32 @p1 $0x1;
	p1 =	seq.s32 s12, $0x1  }
0x2e7: {  	p1 =	por @!p3 p0, p0  }
0x2e8: {  	[smem:$0x7D0] =	sst s0;
	s0 =	simm.s32 @!p1 $0x0  }
0x2e9: {  	s14 =	sld [smem:$0x7D3];
	s0 =	simm.s32 @p1 $0x1;
	p1 =	seq.s32 s13, $0x1  }
0x2ea: {  	p1 =	por @!p3 p0, p0  }
0x2eb: {  	[smem:$0x7D1] =	sst s0;
	s0 =	simm.s32 @!p1 $0x0  }
0x2ec: {  	s15 =	sld [smem:$0x7D4];
	s0 =	simm.s32 @p1 $0x1;
	p1 =	seq.s32 s14, $0x1  }
0x2ed: {  	s16 =	sld [smem:$0x7D7];
	p1 =	por @!p3 p0, p0  }
0x2ee: {  	[smem:$0x7D2] =	sst s0;
	s0 =	simm.s32 @!p1 $0x0  }
0x2ef: {  	s21 =	sld [smem:$0x7F6];
	s0 =	simm.s32 @p1 $0x1;
	p1 =	seq.s32 s15, $0x1  }
0x2f0: {  	s18 =	sld [smem:$0x7D9];
	p1 =	por @!p3 p0, p0  }
0x2f1: {  	p5 =	seq.s32 s16, $0x1;
	[smem:$0x7D3] =	sst s0;
	s0 =	simm.s32 @!p1 $0x0  }
0x2f2: {  	p2 =	por @!p3 p0, p0;
	s19 =	sld [smem:$0x7DA];
	s0 =	simm.s32 @p1 $0x1  }
0x2f3: {  	p1 =	seq.s32 s18, $0x1;
	[smem:$0x7D4] =	sst s0;
	s0 =	simm.s32 @!p2 $0x0  }
0x2f4: {  	s17 =	sld [smem:$0x7D8];
	p1 =	por @!p3 p0, p0;
	s0 =	simm.s32 @p2 $0x1  }
0x2f5: {  	p6 =	por @!p3 p0, p0;
	[smem:$0x7D5] =	sst s0;
	s0 =	simm.s32 @!p1 $0x0  }
0x2f6: {  	s20 =	sld [smem:$0x7DB];
	s0 =	simm.s32 @p1 $0x1;
	p1 =	seq.s32 s19, $0x1  }
0x2f7: {  	p5 =	por @!p3 p0, p0;
	s22 =	sld [smem:$0x7DC];
	p1 =	por @!p3 p0, p0  }
0x2f8: {  	p4 =	seq.s32 s17, $0x1;
	[smem:$0x7D9] =	sst s0;
	s0 =	simm.s32 @!p1 $0x0  }
0x2f9: {  	s23 =	sld [smem:$0x7CD];
	s0 =	simm.s32 @p1 $0x1;
	p1 =	seq.s32 s20, $0x1  }
0x2fa: {  	p4 =	por @!p3 p0, p0;
	s24 =	sld [smem:$0x7CE];
	p1 =	por @!p3 p0, p0  }
0x2fb: {  	p2 =	seq.s32 s21, $0x1;
	[smem:$0x7DA] =	sst s0;
	s0 =	simm.s32 @!p1 $0x0  }
0x2fc: {  	p0 =	por @!p2 $0x0, $0x0;
	s0 =	simm.s32 @p1 $0x1;
	p1 =	seq.s32 s22, $0x1  }
0x2fd: {  	p3 =	por @!p2 $0x1, $0x1;
	p1 =	por @!p2 p0, p0;
	p0 =	seq.s32 s23, $0x1  }
0x2fe: {  	p0 =	por @!p2 p3, p3  }
0x2ff: {  	[smem:$0x7DB] =	sst s0;
	s0 =	simm.s32 @!p0 $0x0  }
0x300: {  	s25 =	sld [smem:$0x7CF];
	s0 =	simm.s32 @p0 $0x1;
	p0 =	seq.s32 s24, $0x1  }
0x301: {  	p0 =	por @!p2 p3, p3  }
0x302: {  	[smem:$0x7CD] =	sst s0;
	s0 =	simm.s32 @!p0 $0x0  }
0x303: {  	s26 =	sld [smem:$0x7D0];
	s0 =	simm.s32 @p0 $0x1;
	p0 =	seq.s32 s25, $0x1  }
0x304: {  	p0 =	por @!p2 p3, p3  }
0x305: {  	[smem:$0x7CE] =	sst s0;
	s0 =	simm.s32 @!p0 $0x0  }
0x306: {  	s28 =	sld [smem:$0x7D1];
	s0 =	simm.s32 @p0 $0x1;
	p0 =	seq.s32 s26, $0x1  }
0x307: {  	p0 =	por @!p2 p3, p3  }
0x308: {  	[smem:$0x7CF] =	sst s0;
	s0 =	simm.s32 @!p0 $0x0  }
0x309: {  	s29 =	sld [smem:$0x7D2];
	s0 =	simm.s32 @p0 $0x1;
	p0 =	seq.s32 s28, $0x1  }
0x30a: {  	p0 =	por @!p2 p3, p3  }
0x30b: {  	[smem:$0x7D0] =	sst s0;
	s0 =	simm.s32 @!p0 $0x0  }
0x30c: {  	s30 =	sld [smem:$0x7D3];
	s0 =	simm.s32 @p0 $0x1;
	p0 =	seq.s32 s29, $0x1  }
0x30d: {  	p0 =	por @!p2 p3, p3  }
0x30e: {  	[smem:$0x7D1] =	sst s0;
	s0 =	simm.s32 @!p0 $0x0  }
0x30f: {  	s31 =	sld [smem:$0x7D4];
	s0 =	simm.s32 @p0 $0x1;
	p0 =	seq.s32 s30, $0x1  }
0x310: {  	p0 =	por @!p2 p3, p3  }
0x311: {  	[smem:$0x7D2] =	sst s0;
	s0 =	simm.s32 @!p0 $0x0  }
0x312: {  	s1 =	sld [smem:$0x7D5];
	s0 =	simm.s32 @p0 $0x1;
	p0 =	seq.s32 s31, $0x1  }
0x313: {  	p0 =	por @!p2 p3, p3  }
0x314: {  	[smem:$0x7D3] =	sst s0;
	s0 =	simm.s32 @!p0 $0x0  }
0x315: {  	s0 =	simm.s32 @p0 $0x1;
	p0 =	seq.s32 s1, $0x1  }
0x316: {  	s5 =	sld [smem:$0x7F7];
	p0 =	por @!p2 p3, p3  }
0x317: {  	[smem:$0x7D4] =	sst s0;
	s0 =	simm.s32 @!p0 $0x0  }
0x318: {  	s6 =	sld [smem:$0x7DC];
	p6 =	por @!p2 p3, p3;
	s0 =	simm.s32 @p0 $0x1  }
0x319: {  	[smem:$0x7D5] =	sst s0;
	s0 =	simm.s32 @!p6 $0x0  }
0x31a: {  	s2 =	sld [smem:$0x7D9];
	p5 =	por @!p2 p3, p3;
	s0 =	simm.s32 @p6 $0x1  }
0x31b: {  	[smem:$0x7D6] =	sst s0;
	s0 =	simm.s32 @!p5 $0x0  }
0x31c: {  	p4 =	por @!p2 p3, p3;
	s4 =	sld [smem:$0x7DB];
	s0 =	simm.s32 @p5 $0x1  }
0x31d: {  	p0 =	seq.s32 s2, $0x1;
	[smem:$0x7D7] =	sst s0;
	s0 =	simm.s32 @!p4 $0x0  }
0x31e: {  	s3 =	sld [smem:$0x7DA];
	p0 =	por @!p2 p3, p3;
	s0 =	simm.s32 @p4 $0x1  }
0x31f: {  	[smem:$0x7D8] =	sst s0;
	s0 =	simm.s32 @!p0 $0x0  }
0x320: {  	p6 =	seq.s32 s6, $0x1;
	s0 =	simm.s32 @p0 $0x1;
	p0 =	seq.s32 s4, $0x1  }
0x321: {  	p6 =	por @!p2 p3, p3;
	p5 =	seq.s32 s3, $0x1;
	p0 =	por @!p2 p3, p3  }
0x322: {  	p5 =	por @!p2 p3, p3;
	[smem:$0x7D9] =	sst s0;
	s0 =	simm.s32 @!p0 $0x0  }
0x323: {  	p4 =	por p1, p1;
	s0 =	simm.s32 @p0 $0x1;
	p0 =	seq.s32 s5, $0x1  }
0x324: {  	[smem:$0x7DB] =	sst s0;
	s0 =	simm.s32 @!p6 $0x0;
	p2 =	por @!p0 $0x0, $0x0  }
0x325: {  	s8 =	sld [smem:$0x7CE];
	s0 =	simm.s32 @p6 $0x1;
	p4 =	por @!p0 p2, p2  }
0x326: {  	p2 =	por @!p0 $0x1, $0x1;
	[smem:$0x7DC] =	sst s0;
	s0 =	simm.s32 @!p4 $0x0  }
0x327: {  	p1 =	por @!p0 p2, p2;
	s0 =	simm.s32 @p4 $0x1  }
0x328: {  	[smem:$0x7DD] =	sst s0;
	s0 =	simm.s32 @!p1 $0x0  }
0x329: {  	s10 =	sld [smem:$0x7D0];
	s0 =	simm.s32 @p1 $0x1;
	p1 =	seq.s32 s8, $0x1  }
0x32a: {  	p1 =	por @!p0 p2, p2  }
0x32b: {  	[smem:$0x7CC] =	sst s0;
	s0 =	simm.s32 @!p1 $0x0  }
0x32c: {  	s12 =	sld [smem:$0x7D2];
	s0 =	simm.s32 @p1 $0x1;
	p1 =	seq.s32 s10, $0x1  }
0x32d: {  	p1 =	por @!p0 p2, p2  }
0x32e: {  	[smem:$0x7CE] =	sst s0;
	s0 =	simm.s32 @!p1 $0x0  }
0x32f: {  	s13 =	sld [smem:$0x7D3];
	s0 =	simm.s32 @p1 $0x1;
	p1 =	seq.s32 s12, $0x1  }
0x330: {  	p1 =	por @!p0 p2, p2  }
0x331: {  	[smem:$0x7D0] =	sst s0;
	s0 =	simm.s32 @!p1 $0x0  }
0x332: {  	s14 =	sld [smem:$0x7D4];
	s0 =	simm.s32 @p1 $0x1;
	p1 =	seq.s32 s13, $0x1  }
0x333: {  	p1 =	por @!p0 p2, p2  }
0x334: {  	[smem:$0x7D2] =	sst s0;
	s0 =	simm.s32 @!p1 $0x0  }
0x335: {  	s15 =	sld [smem:$0x7D5];
	s0 =	simm.s32 @p1 $0x1;
	p1 =	seq.s32 s14, $0x1  }
0x336: {  	p1 =	por @!p0 p2, p2  }
0x337: {  	[smem:$0x7D3] =	sst s0;
	s0 =	simm.s32 @!p1 $0x0  }
0x338: {  	s16 =	sld [smem:$0x7D6];
	s0 =	simm.s32 @p1 $0x1;
	p1 =	seq.s32 s15, $0x1  }
0x339: {  	p1 =	por @!p0 p2, p2  }
0x33a: {  	[smem:$0x7D4] =	sst s0;
	s0 =	simm.s32 @!p1 $0x0  }
0x33b: {  	s17 =	sld [smem:$0x7D7];
	s0 =	simm.s32 @p1 $0x1;
	p1 =	seq.s32 s16, $0x1  }
0x33c: {  	p1 =	por @!p0 p2, p2  }
0x33d: {  	[smem:$0x7D5] =	sst s0;
	s0 =	simm.s32 @!p1 $0x0  }
0x33e: {  	s18 =	sld [smem:$0x7D8];
	s0 =	simm.s32 @p1 $0x1;
	p1 =	seq.s32 s17, $0x1  }
0x33f: {  	p1 =	por @!p0 p2, p2  }
0x340: {  	[smem:$0x7D6] =	sst s0;
	s0 =	simm.s32 @!p1 $0x0  }
0x341: {  	s19 =	sld [smem:$0x7D9];
	s0 =	simm.s32 @p1 $0x1;
	p1 =	seq.s32 s18, $0x1  }
0x342: {  	p1 =	por @!p0 p2, p2  }
0x343: {  	[smem:$0x7D7] =	sst s0;
	s0 =	simm.s32 @!p1 $0x0  }
0x344: {  	s0 =	simm.s32 @p1 $0x1;
	p1 =	seq.s32 s19, $0x1  }
0x345: {  	s7 =	sld [smem:$0x7CD];
	p1 =	por @!p0 p2, p2  }
0x346: {  	[smem:$0x7D8] =	sst s0;
	s0 =	simm.s32 @!p1 $0x0  }
0x347: {  	s9 =	sld [smem:$0x7CF];
	p5 =	por @!p0 p2, p2;
	s0 =	simm.s32 @p1 $0x1  }
0x348: {  	[smem:$0x7D9] =	sst s0;
	s0 =	simm.s32 @!p5 $0x0  }
0x349: {  	s11 =	sld [smem:$0x7D1];
	s0 =	simm.s32 @p5 $0x1  }
0x34a: {  	[smem:$0x7DA] =	sst s0  }
0x34b: {  	s0 =	sld [smem:$0x7DB];
	_ =	sdelay $0x2  }
0x34c: {  	s20 =	sld [smem:$0x7DC];
	p1 =	seq.s32 s0, $0x1  }
0x34d: {  	p1 =	por @!p0 p2, p2  }
0x34e: {  	p3 =	seq.s32 s7, $0x1;
	p6 =	seq.s32 s11, $0x1;
	s0 =	simm.s32 @!p1 $0x0  }
0x34f: {  	s21 =	sld [smem:$0x7F8];
	s0 =	simm.s32 @p1 $0x1;
	p1 =	seq.s32 s20, $0x1  }
0x350: {  	p3 =	por @!p0 p2, p2;
	s22 =	sld [smem:$0x7DD];
	p1 =	por @!p0 p2, p2  }
0x351: {  	p6 =	por @!p0 p2, p2;
	[smem:$0x7DB] =	sst s0;
	s0 =	simm.s32 @!p1 $0x0  }
0x352: {  	p4 =	seq.s32 s9, $0x1;
	s0 =	simm.s32 @p1 $0x1;
	p1 =	seq.s32 s21, $0x1  }
0x353: {  	p4 =	por @!p0 p2, p2;
	p0 =	seq.s32 s22, $0x1;
	p5 =	por @!p1 $0x0, $0x0  }
0x354: {  	s24 =	sld [smem:$0x7CE];
	p0 =	por @!p1 p5, p5  }
0x355: {  	[smem:$0x7DC] =	sst s0;
	p2 =	por @!p1 $0x1, $0x1;
	s0 =	simm.s32 @!p0 $0x0  }
0x356: {  	p3 =	por @!p1 p2, p2;
	s0 =	simm.s32 @p0 $0x1  }
0x357: {  	p0 =	seq.s32 s24, $0x1;
	[smem:$0x7CB] =	sst s0;
	s0 =	simm.s32 @!p3 $0x0  }
0x358: {  	s25 =	sld [smem:$0x7D0];
	p0 =	por @!p1 p2, p2;
	s0 =	simm.s32 @p3 $0x1  }
0x359: {  	[smem:$0x7CD] =	sst s0;
	s0 =	simm.s32 @!p0 $0x0  }
0x35a: {  	p4 =	por @!p1 p2, p2;
	s0 =	simm.s32 @p0 $0x1  }
0x35b: {  	p0 =	seq.s32 s25, $0x1;
	[smem:$0x7CE] =	sst s0;
	s0 =	simm.s32 @!p4 $0x0  }
0x35c: {  	s28 =	sld [smem:$0x7D3];
	p0 =	por @!p1 p2, p2;
	s0 =	simm.s32 @p4 $0x1  }
0x35d: {  	[smem:$0x7CF] =	sst s0;
	s0 =	simm.s32 @!p0 $0x0  }
0x35e: {  	s29 =	sld [smem:$0x7D4];
	p6 =	por @!p1 p2, p2;
	s0 =	simm.s32 @p0 $0x1  }
0x35f: {  	p0 =	seq.s32 s28, $0x1;
	[smem:$0x7D0] =	sst s0;
	s0 =	simm.s32 @!p6 $0x0  }
0x360: {  	p0 =	por @!p1 p2, p2;
	s0 =	simm.s32 @p6 $0x1  }
0x361: {  	[smem:$0x7D1] =	sst s0;
	s0 =	simm.s32 @!p0 $0x0  }
0x362: {  	s30 =	sld [smem:$0x7D5];
	s0 =	simm.s32 @p0 $0x1;
	p0 =	seq.s32 s29, $0x1  }
0x363: {  	p0 =	por @!p1 p2, p2  }
0x364: {  	[smem:$0x7D3] =	sst s0;
	s0 =	simm.s32 @!p0 $0x0  }
0x365: {  	s31 =	sld [smem:$0x7D6];
	s0 =	simm.s32 @p0 $0x1;
	p0 =	seq.s32 s30, $0x1  }
0x366: {  	p0 =	por @!p1 p2, p2  }
0x367: {  	[smem:$0x7D4] =	sst s0;
	s0 =	simm.s32 @!p0 $0x0  }
0x368: {  	s1 =	sld [smem:$0x7D7];
	s0 =	simm.s32 @p0 $0x1;
	p0 =	seq.s32 s31, $0x1  }
0x369: {  	p0 =	por @!p1 p2, p2  }
0x36a: {  	[smem:$0x7D5] =	sst s0;
	s0 =	simm.s32 @!p0 $0x0  }
0x36b: {  	s2 =	sld [smem:$0x7D8];
	s0 =	simm.s32 @p0 $0x1;
	p0 =	seq.s32 s1, $0x1  }
0x36c: {  	p0 =	por @!p1 p2, p2  }
0x36d: {  	[smem:$0x7D6] =	sst s0;
	s0 =	simm.s32 @!p0 $0x0  }
0x36e: {  	s4 =	sld [smem:$0x7DA];
	s0 =	simm.s32 @p0 $0x1;
	p0 =	seq.s32 s2, $0x1  }
0x36f: {  	s23 =	sld [smem:$0x7CC];
	p0 =	por @!p1 p2, p2  }
0x370: {  	[smem:$0x7D7] =	sst s0;
	s0 =	simm.s32 @!p0 $0x0  }
0x371: {  	s5 =	sld [smem:$0x7DB];
	s0 =	simm.s32 @p0 $0x1;
	p0 =	seq.s32 s4, $0x1  }
0x372: {  	s26 =	sld [smem:$0x7D2];
	p0 =	por @!p1 p2, p2  }
0x373: {  	[smem:$0x7D8] =	sst s0;
	s0 =	simm.s32 @!p0 $0x0  }
0x374: {  	s6 =	sld [smem:$0x7DC];
	s0 =	simm.s32 @p0 $0x1;
	p0 =	seq.s32 s5, $0x1  }
0x375: {  	s3 =	sld [smem:$0x7D9];
	p0 =	por @!p1 p2, p2  }
0x376: {  	[smem:$0x7DA] =	sst s0;
	s0 =	simm.s32 @!p0 $0x0  }
0x377: {  	s8 =	sld [smem:$0x7CB];
	s0 =	simm.s32 @p0 $0x1;
	p0 =	seq.s32 s6, $0x1  }
0x378: {  	s7 =	sld [smem:$0x7F9];
	p0 =	por @!p1 p2, p2  }
0x379: {  	[smem:$0x7DB] =	sst s0;
	s0 =	simm.s32 @!p0 $0x0  }
0x37a: {  	s9 =	sld [smem:$0x7DD];
	p3 =	seq.s32 s8, $0x1;
	s0 =	simm.s32 @p0 $0x1  }
0x37b: {  	[smem:$0x7DC] =	sst s0;
	s0 =	simm.s32 @!p3 $0x0  }
0x37c: {  	s11 =	sld [smem:$0x7CB];
	s0 =	simm.s32 @p3 $0x1  }
0x37d: {  	p5 =	seq.s32 s23, $0x1;
	[smem:$0x7DE] =	sst s0  }
0x37e: {  	p5 =	por @!p1 p2, p2;
	p4 =	seq.s32 s3, $0x1;
	s10 =	sld [smem:$0x7DE]  }
0x37f: {  	p4 =	por @!p1 p2, p2;
	p6 =	seq.s32 s26, $0x1;
	p3 =	seq.s32 s9, $0x1  }
0x380: {  	p6 =	por @!p1 p2, p2;
	p0 =	seq.s32 s7, $0x1;
	p3 =	por @!p1 p2, p2  }
0x381: {  	p2 =	por @!p0 $0x0, $0x0;
	s0 =	simm.s32 @!p3 $0x0;
	p1 =	seq.s32 s10, $0x1  }
0x382: {  	s0 =	simm.s32 @p3 $0x1;
	p1 =	por @!p0 p2, p2  }
0x383: {  	[smem:$0x7DD] =	sst s0;
	s0 =	simm.s32 @!p1 $0x0  }
0x384: {  	p2 =	seq.s32 s11, $0x1;
	s0 =	simm.s32 @p1 $0x1;
	p1 =	por @!p0 $0x1, $0x1  }
0x385: {  	s12 =	sld [smem:$0x7CD];
	p2 =	por @!p0 p1, p1  }
0x386: {  	[smem:$0x7DE] =	sst s0;
	s0 =	simm.s32 @!p2 $0x0  }
0x387: {  	s13 =	sld [smem:$0x7CE];
	p5 =	por @!p0 p1, p1;
	s0 =	simm.s32 @p2 $0x1  }
0x388: {  	p2 =	seq.s32 s12, $0x1;
	[smem:$0x7CB] =	sst s0;
	s0 =	simm.s32 @!p5 $0x0  }
0x389: {  	p2 =	por @!p0 p1, p1;
	s0 =	simm.s32 @p5 $0x1  }
0x38a: {  	[smem:$0x7CC] =	sst s0;
	s0 =	simm.s32 @!p2 $0x0  }
0x38b: {  	s14 =	sld [smem:$0x7CF];
	s0 =	simm.s32 @p2 $0x1;
	p2 =	seq.s32 s13, $0x1  }
0x38c: {  	p2 =	por @!p0 p1, p1  }
0x38d: {  	[smem:$0x7CD] =	sst s0;
	s0 =	simm.s32 @!p2 $0x0  }
0x38e: {  	s15 =	sld [smem:$0x7D0];
	s0 =	simm.s32 @p2 $0x1;
	p2 =	seq.s32 s14, $0x1  }
0x38f: {  	s16 =	sld [smem:$0x7D1];
	p2 =	por @!p0 p1, p1  }
0x390: {  	[smem:$0x7CE] =	sst s0;
	s0 =	simm.s32 @!p2 $0x0  }
0x391: {  	s28 =	sld [smem:$0x7FA];
	s0 =	simm.s32 @p2 $0x1;
	p2 =	seq.s32 s15, $0x1  }
0x392: {  	s17 =	sld [smem:$0x7D3];
	p2 =	por @!p0 p1, p1  }
0x393: {  	p3 =	seq.s32 s16, $0x1;
	[smem:$0x7CF] =	sst s0;
	s0 =	simm.s32 @!p2 $0x0  }
0x394: {  	s18 =	sld [smem:$0x7D4];
	p3 =	por @!p0 p1, p1;
	s0 =	simm.s32 @p2 $0x1  }
0x395: {  	[smem:$0x7D0] =	sst s0;
	s0 =	simm.s32 @!p3 $0x0  }
0x396: {  	s19 =	sld [smem:$0x7D5];
	p6 =	por @!p0 p1, p1;
	s0 =	simm.s32 @p3 $0x1  }
0x397: {  	p3 =	seq.s32 s17, $0x1;
	[smem:$0x7D1] =	sst s0;
	s0 =	simm.s32 @!p6 $0x0  }
0x398: {  	s21 =	sld [smem:$0x7D7];
	p3 =	por @!p0 p1, p1;
	s0 =	simm.s32 @p6 $0x1  }
0x399: {  	p5 =	seq.s32 s19, $0x1;
	[smem:$0x7D2] =	sst s0;
	s0 =	simm.s32 @!p3 $0x0  }
0x39a: {  	s20 =	sld [smem:$0x7D6];
	p5 =	por @!p0 p1, p1;
	s0 =	simm.s32 @p3 $0x1  }
0x39b: {  	[smem:$0x7D3] =	sst s0;
	s0 =	simm.s32 @!p5 $0x0  }
0x39c: {  	s22 =	sld [smem:$0x7D8];
	s0 =	simm.s32 @p5 $0x1;
	p5 =	seq.s32 s21, $0x1  }
0x39d: {  	s23 =	sld [smem:$0x7DA];
	p5 =	por @!p0 p1, p1  }
0x39e: {  	[smem:$0x7D5] =	sst s0;
	s0 =	simm.s32 @!p5 $0x0  }
0x39f: {  	s24 =	sld [smem:$0x7DB];
	s0 =	simm.s32 @p5 $0x1;
	p5 =	seq.s32 s22, $0x1  }
0x3a0: {  	s25 =	sld [smem:$0x7DC];
	p5 =	por @!p0 p1, p1  }
0x3a1: {  	[smem:$0x7D7] =	sst s0;
	s0 =	simm.s32 @!p5 $0x0  }
0x3a2: {  	s26 =	sld [smem:$0x7DD];
	p4 =	por @!p0 p1, p1;
	s0 =	simm.s32 @p5 $0x1  }
0x3a3: {  	[smem:$0x7D8] =	sst s0;
	s0 =	simm.s32 @!p4 $0x0  }
0x3a4: {  	s29 =	sld [smem:$0x7DE];
	s0 =	simm.s32 @p4 $0x1;
	p4 =	seq.s32 s23, $0x1  }
0x3a5: {  	s30 =	sld [smem:$0x7CB];
	p6 =	seq.s32 s20, $0x1;
	p4 =	por @!p0 p1, p1  }
0x3a6: {  	p5 =	seq.s32 s25, $0x1;
	[smem:$0x7D9] =	sst s0;
	s0 =	simm.s32 @!p4 $0x0  }
0x3a7: {  	p6 =	por @!p0 p1, p1;
	p5 =	por @!p0 p1, p1;
	s0 =	simm.s32 @p4 $0x1  }
0x3a8: {  	p3 =	seq.s32 s18, $0x1;
	[smem:$0x7DA] =	sst s0;
	s0 =	simm.s32 @!p5 $0x0  }
0x3a9: {  	p4 =	seq.s32 s24, $0x1;
	s0 =	simm.s32 @p5 $0x1;
	p5 =	seq.s32 s26, $0x1  }
0x3aa: {  	p3 =	por @!p0 p1, p1;
	p4 =	por @!p0 p1, p1;
	p5 =	por @!p0 p1, p1  }
0x3ab: {  	[smem:$0x7DC] =	sst s0;
	p0 =	seq.s32 s28, $0x1;
	s0 =	simm.s32 @!p5 $0x0  }
0x3ac: {  	p2 =	por @!p0 $0x0, $0x0;
	s0 =	simm.s32 @p5 $0x1;
	p5 =	seq.s32 s29, $0x1  }
0x3ad: {  	s31 =	sld [smem:$0x7CC];
	p5 =	por @!p0 p2, p2  }
0x3ae: {  	[smem:$0x7DD] =	sst s0;
	s0 =	simm.s32 @!p5 $0x0  }
0x3af: {  	p1 =	por @!p0 $0x1, $0x1;
	s0 =	simm.s32 @p5 $0x1;
	p5 =	seq.s32 s30, $0x1  }
0x3b0: {  	p5 =	por @!p0 p1, p1  }
0x3b1: {  	[smem:$0x7CA] =	sst s0;
	s0 =	simm.s32 @!p5 $0x0  }
0x3b2: {  	s1 =	sld [smem:$0x7CD];
	s0 =	simm.s32 @p5 $0x1;
	p5 =	seq.s32 s31, $0x1  }
0x3b3: {  	p5 =	por @!p0 p1, p1  }
0x3b4: {  	[smem:$0x7CB] =	sst s0;
	s0 =	simm.s32 @!p5 $0x0  }
0x3b5: {  	s2 =	sld [smem:$0x7CE];
	s0 =	simm.s32 @p5 $0x1;
	p5 =	seq.s32 s1, $0x1  }
0x3b6: {  	p5 =	por @!p0 p1, p1  }
0x3b7: {  	[smem:$0x7CC] =	sst s0;
	s0 =	simm.s32 @!p5 $0x0  }
0x3b8: {  	s3 =	sld [smem:$0x7CF];
	s0 =	simm.s32 @p5 $0x1;
	p5 =	seq.s32 s2, $0x1  }
0x3b9: {  	s4 =	sld [smem:$0x7D0];
	p5 =	por @!p0 p1, p1  }
0x3ba: {  	[smem:$0x7CD] =	sst s0;
	s0 =	simm.s32 @!p5 $0x0  }
0x3bb: {  	s0 =	simm.s32 @p5 $0x1;
	p5 =	seq.s32 s3, $0x1  }
0x3bc: {  	s5 =	sld [smem:$0x7D1];
	p5 =	por @!p0 p1, p1  }
0x3bd: {  	p2 =	seq.s32 s4, $0x1;
	[smem:$0x7CE] =	sst s0;
	s0 =	simm.s32 @!p5 $0x0  }
0x3be: {  	p2 =	por @!p0 p1, p1;
	s0 =	simm.s32 @p5 $0x1  }
0x3bf: {  	[smem:$0x7CF] =	sst s0;
	s0 =	simm.s32 @!p2 $0x0  }
0x3c0: {  	s6 =	sld [smem:$0x7D2];
	s0 =	simm.s32 @p2 $0x1;
	p2 =	seq.s32 s5, $0x1  }
0x3c1: {  	p2 =	por @!p0 p1, p1  }
0x3c2: {  	[smem:$0x7D0] =	sst s0;
	s0 =	simm.s32 @!p2 $0x0  }
0x3c3: {  	s7 =	sld [smem:$0x7D3];
	s0 =	simm.s32 @p2 $0x1;
	p2 =	seq.s32 s6, $0x1  }
0x3c4: {  	p2 =	por @!p0 p1, p1  }
0x3c5: {  	[smem:$0x7D1] =	sst s0;
	s0 =	simm.s32 @!p2 $0x0  }
0x3c6: {  	s0 =	simm.s32 @p2 $0x1;
	p2 =	seq.s32 s7, $0x1  }
0x3c7: {  	s8 =	sld [smem:$0x7D5];
	p2 =	por @!p0 p1, p1  }
0x3c8: {  	[smem:$0x7D2] =	sst s0;
	s0 =	simm.s32 @!p2 $0x0  }
0x3c9: {  	p3 =	por @!p0 p1, p1;
	s0 =	simm.s32 @p2 $0x1  }
0x3ca: {  	p2 =	seq.s32 s8, $0x1;
	[smem:$0x7D3] =	sst s0;
	s0 =	simm.s32 @!p3 $0x0  }
0x3cb: {  	s9 =	sld [smem:$0x7D7];
	p2 =	por @!p0 p1, p1;
	s0 =	simm.s32 @p3 $0x1  }
0x3cc: {  	[smem:$0x7D4] =	sst s0;
	s0 =	simm.s32 @!p2 $0x0  }
0x3cd: {  	s10 =	sld [smem:$0x7D8];
	p6 =	por @!p0 p1, p1;
	s0 =	simm.s32 @p2 $0x1  }
0x3ce: {  	p2 =	seq.s32 s9, $0x1;
	[smem:$0x7D5] =	sst s0;
	s0 =	simm.s32 @!p6 $0x0  }
0x3cf: {  	s15 =	sld [smem:$0x7FB];
	p2 =	por @!p0 p1, p1;
	s0 =	simm.s32 @p6 $0x1  }
0x3d0: {  	[smem:$0x7D6] =	sst s0;
	s0 =	simm.s32 @!p2 $0x0  }
0x3d1: {  	s11 =	sld [smem:$0x7D9];
	s0 =	simm.s32 @p2 $0x1;
	p2 =	seq.s32 s10, $0x1  }
0x3d2: {  	s17 =	sld [smem:$0x7DE];
	p2 =	por @!p0 p1, p1  }
0x3d3: {  	[smem:$0x7D7] =	sst s0;
	s0 =	simm.s32 @!p2 $0x0  }
0x3d4: {  	s12 =	sld [smem:$0x7DA];
	s0 =	simm.s32 @p2 $0x1;
	p2 =	seq.s32 s11, $0x1  }
0x3d5: {  	s13 =	sld [smem:$0x7DC];
	p2 =	por @!p0 p1, p1  }
0x3d6: {  	[smem:$0x7D8] =	sst s0;
	s0 =	simm.s32 @!p2 $0x0  }
0x3d7: {  	s16 =	sld [smem:$0x7CA];
	s0 =	simm.s32 @p2 $0x1;
	p2 =	seq.s32 s12, $0x1  }
0x3d8: {  	p4 =	por @!p0 p1, p1;
	s14 =	sld [smem:$0x7DD];
	p2 =	por @!p0 p1, p1  }
0x3d9: {  	p5 =	seq.s32 s17, $0x1;
	[smem:$0x7D9] =	sst s0;
	s0 =	simm.s32 @!p2 $0x0  }
0x3da: {  	p5 =	por @!p0 p1, p1;
	p3 =	seq.s32 s16, $0x1;
	s0 =	simm.s32 @p2 $0x1  }
0x3db: {  	p2 =	seq.s32 s14, $0x1;
	[smem:$0x7DA] =	sst s0;
	s0 =	simm.s32 @!p4 $0x0  }
0x3dc: {  	p6 =	seq.s32 s13, $0x1;
	p2 =	por @!p0 p1, p1;
	s0 =	simm.s32 @p4 $0x1  }
0x3dd: {  	p6 =	por @!p0 p1, p1;
	[smem:$0x7DB] =	sst s0;
	s0 =	simm.s32 @!p2 $0x0  }
0x3de: {  	p4 =	por p3, p3;
	s0 =	simm.s32 @p2 $0x1;
	p2 =	seq.s32 s15, $0x1  }
0x3df: {  	[smem:$0x7DD] =	sst s0;
	s0 =	simm.s32 @!p5 $0x0;
	p0 =	por @!p2 $0x0, $0x0  }
0x3e0: {  	s18 =	sld [smem:$0x7CB];
	s0 =	simm.s32 @p5 $0x1;
	p4 =	por @!p2 p0, p0  }
0x3e1: {  	p0 =	por @!p2 $0x1, $0x1;
	[smem:$0x7DE] =	sst s0;
	s0 =	simm.s32 @!p4 $0x0  }
0x3e2: {  	s19 =	sld [smem:$0x7CC];
	p3 =	por @!p2 p0, p0;
	s0 =	simm.s32 @p4 $0x1  }
0x3e3: {  	p1 =	seq.s32 s18, $0x1;
	[smem:$0x7DF] =	sst s0;
	s0 =	simm.s32 @!p3 $0x0  }
0x3e4: {  	p1 =	por @!p2 p0, p0;
	s0 =	simm.s32 @p3 $0x1  }
0x3e5: {  	[smem:$0x7CA] =	sst s0;
	s0 =	simm.s32 @!p1 $0x0  }
0x3e6: {  	s20 =	sld [smem:$0x7CD];
	s0 =	simm.s32 @p1 $0x1;
	p1 =	seq.s32 s19, $0x1  }
0x3e7: {  	p1 =	por @!p2 p0, p0  }
0x3e8: {  	[smem:$0x7CB] =	sst s0;
	s0 =	simm.s32 @!p1 $0x0  }
0x3e9: {  	s21 =	sld [smem:$0x7CE];
	s0 =	simm.s32 @p1 $0x1;
	p1 =	seq.s32 s20, $0x1  }
0x3ea: {  	p1 =	por @!p2 p0, p0  }
0x3eb: {  	[smem:$0x7CC] =	sst s0;
	s0 =	simm.s32 @!p1 $0x0  }
0x3ec: {  	s22 =	sld [smem:$0x7CF];
	s0 =	simm.s32 @p1 $0x1;
	p1 =	seq.s32 s21, $0x1  }
0x3ed: {  	p1 =	por @!p2 p0, p0  }
0x3ee: {  	[smem:$0x7CD] =	sst s0;
	s0 =	simm.s32 @!p1 $0x0  }
0x3ef: {  	s23 =	sld [smem:$0x7D0];
	s0 =	simm.s32 @p1 $0x1;
	p1 =	seq.s32 s22, $0x1  }
0x3f0: {  	p1 =	por @!p2 p0, p0  }
0x3f1: {  	[smem:$0x7CE] =	sst s0;
	s0 =	simm.s32 @!p1 $0x0  }
0x3f2: {  	s24 =	sld [smem:$0x7D1];
	s0 =	simm.s32 @p1 $0x1;
	p1 =	seq.s32 s23, $0x1  }
0x3f3: {  	p1 =	por @!p2 p0, p0  }
0x3f4: {  	[smem:$0x7CF] =	sst s0;
	s0 =	simm.s32 @!p1 $0x0  }
0x3f5: {  	s25 =	sld [smem:$0x7D2];
	s0 =	simm.s32 @p1 $0x1;
	p1 =	seq.s32 s24, $0x1  }
0x3f6: {  	p1 =	por @!p2 p0, p0  }
0x3f7: {  	[smem:$0x7D0] =	sst s0;
	s0 =	simm.s32 @!p1 $0x0  }
0x3f8: {  	s28 =	sld [smem:$0x7D4];
	s0 =	simm.s32 @p1 $0x1;
	p1 =	seq.s32 s25, $0x1  }
0x3f9: {  	p1 =	por @!p2 p0, p0  }
0x3fa: {  	[smem:$0x7D1] =	sst s0;
	s0 =	simm.s32 @!p1 $0x0  }
0x3fb: {  	s29 =	sld [smem:$0x7D5];
	s0 =	simm.s32 @p1 $0x1;
	p1 =	seq.s32 s28, $0x1  }
0x3fc: {  	s7 =	sld [smem:$0x7FC];
	p1 =	por @!p2 p0, p0  }
0x3fd: {  	[smem:$0x7D2] =	sst s0;
	s0 =	simm.s32 @!p1 $0x0  }
0x3fe: {  	s30 =	sld [smem:$0x7D6];
	s0 =	simm.s32 @p1 $0x1;
	p1 =	seq.s32 s29, $0x1  }
0x3ff: {  	s26 =	sld [smem:$0x7D3];
	p1 =	por @!p2 p0, p0  }
0x400: {  	[smem:$0x7D4] =	sst s0;
	s0 =	simm.s32 @!p1 $0x0  }
0x401: {  	s1 =	sld [smem:$0x7D8];
	s0 =	simm.s32 @p1 $0x1;
	p1 =	seq.s32 s30, $0x1  }
0x402: {  	s3 =	sld [smem:$0x7DA];
	p1 =	por @!p2 p0, p0  }
0x403: {  	[smem:$0x7D5] =	sst s0;
	s0 =	simm.s32 @!p1 $0x0  }
0x404: {  	s31 =	sld [smem:$0x7D7];
	s0 =	simm.s32 @p1 $0x1;
	p1 =	seq.s32 s1, $0x1  }
0x405: {  	s4 =	sld [smem:$0x7DB];
	p1 =	por @!p2 p0, p0  }
0x406: {  	p3 =	seq.s32 s3, $0x1;
	[smem:$0x7D6] =	sst s0;
	s0 =	simm.s32 @!p1 $0x0  }
0x407: {  	s2 =	sld [smem:$0x7D9];
	p3 =	por @!p2 p0, p0;
	s0 =	simm.s32 @p1 $0x1  }
0x408: {  	[smem:$0x7D8] =	sst s0;
	s0 =	simm.s32 @!p3 $0x0  }
0x409: {  	p5 =	seq.s32 s31, $0x1;
	s0 =	simm.s32 @p3 $0x1;
	p3 =	seq.s32 s4, $0x1  }
0x40a: {  	s5 =	sld [smem:$0x7DD];
	p5 =	por @!p2 p0, p0;
	p3 =	por @!p2 p0, p0  }
0x40b: {  	p6 =	por @!p2 p0, p0;
	[smem:$0x7DA] =	sst s0;
	s0 =	simm.s32 @!p3 $0x0  }
0x40c: {  	p4 =	seq.s32 s26, $0x1;
	s6 =	sld [smem:$0x7DE];
	s0 =	simm.s32 @p3 $0x1  }
0x40d: {  	p3 =	seq.s32 s5, $0x1;
	[smem:$0x7DB] =	sst s0;
	s0 =	simm.s32 @!p6 $0x0  }
0x40e: {  	s8 =	sld [smem:$0x7DF];
	p3 =	por @!p2 p0, p0;
	s0 =	simm.s32 @p6 $0x1  }
0x40f: {  	p4 =	por @!p2 p0, p0;
	[smem:$0x7DC] =	sst s0;
	s0 =	simm.s32 @!p3 $0x0  }
0x410: {  	p1 =	seq.s32 s2, $0x1;
	s0 =	simm.s32 @p3 $0x1;
	p3 =	seq.s32 s6, $0x1  }
0x411: {  	s9 =	sld [smem:$0x7CA];
	p1 =	por @!p2 p0, p0;
	p3 =	por @!p2 p0, p0  }
0x412: {  	[smem:$0x7DD] =	sst s0;
	p2 =	seq.s32 s7, $0x1;
	s0 =	simm.s32 @!p3 $0x0  }
0x413: {  	p6 =	por @!p2 $0x0, $0x0;
	s0 =	simm.s32 @p3 $0x1;
	p3 =	seq.s32 s8, $0x1  }
0x414: {  	s10 =	sld [smem:$0x7CB];
	p0 =	por @!p2 $0x1, $0x1;
	p3 =	por @!p2 p6, p6  }
0x415: {  	[smem:$0x7DE] =	sst s0;
	p6 =	seq.s32 s9, $0x1;
	s0 =	simm.s32 @!p3 $0x0  }
0x416: {  	p6 =	por @!p2 p0, p0;
	s0 =	simm.s32 @p3 $0x1  }
0x417: {  	[smem:$0x7C9] =	sst s0;
	s0 =	simm.s32 @!p6 $0x0  }
0x418: {  	s11 =	sld [smem:$0x7CC];
	s0 =	simm.s32 @p6 $0x1;
	p6 =	seq.s32 s10, $0x1  }
0x419: {  	p6 =	por @!p2 p0, p0  }
0x41a: {  	[smem:$0x7CA] =	sst s0;
	s0 =	simm.s32 @!p6 $0x0  }
0x41b: {  	s12 =	sld [smem:$0x7CD];
	s0 =	simm.s32 @p6 $0x1;
	p6 =	seq.s32 s11, $0x1  }
0x41c: {  	p6 =	por @!p2 p0, p0  }
0x41d: {  	[smem:$0x7CB] =	sst s0;
	s0 =	simm.s32 @!p6 $0x0  }
0x41e: {  	s13 =	sld [smem:$0x7CE];
	s0 =	simm.s32 @p6 $0x1;
	p6 =	seq.s32 s12, $0x1  }
0x41f: {  	p6 =	por @!p2 p0, p0  }
0x420: {  	[smem:$0x7CC] =	sst s0;
	s0 =	simm.s32 @!p6 $0x0  }
0x421: {  	s14 =	sld [smem:$0x7CF];
	s0 =	simm.s32 @p6 $0x1;
	p6 =	seq.s32 s13, $0x1  }
0x422: {  	p6 =	por @!p2 p0, p0  }
0x423: {  	[smem:$0x7CD] =	sst s0;
	s0 =	simm.s32 @!p6 $0x0  }
0x424: {  	s15 =	sld [smem:$0x7D0];
	s0 =	simm.s32 @p6 $0x1;
	p6 =	seq.s32 s14, $0x1  }
0x425: {  	p6 =	por @!p2 p0, p0  }
0x426: {  	[smem:$0x7CE] =	sst s0;
	s0 =	simm.s32 @!p6 $0x0  }
0x427: {  	s16 =	sld [smem:$0x7D1];
	s0 =	simm.s32 @p6 $0x1;
	p6 =	seq.s32 s15, $0x1  }
0x428: {  	p6 =	por @!p2 p0, p0  }
0x429: {  	[smem:$0x7CF] =	sst s0;
	s0 =	simm.s32 @!p6 $0x0  }
0x42a: {  	s17 =	sld [smem:$0x7D2];
	s0 =	simm.s32 @p6 $0x1;
	p6 =	seq.s32 s16, $0x1  }
0x42b: {  	p6 =	por @!p2 p0, p0  }
0x42c: {  	[smem:$0x7D0] =	sst s0;
	s0 =	simm.s32 @!p6 $0x0  }
0x42d: {  	s0 =	simm.s32 @p6 $0x1;
	p6 =	seq.s32 s17, $0x1  }
0x42e: {  	s18 =	sld [smem:$0x7D4];
	p6 =	por @!p2 p0, p0  }
0x42f: {  	[smem:$0x7D1] =	sst s0;
	s0 =	simm.s32 @!p6 $0x0  }
0x430: {  	p4 =	por @!p2 p0, p0;
	s0 =	simm.s32 @p6 $0x1  }
0x431: {  	[smem:$0x7D2] =	sst s0;
	s0 =	simm.s32 @!p4 $0x0  }
0x432: {  	s20 =	sld [smem:$0x7D6];
	s0 =	simm.s32 @p4 $0x1;
	p4 =	seq.s32 s18, $0x1  }
0x433: {  	p4 =	por @!p2 p0, p0  }
0x434: {  	[smem:$0x7D3] =	sst s0;
	s0 =	simm.s32 @!p4 $0x0  }
0x435: {  	s0 =	simm.s32 @p4 $0x1;
	p4 =	seq.s32 s20, $0x1  }
0x436: {  	s21 =	sld [smem:$0x7D8];
	p4 =	por @!p2 p0, p0  }
0x437: {  	[smem:$0x7D4] =	sst s0;
	s0 =	simm.s32 @!p4 $0x0  }
0x438: {  	p5 =	por @!p2 p0, p0;
	s0 =	simm.s32 @p4 $0x1  }
0x439: {  	p4 =	seq.s32 s21, $0x1;
	[smem:$0x7D6] =	sst s0;
	s0 =	simm.s32 @!p5 $0x0  }
0x43a: {  	s23 =	sld [smem:$0x7DB];
	p4 =	por @!p2 p0, p0;
	s0 =	simm.s32 @p5 $0x1  }
0x43b: {  	[smem:$0x7D7] =	sst s0;
	s0 =	simm.s32 @!p4 $0x0  }
0x43c: {  	p1 =	por @!p2 p0, p0;
	s0 =	simm.s32 @p4 $0x1  }
0x43d: {  	[smem:$0x7D8] =	sst s0;
	s0 =	simm.s32 @!p1 $0x0  }
0x43e: {  	s24 =	sld [smem:$0x7DC];
	s0 =	simm.s32 @p1 $0x1;
	p1 =	seq.s32 s23, $0x1  }
0x43f: {  	p1 =	por @!p2 p0, p0  }
0x440: {  	[smem:$0x7D9] =	sst s0;
	s0 =	simm.s32 @!p1 $0x0  }
0x441: {  	s25 =	sld [smem:$0x7DD];
	s0 =	simm.s32 @p1 $0x1;
	p1 =	seq.s32 s24, $0x1  }
0x442: {  	p1 =	por @!p2 p0, p0  }
0x443: {  	[smem:$0x7DB] =	sst s0;
	s0 =	simm.s32 @!p1 $0x0  }
0x444: {  	s26 =	sld [smem:$0x7DE];
	s0 =	simm.s32 @p1 $0x1;
	p1 =	seq.s32 s25, $0x1  }
0x445: {  	s28 =	sld [smem:$0x7C0];
	p1 =	por @!p2 p0, p0  }
0x446: {  	[smem:$0x7DC] =	sst s0;
	s0 =	simm.s32 @!p1 $0x0  }
0x447: {  	s29 =	sld [smem:$0x7DF];
	s0 =	simm.s32 @p1 $0x1;
	p1 =	seq.s32 s26, $0x1  }
0x448: {  	s19 =	sld [smem:$0x7D5];
	p1 =	por @!p2 p0, p0  }
0x449: {  	p4 =	seq.s32 s28, $0x1;
	[smem:$0x7DD] =	sst s0;
	s0 =	simm.s32 @!p1 $0x0  }
0x44a: {  	s22 =	sld [smem:$0x7DA];
	s0 =	simm.s32 @p1 $0x1;
	p1 =	por @!p4 $0x0, $0x0  }
0x44b: {  	[smem:$0x7DE] =	sst s0;
	s0 =	simm.s32 @!p1 $0x0  }
0x44c: {  	s31 =	sld [smem:$0x7C9];
	s0 =	simm.s32 @p1 $0x1  }
0x44d: {  	[smem:$0x7C1] =	sst s0  }
0x44e: {  	s30 =	sld [smem:$0x7C1]  }
0x44f: {  	p6 =	seq.s32 s19, $0x1;
	p1 =	por p3, p3;
	p3 =	seq.s32 s29, $0x1  }
0x450: {  	p6 =	por @!p2 p0, p0;
	p5 =	seq.s32 s22, $0x1;
	p3 =	por @!p2 p0, p0  }
0x451: {  	p5 =	por @!p2 p0, p0;
	s0 =	simm.s32 @!p3 $0x0;
	p0 =	seq.s32 s30, $0x1  }
0x452: {  	s1 =	sld [smem:$0x7CA];
	s0 =	simm.s32 @p3 $0x1;
	p1 =	por @!p4 p0, p0  }
0x453: {  	[smem:$0x7DF] =	sst s0;
	s0 =	simm.s32 @!p1 $0x0  }
0x454: {  	p0 =	por @!p4 $0x1, $0x1;
	s0 =	simm.s32 @p1 $0x1;
	p1 =	seq.s32 s31, $0x1  }
0x455: {  	p1 =	por @!p4 p0, p0  }
0x456: {  	[smem:$0x7E0] =	sst s0;
	s0 =	simm.s32 @!p1 $0x0  }
0x457: {  	s3 =	sld [smem:$0x7CC];
	s0 =	simm.s32 @p1 $0x1;
	p1 =	seq.s32 s1, $0x1  }
0x458: {  	p1 =	por @!p4 p0, p0  }
0x459: {  	[smem:$0x7C9] =	sst s0;
	s0 =	simm.s32 @!p1 $0x0  }
0x45a: {  	s4 =	sld [smem:$0x7CD];
	s0 =	simm.s32 @p1 $0x1;
	p1 =	seq.s32 s3, $0x1  }
0x45b: {  	p1 =	por @!p4 p0, p0  }
0x45c: {  	[smem:$0x7CA] =	sst s0;
	s0 =	simm.s32 @!p1 $0x0  }
0x45d: {  	s5 =	sld [smem:$0x7CE];
	s0 =	simm.s32 @p1 $0x1;
	p1 =	seq.s32 s4, $0x1  }
0x45e: {  	p1 =	por @!p4 p0, p0  }
0x45f: {  	[smem:$0x7CC] =	sst s0;
	s0 =	simm.s32 @!p1 $0x0  }
0x460: {  	s6 =	sld [smem:$0x7CF];
	s0 =	simm.s32 @p1 $0x1;
	p1 =	seq.s32 s5, $0x1  }
0x461: {  	s2 =	sld [smem:$0x7CB];
	p1 =	por @!p4 p0, p0  }
0x462: {  	[smem:$0x7CD] =	sst s0;
	s0 =	simm.s32 @!p1 $0x0  }
0x463: {  	s7 =	sld [smem:$0x7D0];
	s0 =	simm.s32 @p1 $0x1;
	p1 =	seq.s32 s6, $0x1  }
0x464: {  	s8 =	sld [smem:$0x7D1];
	p1 =	por @!p4 p0, p0  }
0x465: {  	[smem:$0x7CE] =	sst s0;
	s0 =	simm.s32 @!p1 $0x0  }
0x466: {  	s9 =	sld [smem:$0x7D2];
	s0 =	simm.s32 @p1 $0x1;
	p1 =	seq.s32 s7, $0x1  }
0x467: {  	s10 =	sld [smem:$0x7D3];
	p1 =	por @!p4 p0, p0  }
0x468: {  	p2 =	por p4, p4;
	[smem:$0x7CF] =	sst s0;
	s0 =	simm.s32 @!p1 $0x0  }
0x469: {  	p3 =	seq.s32 s2, $0x1;
	s0 =	simm.s32 @p1 $0x1;
	p1 =	seq.s32 s8, $0x1  }
0x46a: {  	p3 =	por @!p4 p0, p0;
	p1 =	por @!p4 p0, p0;
	p4 =	seq.s32 s9, $0x1  }
0x46b: {  	p4 =	por @!p2 p0, p0  }
0x46c: {  	[smem:$0x7D0] =	sst s0;
	s0 =	simm.s32 @!p4 $0x0  }
0x46d: {  	s11 =	sld [smem:$0x7D4];
	s0 =	simm.s32 @p4 $0x1;
	p4 =	seq.s32 s10, $0x1  }
0x46e: {  	p4 =	por @!p2 p0, p0  }
0x46f: {  	[smem:$0x7D2] =	sst s0;
	s0 =	simm.s32 @!p4 $0x0  }
0x470: {  	s0 =	simm.s32 @p4 $0x1;
	p4 =	seq.s32 s11, $0x1  }
0x471: {  	s12 =	sld [smem:$0x7D6];
	p4 =	por @!p2 p0, p0  }
0x472: {  	[smem:$0x7D3] =	sst s0;
	s0 =	simm.s32 @!p4 $0x0  }
0x473: {  	s13 =	sld [smem:$0x7D7];
	p6 =	por @!p2 p0, p0;
	s0 =	simm.s32 @p4 $0x1  }
0x474: {  	p4 =	seq.s32 s12, $0x1;
	[smem:$0x7D4] =	sst s0;
	s0 =	simm.s32 @!p6 $0x0  }
0x475: {  	p4 =	por @!p2 p0, p0;
	s0 =	simm.s32 @p6 $0x1  }
0x476: {  	[smem:$0x7D5] =	sst s0;
	s0 =	simm.s32 @!p4 $0x0  }
0x477: {  	s14 =	sld [smem:$0x7D8];
	s0 =	simm.s32 @p4 $0x1;
	p4 =	seq.s32 s13, $0x1  }
0x478: {  	p4 =	por @!p2 p0, p0  }
0x479: {  	[smem:$0x7D6] =	sst s0;
	s0 =	simm.s32 @!p4 $0x0  }
0x47a: {  	s15 =	sld [smem:$0x7D9];
	s0 =	simm.s32 @p4 $0x1;
	p4 =	seq.s32 s14, $0x1  }
0x47b: {  	s21 =	sld [smem:$0x7FD];
	p4 =	por @!p2 p0, p0  }
0x47c: {  	[smem:$0x7D7] =	sst s0;
	s0 =	simm.s32 @!p4 $0x0  }
0x47d: {  	s16 =	sld [smem:$0x7DB];
	s0 =	simm.s32 @p4 $0x1;
	p4 =	seq.s32 s15, $0x1  }
0x47e: {  	s17 =	sld [smem:$0x7DC];
	p4 =	por @!p2 p0, p0  }
0x47f: {  	[smem:$0x7D8] =	sst s0;
	s0 =	simm.s32 @!p4 $0x0  }
0x480: {  	s18 =	sld [smem:$0x7DD];
	p5 =	por @!p2 p0, p0;
	s0 =	simm.s32 @p4 $0x1  }
0x481: {  	p4 =	seq.s32 s16, $0x1;
	[smem:$0x7D9] =	sst s0;
	s0 =	simm.s32 @!p5 $0x0  }
0x482: {  	s19 =	sld [smem:$0x7DE];
	p4 =	por @!p2 p0, p0;
	s0 =	simm.s32 @p5 $0x1  }
0x483: {  	[smem:$0x7DA] =	sst s0;
	s0 =	simm.s32 @!p4 $0x0  }
0x484: {  	s20 =	sld [smem:$0x7DF];
	s0 =	simm.s32 @p4 $0x1;
	p4 =	seq.s32 s17, $0x1  }
0x485: {  	s22 =	sld [smem:$0x7E0];
	p4 =	por @!p2 p0, p0  }
0x486: {  	p5 =	seq.s32 s19, $0x1;
	[smem:$0x7DB] =	sst s0;
	s0 =	simm.s32 @!p4 $0x0  }
0x487: {  	s23 =	sld [smem:$0x7C9];
	p5 =	por @!p2 p0, p0;
	s0 =	simm.s32 @p4 $0x1  }
0x488: {  	[smem:$0x7DC] =	sst s0;
	s0 =	simm.s32 @!p5 $0x0  }
0x489: {  	p4 =	seq.s32 s18, $0x1;
	s0 =	simm.s32 @p5 $0x1;
	p5 =	seq.s32 s20, $0x1  }
0x48a: {  	s24 =	sld [smem:$0x7CA];
	p4 =	por @!p2 p0, p0;
	p5 =	por @!p2 p0, p0  }
0x48b: {  	[smem:$0x7DE] =	sst s0;
	p2 =	seq.s32 s21, $0x1;
	s0 =	simm.s32 @!p5 $0x0  }
0x48c: {  	p6 =	seq.s32 s22, $0x1;
	s0 =	simm.s32 @p5 $0x1;
	p5 =	por @!p2 $0x0, $0x0  }
0x48d: {  	p0 =	por @!p2 $0x1, $0x1;
	p6 =	por @!p2 p5, p5;
	p5 =	seq.s32 s23, $0x1  }
0x48e: {  	p5 =	por @!p2 p0, p0  }
0x48f: {  	[smem:$0x7DF] =	sst s0;
	s0 =	simm.s32 @!p5 $0x0  }
0x490: {  	s0 =	simm.s32 @p5 $0x1;
	p5 =	seq.s32 s24, $0x1  }
0x491: {  	s25 =	sld [smem:$0x7CC];
	p5 =	por @!p2 p0, p0  }
0x492: {  	[smem:$0x7C9] =	sst s0;
	s0 =	simm.s32 @!p5 $0x0  }
0x493: {  	p3 =	por @!p2 p0, p0;
	s0 =	simm.s32 @p5 $0x1  }
0x494: {  	[smem:$0x7CA] =	sst s0;
	s0 =	simm.s32 @!p3 $0x0  }
0x495: {  	s26 =	sld [smem:$0x7CD];
	s0 =	simm.s32 @p3 $0x1;
	p3 =	seq.s32 s25, $0x1  }
0x496: {  	p3 =	por @!p2 p0, p0  }
0x497: {  	[smem:$0x7CB] =	sst s0;
	s0 =	simm.s32 @!p3 $0x0  }
0x498: {  	s28 =	sld [smem:$0x7CE];
	s0 =	simm.s32 @p3 $0x1;
	p3 =	seq.s32 s26, $0x1  }
0x499: {  	p3 =	por @!p2 p0, p0  }
0x49a: {  	[smem:$0x7CC] =	sst s0;
	s0 =	simm.s32 @!p3 $0x0  }
0x49b: {  	s29 =	sld [smem:$0x7CF];
	s0 =	simm.s32 @p3 $0x1;
	p3 =	seq.s32 s28, $0x1  }
0x49c: {  	p3 =	por @!p2 p0, p0  }
0x49d: {  	[smem:$0x7CD] =	sst s0;
	s0 =	simm.s32 @!p3 $0x0  }
0x49e: {  	s30 =	sld [smem:$0x7D0];
	s0 =	simm.s32 @p3 $0x1;
	p3 =	seq.s32 s29, $0x1  }
0x49f: {  	p3 =	por @!p2 p0, p0  }
0x4a0: {  	[smem:$0x7CE] =	sst s0;
	s0 =	simm.s32 @!p3 $0x0  }
0x4a1: {  	s0 =	simm.s32 @p3 $0x1;
	p3 =	seq.s32 s30, $0x1  }
0x4a2: {  	s1 =	sld [smem:$0x7D3];
	p3 =	por @!p2 p0, p0  }
0x4a3: {  	[smem:$0x7CF] =	sst s0;
	s0 =	simm.s32 @!p3 $0x0  }
0x4a4: {  	s2 =	sld [smem:$0x7D4];
	p1 =	por @!p2 p0, p0;
	s0 =	simm.s32 @p3 $0x1  }
0x4a5: {  	p3 =	seq.s32 s1, $0x1;
	[smem:$0x7D0] =	sst s0;
	s0 =	simm.s32 @!p1 $0x0  }
0x4a6: {  	p3 =	por @!p2 p0, p0;
	s0 =	simm.s32 @p1 $0x1  }
0x4a7: {  	[smem:$0x7D1] =	sst s0;
	s0 =	simm.s32 @!p3 $0x0  }
0x4a8: {  	s3 =	sld [smem:$0x7D5];
	s0 =	simm.s32 @p3 $0x1;
	p3 =	seq.s32 s2, $0x1  }
0x4a9: {  	p3 =	por @!p2 p0, p0  }
0x4aa: {  	[smem:$0x7D3] =	sst s0;
	s0 =	simm.s32 @!p3 $0x0  }
0x4ab: {  	s4 =	sld [smem:$0x7D6];
	s0 =	simm.s32 @p3 $0x1;
	p3 =	seq.s32 s3, $0x1  }
0x4ac: {  	p3 =	por @!p2 p0, p0  }
0x4ad: {  	[smem:$0x7D4] =	sst s0;
	s0 =	simm.s32 @!p3 $0x0  }
0x4ae: {  	s5 =	sld [smem:$0x7D7];
	s0 =	simm.s32 @p3 $0x1;
	p3 =	seq.s32 s4, $0x1  }
0x4af: {  	s6 =	sld [smem:$0x7D8];
	p3 =	por @!p2 p0, p0  }
0x4b0: {  	[smem:$0x7D5] =	sst s0;
	s0 =	simm.s32 @!p3 $0x0  }
0x4b1: {  	s31 =	sld [smem:$0x7D2];
	s0 =	simm.s32 @p3 $0x1;
	p3 =	seq.s32 s5, $0x1  }
0x4b2: {  	s7 =	sld [smem:$0x7D9];
	p3 =	por @!p2 p0, p0  }
0x4b3: {  	p1 =	seq.s32 s6, $0x1;
	[smem:$0x7D6] =	sst s0;
	s0 =	simm.s32 @!p3 $0x0  }
0x4b4: {  	s8 =	sld [smem:$0x7DA];
	p1 =	por @!p2 p0, p0;
	s0 =	simm.s32 @p3 $0x1  }
0x4b5: {  	p3 =	seq.s32 s7, $0x1;
	[smem:$0x7D7] =	sst s0;
	s0 =	simm.s32 @!p1 $0x0  }
0x4b6: {  	s13 =	sld [smem:$0x7C2];
	p3 =	por @!p2 p0, p0;
	s0 =	simm.s32 @p1 $0x1  }
0x4b7: {  	[smem:$0x7D8] =	sst s0;
	s0 =	simm.s32 @!p3 $0x0  }
0x4b8: {  	s9 =	sld [smem:$0x7DB];
	s0 =	simm.s32 @p3 $0x1;
	p3 =	seq.s32 s8, $0x1  }
0x4b9: {  	s14 =	sld [smem:$0x7E0];
	p3 =	por @!p2 p0, p0  }
0x4ba: {  	[smem:$0x7D9] =	sst s0;
	s0 =	simm.s32 @!p3 $0x0  }
0x4bb: {  	s10 =	sld [smem:$0x7DC];
	s0 =	simm.s32 @p3 $0x1;
	p3 =	seq.s32 s9, $0x1  }
0x4bc: {  	s15 =	sld [smem:$0x7FD];
	p3 =	por @!p2 p0, p0  }
0x4bd: {  	[smem:$0x7DA] =	sst s0;
	s0 =	simm.s32 @!p3 $0x0  }
0x4be: {  	s11 =	sld [smem:$0x7DE];
	s0 =	simm.s32 @p3 $0x1;
	p3 =	seq.s32 s10, $0x1  }
0x4bf: {  	s12 =	sld [smem:$0x7DF];
	p3 =	por @!p2 p0, p0  }
0x4c0: {  	[smem:$0x7DB] =	sst s0;
	s0 =	simm.s32 @!p3 $0x0  }
0x4c1: {  	p4 =	por @!p2 p0, p0;
	s16 =	sld [smem:$0x7C9];
	s0 =	simm.s32 @p3 $0x1  }
0x4c2: {  	p1 =	seq.s32 s11, $0x1;
	[smem:$0x7DC] =	sst s0;
	s0 =	simm.s32 @!p4 $0x0  }
0x4c3: {  	p5 =	seq.s32 s31, $0x1;
	p1 =	por @!p2 p0, p0;
	s0 =	simm.s32 @p4 $0x1  }
0x4c4: {  	p4 =	seq.s32 s12, $0x1;
	[smem:$0x7DD] =	sst s0;
	s0 =	simm.s32 @!p1 $0x0  }
0x4c5: {  	s17 =	sld [smem:$0x7CA];
	p4 =	por @!p2 p0, p0;
	s0 =	simm.s32 @p1 $0x1  }
0x4c6: {  	p5 =	por @!p2 p0, p0;
	[smem:$0x7DE] =	sst s0;
	s0 =	simm.s32 @!p4 $0x0  }
0x4c7: {  	p3 =	seq.s32 s15, $0x1;
	s0 =	simm.s32 @p4 $0x1;
	p4 =	seq.s32 s14, $0x1  }
0x4c8: {  	p2 =	seq.s32 s13, $0x1;
	p1 =	por p6, p6;
	p4 =	por @!p3 p0, p0  }
0x4c9: {  	[smem:$0x7DF] =	sst s0;
	p0 =	por @!p2 $0x0, $0x0;
	s0 =	simm.s32 @!p4 $0x0  }
0x4ca: {  	p1 =	por @!p2 p0, p0;
	p0 =	por @!p2 $0x1, $0x1;
	s0 =	simm.s32 @p4 $0x1  }
0x4cb: {  	p4 =	seq.s32 s16, $0x1;
	[smem:$0x7E0] =	sst s0;
	s0 =	simm.s32 @!p1 $0x0  }
0x4cc: {  	p4 =	por @!p2 p0, p0;
	s0 =	simm.s32 @p1 $0x1  }
0x4cd: {  	[smem:$0x7E1] =	sst s0;
	s0 =	simm.s32 @!p4 $0x0  }
0x4ce: {  	s18 =	sld [smem:$0x7CB];
	s0 =	simm.s32 @p4 $0x1;
	p4 =	seq.s32 s17, $0x1  }
0x4cf: {  	p4 =	por @!p2 p0, p0  }
0x4d0: {  	[smem:$0x7C9] =	sst s0;
	s0 =	simm.s32 @!p4 $0x0  }
0x4d1: {  	s19 =	sld [smem:$0x7CC];
	s0 =	simm.s32 @p4 $0x1;
	p4 =	seq.s32 s18, $0x1  }
0x4d2: {  	p4 =	por @!p2 p0, p0  }
0x4d3: {  	[smem:$0x7CA] =	sst s0;
	s0 =	simm.s32 @!p4 $0x0  }
0x4d4: {  	s20 =	sld [smem:$0x7CD];
	s0 =	simm.s32 @p4 $0x1;
	p4 =	seq.s32 s19, $0x1  }
0x4d5: {  	p4 =	por @!p2 p0, p0  }
0x4d6: {  	[smem:$0x7CB] =	sst s0;
	s0 =	simm.s32 @!p4 $0x0  }
0x4d7: {  	s21 =	sld [smem:$0x7CE];
	s0 =	simm.s32 @p4 $0x1;
	p4 =	seq.s32 s20, $0x1  }
0x4d8: {  	p4 =	por @!p2 p0, p0  }
0x4d9: {  	[smem:$0x7CC] =	sst s0;
	s0 =	simm.s32 @!p4 $0x0  }
0x4da: {  	s22 =	sld [smem:$0x7CF];
	s0 =	simm.s32 @p4 $0x1;
	p4 =	seq.s32 s21, $0x1  }
0x4db: {  	p4 =	por @!p2 p0, p0  }
0x4dc: {  	[smem:$0x7CD] =	sst s0;
	s0 =	simm.s32 @!p4 $0x0  }
0x4dd: {  	s23 =	sld [smem:$0x7D0];
	s0 =	simm.s32 @p4 $0x1;
	p4 =	seq.s32 s22, $0x1  }
0x4de: {  	p4 =	por @!p2 p0, p0  }
0x4df: {  	[smem:$0x7CE] =	sst s0;
	s0 =	simm.s32 @!p4 $0x0  }
0x4e0: {  	s24 =	sld [smem:$0x7D1];
	s0 =	simm.s32 @p4 $0x1;
	p4 =	seq.s32 s23, $0x1  }
0x4e1: {  	p4 =	por @!p2 p0, p0  }
0x4e2: {  	[smem:$0x7CF] =	sst s0;
	s0 =	simm.s32 @!p4 $0x0  }
0x4e3: {  	s0 =	simm.s32 @p4 $0x1;
	p4 =	seq.s32 s24, $0x1  }
0x4e4: {  	s25 =	sld [smem:$0x7D3];
	p4 =	por @!p2 p0, p0  }
0x4e5: {  	[smem:$0x7D0] =	sst s0;
	s0 =	simm.s32 @!p4 $0x0  }
0x4e6: {  	s26 =	sld [smem:$0x7D4];
	p5 =	por @!p2 p0, p0;
	s0 =	simm.s32 @p4 $0x1  }
0x4e7: {  	p1 =	seq.s32 s25, $0x1;
	[smem:$0x7D1] =	sst s0;
	s0 =	simm.s32 @!p5 $0x0  }
0x4e8: {  	p1 =	por @!p2 p0, p0;
	s0 =	simm.s32 @p5 $0x1  }
0x4e9: {  	[smem:$0x7D2] =	sst s0;
	s0 =	simm.s32 @!p1 $0x0  }
0x4ea: {  	s28 =	sld [smem:$0x7D5];
	s0 =	simm.s32 @p1 $0x1;
	p1 =	seq.s32 s26, $0x1  }
0x4eb: {  	p1 =	por @!p2 p0, p0  }
0x4ec: {  	[smem:$0x7D3] =	sst s0;
	s0 =	simm.s32 @!p1 $0x0  }
0x4ed: {  	s29 =	sld [smem:$0x7D6];
	s0 =	simm.s32 @p1 $0x1;
	p1 =	seq.s32 s28, $0x1  }
0x4ee: {  	p1 =	por @!p2 p0, p0  }
0x4ef: {  	[smem:$0x7D4] =	sst s0;
	s0 =	simm.s32 @!p1 $0x0  }
0x4f0: {  	s30 =	sld [smem:$0x7D7];
	s0 =	simm.s32 @p1 $0x1;
	p1 =	seq.s32 s29, $0x1  }
0x4f1: {  	p1 =	por @!p2 p0, p0  }
0x4f2: {  	[smem:$0x7D5] =	sst s0;
	s0 =	simm.s32 @!p1 $0x0  }
0x4f3: {  	s31 =	sld [smem:$0x7D8];
	s0 =	simm.s32 @p1 $0x1;
	p1 =	seq.s32 s30, $0x1  }
0x4f4: {  	p1 =	por @!p2 p0, p0  }
0x4f5: {  	[smem:$0x7D6] =	sst s0;
	s0 =	simm.s32 @!p1 $0x0  }
0x4f6: {  	s1 =	sld [smem:$0x7D9];
	s0 =	simm.s32 @p1 $0x1;
	p1 =	seq.s32 s31, $0x1  }
0x4f7: {  	p1 =	por @!p2 p0, p0  }
0x4f8: {  	[smem:$0x7D7] =	sst s0;
	s0 =	simm.s32 @!p1 $0x0  }
0x4f9: {  	s2 =	sld [smem:$0x7DA];
	s0 =	simm.s32 @p1 $0x1;
	p1 =	seq.s32 s1, $0x1  }
0x4fa: {  	p1 =	por @!p2 p0, p0  }
0x4fb: {  	[smem:$0x7D8] =	sst s0;
	s0 =	simm.s32 @!p1 $0x0  }
0x4fc: {  	s3 =	sld [smem:$0x7DB];
	s0 =	simm.s32 @p1 $0x1;
	p1 =	seq.s32 s2, $0x1  }
0x4fd: {  	p1 =	por @!p2 p0, p0  }
0x4fe: {  	[smem:$0x7D9] =	sst s0;
	s0 =	simm.s32 @!p1 $0x0  }
0x4ff: {  	s4 =	sld [smem:$0x7DC];
	s0 =	simm.s32 @p1 $0x1;
	p1 =	seq.s32 s3, $0x1  }
0x500: {  	s9 =	sld [smem:$0x7C3];
	p1 =	por @!p2 p0, p0  }
0x501: {  	[smem:$0x7DA] =	sst s0;
	s0 =	simm.s32 @!p1 $0x0  }
0x502: {  	s5 =	sld [smem:$0x7DD];
	s0 =	simm.s32 @p1 $0x1;
	p1 =	seq.s32 s4, $0x1  }
0x503: {  	s6 =	sld [smem:$0x7DE];
	p1 =	por @!p2 p0, p0  }
0x504: {  	[smem:$0x7DB] =	sst s0;
	s0 =	simm.s32 @!p1 $0x0  }
0x505: {  	s7 =	sld [smem:$0x7DF];
	s0 =	simm.s32 @p1 $0x1;
	p1 =	seq.s32 s5, $0x1  }
0x506: {  	s8 =	sld [smem:$0x7E0];
	p1 =	por @!p2 p0, p0  }
0x507: {  	[smem:$0x7DC] =	sst s0;
	s0 =	simm.s32 @!p1 $0x0  }
0x508: {  	s10 =	sld [smem:$0x7E1];
	s0 =	simm.s32 @p1 $0x1;
	p1 =	seq.s32 s7, $0x1  }
0x509: {  	s11 =	sld [smem:$0x7C9];
	p1 =	por @!p2 p0, p0  }
0x50a: {  	p6 =	por @!p2 p0, p0;
	[smem:$0x7DD] =	sst s0;
	s0 =	simm.s32 @!p1 $0x0  }
0x50b: {  	p4 =	seq.s32 s6, $0x1;
	s0 =	simm.s32 @p1 $0x1;
	p1 =	seq.s32 s8, $0x1  }
0x50c: {  	p3 =	seq.s32 s10, $0x1;
	p4 =	por @!p2 p0, p0;
	p1 =	por @!p2 p0, p0  }
0x50d: {  	[smem:$0x7DF] =	sst s0;
	p0 =	seq.s32 s9, $0x1;
	s0 =	simm.s32 @!p1 $0x0  }
0x50e: {  	p2 =	por @!p0 $0x0, $0x0;
	s0 =	simm.s32 @p1 $0x1;
	p1 =	por @!p0 $0x1, $0x1  }
0x50f: {  	s12 =	sld [smem:$0x7CA];
	p3 =	por @!p0 p2, p2;
	p6 =	por @!p0 p1, p1  }
0x510: {  	p2 =	seq.s32 s11, $0x1;
	[smem:$0x7E0] =	sst s0;
	s0 =	simm.s32 @!p6 $0x0  }
0x511: {  	p2 =	por @!p0 p1, p1;
	s0 =	simm.s32 @p6 $0x1  }
0x512: {  	[smem:$0x7C8] =	sst s0;
	s0 =	simm.s32 @!p2 $0x0  }
0x513: {  	s13 =	sld [smem:$0x7CB];
	s0 =	simm.s32 @p2 $0x1;
	p2 =	seq.s32 s12, $0x1  }
0x514: {  	p2 =	por @!p0 p1, p1  }
0x515: {  	[smem:$0x7C9] =	sst s0;
	s0 =	simm.s32 @!p2 $0x0  }
0x516: {  	s15 =	sld [smem:$0x7CD];
	s0 =	simm.s32 @p2 $0x1;
	p2 =	seq.s32 s13, $0x1  }
0x517: {  	p2 =	por @!p0 p1, p1  }
0x518: {  	[smem:$0x7CA] =	sst s0;
	s0 =	simm.s32 @!p2 $0x0  }
0x519: {  	s16 =	sld [smem:$0x7CE];
	s0 =	simm.s32 @p2 $0x1;
	p2 =	seq.s32 s15, $0x1  }
0x51a: {  	p2 =	por @!p0 p1, p1  }
0x51b: {  	[smem:$0x7CB] =	sst s0;
	s0 =	simm.s32 @!p2 $0x0  }
0x51c: {  	s17 =	sld [smem:$0x7CF];
	s0 =	simm.s32 @p2 $0x1;
	p2 =	seq.s32 s16, $0x1  }
0x51d: {  	p2 =	por @!p0 p1, p1  }
0x51e: {  	[smem:$0x7CD] =	sst s0;
	s0 =	simm.s32 @!p2 $0x0  }
0x51f: {  	s18 =	sld [smem:$0x7D0];
	s0 =	simm.s32 @p2 $0x1;
	p2 =	seq.s32 s17, $0x1  }
0x520: {  	p2 =	por @!p0 p1, p1  }
0x521: {  	[smem:$0x7CE] =	sst s0;
	s0 =	simm.s32 @!p2 $0x0  }
0x522: {  	s19 =	sld [smem:$0x7D1];
	s0 =	simm.s32 @p2 $0x1;
	p2 =	seq.s32 s18, $0x1  }
0x523: {  	p2 =	por @!p0 p1, p1  }
0x524: {  	[smem:$0x7CF] =	sst s0;
	s0 =	simm.s32 @!p2 $0x0  }
0x525: {  	s20 =	sld [smem:$0x7D2];
	s0 =	simm.s32 @p2 $0x1;
	p2 =	seq.s32 s19, $0x1  }
0x526: {  	p2 =	por @!p0 p1, p1  }
0x527: {  	[smem:$0x7D0] =	sst s0;
	s0 =	simm.s32 @!p2 $0x0  }
0x528: {  	s21 =	sld [smem:$0x7D3];
	s0 =	simm.s32 @p2 $0x1;
	p2 =	seq.s32 s20, $0x1  }
0x529: {  	p2 =	por @!p0 p1, p1  }
0x52a: {  	[smem:$0x7D1] =	sst s0;
	s0 =	simm.s32 @!p2 $0x0  }
0x52b: {  	s22 =	sld [smem:$0x7D4];
	s0 =	simm.s32 @p2 $0x1;
	p2 =	seq.s32 s21, $0x1  }
0x52c: {  	p2 =	por @!p0 p1, p1  }
0x52d: {  	[smem:$0x7D2] =	sst s0;
	s0 =	simm.s32 @!p2 $0x0  }
0x52e: {  	s23 =	sld [smem:$0x7D5];
	s0 =	simm.s32 @p2 $0x1;
	p2 =	seq.s32 s22, $0x1  }
0x52f: {  	p2 =	por @!p0 p1, p1  }
0x530: {  	[smem:$0x7D3] =	sst s0;
	s0 =	simm.s32 @!p2 $0x0  }
0x531: {  	s24 =	sld [smem:$0x7D6];
	s0 =	simm.s32 @p2 $0x1;
	p2 =	seq.s32 s23, $0x1  }
0x532: {  	p2 =	por @!p0 p1, p1  }
0x533: {  	[smem:$0x7D4] =	sst s0;
	s0 =	simm.s32 @!p2 $0x0  }
0x534: {  	s25 =	sld [smem:$0x7D7];
	s0 =	simm.s32 @p2 $0x1;
	p2 =	seq.s32 s24, $0x1  }
0x535: {  	p2 =	por @!p0 p1, p1  }
0x536: {  	[smem:$0x7D5] =	sst s0;
	s0 =	simm.s32 @!p2 $0x0  }
0x537: {  	s26 =	sld [smem:$0x7D8];
	s0 =	simm.s32 @p2 $0x1;
	p2 =	seq.s32 s25, $0x1  }
0x538: {  	p2 =	por @!p0 p1, p1  }
0x539: {  	[smem:$0x7D6] =	sst s0;
	s0 =	simm.s32 @!p2 $0x0  }
0x53a: {  	s28 =	sld [smem:$0x7D9];
	s0 =	simm.s32 @p2 $0x1;
	p2 =	seq.s32 s26, $0x1  }
0x53b: {  	p2 =	por @!p0 p1, p1  }
0x53c: {  	[smem:$0x7D7] =	sst s0;
	s0 =	simm.s32 @!p2 $0x0  }
0x53d: {  	s29 =	sld [smem:$0x7DA];
	s0 =	simm.s32 @p2 $0x1;
	p2 =	seq.s32 s28, $0x1  }
0x53e: {  	p2 =	por @!p0 p1, p1  }
0x53f: {  	[smem:$0x7D8] =	sst s0;
	s0 =	simm.s32 @!p2 $0x0  }
0x540: {  	s30 =	sld [smem:$0x7DB];
	s0 =	simm.s32 @p2 $0x1;
	p2 =	seq.s32 s29, $0x1  }
0x541: {  	p2 =	por @!p0 p1, p1  }
0x542: {  	[smem:$0x7D9] =	sst s0;
	s0 =	simm.s32 @!p2 $0x0  }
0x543: {  	s31 =	sld [smem:$0x7DC];
	s0 =	simm.s32 @p2 $0x1;
	p2 =	seq.s32 s30, $0x1  }
0x544: {  	p2 =	por @!p0 p1, p1  }
0x545: {  	[smem:$0x7DA] =	sst s0;
	s0 =	simm.s32 @!p2 $0x0  }
0x546: {  	s1 =	sld [smem:$0x7DD];
	s0 =	simm.s32 @p2 $0x1;
	p2 =	seq.s32 s31, $0x1  }
0x547: {  	p2 =	por @!p0 p1, p1  }
0x548: {  	[smem:$0x7DB] =	sst s0;
	s0 =	simm.s32 @!p2 $0x0  }
0x549: {  	s14 =	sld [smem:$0x7CC];
	s0 =	simm.s32 @p2 $0x1;
	p2 =	seq.s32 s1, $0x1  }
0x54a: {  	s2 =	sld [smem:$0x7DF];
	p2 =	por @!p0 p1, p1  }
0x54b: {  	[smem:$0x7DC] =	sst s0;
	s0 =	simm.s32 @!p2 $0x0  }
0x54c: {  	p4 =	por @!p0 p1, p1;
	s3 =	sld [smem:$0x7E0];
	s0 =	simm.s32 @p2 $0x1  }
0x54d: {  	p2 =	seq.s32 s2, $0x1;
	[smem:$0x7DD] =	sst s0;
	s0 =	simm.s32 @!p4 $0x0  }
0x54e: {  	s4 =	sld [smem:$0x7C6];
	p2 =	por @!p0 p1, p1;
	s0 =	simm.s32 @p4 $0x1  }
0x54f: {  	[smem:$0x7DE] =	sst s0;
	s0 =	simm.s32 @!p2 $0x0  }
0x550: {  	p5 =	seq.s32 s14, $0x1;
	s0 =	simm.s32 @p2 $0x1;
	p2 =	seq.s32 s3, $0x1  }
0x551: {  	p5 =	por @!p0 p1, p1;
	p2 =	por @!p0 p1, p1  }
0x552: {  	[smem:$0x7DF] =	sst s0;
	p0 =	seq.s32 s4, $0x1;
	s0 =	simm.s32 @!p2 $0x0  }
0x553: {  	s6 =	sld [smem:$0x7C3];
	s0 =	simm.s32 @p2 $0x1;
	p2 =	por @!p0 $0x0, $0x0  }
0x554: {  	[smem:$0x7E0] =	sst s0;
	s0 =	simm.s32 @!p2 $0x0  }
0x555: {  	s5 =	sld [smem:$0x7E1];
	s0 =	simm.s32 @p2 $0x1  }
0x556: {  	[smem:$0x7C4] =	sst s0  }
0x557: {  	s7 =	sld [smem:$0x7C4]  }
0x558: {  	p6 =	seq.s32 s6, $0x1;
	s8 =	sld [smem:$0x7C8];
	p2 =	seq.s32 s5, $0x1  }
0x559: {  	s9 =	sld [smem:$0x7C9];
	p2 =	por @!p6 p1, p1  }
0x55a: {  	p4 =	por p3, p3;
	s0 =	simm.s32 @!p2 $0x0;
	p1 =	seq.s32 s7, $0x1  }
0x55b: {  	s0 =	simm.s32 @p2 $0x1;
	p2 =	por @!p0 $0x1, $0x1;
	p4 =	por @!p0 p1, p1  }
0x55c: {  	[smem:$0x7E1] =	sst s0;
	p1 =	seq.s32 s8, $0x1;
	s0 =	simm.s32 @!p4 $0x0  }
0x55d: {  	p1 =	por @!p0 p2, p2;
	s0 =	simm.s32 @p4 $0x1  }
0x55e: {  	[smem:$0x7E5] =	sst s0;
	s0 =	simm.s32 @!p1 $0x0  }
0x55f: {  	s10 =	sld [smem:$0x7CA];
	s0 =	simm.s32 @p1 $0x1;
	p1 =	seq.s32 s9, $0x1  }
0x560: {  	p1 =	por @!p0 p2, p2  }
0x561: {  	[smem:$0x7C8] =	sst s0;
	s0 =	simm.s32 @!p1 $0x0  }
0x562: {  	s11 =	sld [smem:$0x7CB];
	s0 =	simm.s32 @p1 $0x1;
	p1 =	seq.s32 s10, $0x1  }
0x563: {  	p1 =	por @!p0 p2, p2  }
0x564: {  	[smem:$0x7C9] =	sst s0;
	s0 =	simm.s32 @!p1 $0x0  }
0x565: {  	s0 =	simm.s32 @p1 $0x1;
	p1 =	seq.s32 s11, $0x1  }
0x566: {  	s13 =	sld [smem:$0x7CE];
	p1 =	por @!p0 p2, p2  }
0x567: {  	[smem:$0x7CA] =	sst s0;
	s0 =	simm.s32 @!p1 $0x0  }
0x568: {  	s14 =	sld [smem:$0x7CF];
	p5 =	por @!p0 p2, p2;
	s0 =	simm.s32 @p1 $0x1  }
0x569: {  	p1 =	seq.s32 s13, $0x1;
	[smem:$0x7CB] =	sst s0;
	s0 =	simm.s32 @!p5 $0x0  }
0x56a: {  	p1 =	por @!p0 p2, p2;
	s0 =	simm.s32 @p5 $0x1  }
0x56b: {  	[smem:$0x7CC] =	sst s0;
	s0 =	simm.s32 @!p1 $0x0  }
0x56c: {  	s15 =	sld [smem:$0x7D0];
	s0 =	simm.s32 @p1 $0x1;
	p1 =	seq.s32 s14, $0x1  }
0x56d: {  	p1 =	por @!p0 p2, p2  }
0x56e: {  	[smem:$0x7CE] =	sst s0;
	s0 =	simm.s32 @!p1 $0x0  }
0x56f: {  	s16 =	sld [smem:$0x7D1];
	s0 =	simm.s32 @p1 $0x1;
	p1 =	seq.s32 s15, $0x1  }
0x570: {  	p1 =	por @!p0 p2, p2  }
0x571: {  	[smem:$0x7CF] =	sst s0;
	s0 =	simm.s32 @!p1 $0x0  }
0x572: {  	s17 =	sld [smem:$0x7D2];
	s0 =	simm.s32 @p1 $0x1;
	p1 =	seq.s32 s16, $0x1  }
0x573: {  	p1 =	por @!p0 p2, p2  }
0x574: {  	[smem:$0x7D0] =	sst s0;
	s0 =	simm.s32 @!p1 $0x0  }
0x575: {  	s18 =	sld [smem:$0x7D3];
	s0 =	simm.s32 @p1 $0x1;
	p1 =	seq.s32 s17, $0x1  }
0x576: {  	p1 =	por @!p0 p2, p2  }
0x577: {  	[smem:$0x7D1] =	sst s0;
	s0 =	simm.s32 @!p1 $0x0  }
0x578: {  	s19 =	sld [smem:$0x7D4];
	s0 =	simm.s32 @p1 $0x1;
	p1 =	seq.s32 s18, $0x1  }
0x579: {  	p1 =	por @!p0 p2, p2  }
0x57a: {  	[smem:$0x7D2] =	sst s0;
	s0 =	simm.s32 @!p1 $0x0  }
0x57b: {  	s20 =	sld [smem:$0x7D5];
	s0 =	simm.s32 @p1 $0x1;
	p1 =	seq.s32 s19, $0x1  }
0x57c: {  	p1 =	por @!p0 p2, p2  }
0x57d: {  	[smem:$0x7D3] =	sst s0;
	s0 =	simm.s32 @!p1 $0x0  }
0x57e: {  	s21 =	sld [smem:$0x7D6];
	s0 =	simm.s32 @p1 $0x1;
	p1 =	seq.s32 s20, $0x1  }
0x57f: {  	p1 =	por @!p0 p2, p2  }
0x580: {  	[smem:$0x7D4] =	sst s0;
	s0 =	simm.s32 @!p1 $0x0  }
0x581: {  	s22 =	sld [smem:$0x7D7];
	s0 =	simm.s32 @p1 $0x1;
	p1 =	seq.s32 s21, $0x1  }
0x582: {  	p1 =	por @!p0 p2, p2  }
0x583: {  	[smem:$0x7D5] =	sst s0;
	s0 =	simm.s32 @!p1 $0x0  }
0x584: {  	s23 =	sld [smem:$0x7D8];
	s0 =	simm.s32 @p1 $0x1;
	p1 =	seq.s32 s22, $0x1  }
0x585: {  	p1 =	por @!p0 p2, p2  }
0x586: {  	[smem:$0x7D6] =	sst s0;
	s0 =	simm.s32 @!p1 $0x0  }
0x587: {  	s24 =	sld [smem:$0x7D9];
	s0 =	simm.s32 @p1 $0x1;
	p1 =	seq.s32 s23, $0x1  }
0x588: {  	p1 =	por @!p0 p2, p2  }
0x589: {  	[smem:$0x7D7] =	sst s0;
	s0 =	simm.s32 @!p1 $0x0  }
0x58a: {  	s25 =	sld [smem:$0x7DA];
	s0 =	simm.s32 @p1 $0x1;
	p1 =	seq.s32 s24, $0x1  }
0x58b: {  	p1 =	por @!p0 p2, p2  }
0x58c: {  	[smem:$0x7D8] =	sst s0;
	s0 =	simm.s32 @!p1 $0x0  }
0x58d: {  	s26 =	sld [smem:$0x7DB];
	s0 =	simm.s32 @p1 $0x1;
	p1 =	seq.s32 s25, $0x1  }
0x58e: {  	p1 =	por @!p0 p2, p2  }
0x58f: {  	[smem:$0x7D9] =	sst s0;
	s0 =	simm.s32 @!p1 $0x0  }
0x590: {  	s28 =	sld [smem:$0x7DC];
	s0 =	simm.s32 @p1 $0x1;
	p1 =	seq.s32 s26, $0x1  }
0x591: {  	s12 =	sld [smem:$0x7CD];
	p1 =	por @!p0 p2, p2  }
0x592: {  	[smem:$0x7DA] =	sst s0;
	s0 =	simm.s32 @!p1 $0x0  }
0x593: {  	s29 =	sld [smem:$0x7DD];
	s0 =	simm.s32 @p1 $0x1;
	p1 =	seq.s32 s28, $0x1  }
0x594: {  	s2 =	sld [smem:$0x7C5];
	p1 =	por @!p0 p2, p2  }
0x595: {  	[smem:$0x7DB] =	sst s0;
	s0 =	simm.s32 @!p1 $0x0  }
0x596: {  	s30 =	sld [smem:$0x7DE];
	s0 =	simm.s32 @p1 $0x1;
	p1 =	seq.s32 s29, $0x1  }
0x597: {  	s4 =	sld [smem:$0x7C6];
	p1 =	por @!p0 p2, p2  }
0x598: {  	[smem:$0x7DC] =	sst s0;
	s0 =	simm.s32 @!p1 $0x0  }
0x599: {  	s31 =	sld [smem:$0x7DF];
	s0 =	simm.s32 @p1 $0x1;
	p1 =	seq.s32 s30, $0x1  }
0x59a: {  	s3 =	sld [smem:$0x7E1];
	p1 =	por @!p0 p2, p2  }
0x59b: {  	[smem:$0x7DD] =	sst s0;
	s0 =	simm.s32 @!p1 $0x0  }
0x59c: {  	s1 =	sld [smem:$0x7E0];
	s0 =	simm.s32 @p1 $0x1;
	p1 =	seq.s32 s31, $0x1  }
0x59d: {  	p3 =	por @!p0 p2, p2;
	p4 =	seq.s32 s12, $0x1;
	p1 =	por @!p0 p2, p2  }
0x59e: {  	p6 =	seq.s32 s3, $0x1;
	[smem:$0x7DE] =	sst s0;
	s0 =	simm.s32 @!p1 $0x0  }
0x59f: {  	s5 =	sld [smem:$0x7C8];
	s0 =	simm.s32 @p1 $0x1;
	p1 =	seq.s32 s1, $0x1  }
0x5a0: {  	p4 =	por @!p0 p2, p2;
	s6 =	sld [smem:$0x7C9];
	p1 =	por @!p0 p2, p2  }
0x5a1: {  	p5 =	seq.s32 s4, $0x1;
	[smem:$0x7DF] =	sst s0;
	s0 =	simm.s32 @!p1 $0x0  }
0x5a2: {  	p6 =	por @!p5 p2, p2;
	p0 =	seq.s32 s2, $0x1;
	s0 =	simm.s32 @p1 $0x1  }
0x5a3: {  	p1 =	por @!p0 $0x1, $0x1;
	[smem:$0x7E0] =	sst s0;
	s0 =	simm.s32 @!p6 $0x0  }
0x5a4: {  	p2 =	por p0, p0;
	p3 =	por @!p0 p1, p1;
	s0 =	simm.s32 @p6 $0x1  }
0x5a5: {  	p0 =	seq.s32 s5, $0x1;
	[smem:$0x7E1] =	sst s0;
	s0 =	simm.s32 @!p3 $0x0  }
0x5a6: {  	p0 =	por @!p2 p1, p1;
	s0 =	simm.s32 @p3 $0x1  }
0x5a7: {  	[smem:$0x7C7] =	sst s0;
	s0 =	simm.s32 @!p0 $0x0  }
0x5a8: {  	s7 =	sld [smem:$0x7CA];
	s0 =	simm.s32 @p0 $0x1;
	p0 =	seq.s32 s6, $0x1  }
0x5a9: {  	p0 =	por @!p2 p1, p1  }
0x5aa: {  	[smem:$0x7C8] =	sst s0;
	s0 =	simm.s32 @!p0 $0x0  }
0x5ab: {  	s8 =	sld [smem:$0x7CB];
	s0 =	simm.s32 @p0 $0x1;
	p0 =	seq.s32 s7, $0x1  }
0x5ac: {  	p0 =	por @!p2 p1, p1  }
0x5ad: {  	[smem:$0x7C9] =	sst s0;
	s0 =	simm.s32 @!p0 $0x0  }
0x5ae: {  	s9 =	sld [smem:$0x7CC];
	s0 =	simm.s32 @p0 $0x1;
	p0 =	seq.s32 s8, $0x1  }
0x5af: {  	p0 =	por @!p2 p1, p1  }
0x5b0: {  	[smem:$0x7CA] =	sst s0;
	s0 =	simm.s32 @!p0 $0x0  }
0x5b1: {  	s0 =	simm.s32 @p0 $0x1;
	p0 =	seq.s32 s9, $0x1  }
0x5b2: {  	s10 =	sld [smem:$0x7CE];
	p0 =	por @!p2 p1, p1  }
0x5b3: {  	[smem:$0x7CB] =	sst s0;
	s0 =	simm.s32 @!p0 $0x0  }
0x5b4: {  	s11 =	sld [smem:$0x7CF];
	p4 =	por @!p2 p1, p1;
	s0 =	simm.s32 @p0 $0x1  }
0x5b5: {  	p0 =	seq.s32 s10, $0x1;
	[smem:$0x7CC] =	sst s0;
	s0 =	simm.s32 @!p4 $0x0  }
0x5b6: {  	p0 =	por @!p2 p1, p1;
	s0 =	simm.s32 @p4 $0x1  }
0x5b7: {  	[smem:$0x7CD] =	sst s0;
	s0 =	simm.s32 @!p0 $0x0  }
0x5b8: {  	s13 =	sld [smem:$0x7D0];
	s0 =	simm.s32 @p0 $0x1;
	p0 =	seq.s32 s11, $0x1  }
0x5b9: {  	p0 =	por @!p2 p1, p1  }
0x5ba: {  	[smem:$0x7CE] =	sst s0;
	s0 =	simm.s32 @!p0 $0x0  }
0x5bb: {  	s14 =	sld [smem:$0x7D1];
	s0 =	simm.s32 @p0 $0x1;
	p0 =	seq.s32 s13, $0x1  }
0x5bc: {  	p0 =	por @!p2 p1, p1  }
0x5bd: {  	[smem:$0x7CF] =	sst s0;
	s0 =	simm.s32 @!p0 $0x0  }
0x5be: {  	s15 =	sld [smem:$0x7D2];
	s0 =	simm.s32 @p0 $0x1;
	p0 =	seq.s32 s14, $0x1  }
0x5bf: {  	p0 =	por @!p2 p1, p1  }
0x5c0: {  	[smem:$0x7D0] =	sst s0;
	s0 =	simm.s32 @!p0 $0x0  }
0x5c1: {  	s16 =	sld [smem:$0x7D3];
	s0 =	simm.s32 @p0 $0x1;
	p0 =	seq.s32 s15, $0x1  }
0x5c2: {  	p0 =	por @!p2 p1, p1  }
0x5c3: {  	[smem:$0x7D1] =	sst s0;
	s0 =	simm.s32 @!p0 $0x0  }
0x5c4: {  	s17 =	sld [smem:$0x7D4];
	s0 =	simm.s32 @p0 $0x1;
	p0 =	seq.s32 s16, $0x1  }
0x5c5: {  	p0 =	por @!p2 p1, p1  }
0x5c6: {  	[smem:$0x7D2] =	sst s0;
	s0 =	simm.s32 @!p0 $0x0  }
0x5c7: {  	s18 =	sld [smem:$0x7D5];
	s0 =	simm.s32 @p0 $0x1;
	p0 =	seq.s32 s17, $0x1  }
0x5c8: {  	s19 =	sld [smem:$0x7D6];
	p0 =	por @!p2 p1, p1  }
0x5c9: {  	[smem:$0x7D3] =	sst s0;
	s0 =	simm.s32 @!p0 $0x0  }
0x5ca: {  	s0 =	simm.s32 @p0 $0x1;
	p0 =	seq.s32 s18, $0x1  }
0x5cb: {  	s20 =	sld [smem:$0x7D7];
	p0 =	por @!p2 p1, p1  }
0x5cc: {  	p3 =	seq.s32 s19, $0x1;
	[smem:$0x7D4] =	sst s0;
	s0 =	simm.s32 @!p0 $0x0  }
0x5cd: {  	s22 =	sld [smem:$0x7D8];
	p3 =	por @!p2 p1, p1;
	s0 =	simm.s32 @p0 $0x1  }
0x5ce: {  	p0 =	seq.s32 s20, $0x1;
	[smem:$0x7D5] =	sst s0;
	s0 =	simm.s32 @!p3 $0x0  }
0x5cf: {  	s12 =	sld [smem:$0x7D9];
	p0 =	por @!p2 p1, p1;
	s0 =	simm.s32 @p3 $0x1  }
0x5d0: {  	p3 =	seq.s32 s22, $0x1;
	[smem:$0x7D6] =	sst s0;
	s0 =	simm.s32 @!p0 $0x0  }
0x5d1: {  	s23 =	sld [smem:$0x7DA];
	p3 =	por @!p2 p1, p1;
	s0 =	simm.s32 @p0 $0x1  }
0x5d2: {  	p6 =	seq.s32 s12, $0x1;
	[smem:$0x7D7] =	sst s0;
	s0 =	simm.s32 @!p3 $0x0  }
0x5d3: {  	s24 =	sld [smem:$0x7DB];
	p6 =	por @!p2 p1, p1;
	s0 =	simm.s32 @p3 $0x1  }
0x5d4: {  	p3 =	seq.s32 s23, $0x1;
	[smem:$0x7D8] =	sst s0;
	s0 =	simm.s32 @!p6 $0x0  }
0x5d5: {  	p3 =	por @!p2 p1, p1;
	s0 =	simm.s32 @p6 $0x1  }
0x5d6: {  	[smem:$0x7D9] =	sst s0;
	s0 =	simm.s32 @!p3 $0x0  }
0x5d7: {  	s25 =	sld [smem:$0x7DC];
	s0 =	simm.s32 @p3 $0x1;
	p3 =	seq.s32 s24, $0x1  }
0x5d8: {  	p3 =	por @!p2 p1, p1  }
0x5d9: {  	[smem:$0x7DA] =	sst s0;
	s0 =	simm.s32 @!p3 $0x0  }
0x5da: {  	s26 =	sld [smem:$0x7DD];
	s0 =	simm.s32 @p3 $0x1;
	p3 =	seq.s32 s25, $0x1  }
0x5db: {  	s21 =	sld [smem:$0x7DE];
	p3 =	por @!p2 p1, p1  }
0x5dc: {  	[smem:$0x7DB] =	sst s0;
	s0 =	simm.s32 @!p3 $0x0  }
0x5dd: {  	s0 =	simm.s32 @p3 $0x1;
	p3 =	seq.s32 s26, $0x1  }
0x5de: {  	s28 =	sld [smem:$0x7DF];
	p3 =	por @!p2 p1, p1  }
0x5df: {  	p0 =	seq.s32 s21, $0x1;
	[smem:$0x7DC] =	sst s0;
	s0 =	simm.s32 @!p3 $0x0  }
0x5e0: {  	p0 =	por @!p2 p1, p1;
	s0 =	simm.s32 @p3 $0x1  }
0x5e1: {  	[smem:$0x7DD] =	sst s0;
	s0 =	simm.s32 @!p0 $0x0  }
0x5e2: {  	s30 =	sld [smem:$0x7E1];
	s0 =	simm.s32 @p0 $0x1;
	p0 =	seq.s32 s28, $0x1  }
0x5e3: {  	s31 =	sld [smem:$0x7E5];
	p0 =	por @!p2 p1, p1  }
0x5e4: {  	[smem:$0x7DE] =	sst s0;
	s0 =	simm.s32 @!p0 $0x0  }
0x5e5: {  	s0 =	simm.s32 @p0 $0x1;
	p0 =	seq.s32 s30, $0x1  }
0x5e6: {  	s29 =	sld [smem:$0x7E0];
	p0 =	por @!p2 p1, p1  }
0x5e7: {  	p4 =	seq.s32 s31, $0x1;
	[smem:$0x7DF] =	sst s0;
	s0 =	simm.s32 @!p0 $0x0  }
0x5e8: {  	s0 =	simm.s32 @p0 $0x1;
	p0 =	por p4, p4  }
0x5e9: {  	p5 =	por p4, p4;
	p6 =	por @!p2 $0x0, $0x0;
	p0 =	por @!p2 p1, p1  }
0x5ea: {  	p3 =	seq.s32 s29, $0x1;
	[smem:$0x7E1] =	sst s0;
	s0 =	simm.s32 @!p0 $0x0  }
0x5eb: {  	p5 =	por @!p2 p6, p6;
	p3 =	por @!p2 p1, p1;
	s0 =	simm.s32 @p0 $0x1  }
0x5ec: {  	p1 =	por p4, p4;
	[smem:$0x7E2] =	sst s0;
	s0 =	simm.s32 @!p5 $0x0  }
0x5ed: {  	p1 =	por @!p2 p6, p6;
	s0 =	simm.s32 @p5 $0x1  }
0x5ee: {  	[smem:$0x7E3] =	sst s0;
	s0 =	simm.s32 @!p1 $0x0  }
0x5ef: {  	p4 =	por @!p2 p6, p6;
	s0 =	simm.s32 @p1 $0x1  }
0x5f0: {  	[smem:$0x7E4] =	sst s0;
	s0 =	simm.s32 @!p4 $0x0  }
0x5f1: {  	vm11 =	vcmask $0x704;
	s0 =	simm.s32 @p4 $0x1  }
0x5f2: {  	vm12 =	vmmov vm13;
	vm10 =	vcmask $0x2F2C;
	vm9 =	vcmask $0x3734;
	[smem:$0x7E5] =	sst s0  }
.LBB2_10:
0x5f3: {  	s0 =	simm.s32 $0x1  }
0x5f4: {  	_ =	swait.ge [sflag:s0], $0x80  }
0x5f5: {  	[sflag:s0] =	ssyncset.done $0x0  }
0x5f6: {  	[sflag:s0] =	ssyncadd.s32 $0xFFFFFF80  }
0x5f7: {  	_ =	swait.ge [sflag:s0], $0x80  }
0x5f8: {  	[sflag:s0] =	ssyncset.done $0x0  }
0x5f9: {  	[sflag:s0] =	ssyncadd.s32 $0xFFFFFF80  }
0x5fa: {  	_ =	swait.ge [sflag:s0], $0x80  }
0x5fb: {  	[sflag:s0] =	ssyncset.done $0x0  }
0x5fc: {  	[sflag:s0] =	ssyncadd.s32 $0xFFFFFF80  }
0x5fd: {  	_ =	swait.ge [sflag:s0], $0x80  }
0x5fe: {  	[sflag:s0] =	ssyncset.done $0x0  }
0x5ff: {  	[sflag:s0] =	ssyncadd.s32 $0xFFFFFF80  }
0x600: {  	_ =	swait.ge [sflag:s0], $0x80  }
0x601: {  	[sflag:s0] =	ssyncset.done $0x0  }
0x602: {  	[sflag:s0] =	ssyncadd.s32 $0xFFFFFF80  }
0x603: {  	_ =	swait.ge [sflag:s0], $0x80  }
0x604: {  	[sflag:s0] =	ssyncset.done $0x0  }
0x605: {  	[sflag:s0] =	ssyncadd.s32 $0xFFFFFF80  }
0x606: {  	_ =	swait.ge [sflag:s0], $0x80  }
0x607: {  	[sflag:s0] =	ssyncset.done $0x0  }
0x608: {  	[sflag:s0] =	ssyncadd.s32 $0xFFFFFF80  }
0x609: {  	_ =	swait.ge [sflag:s0], $0x80  }
0x60a: {  	[sflag:s0] =	ssyncset.done $0x0  }
0x60b: {  	[sflag:s0] =	ssyncadd.s32 $0xFFFFFF80  }
0x60c: {  	_ =	swait.ge [sflag:s0], $0x80  }
0x60d: {  	[sflag:s0] =	ssyncset.done $0x0  }
0x60e: {  	[sflag:s0] =	ssyncadd.s32 $0xFFFFFF80  }
0x60f: {  	_ =	swait.ge [sflag:s0], $0x80  }
0x610: {  	[sflag:s0] =	ssyncset.done $0x0  }
0x611: {  	[sflag:s0] =	ssyncadd.s32 $0xFFFFFF80  }
0x612: {  	_ =	swait.ge [sflag:s0], $0x80  }
0x613: {  	[sflag:s0] =	ssyncset.done $0x0  }
0x614: {  	[sflag:s0] =	ssyncadd.s32 $0xFFFFFF80  }
0x615: {  	_ =	swait.ge [sflag:s0], $0x80  }
0x616: {  	[sflag:s0] =	ssyncset.done $0x0  }
0x617: {  	[sflag:s0] =	ssyncadd.s32 $0xFFFFFF80  }
0x618: {  	_ =	swait.ge [sflag:s0], $0x80  }
0x619: {  	[sflag:s0] =	ssyncset.done $0x0  }
0x61a: {  	[sflag:s0] =	ssyncadd.s32 $0xFFFFFF80  }
0x61b: {  	_ =	swait.ge [sflag:s0], $0x80  }
0x61c: {  	[sflag:s0] =	ssyncset.done $0x0  }
0x61d: {  	[sflag:s0] =	ssyncadd.s32 $0xFFFFFF80  }
0x61e: {  	_ =	swait.ge [sflag:s0], $0x80  }
0x61f: {  	[sflag:s0] =	ssyncset.done $0x0  }
0x620: {  	[sflag:s0] =	ssyncadd.s32 $0xFFFFFF80  }
0x621: {  	_ =	swait.ge [sflag:s0], $0x80  }
0x622: {  	[sflag:s0] =	ssyncset.done $0x0  }
0x623: {  	[sflag:s0] =	ssyncadd.s32 $0xFFFFFF80  }
0x624: {  	_ =	swait.ge [sflag:s0], $0x80  }
0x625: {  	[sflag:s0] =	ssyncset.done $0x0  }
0x626: {  	[sflag:s0] =	ssyncadd.s32 $0xFFFFFF80  }
0x627: {  	_ =	swait.ge [sflag:s0], $0x80  }
0x628: {  	[sflag:s0] =	ssyncset.done $0x0  }
0x629: {  	[sflag:s0] =	ssyncadd.s32 $0xFFFFFF80  }
0x62a: {  	_ =	swait.ge [sflag:s0], $0x80  }
0x62b: {  	[sflag:s0] =	ssyncset.done $0x0  }
0x62c: {  	[sflag:s0] =	ssyncadd.s32 $0xFFFFFF80  }
0x62d: {  	_ =	swait.ge [sflag:s0], $0x80  }
0x62e: {  	[sflag:s0] =	ssyncset.done $0x0  }
0x62f: {  	[sflag:s0] =	ssyncadd.s32 $0xFFFFFF80  }
0x630: {  	_ =	swait.ge [sflag:s0], $0x80  }
0x631: {  	[sflag:s0] =	ssyncset.done $0x0  }
0x632: {  	[sflag:s0] =	ssyncadd.s32 $0xFFFFFF80  }
0x633: {  	_ =	swait.ge [sflag:s0], $0x80  }
0x634: {  	[sflag:s0] =	ssyncset.done $0x0  }
0x635: {  	[sflag:s0] =	ssyncadd.s32 $0xFFFFFF80  }
0x636: {  	_ =	swait.ge [sflag:s0], $0x80  }
0x637: {  	[sflag:s0] =	ssyncset.done $0x0  }
0x638: {  	[sflag:s0] =	ssyncadd.s32 $0xFFFFFF80  }
0x639: {  	_ =	swait.ge [sflag:s0], $0x80  }
0x63a: {  	[sflag:s0] =	ssyncset.done $0x0  }
0x63b: {  	[sflag:s0] =	ssyncadd.s32 $0xFFFFFF80  }
0x63c: {  	_ =	swait.ge [sflag:s0], $0x80  }
0x63d: {  	[sflag:s0] =	ssyncset.done $0x0  }
0x63e: {  	[sflag:s0] =	ssyncadd.s32 $0xFFFFFF80  }
0x63f: {  	_ =	swait.ge [sflag:s0], $0x80  }
0x640: {  	[sflag:s0] =	ssyncset.done $0x0  }
0x641: {  	[sflag:s0] =	ssyncadd.s32 $0xFFFFFF80  }
0x642: {  	_ =	swait.ge [sflag:s0], $0x80  }
0x643: {  	[sflag:s0] =	ssyncset.done $0x0  }
0x644: {  	[sflag:s0] =	ssyncadd.s32 $0xFFFFFF80  }
0x645: {  	_ =	swait.ge [sflag:s0], $0x80  }
0x646: {  	[sflag:s0] =	ssyncset.done $0x0  }
0x647: {  	[sflag:s0] =	ssyncadd.s32 $0xFFFFFF80  }
0x648: {  	_ =	swait.ge [sflag:s0], $0x80  }
0x649: {  	[sflag:s0] =	ssyncset.done $0x0  }
0x64a: {  	[sflag:s0] =	ssyncadd.s32 $0xFFFFFF80  }
0x64b: {  	_ =	swait.ge [sflag:s0], $0x80  }
0x64c: {  	[sflag:s0] =	ssyncset.done $0x0  }
0x64d: {  	[sflag:s0] =	ssyncadd.s32 $0xFFFFFF80  }
0x64e: {  	_ =	swait.ge [sflag:s0], $0x80  }
0x64f: {  	[sflag:s0] =	ssyncset.done $0x0  }
0x650: {  	[sflag:s0] =	ssyncadd.s32 $0xFFFFFF80  }
0x651: {  	_ =	swait.ge [sflag:s0], $0x80  }
0x652: {  	s23 =	sld [smem:$0x7E6];
	_ =	sdelay $0x2  }
0x653: {  	[sflag:s0] =	ssyncset.done $0x0;
	p2 =	seq.s32 s23, $0x1  }
0x654: {  	[sflag:s0] =	ssyncadd.s32 $0xFFFFFF80;
	s0 =	simm.s32 @!p2 $0x1  }
0x655: {  	_ =	swait.ge @!p2 [sflag:s0], $0x80  }
0x656: {  	s24 =	sld [smem:$0x7D4];
	_ =	sdelay $0x2  }
0x657: {  	[sflag:s0] =	ssyncset.done @!p2 $0x0;
	p1 =	seq.s32 s24, $0x1  }
0x658: {  	[sflag:s0] =	ssyncadd.s32 @!p2 $0xFFFFFF80;
	s0 =	simm.s32 @p1 $0x1  }
0x659: {  	_ =	swait.ge @p1 [sflag:s0], $0x80  }
0x65a: {  	s25 =	sld [smem:$0x7D5];
	_ =	sdelay $0x1  }
0x65b: {  	[sflag:s0] =	ssyncset.done @p1 $0x0  }
0x65c: {  	[sflag:s0] =	ssyncadd.s32 @p1 $0xFFFFFF80;
	p1 =	seq.s32 s25, $0x1  }
0x65d: {  	s0 =	simm.s32 @p1 $0x1  }
0x65e: {  	_ =	swait.ge @p1 [sflag:s0], $0x80  }
0x65f: {  	s26 =	sld [smem:$0x7D3];
	_ =	sdelay $0x2  }
0x660: {  	[sflag:s0] =	ssyncset.done @p1 $0x0;
	p5 =	seq.s32 s26, $0x1  }
0x661: {  	[sflag:s0] =	ssyncadd.s32 @p1 $0xFFFFFF80;
	s0 =	simm.s32 @p5 $0x1  }
0x662: {  	_ =	swait.ge @p5 [sflag:s0], $0x80  }
0x663: {  	s29 =	sld [smem:$0x7D6];
	_ =	sdelay $0x2  }
0x664: {  	[sflag:s0] =	ssyncset.done @p5 $0x0;
	p1 =	seq.s32 s29, $0x1  }
0x665: {  	[sflag:s0] =	ssyncadd.s32 @p5 $0xFFFFFF80;
	s0 =	simm.s32 @p1 $0x1  }
0x666: {  	_ =	swait.ge @p1 [sflag:s0], $0x80  }
0x667: {  	s1 =	sld [smem:$0x7D2];
	_ =	sdelay $0x1  }
0x668: {  	[sflag:s0] =	ssyncset.done @p1 $0x0  }
0x669: {  	[sflag:s0] =	ssyncadd.s32 @p1 $0xFFFFFF80;
	p1 =	seq.s32 s1, $0x1  }
0x66a: {  	s0 =	simm.s32 @p1 $0x1  }
0x66b: {  	_ =	swait.ge @p1 [sflag:s0], $0x80  }
0x66c: {  	s2 =	sld [smem:$0x7D7];
	_ =	sdelay $0x1  }
0x66d: {  	[sflag:s0] =	ssyncset.done @p1 $0x0  }
0x66e: {  	[sflag:s0] =	ssyncadd.s32 @p1 $0xFFFFFF80;
	p1 =	seq.s32 s2, $0x1  }
0x66f: {  	s0 =	simm.s32 @p1 $0x1  }
0x670: {  	_ =	swait.ge @p1 [sflag:s0], $0x80  }
0x671: {  	s3 =	sld [smem:$0x7D1];
	_ =	sdelay $0x1  }
0x672: {  	[sflag:s0] =	ssyncset.done @p1 $0x0  }
0x673: {  	[sflag:s0] =	ssyncadd.s32 @p1 $0xFFFFFF80;
	p1 =	seq.s32 s3, $0x1  }
0x674: {  	s0 =	simm.s32 @p1 $0x1  }
0x675: {  	_ =	swait.ge @p1 [sflag:s0], $0x80  }
0x676: {  	s4 =	sld [smem:$0x7D8];
	_ =	sdelay $0x1  }
0x677: {  	[sflag:s0] =	ssyncset.done @p1 $0x0  }
0x678: {  	[sflag:s0] =	ssyncadd.s32 @p1 $0xFFFFFF80;
	p1 =	seq.s32 s4, $0x1  }
0x679: {  	s0 =	simm.s32 @p1 $0x1  }
0x67a: {  	_ =	swait.ge @p1 [sflag:s0], $0x80  }
0x67b: {  	s5 =	sld [smem:$0x7D0];
	_ =	sdelay $0x1  }
0x67c: {  	[sflag:s0] =	ssyncset.done @p1 $0x0  }
0x67d: {  	[sflag:s0] =	ssyncadd.s32 @p1 $0xFFFFFF80;
	p1 =	seq.s32 s5, $0x1  }
0x67e: {  	s0 =	simm.s32 @p1 $0x1  }
0x67f: {  	_ =	swait.ge @p1 [sflag:s0], $0x80  }
0x680: {  	s6 =	sld [smem:$0x7D9];
	_ =	sdelay $0x2  }
0x681: {  	[sflag:s0] =	ssyncset.done @p1 $0x0;
	p4 =	seq.s32 s6, $0x1  }
0x682: {  	[sflag:s0] =	ssyncadd.s32 @p1 $0xFFFFFF80;
	s0 =	simm.s32 @p4 $0x1  }
0x683: {  	_ =	swait.ge @p4 [sflag:s0], $0x80  }
0x684: {  	s7 =	sld [smem:$0x7CF];
	_ =	sdelay $0x2  }
0x685: {  	[sflag:s0] =	ssyncset.done @p4 $0x0;
	p1 =	seq.s32 s7, $0x1  }
0x686: {  	[sflag:s0] =	ssyncadd.s32 @p4 $0xFFFFFF80;
	s0 =	simm.s32 @p1 $0x1  }
0x687: {  	_ =	swait.ge @p1 [sflag:s0], $0x80  }
0x688: {  	s8 =	sld [smem:$0x7DA];
	_ =	sdelay $0x2  }
0x689: {  	[sflag:s0] =	ssyncset.done @p1 $0x0;
	p6 =	seq.s32 s8, $0x1  }
0x68a: {  	[sflag:s0] =	ssyncadd.s32 @p1 $0xFFFFFF80;
	s0 =	simm.s32 @p6 $0x1  }
0x68b: {  	_ =	swait.ge @p6 [sflag:s0], $0x80  }
0x68c: {  	s9 =	sld [smem:$0x7CE];
	_ =	sdelay $0x1  }
0x68d: {  	[sflag:s0] =	ssyncset.done @p6 $0x0  }
0x68e: {  	[sflag:s0] =	ssyncadd.s32 @p6 $0xFFFFFF80;
	p6 =	seq.s32 s9, $0x1  }
0x68f: {  	s0 =	simm.s32 @p6 $0x1  }
0x690: {  	_ =	swait.ge @p6 [sflag:s0], $0x80  }
0x691: {  	s10 =	sld [smem:$0x7DB];
	_ =	sdelay $0x2  }
0x692: {  	[sflag:s0] =	ssyncset.done @p6 $0x0;
	p1 =	seq.s32 s10, $0x1  }
0x693: {  	[sflag:s0] =	ssyncadd.s32 @p6 $0xFFFFFF80;
	s0 =	simm.s32 @p1 $0x1  }
0x694: {  	_ =	swait.ge @p1 [sflag:s0], $0x80  }
0x695: {  	s11 =	sld [smem:$0x7CD];
	_ =	sdelay $0x1  }
0x696: {  	[sflag:s0] =	ssyncset.done @p1 $0x0  }
0x697: {  	[sflag:s0] =	ssyncadd.s32 @p1 $0xFFFFFF80;
	p1 =	seq.s32 s11, $0x1  }
0x698: {  	s0 =	simm.s32 @p1 $0x1  }
0x699: {  	_ =	swait.ge @p1 [sflag:s0], $0x80  }
0x69a: {  	s12 =	sld [smem:$0x7DC];
	_ =	sdelay $0x1  }
0x69b: {  	[sflag:s0] =	ssyncset.done @p1 $0x0  }
0x69c: {  	[sflag:s0] =	ssyncadd.s32 @p1 $0xFFFFFF80;
	p1 =	seq.s32 s12, $0x1  }
0x69d: {  	s0 =	simm.s32 @p1 $0x1  }
0x69e: {  	_ =	swait.ge @p1 [sflag:s0], $0x80  }
0x69f: {  	s13 =	sld [smem:$0x7CC];
	_ =	sdelay $0x1  }
0x6a0: {  	[sflag:s0] =	ssyncset.done @p1 $0x0  }
0x6a1: {  	[sflag:s0] =	ssyncadd.s32 @p1 $0xFFFFFF80;
	p1 =	seq.s32 s13, $0x1  }
0x6a2: {  	s0 =	simm.s32 @p1 $0x1  }
0x6a3: {  	_ =	swait.ge @p1 [sflag:s0], $0x80  }
0x6a4: {  	s14 =	sld [smem:$0x7DD];
	_ =	sdelay $0x1  }
0x6a5: {  	[sflag:s0] =	ssyncset.done @p1 $0x0  }
0x6a6: {  	[sflag:s0] =	ssyncadd.s32 @p1 $0xFFFFFF80;
	p1 =	seq.s32 s14, $0x1  }
0x6a7: {  	s0 =	simm.s32 @p1 $0x1  }
0x6a8: {  	_ =	swait.ge @p1 [sflag:s0], $0x80  }
0x6a9: {  	s15 =	sld [smem:$0x7CB];
	_ =	sdelay $0x1  }
0x6aa: {  	[sflag:s0] =	ssyncset.done @p1 $0x0  }
0x6ab: {  	[sflag:s0] =	ssyncadd.s32 @p1 $0xFFFFFF80;
	p1 =	seq.s32 s15, $0x1  }
0x6ac: {  	s0 =	simm.s32 @p1 $0x1  }
0x6ad: {  	_ =	swait.ge @p1 [sflag:s0], $0x80  }
0x6ae: {  	s16 =	sld [smem:$0x7DE];
	_ =	sdelay $0x2  }
0x6af: {  	[sflag:s0] =	ssyncset.done @p1 $0x0;
	p0 =	seq.s32 s16, $0x1  }
0x6b0: {  	[sflag:s0] =	ssyncadd.s32 @p1 $0xFFFFFF80;
	s0 =	simm.s32 @p0 $0x1  }
0x6b1: {  	_ =	swait.ge @p0 [sflag:s0], $0x80  }
0x6b2: {  	s17 =	sld [smem:$0x7CA];
	_ =	sdelay $0x2  }
0x6b3: {  	[sflag:s0] =	ssyncset.done @p0 $0x0;
	p1 =	seq.s32 s17, $0x1  }
0x6b4: {  	[sflag:s0] =	ssyncadd.s32 @p0 $0xFFFFFF80;
	s0 =	simm.s32 @p1 $0x1  }
0x6b5: {  	_ =	swait.ge @p1 [sflag:s0], $0x80  }
0x6b6: {  	s18 =	sld [smem:$0x7DF];
	_ =	sdelay $0x2  }
0x6b7: {  	[sflag:s0] =	ssyncset.done @p1 $0x0;
	p0 =	seq.s32 s18, $0x1  }
0x6b8: {  	[sflag:s0] =	ssyncadd.s32 @p1 $0xFFFFFF80;
	s0 =	simm.s32 @p0 $0x1  }
0x6b9: {  	_ =	swait.ge @p0 [sflag:s0], $0x80  }
0x6ba: {  	s19 =	sld [smem:$0x7C9];
	_ =	sdelay $0x1  }
0x6bb: {  	[sflag:s0] =	ssyncset.done @p0 $0x0  }
0x6bc: {  	[sflag:s0] =	ssyncadd.s32 @p0 $0xFFFFFF80;
	p0 =	seq.s32 s19, $0x1  }
0x6bd: {  	s0 =	simm.s32 @p0 $0x1  }
0x6be: {  	_ =	swait.ge @p0 [sflag:s0], $0x80  }
0x6bf: {  	[sflag:s0] =	ssyncset.done @p0 $0x0  }
0x6c0: {  	[sflag:s0] =	ssyncadd.s32 @p0 $0xFFFFFF80;
	s0 =	simm.s32 @p3 $0x1  }
0x6c1: {  	_ =	swait.ge @p3 [sflag:s0], $0x80  }
0x6c2: {  	s20 =	sld [smem:$0x7C8];
	_ =	sdelay $0x2  }
0x6c3: {  	[sflag:s0] =	ssyncset.done @p3 $0x0;
	p0 =	seq.s32 s20, $0x1  }
0x6c4: {  	[sflag:s0] =	ssyncadd.s32 @p3 $0xFFFFFF80;
	s0 =	simm.s32 @p0 $0x1  }
0x6c5: {  	_ =	swait.ge @p0 [sflag:s0], $0x80  }
0x6c6: {  	s21 =	sld [smem:$0x7E1];
	_ =	sdelay $0x1  }
0x6c7: {  	[sflag:s0] =	ssyncset.done @p0 $0x0  }
0x6c8: {  	[sflag:s0] =	ssyncadd.s32 @p0 $0xFFFFFF80;
	p0 =	seq.s32 s21, $0x1  }
0x6c9: {  	s0 =	simm.s32 @p0 $0x1  }
0x6ca: {  	_ =	swait.ge @p0 [sflag:s0], $0x80  }
0x6cb: {  	s22 =	sld [smem:$0x7C7];
	_ =	sdelay $0x1  }
0x6cc: {  	[sflag:s0] =	ssyncset.done @p0 $0x0  }
0x6cd: {  	[sflag:s0] =	ssyncadd.s32 @p0 $0xFFFFFF80;
	p0 =	seq.s32 s22, $0x1  }
0x6ce: {  	s0 =	simm.s32 @p0 $0x1  }
0x6cf: {  	_ =	swait.ge @p0 [sflag:s0], $0x80  }
0x6d0: {  	s23 =	sld [smem:$0x7E2];
	_ =	sdelay $0x1  }
0x6d1: {  	[sflag:s0] =	ssyncset.done @p0 $0x0  }
0x6d2: {  	[sflag:s0] =	ssyncadd.s32 @p0 $0xFFFFFF80;
	p0 =	seq.s32 s23, $0x1  }
0x6d3: {  	s0 =	simm.s32 @p0 $0x1  }
0x6d4: {  	_ =	swait.ge @p0 [sflag:s0], $0x80  }
0x6d5: {  	s24 =	sld [smem:$0x7E4];
	_ =	sdelay $0x1  }
0x6d6: {  	[sflag:s0] =	ssyncset.done @p0 $0x0  }
0x6d7: {  	[sflag:s0] =	ssyncadd.s32 @p0 $0xFFFFFF80;
	p0 =	seq.s32 s24, $0x1  }
0x6d8: {  	s0 =	simm.s32 @p0 $0x1  }
0x6d9: {  	_ =	swait.ge @p0 [sflag:s0], $0x80  }
0x6da: {  	s25 =	sld [smem:$0x7E5];
	_ =	sdelay $0x1  }
0x6db: {  	[sflag:s0] =	ssyncset.done @p0 $0x0  }
0x6dc: {  	[sflag:s0] =	ssyncadd.s32 @p0 $0xFFFFFF80;
	p0 =	seq.s32 s25, $0x1  }
0x6dd: {  	s0 =	simm.s32 @p0 $0x1  }
0x6de: {  	_ =	swait.ge @p0 [sflag:s0], $0x80  }
0x6df: {  	s26 =	sld [smem:$0x7E3];
	_ =	sdelay $0x1  }
0x6e0: {  	[sflag:s0] =	ssyncset.done @p0 $0x0  }
0x6e1: {  	[sflag:s0] =	ssyncadd.s32 @p0 $0xFFFFFF80;
	p0 =	seq.s32 s26, $0x1  }
0x6e2: {  	s0 =	simm.s32 @p0 $0x1  }
0x6e3: {  	_ =	swait.ge @p0 [sflag:s0], $0x80  }
0x6e4: {  	[sflag:s0] =	ssyncset.done @p0 $0x0  }
0x6e5: {  	s24 =	simm.s32 $0x0;
	[sflag:s0] =	ssyncadd.s32 @p0 $0xFFFFFF80  }
0x6e6: {  	v6 =	vld [tilespmem:s24+$0x0];
	_ =	sdelay $0x4  }
0x6e7: {  	(v2sf) =	vpush v6, $0x0  }
0x6e8: {  	(v2sf) =	vpush v6, $0x7  }
0x6e9: {  	(v2sf) =	vpush v6, $0x1  }
0x6ea: {  	(v2sf) =	vpush v6, $0x2  }
0x6eb: {  	(v2sf) =	vpush v6, $0x6  }
0x6ec: {  	(v2sf) =	vpush v6, $0x3  }
0x6ed: {  	(v2sf) =	vpush v6, $0x4  }
0x6ee: {  	(v2sf) =	vpush v6, $0xC  }
0x6ef: {  	(v2sf) =	vpush v6, $0x8  }
0x6f0: {  	(v2sf) =	vpush v6, $0xD  }
0x6f1: {  	(v2sf) =	vpush v6, $0x5;
	_ =	sdelay $0x4  }
0x6f2: {  	s29 =	spop (v2sf)  }
0x6f3: {  	(v2sf) =	vpush v6, $0xE;
	s1 =	spop (v2sf)  }
0x6f4: {  	(v2sf) =	vpush v6, $0x9;
	s3 =	spop (v2sf)  }
0x6f5: {  	s2 =	smulhi.u32 $0x66666667, s29;
	s0 =	sshra.s32 s29, $0x1F;
	s5 =	spop (v2sf)  }
0x6f6: {  	s4 =	sshra.s32 s1, $0x1F;
	s1 =	smulhi.u32 $0x66666667, s1;
	s6 =	spop (v2sf)  }
0x6f7: {  	s17 =	smul.u32 $0x66666667, s0;
	s9 =	spop (v2sf)  }
0x6f8: {  	s4 =	smul.u32 $0x66666667, s4;
	s11 =	spop (v2sf)  }
0x6f9: {  	s8 =	smulhi.u32 $0x66666667, s3;
	s13 =	spop (v2sf)  }
0x6fa: {  	(v2sf) =	vpush v6, $0xA;
	s3 =	sshra.s32 s3, $0x1F;
	s10 =	smulhi.u32 $0x66666667, s5;
	s15 =	spop (v2sf)  }
0x6fb: {  	(v2sf) =	vpush v6, $0xB;
	s3 =	smul.u32 $0x66666667, s3;
	s16 =	spop (v2sf)  }
0x6fc: {  	s5 =	sshra.s32 s5, $0x1F;
	s7 =	smulhi.u32 $0x66666667, s6;
	s18 =	spop (v2sf);
	(v2sf) =	vpush v6, $0xF  }
0x6fd: {  	s6 =	sshra.s32 s6, $0x1F;
	s14 =	smul.u32 $0x66666667, s5  }
0x6fe: {  	s6 =	smul.u32 $0x66666667, s6  }
0x6ff: {  	s20 =	sshra.s32 s9, $0x1F;
	s9 =	smulhi.u32 $0x66666667, s9  }
0x700: {  	s12 =	smulhi.u32 $0x66666667, s11;
	s11 =	sshra.s32 s11, $0x1F  }
0x701: {  	s11 =	smul.u32 $0x66666667, s11  }
0x702: {  	s26 =	smul.u32 $0x66666667, s20;
	s5 =	sshra.s32 s13, $0x1F;
	s21 =	spop (v2sf)  }
0x703: {  	s13 =	smulhi.u32 $0x66666667, s13;
	s11 =	sadd.s32 s11, s12;
	s22 =	spop (v2sf)  }
0x704: {  	s25 =	sshra.s32 s22, $0x1F;
	s12 =	smulhi.u32 $0x66666667, s22;
	s22 =	simm.s32 $0x10  }
0x705: {  	s2 =	sadd.s32 s17, s2;
	s0 =	sadd.s32 s4, s1;
	s19 =	smulhi.u32 $0x66666667, s15;
	v7 =	vld [tilespmem:s22+$0x0]  }
0x706: {  	s23 =	sshra.s32 s0, $0x1F;
	s3 =	sadd.s32 s3, s8;
	s4 =	smul.u32 $0x66666667, s5  }
0x707: {  	s14 =	sadd.s32 s14, s10;
	s5 =	sadd.s32 s6, s7;
	s7 =	smulhi.u32 $0x66666667, s16  }
0x708: {  	s15 =	sshra.s32 s15, $0x1F;
	s26 =	sadd.s32 s26, s9;
	s1 =	smulhi.u32 $0x66666667, s18  }
0x709: {  	s18 =	sshra.s32 s18, $0x1F;
	s10 =	smul.u32 $0x66666667, s25;
	s6 =	spop (v2sf)  }
0x70a: {  	s16 =	sshra.s32 s16, $0x1F;
	s9 =	smul.u32 $0x66666667, s18;
	s29 =	spop (v2sf);
	(v2sf) =	vpush v7, $0x0  }
0x70b: {  	s18 =	sadd.s32 s10, s12;
	s12 =	smul.u32 $0x66666667, s16;
	s16 =	spop (v2sf);
	(v2sf) =	vpush v7, $0x7  }
0x70c: {  	s20 =	sshra.s32 s2, $0x2;
	v8 =	vmov s23;
	s28 =	sshra.s32 s14, $0x1F;
	s15 =	smul.u32 $0x66666667, s15;
	(v2sf) =	vpush v7, $0x1  }
0x70d: {  	v8 =	vsel vm3, s20, v8;
	s20 =	sshra.s32 s14, $0x2;
	s14 =	sshrl.u32 s14, $0x1F;
	s17 =	smulhi.u32 $0x66666667, s21;
	(v2sf) =	vpush v7, $0x2  }
0x70e: {  	s25 =	smulhi.u32 $0x66666667, s29;
	s8 =	sshra.s32 s29, $0x1F;
	s29 =	sshra.s32 s21, $0x1F;
	(v2sf) =	vpush v7, $0x6  }
0x70f: {  	s10 =	sadd.s32 s4, s13;
	s13 =	sadd.s32 s9, s1;
	s21 =	smul.u32 $0x66666667, s8;
	(v2sf) =	vpush v7, $0x3  }
0x710: {  	s9 =	sshra.s32 s11, $0x1F;
	s8 =	sshra.s32 s11, $0x2;
	s4 =	smul.u32 $0x66666667, s29;
	(v2sf) =	vpush v7, $0x4  }
0x711: {  	s29 =	sshra.s32 s3, $0x2;
	s7 =	sadd.s32 s12, s7;
	s12 =	sadd.s32 s15, s19  }
0x712: {  	s4 =	sadd.s32 s4, s17;
	s17 =	sshrl.u32 s2, $0x1F;
	s2 =	sshra.s32 s2, $0x1F  }
0x713: {  	s19 =	sshrl.u32 s11, $0x1F;
	s15 =	sshra.s32 s3, $0x1F;
	s1 =	sadd.s32 s21, s25;
	v8 =	vsel vm11, s2, v8  }
0x714: {  	v8 =	vsel vm0, s29, v8;
	s29 =	sshra.s32 s6, $0x1F;
	s21 =	sshra.s32 s16, $0x1F;
	s16 =	smulhi.u32 $0x66666667, s16  }
0x715: {  	s3 =	sshrl.u32 s3, $0x1F;
	s11 =	sshrl.u32 s18, $0x1F;
	v9 =	vmov s17;
	s17 =	smul.u32 $0x66666667, s29  }
0x716: {  	v9 =	vnsel vm3, $0x0, v9;
	v8 =	vsel vm12, s15, v8;
	s15 =	sshra.s32 s18, $0x2;
	s18 =	sshrl.u32 s4, $0x1F;
	s29 =	smulhi.u32 $0x66666667, s6  }
0x717: {  	v9 =	vsel vm0, s3, v9;
	s6 =	sshra.s32 s5, $0x2;
	s25 =	smul.u32 $0x66666667, s21;
	s21 =	sshrl.u32 s26, $0x1F;
	v8 =	vsel vm1, s20, v8  }
0x718: {  	s20 =	sshra.s32 s10, $0x2;
	v9 =	vsel vm1, s14, v9;
	s10 =	sshrl.u32 s10, $0x1F;
	v8 =	vsel vm14, s28, v8;
	s28 =	sshra.s32 s5, $0x1F  }
0x719: {  	s5 =	sshrl.u32 s5, $0x1F;
	v9 =	vsel vm2, s21, v9;
	s3 =	sadd.s32 s17, s29;
	(v2sf) =	vpush v7, $0xC;
	s17 =	spop (v2sf)  }
0x71a: {  	s21 =	sshrl.u32 s7, $0x1F;
	s29 =	sshrl.u32 s12, $0x1F;
	v9 =	vsel vm4, s19, v9;
	(v2sf) =	vpush v7, $0x8;
	s19 =	spop (v2sf)  }
0x71b: {  	vm13 =	vmmov vm14;
	v10 =	vmov s20;
	v11 =	vmov s10;
	s2 =	sadd.s32 s25, s16;
	s16 =	sshra.s32 s26, $0x2;
	s20 =	spop (v2sf)  }
0x71c: {  	s7 =	sshra.s32 s7, $0x2;
	s25 =	sshra.s32 s26, $0x1F;
	v13 =	vmov s29;
	v8 =	vsel vm2, s16, v8;
	(v2sf) =	vpush v7, $0xD;
	s29 =	spop (v2sf)  }
0x71d: {  	s16 =	sshrl.u32 s13, $0x1F;
	v13 =	vsel vm0, s11, v13;
	v8 =	vsel vm15, s25, v8;
	s25 =	sshra.s32 s12, $0x2;
	(v2sf) =	vpush v7, $0x5;
	s11 =	spop (v2sf)  }
0x71e: {  	v11 =	vsel vm0, s21, v11;
	v9 =	vsel vm5, s16, v9;
	v12 =	vmov s25;
	s21 =	sshra.s32 s19, $0x1F;
	s25 =	smulhi.u32 $0x66666667, s19;
	s19 =	spop (v2sf)  }
0x71f: {  	v9 =	vsel vm6, s5, v9;
	v12 =	vsel vm0, s15, v12;
	s15 =	sshra.s32 s20, $0x1F;
	s5 =	smulhi.u32 $0x66666667, s20;
	s20 =	spop (v2sf);
	(v2sf) =	vpush v7, $0xE  }
0x720: {  	s4 =	sshra.s32 s4, $0x2;
	vm14 =	vmmov vm15;
	s26 =	sshra.s32 s13, $0x2;
	v10 =	vsel vm0, s7, v10;
	v11 =	vsel vm1, s18, v11  }
0x721: {  	s13 =	sshra.s32 s13, $0x1F;
	v10 =	vsel vm1, s4, v10;
	vm15 =	vcmask $0x2724;
	s12 =	sshrl.u32 s3, $0x1F;
	v8 =	vsel vm4, s8, v8;
	s8 =	sshrl.u32 s2, $0x1F  }
0x722: {  	s3 =	sshra.s32 s3, $0x2;
	s2 =	sshra.s32 s2, $0x2;
	v13 =	vsel vm1, s12, v13;
	v8 =	vsel vm15, s9, v8;
	v11 =	vsel vm2, s8, v11;
	s31 =	smulhi.u32 $0x66666667, s17  }
0x723: {  	v10 =	vsel vm2, s2, v10;
	v8 =	vsel vm5, s26, v8;
	s26 =	sshra.s32 s1, $0x2;
	s1 =	sshrl.u32 s1, $0x1F;
	s10 =	smul.u32 $0x66666667, s21;
	(v2sf) =	vpush v7, $0x9  }
0x724: {  	s23 =	simm.s32 $0x0;
	v12 =	vsel vm1, s3, v12;
	v8 =	vsel vm10, s13, v8;
	v13 =	vsel vm2, s1, v13;
	s16 =	sshra.s32 s29, $0x1F;
	s29 =	smulhi.u32 $0x66666667, s29  }
0x725: {  	s14 =	sshra.s32 s0, $0x2;
	s0 =	sshrl.u32 s0, $0x1F;
	v12 =	vsel vm2, s26, v12;
	v8 =	vsel vm6, s6, v8;
	v11 =	vcombine.low v13, v11;
	s9 =	smul.u32 $0x66666667, s15  }
0x726: {  	v9 =	vsel vm7, s0, v9;
	v10 =	vcombine.low v12, v10;
	v8 =	vsel vm9, s28, v8;
	s28 =	simm.s32 $0x80;
	s13 =	sshra.s32 s17, $0x1F;
	s17 =	smulhi.u32 $0x66666667, s11  }
0x727: {  	v9 =	vperm.xlane v9, v4;
	v8 =	vsel vm7, s14, v8;
	v11 =	vperm.xlane v11, v3;
	s18 =	sshra.s32 s11, $0x1F;
	s25 =	sadd.s32 s10, s25;
	s3 =	smul.u32 $0x66666667, s16  }
0x728: {  	v10 =	vperm.xlane v10, v3;
	v8 =	vperm.xlane v8, v4;
	s1 =	sshra.s32 s19, $0x1F;
	s21 =	smul.u32 $0x66666667, s18;
	s0 =	spop (v2sf)  }
0x729: {  	s6 =	sshra.s32 s25, $0x1F;
	s26 =	sshra.s32 s20, $0x1F;
	s15 =	spop (v2sf);
	(v2sf) =	vpush v7, $0xA  }
0x72a: {  	v9 =	vsel vm8, v9, v11;
	v8 =	vsel vm8, v8, v10;
	s11 =	smulhi.u32 $0x66666667, s20;
	s14 =	sadd.s32 s3, s29;
	s12 =	sadd.s32 s21, s17;
	(v2sf) =	vpush v7, $0xB  }
0x72b: {  	v8 =	vadd.s32 v9, v8;
	s10 =	sshra.s32 s0, $0x1F;
	s2 =	smul.u32 $0x66666667, s26;
	s7 =	spop (v2sf)  }
0x72c: {  	v8 =	vmul.u32 $0xA, v8;
	s21 =	smul.u32 $0x66666667, s13;
	s30 =	sshra.s32 s15, $0x1F;
	(v2sf) =	vpush v7, $0xF;
	s8 =	spop (v2sf)  }
.LBB2_11:
0x72d: {  	s20 =	sshra.s32 s7, $0x1F;
	s26 =	sshra.s32 s14, $0x1F  }
0x72e: {  	s3 =	spop (v2sf);
	s29 =	smov.u32 s22;
	s15 =	smulhi.u32 $0x66666667, s15  }
0x72f: {  	v8 =	vsub.s32 v6, v8;
	v6 =	vmov v7;
	s4 =	smov.u32 s28;
	s2 =	sadd.s32 s2, s11;
	s11 =	smulhi.u32 $0x66666667, s19  }
0x730: {  	s13 =	sadd.s32 s9, s5;
	v7 =	vmov s6;
	s10 =	smul.u32 $0x66666667, s10;
	s4 =	sadd.s32 s21, s31;
	vm9 =	vlt.s32 v8, $0x0;
	v9 =	vadd.s32 $0xA, v8  }
0x731: {  	s31 =	smulhi.u32 $0x66666667, s8;
	s5 =	sshra.s32 s4, $0x2;
	v8 =	vsel vm9, v9, v8  }
0x732: {  	s6 =	smulhi.u32 $0x66666667, s7;
	s19 =	sshra.s32 s2, $0x2;
	v7 =	vsel vm3, s5, v7;
	s16 =	spop (v2sf);
	vm9 =	veq.s32 v8, $0x9  }
0x733: {  	s17 =	sshra.s32 s13, $0x2;
	s7 =	sshra.s32 s3, $0x1F;
	s5 =	sshra.s32 s2, $0x1F;
	v8 =	vld.msk [tilespmem:s23+$0x5420], vm9;
	v9 =	vsel vm9, $0x1, v5  }
0x734: {  	s18 =	sshrl.u32 s4, $0x1F;
	s4 =	sshra.s32 s4, $0x1F;
	s9 =	sshra.s32 s16, $0x1F;
	(xrf0) =	vadd.scan.msk.s32 $0xffff, v9  }
0x735: {  	s2 =	sshrl.u32 s2, $0x1F;
	v10 =	vsel vm11, s4, v7  }
0x736: {  	s22 =	sshra.s32 s28, $0x2;
	s4 =	sshra.s32 s13, $0x1F;
	s21 =	smul.u32 $0x66666667, s9;
	v9 =	vmov s18;
	v10 =	vsel vm0, s17, v10  }
0x737: {  	s9 =	smulhi.u32 $0x66666667, s3;
	s3 =	sshrl.u32 s13, $0x1F;
	s13 =	sshra.s32 s14, $0x2;
	v9 =	vnsel vm3, $0x0, v9;
	v12 =	vsel vm12, s4, v10;
	v7 =	vld [tilespmem:s22+$0x0]  }
0x738: {  	s8 =	sshra.s32 s8, $0x1F;
	v9 =	vsel vm0, s3, v9;
	s3 =	smul.u32 $0x66666667, s1;
	s1 =	spop (v2sf);
	v8 =	vnsel vm9, $0x0, v8;
	vm9 =	vcmask $0x3734  }
0x739: {  	s4 =	smulhi.u32 $0x66666667, s16;
	v11 =	vsel vm1, s13, v12;
	s16 =	sshra.s32 s1, $0x1F;
	s13 =	spop (v2sf);
	[tilespmem:s24+$0x7420] =	vst v8  }
0x73a: {  	s3 =	sadd.s32 s3, s11;
	v8 =	vsel vm13, s26, v11;
	s17 =	smulhi.u32 $0x66666667, s13;
	s13 =	sshra.s32 s13, $0x1F;
	v10, _, _ =	vpop (xrf0)  }
0x73b: {  	s8 =	smul.u32 $0x66666667, s8;
	s11 =	sshrl.u32 s14, $0x1F;
	s14 =	spop (v2sf);
	(v2sf) =	vpush v10, $0xF  }
0x73c: {  	s18 =	smulhi.u32 $0x66666667, s0;
	s4 =	sadd.s32 s21, s4;
	v9 =	vsel vm1, s11, v9;
	s11 =	sshra.s32 s3, $0x2;
	(v2sf) =	vpush v7, $0x0  }
0x73d: {  	s0 =	sshrl.u32 s4, $0x1F;
	s21 =	sshrl.u32 s3, $0x1F;
	v8 =	vsel vm2, s11, v8;
	s13 =	smul.u32 $0x66666667, s13;
	(v2sf) =	vpush v7, $0x7  }
0x73e: {  	s3 =	sshra.s32 s3, $0x1F;
	s11 =	sadd.s32 s10, s18;
	s18 =	smul.u32 $0x66666667, s7;
	v9 =	vsel vm2, s21, v9;
	(v2sf) =	vpush v7, $0x1  }
0x73f: {  	s4 =	sshra.s32 s4, $0x2;
	s21 =	smul.u32 $0x66666667, s30;
	v9 =	vsel vm4, s2, v9;
	s2 =	sadd.s32 s8, s31;
	(v2sf) =	vpush v7, $0x2  }
0x740: {  	s8 =	sshra.s32 s14, $0x1F;
	s7 =	sadd.s32 s13, s17;
	s13 =	sshra.s32 s11, $0x2;
	(v2sf) =	vpush v7, $0x6  }
0x741: {  	s10 =	sshra.s32 s12, $0x2;
	s24 =	sshra.s32 s2, $0x2;
	s17 =	smul.u32 $0x66666667, s8;
	(v2sf) =	vpush v7, $0x3  }
0x742: {  	s20 =	smul.u32 $0x66666667, s20;
	v8 =	vsel vm14, s3, v8;
	s18 =	sadd.s32 s18, s9;
	s9 =	sshra.s32 s12, $0x1F;
	(v2sf) =	vpush v7, $0x4  }
0x743: {  	s16 =	smul.u32 $0x66666667, s16;
	v8 =	vsel vm4, s19, v8;
	s3 =	sshrl.u32 s18, $0x1F;
	s8 =	sshra.s32 s25, $0x2  }
0x744: {  	s14 =	smulhi.u32 $0x66666667, s14;
	s19 =	sshrl.u32 s2, $0x1F;
	s18 =	sshra.s32 s18, $0x2;
	v8 =	vsel vm15, s5, v8;
	(v2sf) =	vpush v7, $0xC  }
0x745: {  	s1 =	smulhi.u32 $0x66666667, s1;
	s5 =	sadd.s32 s20, s6;
	s6 =	sadd.s32 s21, s15;
	v10 =	vmov s13;
	v8 =	vsel vm5, s24, v8;
	(v2sf) =	vpush v7, $0x8  }
0x746: {  	s12 =	sshrl.u32 s12, $0x1F;
	s2 =	sshra.s32 s2, $0x1F;
	v9 =	vsel vm5, s19, v9;
	s13 =	sshrl.u32 s5, $0x1F  }
0x747: {  	s1 =	sadd.s32 s16, s1;
	s11 =	sshrl.u32 s11, $0x1F;
	s14 =	sadd.s32 s17, s14;
	(v2sf) =	vpush v7, $0xD  }
0x748: {  	v11 =	vmov s11;
	v9 =	vsel vm6, s12, v9;
	s12 =	sshrl.u32 s25, $0x1F;
	s15 =	sshra.s32 s6, $0x2;
	s11 =	sshrl.u32 s14, $0x1F  }
0x749: {  	s6 =	sshrl.u32 s6, $0x1F;
	s5 =	sshra.s32 s5, $0x2;
	v11 =	vsel vm0, s13, v11;
	s13 =	sshrl.u32 s1, $0x1F;
	v12 =	vmov s15;
	(v2sf) =	vpush v7, $0x5  }
0x74a: {  	s1 =	sshra.s32 s1, $0x2;
	v11 =	vsel vm1, s3, v11;
	s3 =	sshra.s32 s14, $0x2;
	v12 =	vsel vm0, s4, v12;
	(v2sf) =	vpush v7, $0xE;
	s4 =	spop (v2sf)  }
0x74b: {  	v13 =	vmov s6;
	s6 =	sshra.s32 s7, $0x2;
	v8 =	vsel vm10, s2, v8;
	v11 =	vsel vm2, s11, v11;
	s14 =	spop (v2sf);
	s23 =	sadd.s32 s23, s4  }
0x74c: {  	v13 =	vsel vm0, s0, v13;
	s0 =	sshrl.u32 s7, $0x1F;
	s31 =	smulhi.u32 $0x66666667, s14;
	s2 =	spop (v2sf)  }
0x74d: {  	v10 =	vsel vm0, s5, v10;
	v8 =	vsel vm6, s10, v8;
	s14 =	sshra.s32 s14, $0x1F;
	s4 =	sshra.s32 s2, $0x1F;
	s2 =	smulhi.u32 $0x66666667, s2  }
0x74e: {  	v10 =	vsel vm1, s18, v10;
	v8 =	vsel vm9, s9, v8;
	(v2sf) =	vpush v7, $0x9;
	s5 =	spop (v2sf);
	s21 =	smul.u32 $0x66666667, s14  }
0x74f: {  	v9 =	vsel vm7, s12, v9;
	v12 =	vsel vm1, s1, v12;
	v8 =	vsel vm7, s8, v8;
	s7 =	sshra.s32 s5, $0x1F;
	s9 =	spop (v2sf);
	s4 =	smul.u32 $0x66666667, s4  }
0x750: {  	s5 =	smulhi.u32 $0x66666667, s5;
	s1 =	spop (v2sf)  }
0x751: {  	v9 =	vperm.xlane v9, v4;
	v13 =	vsel vm1, s13, v13;
	v10 =	vsel vm2, s3, v10;
	s8 =	sshra.s32 s9, $0x1F;
	s3 =	smulhi.u32 $0x66666667, s1  }
0x752: {  	v13 =	vsel vm2, s0, v13;
	v12 =	vsel vm2, s6, v12;
	v8 =	vperm.xlane v8, v4;
	s10 =	sshra.s32 s1, $0x1F;
	s19 =	spop (v2sf);
	s25 =	sadd.s32 s4, s2  }
0x753: {  	v11 =	vcombine.low v13, v11;
	v10 =	vcombine.low v12, v10;
	s4 =	smulhi.u32 $0x66666667, s9;
	s1 =	sshra.s32 s19, $0x1F;
	s11 =	spop (v2sf)  }
0x754: {  	p0 =	sne.s32 s28, $0x3FC0;
	s10 =	smul.u32 $0x66666667, s10;
	s13 =	sshra.s32 s11, $0x1F  }
0x755: {  	v11 =	vperm.xlane v11, v3;
	v10 =	vperm.xlane v10, v3;
	s9 =	smul.u32 $0x66666667, s7;
	s6 =	sshra.s32 s25, $0x1F;
	s0 =	spop (v2sf);
	(v2sf) =	vpush v7, $0xA  }
.Ltmp5:
0x756: {  	s12 =	sadd.s32 s10, s3;
	s15 =	spop (v2sf);
	(v2sf) =	vpush v7, $0xB;
	(pc) =	sbr.rel @p0 .LBB2_11-.Ltmp5, $4  }
0x757: {  	v9 =	vsel vm8, v9, v11;
	v8 =	vsel vm8, v8, v10;
	s11 =	smulhi.u32 $0x66666667, s11;
	s3 =	sadd.s32 $0x40, s28;
	s10 =	sshra.s32 s0, $0x1F  }
0x758: {  	v8 =	vadd.s32 v9, v8;
	s8 =	smul.u32 $0x66666667, s8;
	s30 =	sshra.s32 s15, $0x1F;
	s7 =	spop (v2sf);
	(v2sf) =	vpush v7, $0xF  }
0x759: {  	s24 =	smov.u32 s29;
	v8 =	vmul.u32 $0xA, v8;
	s2 =	smul.u32 $0x66666667, s13  }
0x75a: {  	s14 =	sadd.s32 s8, s4;
	s28 =	smov.u32 s3;
	s8 =	spop (v2sf)  }
0x75b: {  	s15 =	smulhi.u32 $0x66666667, s15  }
0x75c: {  	s4 =	smulhi.u32 $0x66666667, s8  }
0x75d: {  	s13 =	smulhi.u32 $0x66666667, s19  }
0x75e: {  	s3 =	spop (v2sf);
	s10 =	smul.u32 $0x66666667, s10  }
0x75f: {  	s18 =	sshra.s32 s7, $0x1F;
	s19 =	sadd.s32 s21, s31;
	s1 =	smul.u32 $0x66666667, s1  }
0x760: {  	s9 =	sadd.s32 s9, s5;
	s2 =	sadd.s32 s2, s11;
	s0 =	smulhi.u32 $0x66666667, s0  }
0x761: {  	s31 =	sshra.s32 s8, $0x1F;
	v9 =	vmov s6;
	s6 =	smulhi.u32 $0x66666667, s7;
	s26 =	sshra.s32 s19, $0x2  }
0x762: {  	s8 =	smul.u32 $0x66666667, s31;
	s11 =	sshra.s32 s2, $0x2;
	s31 =	sshra.s32 s9, $0x2  }
0x763: {  	s18 =	smul.u32 $0x66666667, s18;
	s16 =	spop (v2sf);
	s13 =	sadd.s32 s1, s13  }
0x764: {  	s10 =	sadd.s32 s10, s0;
	s17 =	sshra.s32 s16, $0x1F;
	s28 =	smulhi.u32 $0x66666667, s16  }
0x765: {  	v9 =	vsel vm3, s26, v9;
	s26 =	sshrl.u32 s19, $0x1F;
	s19 =	sshra.s32 s19, $0x1F;
	s17 =	smul.u32 $0x66666667, s17  }
0x766: {  	s16 =	sshra.s32 s14, $0x1F;
	s5 =	sadd.s32 s8, s4;
	s8 =	sshra.s32 s2, $0x1F  }
0x767: {  	s1 =	sadd.s32 s17, s28;
	s17 =	smul.u32 $0x66666667, s30;
	s20 =	spop (v2sf)  }
0x768: {  	s6 =	sadd.s32 s18, s6;
	s29 =	spop (v2sf);
	s18 =	smulhi.u32 $0x66666667, s20  }
0x769: {  	s2 =	sshrl.u32 s2, $0x1F;
	v9 =	vsel vm11, s19, v9;
	s21 =	smulhi.u32 $0x66666667, s29;
	s28 =	sshra.s32 s29, $0x1F  }
0x76a: {  	v9 =	vsel vm0, s31, v9;
	s31 =	sshrl.u32 s14, $0x1F;
	s4 =	sadd.s32 s17, s15;
	s29 =	smul.u32 $0x66666667, s28  }
0x76b: {  	v10 =	vmov s26;
	s28 =	sshra.s32 s9, $0x1F;
	s9 =	sshrl.u32 s9, $0x1F;
	s19 =	spop (v2sf)  }
0x76c: {  	v10 =	vnsel vm3, $0x0, v10;
	v9 =	vsel vm12, s28, v9;
	s26 =	sshra.s32 s19, $0x1F;
	s28 =	sshra.s32 s13, $0x2;
	s15 =	smulhi.u32 $0x66666667, s19  }
0x76d: {  	v10 =	vsel vm0, s9, v10;
	s0 =	sadd.s32 s29, s21;
	s21 =	sshra.s32 s3, $0x1F;
	s3 =	smulhi.u32 $0x66666667, s3  }
0x76e: {  	v6 =	vsub.s32 v6, v8;
	s29 =	sshra.s32 s14, $0x2;
	v10 =	vsel vm1, s31, v10;
	s31 =	sshra.s32 s10, $0x2;
	s10 =	sshrl.u32 s10, $0x1F  }
0x76f: {  	v63 =	vadd.s32 $0xA, v6;
	s7 =	smul.u32 $0x66666667, s21;
	s21 =	sshra.s32 s20, $0x1F;
	v9 =	vsel vm1, s29, v9;
	s29 =	sshrl.u32 s13, $0x1F  }
0x770: {  	s13 =	sshra.s32 s13, $0x1F;
	v12 =	vmov s31;
	s31 =	sshrl.u32 s12, $0x1F;
	v9 =	vsel vm13, s16, v9;
	s30 =	smul.u32 $0x66666667, s21;
	v10 =	vsel vm2, s29, v10  }
0x771: {  	v11 =	vmov s10;
	s21 =	sshrl.u32 s6, $0x1F;
	s29 =	sshra.s32 s4, $0x2;
	s4 =	sshrl.u32 s4, $0x1F;
	v9 =	vsel vm2, s28, v9;
	v10 =	vsel vm4, s2, v10  }
0x772: {  	s6 =	sshra.s32 s6, $0x2;
	s3 =	sadd.s32 s7, s3;
	s28 =	sshrl.u32 s5, $0x1F;
	v11 =	vsel vm0, s21, v11;
	v13 =	vmov s29;
	v14 =	vmov s4  }
0x773: {  	s7 =	smul.u32 $0x66666667, s26;
	v12 =	vsel vm0, s6, v12;
	v9 =	vsel vm14, s13, v9;
	s20 =	sshrl.u32 s3, $0x1F;
	s26 =	sadd.s32 s30, s18;
	v10 =	vsel vm5, s28, v10  }
0x774: {  	s30 =	sshra.s32 s1, $0x2;
	s1 =	sshrl.u32 s1, $0x1F;
	s3 =	sshra.s32 s3, $0x2;
	v9 =	vsel vm4, s11, v9;
	v11 =	vsel vm1, s20, v11;
	v10 =	vsel vm6, s31, v10  }
0x775: {  	s19 =	sadd.s32 s7, s15;
	v13 =	vsel vm0, s30, v13;
	v14 =	vsel vm0, s1, v14;
	s15 =	sshrl.u32 s25, $0x1F;
	v12 =	vsel vm1, s3, v12;
	s16 =	sshrl.u32 s26, $0x1F  }
0x776: {  	s17 =	sshra.s32 s5, $0x2;
	s18 =	sshra.s32 s26, $0x2;
	v9 =	vsel vm15, s8, v9;
	s11 =	sshrl.u32 s19, $0x1F;
	v10 =	vsel vm7, s15, v10;
	v14 =	vsel vm1, s16, v14  }
0x777: {  	s5 =	sshra.s32 s5, $0x1F;
	v13 =	vsel vm1, s18, v13;
	v9 =	vsel vm5, s17, v9;
	v11 =	vsel vm2, s11, v11;
	s17 =	sshra.s32 s19, $0x2;
	s19 =	sshrl.u32 s0, $0x1F  }
0x778: {  	s13 =	sshra.s32 s12, $0x2;
	s0 =	sshra.s32 s0, $0x2;
	v9 =	vsel vm10, s5, v9;
	v12 =	vsel vm2, s17, v12;
	v14 =	vsel vm2, s19, v14  }
0x779: {  	s14 =	sshra.s32 s12, $0x1F;
	v13 =	vsel vm2, s0, v13;
	v9 =	vsel vm6, s13, v9;
	v61 =	vcombine.low v14, v11  }
0x77a: {  	s20 =	sshra.s32 s25, $0x2;
	v10 =	vperm.xlane v10, v4;
	v62 =	vcombine.low v13, v12;
	v9 =	vsel vm9, s14, v9  }
0x77b: {  	vm9 =	vlt.s32 v6, $0x0;
	v9 =	vsel vm7, s20, v9;
	v8 =	vperm.xlane v61, v3  }
0x77c: {  	v6 =	vsel vm9, v63, v6;
	v11 =	vperm.xlane v62, v3;
	v9 =	vperm.xlane v9, v4  }
0x77d: {  	vm9 =	veq.s32 v6, $0x9  }
0x77e: {  	v6 =	vsel vm9, $0x1, v5;
	v8 =	vsel vm8, v10, v8;
	v9 =	vsel vm8, v9, v11  }
0x77f: {  	(xrf0) =	vadd.scan.msk.s32 $0xffff, v6;
	v6 =	vadd.s32 v8, v9  }
0x780: {  	v6 =	vmul.u32 $0xA, v6;
	_ =	sdelay $0x1  }
0x781: {  	v6 =	vsub.s32 v7, v6  }
0x782: {  	v7 =	vadd.s32 $0xA, v6  }
0x783: {  	vm10 =	vlt.s32 v6, $0x0  }
0x784: {  	v6 =	vsel vm10, v7, v6  }
0x785: {  	vm10 =	veq.s32 v6, $0x9;
	v7, _, _ =	vpop (xrf0)  }
0x786: {  	v6 =	vsel vm10, $0x1, v5;
	(v2sf) =	vpush v7, $0xF  }
0x787: {  	(xrf0) =	vadd.scan.msk.s32 $0xffff, v6;
	_ =	sdelay $0x5  }
0x788: {  	v6, _, _ =	vpop (xrf0)  }
0x789: {  	(v2sf) =	vpush v6, $0xF;
	_ =	sdelay $0x1  }
0x78a: {  	v6 =	vld.msk [tilespmem:s23+$0x5420], vm9;
	_ =	sdelay $0x4  }
0x78b: {  	v6 =	vnsel vm9, $0x0, v6;
	s21 =	spop (v2sf)  }
0x78c: {  	[tilespmem:s24+$0x7420] =	vst v6;
	s0 =	sadd.s32 s23, s21  }
0x78d: {  	v6 =	vld.msk [tilespmem:s0+$0x5420], vm10;
	_ =	sdelay $0x4  }
0x78e: {  	s26 =	simm.s32 $0x7420;
	s1 =	simm.s32 $0x2;
	v6 =	vnsel vm10, $0x0, v6  }
0x78f: {  	s11 =	simm.s32 $0x0;
	s0 =	rddreg [dreg:$0x10];
	s25 =	spop (v2sf);
	[tilespmem:s22+$0x7420] =	vst v6  }
0x790: {  	[hbm4b:s0+s11] =	stream.linear.scatter [tilespmem:s26], [sflag:$0x2], $0x1000, $0x38;
	[tilespmem:$0x8420] =	vst v63  }
0x791: {  	_ =	swait.ge [sflag:s1], $0x1000  }
0x792: {  	[sflag:s1] =	ssyncset.done $0x0  }
0x793: {  	s29 =	simm.s32 $0x6420;
	s28 =	rddreg [dreg:$0x11];
	[sflag:s1] =	ssyncadd.s32 $0xFFFFF000  }
0x794: {  	[hbm4b:s28+s11] =	stream.linear.scatter [tilespmem:s29], [sflag:$0x2], $0x1000, $0x38;
	[tilespmem:$0x8420] =	vst v63  }
0x795: {  	_ =	swait.ge [sflag:s1], $0x1000  }
0x796: {  	s30 =	rddreg [dreg:$0x14]  }
0x797: {  	s31 =	rddreg [dreg:$0x12];
	s2 =	sadd.s32 $0x1, s30  }
0x798: {  	p0 =	sne.s32 s2, s31  }
.Ltmp6:
0x799: {  	_ = 	snop;
	(pc) =	sbr.rel @p0 .LBB2_1-.Ltmp6, $3  }
0x79a: {  	_ =	sdelay $0x1  }
0x79b: {  	[sflag:s1] =	ssyncset.done $0x0  }
0x79c: {  	s4 =	simm.s32 $0x3400;
	s3 =	rddreg [dreg:$0xa];
	[sflag:s1] =	ssyncadd.s32 $0xFFFFF000  }
0x79d: {  	_ =	sfence.sel $0x180000  }
0x79e: {  	[bflag:$0x0] =	sbarrier.arrive $0xFFFF  }
0x79f: {  	_ =	strace $0x9000004A  }
0x7a0: {  	s0 =	stileid.u32;
	[bflag:$0x2] =	sbarrier.arrive $0xFFFF  }
0x7a1: {  	p0 =	sne.s32 s0, $0x0;
	s0 =	rddreg [dreg:$0x4]  }
0x7a2: {  	s0 =	sadd.s32 @!p0 $0x100000, s0  }
0x7a3: {  	[sflag:s0] =	ssyncadd.tile.s32 @!p0 $0x1;
	_ =	shalt  }
.Lfunc_end2:
_tile_overlayer_lowered:
.L_overlay_start_2:
0x7a4: {  	(tag) =	ssettag $0x2  }
0x7a5: {  	s0 =	rddreg [dreg:$0x0];
	s2 =	stileid.u32  }
0x7a6: {  	s1 =	rddreg [dreg:$0x1];
	p0 =	sne.s32 s2, $0x0  }
0x7a7: {  	s3 =	rddreg [dreg:$0x2];
	[bflag:$0x3] =	sbarrier.arrive $0xFFFF;
	s2 =	simm.s32 @!p0 $0x1C02  }
0x7a8: {  	[timem:s3], [sflag:s2] =	dma.local @!p0 [hbm:s0], s1  }
0x7a9: {  	s0 =	simm.s32 @!p0 $0x2  }
0x7aa: {  	_ =	swait.ge @!p0 [sflag:s0], s1  }
0x7ab: {  	s1 =	ssub.s32 @!p0 $0x0, s1;
	[sflag:s0] =	ssyncset.done @!p0 $0x0  }
0x7ac: {  	[sflag:s0] =	ssyncadd.s32 @!p0 s1  }
0x7ad: {  	[bflag:$0x3] =	sbarrier.arrive $0xFFFF  }
0x7ae: {  	_ =	shalt  }

</sc_bundles>
